<compile_context>
chip_gen: v7x
topology: tpu7x:2x2x1
jax: 0.10.2.dev20260603
libtpu: 0.0.44.dev20260713+nightly
codegen_flags: <defaults>
</compile_context>

<pallas_src>
import functools

import jax
import jax.numpy as jnp
from jax import lax
from jax.experimental import pallas as pl
from jax.experimental.pallas import tpu as pltpu
from jax.experimental.pallas import tpu_sc as plsc

N = 10000
E = 320000
D = 128
H = 8
C = 16
ED = 16
FF = 2 * D

NC = 2
NS = 16
NW = NC * NS
EPW = E // NW
BE = 40
NBLK = EPW // BE
RPT = 624

RB = 1000
GRID = N // RB


def _ln_rows(x, g, b):
    m = x.mean(-1, keepdims=True)
    v = ((x - m) ** 2).mean(-1, keepdims=True)
    return (x - m) / jnp.sqrt(v + 1e-5) * g + b


def _stage_a_body(x_ref, g_ref, b_ref, wq_ref, bq_ref, wk_ref, bk_ref,
                  wv_ref, bv_ref, bqd_ref, ws_ref, bs_ref,
                  qt_ref, kv_ref, xs_ref):
    h = _ln_rows(x_ref[...], g_ref[...], b_ref[...])
    q = jnp.dot(h, wq_ref[...], preferred_element_type=jnp.float32) + bq_ref[...]
    qw = jnp.dot(q, bqd_ref[...], preferred_element_type=jnp.float32)
    qt_ref[:, :D] = q
    qt_ref[:, D:] = qw
    kv_ref[:, :D] = jnp.dot(h, wk_ref[...], preferred_element_type=jnp.float32) + bk_ref[...]
    kv_ref[:, D:] = jnp.dot(h, wv_ref[...], preferred_element_type=jnp.float32) + bv_ref[...]
    xs_ref[...] = jnp.dot(h, ws_ref[...], preferred_element_type=jnp.float32) + bs_ref[...]


def _stage_a(x, ln1_g, ln1_b, Wq, bq, Wk, bk, Wv, bv, Bq, W_skip, b_skip):
    row = lambda i: (i, 0)
    full = lambda i: (0, 0)
    wspec = pl.BlockSpec((D, D), full)
    vspec = pl.BlockSpec((1, D), full)
    return pl.pallas_call(
        _stage_a_body,
        grid=(GRID,),
        in_specs=[pl.BlockSpec((RB, D), row), vspec, vspec,
                  wspec, vspec, wspec, vspec, wspec, vspec,
                  wspec, wspec, vspec],
        out_specs=[pl.BlockSpec((RB, 2 * D), row),
                   pl.BlockSpec((RB, 2 * D), row),
                   pl.BlockSpec((RB, D), row)],
        out_shape=[jax.ShapeDtypeStruct((N, 2 * D), jnp.float32),
                   jax.ShapeDtypeStruct((N, 2 * D), jnp.float32),
                   jax.ShapeDtypeStruct((N, D), jnp.float32)],
    )(x, ln1_g.reshape(1, D), ln1_b.reshape(1, D), Wq, bq.reshape(1, D),
      Wk, bk.reshape(1, D), Wv, bv.reshape(1, D), Bq, W_skip,
      b_skip.reshape(1, D))


def _edge1_body(qt_hbm, kv_hbm, src_hbm, dst_hbm, ea_hbm, z128_hbm, z16_hbm,
                out1_hbm, den_hbm, p_hbm,
                out_sh, den_sh, src_v, dst_v, qt_v, kv_v, ea_v, msg_v, p_v):
    cid = lax.axis_index("c")
    sid = lax.axis_index("s")
    wid = cid * NS + sid
    lanes = lax.broadcasted_iota(jnp.int32, (16,), 0)

    r0z = sid * RPT
    pltpu.sync_copy(z128_hbm.at[pl.ds(r0z, RPT)], out_sh.at[pl.ds(r0z, RPT)])
    pltpu.sync_copy(z16_hbm.at[pl.ds(r0z, RPT)], den_sh.at[pl.ds(r0z, RPT)])

    @pl.when(sid == 0)
    def _zero_tail():
        t0 = NS * RPT
        pltpu.sync_copy(z128_hbm.at[pl.ds(t0, N - t0)],
                        out_sh.at[pl.ds(t0, N - t0)])
        pltpu.sync_copy(z16_hbm.at[pl.ds(t0, N - t0)],
                        den_sh.at[pl.ds(t0, N - t0)])

    plsc.subcore_barrier()

    @pl.loop(0, NBLK)
    def _block(blk):
        eb = wid * EPW + blk * BE
        pltpu.sync_copy(src_hbm.at[pl.ds(eb, BE)], src_v)
        pltpu.sync_copy(dst_hbm.at[pl.ds(eb, BE)], dst_v)
        pltpu.sync_copy(ea_hbm.at[pl.ds(eb, BE)], ea_v)
        pltpu.sync_copy(qt_hbm.at[dst_v], qt_v)
        pltpu.sync_copy(kv_hbm.at[src_v], kv_v)

        @pl.loop(0, BE)
        def _edge(r):
            ea_row = ea_v[r, pl.ds(0, ED)]
            alphas = jnp.zeros((16,), jnp.float32)
            for h in range(H):
                qh = qt_v[r, pl.ds(h * C, C)]
                kh = kv_v[r, pl.ds(h * C, C)]
                qwh = qt_v[r, pl.ds(D + h * C, C)]
                a = jnp.sum(qh * kh + qwh * ea_row) * 0.25
                alphas = jnp.where(lanes == h, jnp.full((16,), a, jnp.float32),
                                   alphas)
            p_row = jnp.exp(jnp.clip(alphas, -60.0, 60.0))
            for h in range(H):
                ph = jnp.full((16,), p_row[h], jnp.float32)
                vh = kv_v[r, pl.ds(D + h * C, C)]
                msg_v[r, pl.ds(h * C, C)] = vh * ph
            p_v[r, pl.ds(0, 16)] = p_row

        pltpu.sync_copy(msg_v, out_sh.at[dst_v], add=True)
        pltpu.sync_copy(p_v, den_sh.at[dst_v], add=True)
        pltpu.sync_copy(p_v, p_hbm.at[pl.ds(eb, BE)])

    plsc.subcore_barrier()
    r0 = sid * RPT
    pltpu.sync_copy(out_sh.at[pl.ds(r0, RPT)], out1_hbm.at[cid, pl.ds(r0, RPT)])
    pltpu.sync_copy(den_sh.at[pl.ds(r0, RPT)], den_hbm.at[cid, pl.ds(r0, RPT)])

    @pl.when(sid == 0)
    def _copy_tail():
        t0 = NS * RPT
        pltpu.sync_copy(out_sh.at[pl.ds(t0, N - t0)],
                        out1_hbm.at[cid, pl.ds(t0, N - t0)])
        pltpu.sync_copy(den_sh.at[pl.ds(t0, N - t0)],
                        den_hbm.at[cid, pl.ds(t0, N - t0)])


def _edge_pass1(qt, kv, src, dst, edge_attr):
    mesh = plsc.VectorSubcoreMesh(core_axis_name="c", subcore_axis_name="s",
                                  num_cores=NC, num_subcores=NS)
    params = pltpu.CompilerParams(needs_layout_passes=False,
                                  use_tc_tiling_on_sc=False)
    f = pl.kernel(
        _edge1_body,
        out_type=[jax.ShapeDtypeStruct((NC, N, D), jnp.float32),
                  jax.ShapeDtypeStruct((NC, N, 16), jnp.float32),
                  jax.ShapeDtypeStruct((E, 16), jnp.float32)],
        mesh=mesh,
        compiler_params=params,
        scratch_types=[
            pltpu.VMEM_SHARED((N, D), jnp.float32),
            pltpu.VMEM_SHARED((N, 16), jnp.float32),
            pltpu.VMEM((BE,), jnp.int32),
            pltpu.VMEM((BE,), jnp.int32),
            pltpu.VMEM((BE, 2 * D), jnp.float32),
            pltpu.VMEM((BE, 2 * D), jnp.float32),
            pltpu.VMEM((BE, ED), jnp.float32),
            pltpu.VMEM((BE, D), jnp.float32),
            pltpu.VMEM((BE, 16), jnp.float32),
        ],
    )
    z128 = jnp.zeros((N, D), jnp.float32)
    z16 = jnp.zeros((N, 16), jnp.float32)
    return f(qt, kv, src, dst, edge_attr, z128, z16)


def _edge2_body(dst_hbm, ea_hbm, p_hbm, t_hbm,
                t_sh, dst_v, ea_v, p_v, t_v):
    cid = lax.axis_index("c")
    sid = lax.axis_index("s")
    wid = cid * NS + sid
    zvec = jnp.zeros((16,), jnp.float32)
    lanes = lax.broadcasted_iota(jnp.int32, (16,), 0)

    for r in range(BE):
        for j in range(D // 16):
            t_v[r, pl.ds(j * 16, 16)] = zvec
    for kk in range((RPT + BE - 1) // BE):
        start = sid * RPT + min(kk * BE, RPT - BE)
        pltpu.sync_copy(t_v, t_sh.at[pl.ds(start, BE)])

    @pl.when(sid == 0)
    def _zero_tail():
        pltpu.sync_copy(t_v, t_sh.at[pl.ds(N - BE, BE)])

    plsc.subcore_barrier()

    @pl.loop(0, NBLK)
    def _block(blk):
        eb = wid * EPW + blk * BE
        pltpu.sync_copy(dst_hbm.at[pl.ds(eb, BE)], dst_v)
        pltpu.sync_copy(ea_hbm.at[pl.ds(eb, BE)], ea_v)
        pltpu.sync_copy(p_hbm.at[pl.ds(eb, BE)], p_v)

        @pl.loop(0, BE)
        def _edge(r):
            ea_row = ea_v[r, pl.ds(0, ED)]
            p_row = p_v[r, pl.ds(0, 16)]
            for h in range(H):
                ph = jnp.full((16,), p_row[h], jnp.float32)
                t_v[r, pl.ds(h * C, C)] = ph * ea_row

        pltpu.sync_copy(t_v, t_sh.at[dst_v], add=True)

    plsc.subcore_barrier()
    r0 = sid * RPT
    pltpu.sync_copy(t_sh.at[pl.ds(r0, RPT)], t_hbm.at[cid, pl.ds(r0, RPT)])

    @pl.when(sid == 0)
    def _copy_tail():
        t0 = NS * RPT
        pltpu.sync_copy(t_sh.at[pl.ds(t0, N - t0)],
                        t_hbm.at[cid, pl.ds(t0, N - t0)])


def _edge_pass2(dst, edge_attr, p):
    mesh = plsc.VectorSubcoreMesh(core_axis_name="c", subcore_axis_name="s",
                                  num_cores=NC, num_subcores=NS)
    params = pltpu.CompilerParams(needs_layout_passes=False,
                                  use_tc_tiling_on_sc=False)
    f = pl.kernel(
        _edge2_body,
        out_type=jax.ShapeDtypeStruct((NC, N, D), jnp.float32),
        mesh=mesh,
        compiler_params=params,
        scratch_types=[
            pltpu.VMEM_SHARED((N, D), jnp.float32),
            pltpu.VMEM((BE,), jnp.int32),
            pltpu.VMEM((BE, ED), jnp.float32),
            pltpu.VMEM((BE, 16), jnp.float32),
            pltpu.VMEM((BE, D), jnp.float32),
        ],
    )
    return f(dst, edge_attr, p)


def _stage_c_body(x_ref, out1_ref, den_ref, t_ref, xs_ref, b2_ref, erep_ref,
                  wba_ref, wbb_ref, g2_ref, bb2_ref, w1_ref, b1_ref,
                  w2_ref, bf2_ref, y_ref):
    out1 = out1_ref[0] + out1_ref[1]
    den = den_ref[0, :, :H] + den_ref[1, :, :H]
    t = t_ref[0] + t_ref[1]
    out2 = jnp.dot(t, b2_ref[...], preferred_element_type=jnp.float32)
    deninv = 1.0 / (den + 1e-16)
    scale = jnp.dot(deninv, erep_ref[...], preferred_element_type=jnp.float32)
    att = (out1 + out2) * scale
    xs = xs_ref[...]
    gdot = jnp.sum(att * wba_ref[...] + xs * wbb_ref[...], axis=-1, keepdims=True)
    g = jax.nn.sigmoid(gdot)
    outg = g * xs + (1.0 - g) * att
    x1 = x_ref[...] + outg
    h2 = _ln_rows(x1, g2_ref[...], bb2_ref[...])
    u = jnp.dot(h2, w1_ref[...], preferred_element_type=jnp.float32) + b1_ref[...]
    f = u * 0.5 * (1.0 + lax.erf(u * 0.7071067811865476))
    f = jnp.dot(f, w2_ref[...], preferred_element_type=jnp.float32) + bf2_ref[...]
    y_ref[...] = x1 + f


def _stage_c(x, out1p, denp, tp, xs, B2, Erep, wbA, wbB, ln2_g, ln2_b,
             W1, b1, W2, b2):
    row = lambda i: (i, 0)
    row3 = lambda i: (0, i, 0)
    full = lambda i: (0, 0)
    return pl.pallas_call(
        _stage_c_body,
        grid=(GRID,),
        in_specs=[pl.BlockSpec((RB, D), row),
                  pl.BlockSpec((NC, RB, D), row3),
                  pl.BlockSpec((NC, RB, 16), row3),
                  pl.BlockSpec((NC, RB, D), row3),
                  pl.BlockSpec((RB, D), row),
                  pl.BlockSpec((D, D), full),
                  pl.BlockSpec((H, D), full),
                  pl.BlockSpec((1, D), full),
                  pl.BlockSpec((1, D), full),
                  pl.BlockSpec((1, D), full),
                  pl.BlockSpec((1, D), full),
                  pl.BlockSpec((D, FF), full),
                  pl.BlockSpec((1, FF), full),
                  pl.BlockSpec((FF, D), full),
                  pl.BlockSpec((1, D), full)],
        out_specs=pl.BlockSpec((RB, D), row),
        out_shape=jax.ShapeDtypeStruct((N, D), jnp.float32),
    )(x, out1p, denp, tp, xs, B2, Erep, wbA, wbB,
      ln2_g.reshape(1, D), ln2_b.reshape(1, D), W1, b1.reshape(1, FF),
      W2, b2.reshape(1, D))


def kernel(x, edge_index, edge_attr, ln1_g, ln1_b, Wq, bq, Wk, bk, Wv, bv,
           We, W_skip, b_skip, w_beta, ln2_g, ln2_b, W1, b1, W2, b2):
    WeR = We.reshape(ED, H, C)
    B2 = jax.scipy.linalg.block_diag(*[WeR[:, h, :] for h in range(H)])
    Bq = B2.T
    Erep = jnp.repeat(jnp.eye(H, dtype=jnp.float32), C, axis=1)
    wbA = (w_beta[:D, 0] + w_beta[2 * D:, 0]).reshape(1, D)
    wbB = (w_beta[D:2 * D, 0] - w_beta[2 * D:, 0]).reshape(1, D)

    qt, kv, xs = _stage_a(x, ln1_g, ln1_b, Wq, bq, Wk, bk, Wv, bv, Bq,
                          W_skip, b_skip)
    src = edge_index[0]
    dst = edge_index[1]
    out1p, denp, p = _edge_pass1(qt, kv, src, dst, edge_attr)
    tp = _edge_pass2(dst, edge_attr, p)
    return _stage_c(x, out1p, denp, tp, xs, B2, Erep, wbA, wbB,
                    ln2_g, ln2_b, W1, b1, W2, b2)

# --- scband reference (transcript-rebuilt; emitter-appended) ---
"""Pipeline reference for scband-graph-transformer-block-9740985827991 (READ-ONLY COPY).

The authoritative reference and input builder live on the scoring server;
editing this copy changes nothing except your own understanding.
"""

import jax, jax.numpy as jnp
import numpy as np

N = 10000
E = 320000
D = 128
H = 8
C = D // H
ED = 16
FF = 2 * D


def _ln(x, g, b):
    m = x.mean(-1, keepdims=True)
    v = x.var(-1, keepdims=True)
    return (x - m) / jnp.sqrt(v + 1e-5) * g + b


def setup_inputs(seed: int = 0) -> dict:
    key = jax.random.key(seed)
    ks = jax.random.split(key, 16)
    sd = 1.0 / np.sqrt(D)
    inp = {}
    inp["x"] = jax.random.normal(ks[0], (N, D), dtype=jnp.float32)
    inp["edge_index"] = jax.random.randint(ks[1], (2, E), 0, N, dtype=jnp.int32)
    inp["edge_attr"] = jax.random.normal(ks[2], (E, ED), dtype=jnp.float32)
    inp["ln1_g"] = jnp.ones((D,), jnp.float32)
    inp["ln1_b"] = jnp.zeros((D,), jnp.float32)
    inp["Wq"] = jax.random.normal(ks[3], (D, D), jnp.float32) * sd
    inp["bq"] = jnp.zeros((D,), jnp.float32)
    inp["Wk"] = jax.random.normal(ks[4], (D, D), jnp.float32) * sd
    inp["bk"] = jnp.zeros((D,), jnp.float32)
    inp["Wv"] = jax.random.normal(ks[5], (D, D), jnp.float32) * sd
    inp["bv"] = jnp.zeros((D,), jnp.float32)
    inp["We"] = jax.random.normal(ks[6], (ED, D), jnp.float32) * (1.0 / np.sqrt(ED))
    inp["W_skip"] = jax.random.normal(ks[7], (D, D), jnp.float32) * sd
    inp["b_skip"] = jnp.zeros((D,), jnp.float32)
    inp["w_beta"] = jax.random.normal(ks[8], (3 * D, 1), jnp.float32) * (1.0 / np.sqrt(3 * D))
    inp["ln2_g"] = jnp.ones((D,), jnp.float32)
    inp["ln2_b"] = jnp.zeros((D,), jnp.float32)
    inp["W1"] = jax.random.normal(ks[9], (D, FF), jnp.float32) * sd
    inp["b1"] = jnp.zeros((FF,), jnp.float32)
    inp["W2"] = jax.random.normal(ks[10], (FF, D), jnp.float32) * (1.0 / np.sqrt(FF))
    inp["b2"] = jnp.zeros((D,), jnp.float32)
    return inp


def reference(x, edge_index, edge_attr, ln1_g, ln1_b, Wq, bq, Wk, bk, Wv, bv, We, W_skip, b_skip, w_beta, ln2_g, ln2_b, W1, b1, W2, b2):
    n = x.shape[0]
    src = edge_index[0]
    dst = edge_index[1]
    # Norm1 (pre-norm)
    h = _ln(x, ln1_g, ln1_b)
    # TransformerConv(beta=True, concat=True, edge_dim=ED), eval mode (no dropout)
    q = (h @ Wq + bq).reshape(n, H, C)
    k = (h @ Wk + bk).reshape(n, H, C)
    v = (h @ Wv + bv).reshape(n, H, C)
    e = (edge_attr @ We).reshape(-1, H, C)
    kj = k[src] + e                              # gather + edge bias
    alpha = (q[dst] * kj).sum(-1) / jnp.sqrt(float(C))   # [E, H]
    amax = jax.ops.segment_max(alpha, dst, num_segments=n)
    amax = jnp.where(jnp.isfinite(amax), amax, 0.0)
    ex = jnp.exp(alpha - amax[dst])
    den = jax.ops.segment_sum(ex, dst, num_segments=n)
    w = ex / (den[dst] + 1e-16)                  # segment softmax over incoming edges
    msg = (v[src] + e) * w[:, :, None]
    out = jax.ops.segment_sum(msg, dst, num_segments=n).reshape(n, D)
    x_skip = h @ W_skip + b_skip
    g = jax.nn.sigmoid(jnp.concatenate([out, x_skip, out - x_skip], axis=-1) @ w_beta)
    out = g * x_skip + (1.0 - g) * out
    # Residual 1 (dropout is identity in eval)
    x1 = x + out
    # Norm2 + FFN + Residual 2
    h2 = _ln(x1, ln2_g, ln2_b)
    f = jax.nn.gelu(h2 @ W1 + b1, approximate=False) @ W2 + b2
    return x1 + f

if __name__ == "__main__":
    import jax
    _d = setup_inputs()
    print(jax.jit(kernel)(*tuple(_d.values())))

</pallas_src>

<mosaic_0001>
#map = affine_map<(d0, d1) -> (0, 0)>
#map1 = affine_map<(d0, d1) -> (0)>
#map2 = affine_map<(d0, d1) -> (0, 0, 0)>
module attributes {stable_mosaic.version = 14 : i64} {
  func.func @_edge1_body(%arg0: i32, %arg1: i32, %arg2: memref<10000x256xf32, #tpu.memory_space<hbm>>, %arg3: memref<10000x256xf32, #tpu.memory_space<hbm>>, %arg4: memref<320000xi32, #tpu.memory_space<hbm>>, %arg5: memref<320000xi32, #tpu.memory_space<hbm>>, %arg6: memref<320000x16xf32, #tpu.memory_space<hbm>>, %arg7: memref<10000x128xf32, #tpu.memory_space<hbm>>, %arg8: memref<10000x16xf32, #tpu.memory_space<hbm>>, %arg9: memref<2x10000x128xf32, #tpu.memory_space<hbm>>, %arg10: memref<2x10000x16xf32, #tpu.memory_space<hbm>>, %arg11: memref<320000x16xf32, #tpu.memory_space<hbm>>, %arg12: memref<10000x128xf32, #tpu.memory_space<vmem_shared>>, %arg13: memref<10000x16xf32, #tpu.memory_space<vmem_shared>>, %arg14: memref<40xi32, #tpu.memory_space<vmem>>, %arg15: memref<40xi32, #tpu.memory_space<vmem>>, %arg16: memref<40x256xf32, #tpu.memory_space<vmem>>, %arg17: memref<40x256xf32, #tpu.memory_space<vmem>>, %arg18: memref<40x16xf32, #tpu.memory_space<vmem>>, %arg19: memref<40x128xf32, #tpu.memory_space<vmem>>, %arg20: memref<40x16xf32, #tpu.memory_space<vmem>>) attributes {dimension_semantics = [#tpu.dimension_semantics<core_parallel>, #tpu.dimension_semantics<subcore_parallel>], iteration_bounds = array<i64: 2, 16>, scalar_prefetch = 0 : i64, scratch_operands = 9 : i64, tpu.core_type = #tpu.core_type<sc_vector_subcore>, window_params = [{transform_indices = #map}, {transform_indices = #map}, {transform_indices = #map1}, {transform_indices = #map1}, {transform_indices = #map}, {transform_indices = #map}, {transform_indices = #map}, {transform_indices = #map2}, {transform_indices = #map2}, {transform_indices = #map}]} {
    %mul3A = arith.constant 16 : i32
    %mul3A_0 = arith.muli %arg0, %mul3A : i32
    %add3A = arith.addi %mul3A_0, %arg1 : i32
    %iota3A = tpu.iota {dimensions = array<i32: 0>} : vector<16xi32>
    %mul3A_1 = arith.constant 624 : i32
    %mul3A_2 = arith.muli %arg1, %mul3A_1 : i32
    "tpu.region"() ({
      %run_scoped3A = tpu.sem_alloc : memref<!tpu.dma_semaphore, #tpu.memory_space<semaphore_mem>>
      %dma_start3A = arith.constant 0 : i32
      %dma_start3A_17 = tpu.memref_slice %arg12[%mul3A_2, %dma_start3A] : memref<10000x128xf32, #tpu.memory_space<vmem_shared>> -> memref<624x128xf32, #tpu.memory_space<vmem_shared>>
      %dma_start3A_18 = arith.constant 0 : i32
      %dma_start3A_19 = tpu.memref_slice %arg7[%mul3A_2, %dma_start3A_18] : memref<10000x128xf32, #tpu.memory_space<hbm>> -> memref<624x128xf32, #tpu.memory_space<hbm>>
      tpu.enqueue_dma source(%dma_start3A_19 : memref<624x128xf32, #tpu.memory_space<hbm>>) target(%dma_start3A_17 : memref<624x128xf32, #tpu.memory_space<vmem_shared>>) target_semaphore(%run_scoped3A : memref<!tpu.dma_semaphore, #tpu.memory_space<semaphore_mem>>)
      %dma_wait3A = arith.constant 0 : i32
      %dma_wait3A_20 = tpu.memref_slice %arg12[%mul3A_2, %dma_wait3A] : memref<10000x128xf32, #tpu.memory_space<vmem_shared>> -> memref<624x128xf32, #tpu.memory_space<vmem_shared>>
      %dma_wait3A_21 = arith.constant 0 : i32
      %dma_wait3A_22 = tpu.memref_slice %arg7[%mul3A_2, %dma_wait3A_21] : memref<10000x128xf32, #tpu.memory_space<hbm>> -> memref<624x128xf32, #tpu.memory_space<hbm>>
      tpu.wait_dma2 semaphore(%run_scoped3A : memref<!tpu.dma_semaphore, #tpu.memory_space<semaphore_mem>>) src(%dma_wait3A_22 : memref<624x128xf32, #tpu.memory_space<hbm>>) dst(%dma_wait3A_20 : memref<624x128xf32, #tpu.memory_space<vmem_shared>>)
      tpu.yield
    }) : () -> ()
    "tpu.region"() ({
      %run_scoped3A = tpu.sem_alloc : memref<!tpu.dma_semaphore, #tpu.memory_space<semaphore_mem>>
      %dma_start3A = arith.constant 0 : i32
      %dma_start3A_17 = tpu.memref_slice %arg13[%mul3A_2, %dma_start3A] : memref<10000x16xf32, #tpu.memory_space<vmem_shared>> -> memref<624x16xf32, #tpu.memory_space<vmem_shared>>
      %dma_start3A_18 = arith.constant 0 : i32
      %dma_start3A_19 = tpu.memref_slice %arg8[%mul3A_2, %dma_start3A_18] : memref<10000x16xf32, #tpu.memory_space<hbm>> -> memref<624x16xf32, #tpu.memory_space<hbm>>
      tpu.enqueue_dma source(%dma_start3A_19 : memref<624x16xf32, #tpu.memory_space<hbm>>) target(%dma_start3A_17 : memref<624x16xf32, #tpu.memory_space<vmem_shared>>) target_semaphore(%run_scoped3A : memref<!tpu.dma_semaphore, #tpu.memory_space<semaphore_mem>>)
      %dma_wait3A = arith.constant 0 : i32
      %dma_wait3A_20 = tpu.memref_slice %arg13[%mul3A_2, %dma_wait3A] : memref<10000x16xf32, #tpu.memory_space<vmem_shared>> -> memref<624x16xf32, #tpu.memory_space<vmem_shared>>
      %dma_wait3A_21 = arith.constant 0 : i32
      %dma_wait3A_22 = tpu.memref_slice %arg8[%mul3A_2, %dma_wait3A_21] : memref<10000x16xf32, #tpu.memory_space<hbm>> -> memref<624x16xf32, #tpu.memory_space<hbm>>
      tpu.wait_dma2 semaphore(%run_scoped3A : memref<!tpu.dma_semaphore, #tpu.memory_space<semaphore_mem>>) src(%dma_wait3A_22 : memref<624x16xf32, #tpu.memory_space<hbm>>) dst(%dma_wait3A_20 : memref<624x16xf32, #tpu.memory_space<vmem_shared>>)
      tpu.yield
    }) : () -> ()
    %eq3A = arith.constant 0 : i32
    %eq3A_3 = arith.cmpi eq, %arg1, %eq3A : i32
    %convert_element_type3A = arith.extui %eq3A_3 : i1 to i32
    %cond3A = arith.constant 0 : i32
    %cond3A_4 = arith.cmpi ne, %convert_element_type3A, %cond3A : i32
    scf.if %cond3A_4 {
      "tpu.region"() ({
        %run_scoped3A = tpu.sem_alloc : memref<!tpu.dma_semaphore, #tpu.memory_space<semaphore_mem>>
        %dma_start3A = arith.constant 9984 : i32
        %dma_start3A_17 = arith.constant 0 : i32
        %dma_start3A_18 = tpu.memref_slice %arg12[%dma_start3A, %dma_start3A_17] : memref<10000x128xf32, #tpu.memory_space<vmem_shared>> -> memref<16x128xf32, #tpu.memory_space<vmem_shared>>
        %dma_start3A_19 = arith.constant 9984 : i32
        %dma_start3A_20 = arith.constant 0 : i32
        %dma_start3A_21 = tpu.memref_slice %arg7[%dma_start3A_19, %dma_start3A_20] : memref<10000x128xf32, #tpu.memory_space<hbm>> -> memref<16x128xf32, #tpu.memory_space<hbm>>
        tpu.enqueue_dma source(%dma_start3A_21 : memref<16x128xf32, #tpu.memory_space<hbm>>) target(%dma_start3A_18 : memref<16x128xf32, #tpu.memory_space<vmem_shared>>) target_semaphore(%run_scoped3A : memref<!tpu.dma_semaphore, #tpu.memory_space<semaphore_mem>>)
        %dma_wait3A = arith.constant 9984 : i32
        %dma_wait3A_22 = arith.constant 0 : i32
        %dma_wait3A_23 = tpu.memref_slice %arg12[%dma_wait3A, %dma_wait3A_22] : memref<10000x128xf32, #tpu.memory_space<vmem_shared>> -> memref<16x128xf32, #tpu.memory_space<vmem_shared>>
        %dma_wait3A_24 = arith.constant 9984 : i32
        %dma_wait3A_25 = arith.constant 0 : i32
        %dma_wait3A_26 = tpu.memref_slice %arg7[%dma_wait3A_24, %dma_wait3A_25] : memref<10000x128xf32, #tpu.memory_space<hbm>> -> memref<16x128xf32, #tpu.memory_space<hbm>>
        tpu.wait_dma2 semaphore(%run_scoped3A : memref<!tpu.dma_semaphore, #tpu.memory_space<semaphore_mem>>) src(%dma_wait3A_26 : memref<16x128xf32, #tpu.memory_space<hbm>>) dst(%dma_wait3A_23 : memref<16x128xf32, #tpu.memory_space<vmem_shared>>)
        tpu.yield
      }) : () -> ()
      "tpu.region"() ({
        %run_scoped3A = tpu.sem_alloc : memref<!tpu.dma_semaphore, #tpu.memory_space<semaphore_mem>>
        %dma_start3A = arith.constant 9984 : i32
        %dma_start3A_17 = arith.constant 0 : i32
        %dma_start3A_18 = tpu.memref_slice %arg13[%dma_start3A, %dma_start3A_17] : memref<10000x16xf32, #tpu.memory_space<vmem_shared>> -> memref<16x16xf32, #tpu.memory_space<vmem_shared>>
        %dma_start3A_19 = arith.constant 9984 : i32
        %dma_start3A_20 = arith.constant 0 : i32
        %dma_start3A_21 = tpu.memref_slice %arg8[%dma_start3A_19, %dma_start3A_20] : memref<10000x16xf32, #tpu.memory_space<hbm>> -> memref<16x16xf32, #tpu.memory_space<hbm>>
        tpu.enqueue_dma source(%dma_start3A_21 : memref<16x16xf32, #tpu.memory_space<hbm>>) target(%dma_start3A_18 : memref<16x16xf32, #tpu.memory_space<vmem_shared>>) target_semaphore(%run_scoped3A : memref<!tpu.dma_semaphore, #tpu.memory_space<semaphore_mem>>)
        %dma_wait3A = arith.constant 9984 : i32
        %dma_wait3A_22 = arith.constant 0 : i32
        %dma_wait3A_23 = tpu.memref_slice %arg13[%dma_wait3A, %dma_wait3A_22] : memref<10000x16xf32, #tpu.memory_space<vmem_shared>> -> memref<16x16xf32, #tpu.memory_space<vmem_shared>>
        %dma_wait3A_24 = arith.constant 9984 : i32
        %dma_wait3A_25 = arith.constant 0 : i32
        %dma_wait3A_26 = tpu.memref_slice %arg8[%dma_wait3A_24, %dma_wait3A_25] : memref<10000x16xf32, #tpu.memory_space<hbm>> -> memref<16x16xf32, #tpu.memory_space<hbm>>
        tpu.wait_dma2 semaphore(%run_scoped3A : memref<!tpu.dma_semaphore, #tpu.memory_space<semaphore_mem>>) src(%dma_wait3A_26 : memref<16x16xf32, #tpu.memory_space<hbm>>) dst(%dma_wait3A_23 : memref<16x16xf32, #tpu.memory_space<vmem_shared>>)
        tpu.yield
      }) : () -> ()
    } else {
    }
    %barrier3A = arith.constant 0 : index
    tpu.barrier barrier_id(%barrier3A)
    %scan3A = arith.constant 0 : i32
    %scan3A_5 = arith.constant 250 : i32
    %scan3A_6 = arith.addi %scan3A, %scan3A_5 : i32
    %scan3A_7 = arith.constant 1 : i32
    scf.for %scan3A_17 = %scan3A to %scan3A_6 step %scan3A_7  : i32 {
      %mul3A_18 = arith.constant 1 : i32
      %mul3A_19 = arith.muli %scan3A_17, %mul3A_18 : i32
      %add3A_20 = arith.constant 0 : i32
      %add3A_21 = arith.addi %add3A_20, %mul3A_19 : i32
      %mul3A_22 = arith.constant 10000 : i32
      %mul3A_23 = arith.muli %add3A, %mul3A_22 : i32
      %mul3A_24 = arith.constant 40 : i32
      %mul3A_25 = arith.muli %add3A_21, %mul3A_24 : i32
      %add3A_26 = arith.addi %mul3A_23, %mul3A_25 : i32
      "tpu.region"() ({
        %run_scoped3A = tpu.sem_alloc : memref<!tpu.dma_semaphore, #tpu.memory_space<semaphore_mem>>
        %dma_start3A = tpu.memref_slice %arg4[%add3A_26] : memref<320000xi32, #tpu.memory_space<hbm>> -> memref<40xi32, #tpu.memory_space<hbm>>
        %dma_start3A_32 = tpu.memref_slice %arg4[%add3A_26] : memref<320000xi32, #tpu.memory_space<hbm>> -> memref<40xi32, #tpu.memory_space<hbm>>
        tpu.enqueue_dma source(%dma_start3A_32 : memref<40xi32, #tpu.memory_space<hbm>>) target(%arg14 : memref<40xi32, #tpu.memory_space<vmem>>) target_semaphore(%run_scoped3A : memref<!tpu.dma_semaphore, #tpu.memory_space<semaphore_mem>>)
        %dma_wait3A = tpu.memref_slice %arg4[%add3A_26] : memref<320000xi32, #tpu.memory_space<hbm>> -> memref<40xi32, #tpu.memory_space<hbm>>
        %dma_wait3A_33 = tpu.memref_slice %arg4[%add3A_26] : memref<320000xi32, #tpu.memory_space<hbm>> -> memref<40xi32, #tpu.memory_space<hbm>>
        tpu.wait_dma2 semaphore(%run_scoped3A : memref<!tpu.dma_semaphore, #tpu.memory_space<semaphore_mem>>) src(%dma_wait3A_33 : memref<40xi32, #tpu.memory_space<hbm>>) dst(%arg14 : memref<40xi32, #tpu.memory_space<vmem>>)
        tpu.yield
      }) : () -> ()
      "tpu.region"() ({
        %run_scoped3A = tpu.sem_alloc : memref<!tpu.dma_semaphore, #tpu.memory_space<semaphore_mem>>
        %dma_start3A = tpu.memref_slice %arg5[%add3A_26] : memref<320000xi32, #tpu.memory_space<hbm>> -> memref<40xi32, #tpu.memory_space<hbm>>
        %dma_start3A_32 = tpu.memref_slice %arg5[%add3A_26] : memref<320000xi32, #tpu.memory_space<hbm>> -> memref<40xi32, #tpu.memory_space<hbm>>
        tpu.enqueue_dma source(%dma_start3A_32 : memref<40xi32, #tpu.memory_space<hbm>>) target(%arg15 : memref<40xi32, #tpu.memory_space<vmem>>) target_semaphore(%run_scoped3A : memref<!tpu.dma_semaphore, #tpu.memory_space<semaphore_mem>>)
        %dma_wait3A = tpu.memref_slice %arg5[%add3A_26] : memref<320000xi32, #tpu.memory_space<hbm>> -> memref<40xi32, #tpu.memory_space<hbm>>
        %dma_wait3A_33 = tpu.memref_slice %arg5[%add3A_26] : memref<320000xi32, #tpu.memory_space<hbm>> -> memref<40xi32, #tpu.memory_space<hbm>>
        tpu.wait_dma2 semaphore(%run_scoped3A : memref<!tpu.dma_semaphore, #tpu.memory_space<semaphore_mem>>) src(%dma_wait3A_33 : memref<40xi32, #tpu.memory_space<hbm>>) dst(%arg15 : memref<40xi32, #tpu.memory_space<vmem>>)
        tpu.yield
      }) : () -> ()
      "tpu.region"() ({
        %run_scoped3A = tpu.sem_alloc : memref<!tpu.dma_semaphore, #tpu.memory_space<semaphore_mem>>
        %dma_start3A = arith.constant 0 : i32
        %dma_start3A_32 = tpu.memref_slice %arg6[%add3A_26, %dma_start3A] : memref<320000x16xf32, #tpu.memory_space<hbm>> -> memref<40x16xf32, #tpu.memory_space<hbm>>
        %dma_start3A_33 = arith.constant 0 : i32
        %dma_start3A_34 = tpu.memref_slice %arg6[%add3A_26, %dma_start3A_33] : memref<320000x16xf32, #tpu.memory_space<hbm>> -> memref<40x16xf32, #tpu.memory_space<hbm>>
        tpu.enqueue_dma source(%dma_start3A_34 : memref<40x16xf32, #tpu.memory_space<hbm>>) target(%arg18 : memref<40x16xf32, #tpu.memory_space<vmem>>) target_semaphore(%run_scoped3A : memref<!tpu.dma_semaphore, #tpu.memory_space<semaphore_mem>>)
        %dma_wait3A = arith.constant 0 : i32
        %dma_wait3A_35 = tpu.memref_slice %arg6[%add3A_26, %dma_wait3A] : memref<320000x16xf32, #tpu.memory_space<hbm>> -> memref<40x16xf32, #tpu.memory_space<hbm>>
        %dma_wait3A_36 = arith.constant 0 : i32
        %dma_wait3A_37 = tpu.memref_slice %arg6[%add3A_26, %dma_wait3A_36] : memref<320000x16xf32, #tpu.memory_space<hbm>> -> memref<40x16xf32, #tpu.memory_space<hbm>>
        tpu.wait_dma2 semaphore(%run_scoped3A : memref<!tpu.dma_semaphore, #tpu.memory_space<semaphore_mem>>) src(%dma_wait3A_37 : memref<40x16xf32, #tpu.memory_space<hbm>>) dst(%arg18 : memref<40x16xf32, #tpu.memory_space<vmem>>)
        tpu.yield
      }) : () -> ()
      "tpu.region"() ({
        %run_scoped3A = tpu.sem_alloc : memref<!tpu.dma_semaphore, #tpu.memory_space<semaphore_mem>>
        %dma_start3A = arith.constant 0 : i32
        %dma_start3A_32 = arith.constant 0 : i32
        %dma_start3A_33 = tpu.memref_slice %arg2[%dma_start3A, %dma_start3A_32] : memref<10000x256xf32, #tpu.memory_space<hbm>> -> memref<10000x256xf32, #tpu.memory_space<hbm>>
        tpu.enqueue_indirect_dma source(%dma_start3A_33 : memref<10000x256xf32, #tpu.memory_space<hbm>>) target(%arg16 : memref<40x256xf32, #tpu.memory_space<vmem>>) offsets(%arg15 : memref<40xi32, #tpu.memory_space<vmem>>) semaphore(%run_scoped3A : memref<!tpu.dma_semaphore, #tpu.memory_space<semaphore_mem>>)
        %dma_wait3A = arith.constant 0 : i32
        %dma_wait3A_34 = arith.constant 0 : i32
        %dma_wait3A_35 = tpu.memref_slice %arg2[%dma_wait3A, %dma_wait3A_34] : memref<10000x256xf32, #tpu.memory_space<hbm>> -> memref<10000x256xf32, #tpu.memory_space<hbm>>
        tpu.wait_indirect_dma semaphore(%run_scoped3A : memref<!tpu.dma_semaphore, #tpu.memory_space<semaphore_mem>>) src(%dma_wait3A_35 : memref<10000x256xf32, #tpu.memory_space<hbm>>) dst(%arg16 : memref<40x256xf32, #tpu.memory_space<vmem>>)
        tpu.yield
      }) : () -> ()
      "tpu.region"() ({
        %run_scoped3A = tpu.sem_alloc : memref<!tpu.dma_semaphore, #tpu.memory_space<semaphore_mem>>
        %dma_start3A = arith.constant 0 : i32
        %dma_start3A_32 = arith.constant 0 : i32
        %dma_start3A_33 = tpu.memref_slice %arg3[%dma_start3A, %dma_start3A_32] : memref<10000x256xf32, #tpu.memory_space<hbm>> -> memref<10000x256xf32, #tpu.memory_space<hbm>>
        tpu.enqueue_indirect_dma source(%dma_start3A_33 : memref<10000x256xf32, #tpu.memory_space<hbm>>) target(%arg17 : memref<40x256xf32, #tpu.memory_space<vmem>>) offsets(%arg14 : memref<40xi32, #tpu.memory_space<vmem>>) semaphore(%run_scoped3A : memref<!tpu.dma_semaphore, #tpu.memory_space<semaphore_mem>>)
        %dma_wait3A = arith.constant 0 : i32
        %dma_wait3A_34 = arith.constant 0 : i32
        %dma_wait3A_35 = tpu.memref_slice %arg3[%dma_wait3A, %dma_wait3A_34] : memref<10000x256xf32, #tpu.memory_space<hbm>> -> memref<10000x256xf32, #tpu.memory_space<hbm>>
        tpu.wait_indirect_dma semaphore(%run_scoped3A : memref<!tpu.dma_semaphore, #tpu.memory_space<semaphore_mem>>) src(%dma_wait3A_35 : memref<10000x256xf32, #tpu.memory_space<hbm>>) dst(%arg17 : memref<40x256xf32, #tpu.memory_space<vmem>>)
        tpu.yield
      }) : () -> ()
      %scan3A_27 = arith.constant 0 : i32
      %scan3A_28 = arith.constant 40 : i32
      %scan3A_29 = arith.addi %scan3A_27, %scan3A_28 : i32
      %scan3A_30 = arith.constant 1 : i32
      scf.for %scan3A_32 = %scan3A_27 to %scan3A_29 step %scan3A_30  : i32 {
        %mul3A_33 = arith.constant 1 : i32
        %mul3A_34 = arith.muli %scan3A_32, %mul3A_33 : i32
        %add3A_35 = arith.constant 0 : i32
        %add3A_36 = arith.addi %add3A_35, %mul3A_34 : i32
        %get3A = arith.index_cast %add3A_36 : i32 to index
        %get3A_37 = arith.constant 0 : index
        %get3A_38 = tpu.vector_load %arg18[%get3A, %get3A_37] {strides = array<i32>} : memref<40x16xf32, #tpu.memory_space<vmem>>, vector<16xf32>,
        %broadcast_in_dim3A = arith.constant 0.000000e+00 : f32
        %broadcast_in_dim3A_39 = vector.broadcast %broadcast_in_dim3A : f32 to vector<16xf32>
        %get3A_40 = arith.index_cast %add3A_36 : i32 to index
        %get3A_41 = arith.constant 0 : index
        %get3A_42 = tpu.vector_load %arg16[%get3A_40, %get3A_41] {strides = array<i32>} : memref<40x256xf32, #tpu.memory_space<vmem>>, vector<16xf32>,
        %get3A_43 = arith.index_cast %add3A_36 : i32 to index
        %get3A_44 = arith.constant 0 : index
        %get3A_45 = tpu.vector_load %arg17[%get3A_43, %get3A_44] {strides = array<i32>} : memref<40x256xf32, #tpu.memory_space<vmem>>, vector<16xf32>,
        %get3A_46 = arith.index_cast %add3A_36 : i32 to index
        %get3A_47 = arith.constant 128 : index
        %get3A_48 = tpu.vector_load %arg16[%get3A_46, %get3A_47] {strides = array<i32>} : memref<40x256xf32, #tpu.memory_space<vmem>>, vector<16xf32>,
        %mul3A_49 = arith.mulf %get3A_42, %get3A_45 : vector<16xf32>
        %mul3A_50 = arith.mulf %get3A_48, %get3A_38 : vector<16xf32>
        %add3A_51 = arith.addf %mul3A_49, %mul3A_50 : vector<16xf32>
        %reduce_sum3A = arith.constant true
        %reduce_sum3A_52 = vector.broadcast %reduce_sum3A : i1 to vector<16xi1>
        %reduce_sum3A_53 = tpu.scan <sum>, %add3A_51 masked %reduce_sum3A_52 : vector<16xf32>, vector<16xi1> -> vector<16xf32>
        %reduce_sum3A_54 = vector.extract %reduce_sum3A_53[15] : f32 from vector<16xf32>
        %mul3A_55 = arith.constant 2.500000e-01 : f32
        %mul3A_56 = arith.mulf %reduce_sum3A_54, %mul3A_55 : f32
        %eq3A_57 = arith.constant 0 : i32
        %eq3A_58 = vector.broadcast %eq3A_57 : i32 to vector<16xi32>
        %eq3A_59 = arith.cmpi eq, %iota3A, %eq3A_58 : vector<16xi32>
        %broadcast_in_dim3A_60 = vector.broadcast %mul3A_56 : f32 to vector<16xf32>
        %select_n3A = arith.select %eq3A_59, %broadcast_in_dim3A_60, %broadcast_in_dim3A_39 : vector<16xi1>, vector<16xf32>
        %get3A_61 = arith.index_cast %add3A_36 : i32 to index
        %get3A_62 = arith.constant 16 : index
        %get3A_63 = tpu.vector_load %arg16[%get3A_61, %get3A_62] {strides = array<i32>} : memref<40x256xf32, #tpu.memory_space<vmem>>, vector<16xf32>,
        %get3A_64 = arith.index_cast %add3A_36 : i32 to index
        %get3A_65 = arith.constant 16 : index
        %get3A_66 = tpu.vector_load %arg17[%get3A_64, %get3A_65] {strides = array<i32>} : memref<40x256xf32, #tpu.memory_space<vmem>>, vector<16xf32>,
        %get3A_67 = arith.index_cast %add3A_36 : i32 to index
        %get3A_68 = arith.constant 144 : index
        %get3A_69 = tpu.vector_load %arg16[%get3A_67, %get3A_68] {strides = array<i32>} : memref<40x256xf32, #tpu.memory_space<vmem>>, vector<16xf32>,
        %mul3A_70 = arith.mulf %get3A_63, %get3A_66 : vector<16xf32>
        %mul3A_71 = arith.mulf %get3A_69, %get3A_38 : vector<16xf32>
        %add3A_72 = arith.addf %mul3A_70, %mul3A_71 : vector<16xf32>
        %reduce_sum3A_73 = arith.constant true
        %reduce_sum3A_74 = vector.broadcast %reduce_sum3A_73 : i1 to vector<16xi1>
        %reduce_sum3A_75 = tpu.scan <sum>, %add3A_72 masked %reduce_sum3A_74 : vector<16xf32>, vector<16xi1> -> vector<16xf32>
        %reduce_sum3A_76 = vector.extract %reduce_sum3A_75[15] : f32 from vector<16xf32>
        %mul3A_77 = arith.constant 2.500000e-01 : f32
        %mul3A_78 = arith.mulf %reduce_sum3A_76, %mul3A_77 : f32
        %eq3A_79 = arith.constant 1 : i32
        %eq3A_80 = vector.broadcast %eq3A_79 : i32 to vector<16xi32>
        %eq3A_81 = arith.cmpi eq, %iota3A, %eq3A_80 : vector<16xi32>
        %broadcast_in_dim3A_82 = vector.broadcast %mul3A_78 : f32 to vector<16xf32>
        %select_n3A_83 = arith.select %eq3A_81, %broadcast_in_dim3A_82, %select_n3A : vector<16xi1>, vector<16xf32>
        %get3A_84 = arith.index_cast %add3A_36 : i32 to index
        %get3A_85 = arith.constant 32 : index
        %get3A_86 = tpu.vector_load %arg16[%get3A_84, %get3A_85] {strides = array<i32>} : memref<40x256xf32, #tpu.memory_space<vmem>>, vector<16xf32>,
        %get3A_87 = arith.index_cast %add3A_36 : i32 to index
        %get3A_88 = arith.constant 32 : index
        %get3A_89 = tpu.vector_load %arg17[%get3A_87, %get3A_88] {strides = array<i32>} : memref<40x256xf32, #tpu.memory_space<vmem>>, vector<16xf32>,
        %get3A_90 = arith.index_cast %add3A_36 : i32 to index
        %get3A_91 = arith.constant 160 : index
        %get3A_92 = tpu.vector_load %arg16[%get3A_90, %get3A_91] {strides = array<i32>} : memref<40x256xf32, #tpu.memory_space<vmem>>, vector<16xf32>,
        %mul3A_93 = arith.mulf %get3A_86, %get3A_89 : vector<16xf32>
        %mul3A_94 = arith.mulf %get3A_92, %get3A_38 : vector<16xf32>
        %add3A_95 = arith.addf %mul3A_93, %mul3A_94 : vector<16xf32>
        %reduce_sum3A_96 = arith.constant true
        %reduce_sum3A_97 = vector.broadcast %reduce_sum3A_96 : i1 to vector<16xi1>
        %reduce_sum3A_98 = tpu.scan <sum>, %add3A_95 masked %reduce_sum3A_97 : vector<16xf32>, vector<16xi1> -> vector<16xf32>
        %reduce_sum3A_99 = vector.extract %reduce_sum3A_98[15] : f32 from vector<16xf32>
        %mul3A_100 = arith.constant 2.500000e-01 : f32
        %mul3A_101 = arith.mulf %reduce_sum3A_99, %mul3A_100 : f32
        %eq3A_102 = arith.constant 2 : i32
        %eq3A_103 = vector.broadcast %eq3A_102 : i32 to vector<16xi32>
        %eq3A_104 = arith.cmpi eq, %iota3A, %eq3A_103 : vector<16xi32>
        %broadcast_in_dim3A_105 = vector.broadcast %mul3A_101 : f32 to vector<16xf32>
        %select_n3A_106 = arith.select %eq3A_104, %broadcast_in_dim3A_105, %select_n3A_83 : vector<16xi1>, vector<16xf32>
        %get3A_107 = arith.index_cast %add3A_36 : i32 to index
        %get3A_108 = arith.constant 48 : index
        %get3A_109 = tpu.vector_load %arg16[%get3A_107, %get3A_108] {strides = array<i32>} : memref<40x256xf32, #tpu.memory_space<vmem>>, vector<16xf32>,
        %get3A_110 = arith.index_cast %add3A_36 : i32 to index
        %get3A_111 = arith.constant 48 : index
        %get3A_112 = tpu.vector_load %arg17[%get3A_110, %get3A_111] {strides = array<i32>} : memref<40x256xf32, #tpu.memory_space<vmem>>, vector<16xf32>,
        %get3A_113 = arith.index_cast %add3A_36 : i32 to index
        %get3A_114 = arith.constant 176 : index
        %get3A_115 = tpu.vector_load %arg16[%get3A_113, %get3A_114] {strides = array<i32>} : memref<40x256xf32, #tpu.memory_space<vmem>>, vector<16xf32>,
        %mul3A_116 = arith.mulf %get3A_109, %get3A_112 : vector<16xf32>
        %mul3A_117 = arith.mulf %get3A_115, %get3A_38 : vector<16xf32>
        %add3A_118 = arith.addf %mul3A_116, %mul3A_117 : vector<16xf32>
        %reduce_sum3A_119 = arith.constant true
        %reduce_sum3A_120 = vector.broadcast %reduce_sum3A_119 : i1 to vector<16xi1>
        %reduce_sum3A_121 = tpu.scan <sum>, %add3A_118 masked %reduce_sum3A_120 : vector<16xf32>, vector<16xi1> -> vector<16xf32>
        %reduce_sum3A_122 = vector.extract %reduce_sum3A_121[15] : f32 from vector<16xf32>
        %mul3A_123 = arith.constant 2.500000e-01 : f32
        %mul3A_124 = arith.mulf %reduce_sum3A_122, %mul3A_123 : f32
        %eq3A_125 = arith.constant 3 : i32
        %eq3A_126 = vector.broadcast %eq3A_125 : i32 to vector<16xi32>
        %eq3A_127 = arith.cmpi eq, %iota3A, %eq3A_126 : vector<16xi32>
        %broadcast_in_dim3A_128 = vector.broadcast %mul3A_124 : f32 to vector<16xf32>
        %select_n3A_129 = arith.select %eq3A_127, %broadcast_in_dim3A_128, %select_n3A_106 : vector<16xi1>, vector<16xf32>
        %get3A_130 = arith.index_cast %add3A_36 : i32 to index
        %get3A_131 = arith.constant 64 : index
        %get3A_132 = tpu.vector_load %arg16[%get3A_130, %get3A_131] {strides = array<i32>} : memref<40x256xf32, #tpu.memory_space<vmem>>, vector<16xf32>,
        %get3A_133 = arith.index_cast %add3A_36 : i32 to index
        %get3A_134 = arith.constant 64 : index
        %get3A_135 = tpu.vector_load %arg17[%get3A_133, %get3A_134] {strides = array<i32>} : memref<40x256xf32, #tpu.memory_space<vmem>>, vector<16xf32>,
        %get3A_136 = arith.index_cast %add3A_36 : i32 to index
        %get3A_137 = arith.constant 192 : index
        %get3A_138 = tpu.vector_load %arg16[%get3A_136, %get3A_137] {strides = array<i32>} : memref<40x256xf32, #tpu.memory_space<vmem>>, vector<16xf32>,
        %mul3A_139 = arith.mulf %get3A_132, %get3A_135 : vector<16xf32>
        %mul3A_140 = arith.mulf %get3A_138, %get3A_38 : vector<16xf32>
        %add3A_141 = arith.addf %mul3A_139, %mul3A_140 : vector<16xf32>
        %reduce_sum3A_142 = arith.constant true
        %reduce_sum3A_143 = vector.broadcast %reduce_sum3A_142 : i1 to vector<16xi1>
        %reduce_sum3A_144 = tpu.scan <sum>, %add3A_141 masked %reduce_sum3A_143 : vector<16xf32>, vector<16xi1> -> vector<16xf32>
        %reduce_sum3A_145 = vector.extract %reduce_sum3A_144[15] : f32 from vector<16xf32>
        %mul3A_146 = arith.constant 2.500000e-01 : f32
        %mul3A_147 = arith.mulf %reduce_sum3A_145, %mul3A_146 : f32
        %eq3A_148 = arith.constant 4 : i32
        %eq3A_149 = vector.broadcast %eq3A_148 : i32 to vector<16xi32>
        %eq3A_150 = arith.cmpi eq, %iota3A, %eq3A_149 : vector<16xi32>
        %broadcast_in_dim3A_151 = vector.broadcast %mul3A_147 : f32 to vector<16xf32>
        %select_n3A_152 = arith.select %eq3A_150, %broadcast_in_dim3A_151, %select_n3A_129 : vector<16xi1>, vector<16xf32>
        %get3A_153 = arith.index_cast %add3A_36 : i32 to index
        %get3A_154 = arith.constant 80 : index
        %get3A_155 = tpu.vector_load %arg16[%get3A_153, %get3A_154] {strides = array<i32>} : memref<40x256xf32, #tpu.memory_space<vmem>>, vector<16xf32>,
        %get3A_156 = arith.index_cast %add3A_36 : i32 to index
        %get3A_157 = arith.constant 80 : index
        %get3A_158 = tpu.vector_load %arg17[%get3A_156, %get3A_157] {strides = array<i32>} : memref<40x256xf32, #tpu.memory_space<vmem>>, vector<16xf32>,
        %get3A_159 = arith.index_cast %add3A_36 : i32 to index
        %get3A_160 = arith.constant 208 : index
        %get3A_161 = tpu.vector_load %arg16[%get3A_159, %get3A_160] {strides = array<i32>} : memref<40x256xf32, #tpu.memory_space<vmem>>, vector<16xf32>,
        %mul3A_162 = arith.mulf %get3A_155, %get3A_158 : vector<16xf32>
        %mul3A_163 = arith.mulf %get3A_161, %get3A_38 : vector<16xf32>
        %add3A_164 = arith.addf %mul3A_162, %mul3A_163 : vector<16xf32>
        %reduce_sum3A_165 = arith.constant true
        %reduce_sum3A_166 = vector.broadcast %reduce_sum3A_165 : i1 to vector<16xi1>
        %reduce_sum3A_167 = tpu.scan <sum>, %add3A_164 masked %reduce_sum3A_166 : vector<16xf32>, vector<16xi1> -> vector<16xf32>
        %reduce_sum3A_168 = vector.extract %reduce_sum3A_167[15] : f32 from vector<16xf32>
        %mul3A_169 = arith.constant 2.500000e-01 : f32
        %mul3A_170 = arith.mulf %reduce_sum3A_168, %mul3A_169 : f32
        %eq3A_171 = arith.constant 5 : i32
        %eq3A_172 = vector.broadcast %eq3A_171 : i32 to vector<16xi32>
        %eq3A_173 = arith.cmpi eq, %iota3A, %eq3A_172 : vector<16xi32>
        %broadcast_in_dim3A_174 = vector.broadcast %mul3A_170 : f32 to vector<16xf32>
        %select_n3A_175 = arith.select %eq3A_173, %broadcast_in_dim3A_174, %select_n3A_152 : vector<16xi1>, vector<16xf32>
        %get3A_176 = arith.index_cast %add3A_36 : i32 to index
        %get3A_177 = arith.constant 96 : index
        %get3A_178 = tpu.vector_load %arg16[%get3A_176, %get3A_177] {strides = array<i32>} : memref<40x256xf32, #tpu.memory_space<vmem>>, vector<16xf32>,
        %get3A_179 = arith.index_cast %add3A_36 : i32 to index
        %get3A_180 = arith.constant 96 : index
        %get3A_181 = tpu.vector_load %arg17[%get3A_179, %get3A_180] {strides = array<i32>} : memref<40x256xf32, #tpu.memory_space<vmem>>, vector<16xf32>,
        %get3A_182 = arith.index_cast %add3A_36 : i32 to index
        %get3A_183 = arith.constant 224 : index
        %get3A_184 = tpu.vector_load %arg16[%get3A_182, %get3A_183] {strides = array<i32>} : memref<40x256xf32, #tpu.memory_space<vmem>>, vector<16xf32>,
        %mul3A_185 = arith.mulf %get3A_178, %get3A_181 : vector<16xf32>
        %mul3A_186 = arith.mulf %get3A_184, %get3A_38 : vector<16xf32>
        %add3A_187 = arith.addf %mul3A_185, %mul3A_186 : vector<16xf32>
        %reduce_sum3A_188 = arith.constant true
        %reduce_sum3A_189 = vector.broadcast %reduce_sum3A_188 : i1 to vector<16xi1>
        %reduce_sum3A_190 = tpu.scan <sum>, %add3A_187 masked %reduce_sum3A_189 : vector<16xf32>, vector<16xi1> -> vector<16xf32>
        %reduce_sum3A_191 = vector.extract %reduce_sum3A_190[15] : f32 from vector<16xf32>
        %mul3A_192 = arith.constant 2.500000e-01 : f32
        %mul3A_193 = arith.mulf %reduce_sum3A_191, %mul3A_192 : f32
        %eq3A_194 = arith.constant 6 : i32
        %eq3A_195 = vector.broadcast %eq3A_194 : i32 to vector<16xi32>
        %eq3A_196 = arith.cmpi eq, %iota3A, %eq3A_195 : vector<16xi32>
        %broadcast_in_dim3A_197 = vector.broadcast %mul3A_193 : f32 to vector<16xf32>
        %select_n3A_198 = arith.select %eq3A_196, %broadcast_in_dim3A_197, %select_n3A_175 : vector<16xi1>, vector<16xf32>
        %get3A_199 = arith.index_cast %add3A_36 : i32 to index
        %get3A_200 = arith.constant 112 : index
        %get3A_201 = tpu.vector_load %arg16[%get3A_199, %get3A_200] {strides = array<i32>} : memref<40x256xf32, #tpu.memory_space<vmem>>, vector<16xf32>,
        %get3A_202 = arith.index_cast %add3A_36 : i32 to index
        %get3A_203 = arith.constant 112 : index
        %get3A_204 = tpu.vector_load %arg17[%get3A_202, %get3A_203] {strides = array<i32>} : memref<40x256xf32, #tpu.memory_space<vmem>>, vector<16xf32>,
        %get3A_205 = arith.index_cast %add3A_36 : i32 to index
        %get3A_206 = arith.constant 240 : index
        %get3A_207 = tpu.vector_load %arg16[%get3A_205, %get3A_206] {strides = array<i32>} : memref<40x256xf32, #tpu.memory_space<vmem>>, vector<16xf32>,
        %mul3A_208 = arith.mulf %get3A_201, %get3A_204 : vector<16xf32>
        %mul3A_209 = arith.mulf %get3A_207, %get3A_38 : vector<16xf32>
        %add3A_210 = arith.addf %mul3A_208, %mul3A_209 : vector<16xf32>
        %reduce_sum3A_211 = arith.constant true
        %reduce_sum3A_212 = vector.broadcast %reduce_sum3A_211 : i1 to vector<16xi1>
        %reduce_sum3A_213 = tpu.scan <sum>, %add3A_210 masked %reduce_sum3A_212 : vector<16xf32>, vector<16xi1> -> vector<16xf32>
        %reduce_sum3A_214 = vector.extract %reduce_sum3A_213[15] : f32 from vector<16xf32>
        %mul3A_215 = arith.constant 2.500000e-01 : f32
        %mul3A_216 = arith.mulf %reduce_sum3A_214, %mul3A_215 : f32
        %eq3A_217 = arith.constant 7 : i32
        %eq3A_218 = vector.broadcast %eq3A_217 : i32 to vector<16xi32>
        %eq3A_219 = arith.cmpi eq, %iota3A, %eq3A_218 : vector<16xi32>
        %broadcast_in_dim3A_220 = vector.broadcast %mul3A_216 : f32 to vector<16xf32>
        %select_n3A_221 = arith.select %eq3A_219, %broadcast_in_dim3A_220, %select_n3A_198 : vector<16xi1>, vector<16xf32>
        %jit3A = arith.constant -6.000000e+01 : f32
        %jit3A_222 = arith.constant 6.000000e+01 : f32
        %max3A = vector.broadcast %jit3A : f32 to vector<16xf32>
        %max3A_223 = arith.maximumf %max3A, %select_n3A_221 : vector<16xf32>
        %min3A = vector.broadcast %jit3A_222 : f32 to vector<16xf32>
        %min3A_224 = arith.minimumf %min3A, %max3A_223 : vector<16xf32>
        %exp3A = math.exp %min3A_224 : vector<16xf32>
        %slice3A = vector.extract_strided_slice %exp3A {offsets = [0], sizes = [1], strides = [1]} : vector<16xf32> to vector<1xf32>
        %squeeze3A = vector.extract %slice3A[0] : f32 from vector<1xf32>
        %broadcast_in_dim3A_225 = vector.broadcast %squeeze3A : f32 to vector<16xf32>
        %get3A_226 = arith.index_cast %add3A_36 : i32 to index
        %get3A_227 = arith.constant 128 : index
        %get3A_228 = tpu.vector_load %arg17[%get3A_226, %get3A_227] {strides = array<i32>} : memref<40x256xf32, #tpu.memory_space<vmem>>, vector<16xf32>,
        %mul3A_229 = arith.mulf %get3A_228, %broadcast_in_dim3A_225 : vector<16xf32>
        %swap3A = arith.index_cast %add3A_36 : i32 to index
        %swap3A_230 = arith.constant 0 : index
        %swap3A_231 = tpu.vector_load %arg19[%swap3A, %swap3A_230] {strides = array<i32>} : memref<40x128xf32, #tpu.memory_space<vmem>>, vector<16xf32>,
        tpu.vector_store %arg19[%swap3A, %swap3A_230], %mul3A_229 {strides = array<i32>} : memref<40x128xf32, #tpu.memory_space<vmem>>, vector<16xf32>,
        %slice3A_232 = vector.extract_strided_slice %exp3A {offsets = [1], sizes = [1], strides = [1]} : vector<16xf32> to vector<1xf32>
        %squeeze3A_233 = vector.extract %slice3A_232[0] : f32 from vector<1xf32>
        %broadcast_in_dim3A_234 = vector.broadcast %squeeze3A_233 : f32 to vector<16xf32>
        %get3A_235 = arith.index_cast %add3A_36 : i32 to index
        %get3A_236 = arith.constant 144 : index
        %get3A_237 = tpu.vector_load %arg17[%get3A_235, %get3A_236] {strides = array<i32>} : memref<40x256xf32, #tpu.memory_space<vmem>>, vector<16xf32>,
        %mul3A_238 = arith.mulf %get3A_237, %broadcast_in_dim3A_234 : vector<16xf32>
        %swap3A_239 = arith.index_cast %add3A_36 : i32 to index
        %swap3A_240 = arith.constant 16 : index
        %swap3A_241 = tpu.vector_load %arg19[%swap3A_239, %swap3A_240] {strides = array<i32>} : memref<40x128xf32, #tpu.memory_space<vmem>>, vector<16xf32>,
        tpu.vector_store %arg19[%swap3A_239, %swap3A_240], %mul3A_238 {strides = array<i32>} : memref<40x128xf32, #tpu.memory_space<vmem>>, vector<16xf32>,
        %slice3A_242 = vector.extract_strided_slice %exp3A {offsets = [2], sizes = [1], strides = [1]} : vector<16xf32> to vector<1xf32>
        %squeeze3A_243 = vector.extract %slice3A_242[0] : f32 from vector<1xf32>
        %broadcast_in_dim3A_244 = vector.broadcast %squeeze3A_243 : f32 to vector<16xf32>
        %get3A_245 = arith.index_cast %add3A_36 : i32 to index
        %get3A_246 = arith.constant 160 : index
        %get3A_247 = tpu.vector_load %arg17[%get3A_245, %get3A_246] {strides = array<i32>} : memref<40x256xf32, #tpu.memory_space<vmem>>, vector<16xf32>,
        %mul3A_248 = arith.mulf %get3A_247, %broadcast_in_dim3A_244 : vector<16xf32>
        %swap3A_249 = arith.index_cast %add3A_36 : i32 to index
        %swap3A_250 = arith.constant 32 : index
        %swap3A_251 = tpu.vector_load %arg19[%swap3A_249, %swap3A_250] {strides = array<i32>} : memref<40x128xf32, #tpu.memory_space<vmem>>, vector<16xf32>,
        tpu.vector_store %arg19[%swap3A_249, %swap3A_250], %mul3A_248 {strides = array<i32>} : memref<40x128xf32, #tpu.memory_space<vmem>>, vector<16xf32>,
        %slice3A_252 = vector.extract_strided_slice %exp3A {offsets = [3], sizes = [1], strides = [1]} : vector<16xf32> to vector<1xf32>
        %squeeze3A_253 = vector.extract %slice3A_252[0] : f32 from vector<1xf32>
        %broadcast_in_dim3A_254 = vector.broadcast %squeeze3A_253 : f32 to vector<16xf32>
        %get3A_255 = arith.index_cast %add3A_36 : i32 to index
        %get3A_256 = arith.constant 176 : index
        %get3A_257 = tpu.vector_load %arg17[%get3A_255, %get3A_256] {strides = array<i32>} : memref<40x256xf32, #tpu.memory_space<vmem>>, vector<16xf32>,
        %mul3A_258 = arith.mulf %get3A_257, %broadcast_in_dim3A_254 : vector<16xf32>
        %swap3A_259 = arith.index_cast %add3A_36 : i32 to index
        %swap3A_260 = arith.constant 48 : index
        %swap3A_261 = tpu.vector_load %arg19[%swap3A_259, %swap3A_260] {strides = array<i32>} : memref<40x128xf32, #tpu.memory_space<vmem>>, vector<16xf32>,
        tpu.vector_store %arg19[%swap3A_259, %swap3A_260], %mul3A_258 {strides = array<i32>} : memref<40x128xf32, #tpu.memory_space<vmem>>, vector<16xf32>,
        %slice3A_262 = vector.extract_strided_slice %exp3A {offsets = [4], sizes = [1], strides = [1]} : vector<16xf32> to vector<1xf32>
        %squeeze3A_263 = vector.extract %slice3A_262[0] : f32 from vector<1xf32>
        %broadcast_in_dim3A_264 = vector.broadcast %squeeze3A_263 : f32 to vector<16xf32>
        %get3A_265 = arith.index_cast %add3A_36 : i32 to index
        %get3A_266 = arith.constant 192 : index
        %get3A_267 = tpu.vector_load %arg17[%get3A_265, %get3A_266] {strides = array<i32>} : memref<40x256xf32, #tpu.memory_space<vmem>>, vector<16xf32>,
        %mul3A_268 = arith.mulf %get3A_267, %broadcast_in_dim3A_264 : vector<16xf32>
        %swap3A_269 = arith.index_cast %add3A_36 : i32 to index
        %swap3A_270 = arith.constant 64 : index
        %swap3A_271 = tpu.vector_load %arg19[%swap3A_269, %swap3A_270] {strides = array<i32>} : memref<40x128xf32, #tpu.memory_space<vmem>>, vector<16xf32>,
        tpu.vector_store %arg19[%swap3A_269, %swap3A_270], %mul3A_268 {strides = array<i32>} : memref<40x128xf32, #tpu.memory_space<vmem>>, vector<16xf32>,
        %slice3A_272 = vector.extract_strided_slice %exp3A {offsets = [5], sizes = [1], strides = [1]} : vector<16xf32> to vector<1xf32>
        %squeeze3A_273 = vector.extract %slice3A_272[0] : f32 from vector<1xf32>
        %broadcast_in_dim3A_274 = vector.broadcast %squeeze3A_273 : f32 to vector<16xf32>
        %get3A_275 = arith.index_cast %add3A_36 : i32 to index
        %get3A_276 = arith.constant 208 : index
        %get3A_277 = tpu.vector_load %arg17[%get3A_275, %get3A_276] {strides = array<i32>} : memref<40x256xf32, #tpu.memory_space<vmem>>, vector<16xf32>,
        %mul3A_278 = arith.mulf %get3A_277, %broadcast_in_dim3A_274 : vector<16xf32>
        %swap3A_279 = arith.index_cast %add3A_36 : i32 to index
        %swap3A_280 = arith.constant 80 : index
        %swap3A_281 = tpu.vector_load %arg19[%swap3A_279, %swap3A_280] {strides = array<i32>} : memref<40x128xf32, #tpu.memory_space<vmem>>, vector<16xf32>,
        tpu.vector_store %arg19[%swap3A_279, %swap3A_280], %mul3A_278 {strides = array<i32>} : memref<40x128xf32, #tpu.memory_space<vmem>>, vector<16xf32>,
        %slice3A_282 = vector.extract_strided_slice %exp3A {offsets = [6], sizes = [1], strides = [1]} : vector<16xf32> to vector<1xf32>
        %squeeze3A_283 = vector.extract %slice3A_282[0] : f32 from vector<1xf32>
        %broadcast_in_dim3A_284 = vector.broadcast %squeeze3A_283 : f32 to vector<16xf32>
        %get3A_285 = arith.index_cast %add3A_36 : i32 to index
        %get3A_286 = arith.constant 224 : index
        %get3A_287 = tpu.vector_load %arg17[%get3A_285, %get3A_286] {strides = array<i32>} : memref<40x256xf32, #tpu.memory_space<vmem>>, vector<16xf32>,
        %mul3A_288 = arith.mulf %get3A_287, %broadcast_in_dim3A_284 : vector<16xf32>
        %swap3A_289 = arith.index_cast %add3A_36 : i32 to index
        %swap3A_290 = arith.constant 96 : index
        %swap3A_291 = tpu.vector_load %arg19[%swap3A_289, %swap3A_290] {strides = array<i32>} : memref<40x128xf32, #tpu.memory_space<vmem>>, vector<16xf32>,
        tpu.vector_store %arg19[%swap3A_289, %swap3A_290], %mul3A_288 {strides = array<i32>} : memref<40x128xf32, #tpu.memory_space<vmem>>, vector<16xf32>,
        %slice3A_292 = vector.extract_strided_slice %exp3A {offsets = [7], sizes = [1], strides = [1]} : vector<16xf32> to vector<1xf32>
        %squeeze3A_293 = vector.extract %slice3A_292[0] : f32 from vector<1xf32>
        %broadcast_in_dim3A_294 = vector.broadcast %squeeze3A_293 : f32 to vector<16xf32>
        %get3A_295 = arith.index_cast %add3A_36 : i32 to index
        %get3A_296 = arith.constant 240 : index
        %get3A_297 = tpu.vector_load %arg17[%get3A_295, %get3A_296] {strides = array<i32>} : memref<40x256xf32, #tpu.memory_space<vmem>>, vector<16xf32>,
        %mul3A_298 = arith.mulf %get3A_297, %broadcast_in_dim3A_294 : vector<16xf32>
        %swap3A_299 = arith.index_cast %add3A_36 : i32 to index
        %swap3A_300 = arith.constant 112 : index
        %swap3A_301 = tpu.vector_load %arg19[%swap3A_299, %swap3A_300] {strides = array<i32>} : memref<40x128xf32, #tpu.memory_space<vmem>>, vector<16xf32>,
        tpu.vector_store %arg19[%swap3A_299, %swap3A_300], %mul3A_298 {strides = array<i32>} : memref<40x128xf32, #tpu.memory_space<vmem>>, vector<16xf32>,
        %swap3A_302 = arith.index_cast %add3A_36 : i32 to index
        %swap3A_303 = arith.constant 0 : index
        %swap3A_304 = tpu.vector_load %arg20[%swap3A_302, %swap3A_303] {strides = array<i32>} : memref<40x16xf32, #tpu.memory_space<vmem>>, vector<16xf32>,
        tpu.vector_store %arg20[%swap3A_302, %swap3A_303], %exp3A {strides = array<i32>} : memref<40x16xf32, #tpu.memory_space<vmem>>, vector<16xf32>,
      }
      %scan3A_31 = arith.constant 40 : i32
      "tpu.region"() ({
        %run_scoped3A = tpu.sem_alloc : memref<!tpu.dma_semaphore, #tpu.memory_space<semaphore_mem>>
        %dma_start3A = arith.constant 0 : i32
        %dma_start3A_32 = arith.constant 0 : i32
        %dma_start3A_33 = tpu.memref_slice %arg12[%dma_start3A, %dma_start3A_32] : memref<10000x128xf32, #tpu.memory_space<vmem_shared>> -> memref<10000x128xf32, #tpu.memory_space<vmem_shared>>
        tpu.enqueue_indirect_dma source(%arg19 : memref<40x128xf32, #tpu.memory_space<vmem>>) target(%dma_start3A_33 : memref<10000x128xf32, #tpu.memory_space<vmem_shared>>) offsets(%arg15 : memref<40xi32, #tpu.memory_space<vmem>>) semaphore(%run_scoped3A : memref<!tpu.dma_semaphore, #tpu.memory_space<semaphore_mem>>) {add = true}
        %dma_wait3A = arith.constant 0 : i32
        %dma_wait3A_34 = arith.constant 0 : i32
        %dma_wait3A_35 = tpu.memref_slice %arg12[%dma_wait3A, %dma_wait3A_34] : memref<10000x128xf32, #tpu.memory_space<vmem_shared>> -> memref<10000x128xf32, #tpu.memory_space<vmem_shared>>
        tpu.wait_indirect_dma semaphore(%run_scoped3A : memref<!tpu.dma_semaphore, #tpu.memory_space<semaphore_mem>>) src(%arg19 : memref<40x128xf32, #tpu.memory_space<vmem>>) dst(%dma_wait3A_35 : memref<10000x128xf32, #tpu.memory_space<vmem_shared>>)
        tpu.yield
      }) : () -> ()
      "tpu.region"() ({
        %run_scoped3A = tpu.sem_alloc : memref<!tpu.dma_semaphore, #tpu.memory_space<semaphore_mem>>
        %dma_start3A = arith.constant 0 : i32
        %dma_start3A_32 = arith.constant 0 : i32
        %dma_start3A_33 = tpu.memref_slice %arg13[%dma_start3A, %dma_start3A_32] : memref<10000x16xf32, #tpu.memory_space<vmem_shared>> -> memref<10000x16xf32, #tpu.memory_space<vmem_shared>>
        tpu.enqueue_indirect_dma source(%arg20 : memref<40x16xf32, #tpu.memory_space<vmem>>) target(%dma_start3A_33 : memref<10000x16xf32, #tpu.memory_space<vmem_shared>>) offsets(%arg15 : memref<40xi32, #tpu.memory_space<vmem>>) semaphore(%run_scoped3A : memref<!tpu.dma_semaphore, #tpu.memory_space<semaphore_mem>>) {add = true}
        %dma_wait3A = arith.constant 0 : i32
        %dma_wait3A_34 = arith.constant 0 : i32
        %dma_wait3A_35 = tpu.memref_slice %arg13[%dma_wait3A, %dma_wait3A_34] : memref<10000x16xf32, #tpu.memory_space<vmem_shared>> -> memref<10000x16xf32, #tpu.memory_space<vmem_shared>>
        tpu.wait_indirect_dma semaphore(%run_scoped3A : memref<!tpu.dma_semaphore, #tpu.memory_space<semaphore_mem>>) src(%arg20 : memref<40x16xf32, #tpu.memory_space<vmem>>) dst(%dma_wait3A_35 : memref<10000x16xf32, #tpu.memory_space<vmem_shared>>)
        tpu.yield
      }) : () -> ()
      "tpu.region"() ({
        %run_scoped3A = tpu.sem_alloc : memref<!tpu.dma_semaphore, #tpu.memory_space<semaphore_mem>>
        %dma_start3A = arith.constant 0 : i32
        %dma_start3A_32 = tpu.memref_slice %arg11[%add3A_26, %dma_start3A] : memref<320000x16xf32, #tpu.memory_space<hbm>> -> memref<40x16xf32, #tpu.memory_space<hbm>>
        %dma_start3A_33 = arith.constant 0 : i32
        %dma_start3A_34 = tpu.memref_slice %arg11[%add3A_26, %dma_start3A_33] : memref<320000x16xf32, #tpu.memory_space<hbm>> -> memref<40x16xf32, #tpu.memory_space<hbm>>
        tpu.enqueue_dma source(%arg20 : memref<40x16xf32, #tpu.memory_space<vmem>>) target(%dma_start3A_34 : memref<40x16xf32, #tpu.memory_space<hbm>>) target_semaphore(%run_scoped3A : memref<!tpu.dma_semaphore, #tpu.memory_space<semaphore_mem>>)
        %dma_wait3A = arith.constant 0 : i32
        %dma_wait3A_35 = tpu.memref_slice %arg11[%add3A_26, %dma_wait3A] : memref<320000x16xf32, #tpu.memory_space<hbm>> -> memref<40x16xf32, #tpu.memory_space<hbm>>
        %dma_wait3A_36 = arith.constant 0 : i32
        %dma_wait3A_37 = tpu.memref_slice %arg11[%add3A_26, %dma_wait3A_36] : memref<320000x16xf32, #tpu.memory_space<hbm>> -> memref<40x16xf32, #tpu.memory_space<hbm>>
        tpu.wait_dma2 semaphore(%run_scoped3A : memref<!tpu.dma_semaphore, #tpu.memory_space<semaphore_mem>>) src(%arg20 : memref<40x16xf32, #tpu.memory_space<vmem>>) dst(%dma_wait3A_37 : memref<40x16xf32, #tpu.memory_space<hbm>>)
        tpu.yield
      }) : () -> ()
    }
    %scan3A_8 = arith.constant 250 : i32
    %barrier3A_9 = arith.constant 0 : index
    tpu.barrier barrier_id(%barrier3A_9)
    %mul3A_10 = arith.constant 624 : i32
    %mul3A_11 = arith.muli %arg1, %mul3A_10 : i32
    "tpu.region"() ({
      %run_scoped3A = tpu.sem_alloc : memref<!tpu.dma_semaphore, #tpu.memory_space<semaphore_mem>>
      %dma_start3A = arith.constant 0 : i32
      %dma_start3A_17 = tpu.memref_slice %arg9[%arg0, %mul3A_11, %dma_start3A] : memref<2x10000x128xf32, #tpu.memory_space<hbm>> -> memref<1x624x128xf32, #tpu.memory_space<hbm>>
      %dma_start3A_18 = tpu.memref_squeeze %dma_start3A_17 : memref<1x624x128xf32, #tpu.memory_space<hbm>> -> memref<624x128xf32, #tpu.memory_space<hbm>>
      %dma_start3A_19 = arith.constant 0 : i32
      %dma_start3A_20 = tpu.memref_slice %arg12[%mul3A_11, %dma_start3A_19] : memref<10000x128xf32, #tpu.memory_space<vmem_shared>> -> memref<624x128xf32, #tpu.memory_space<vmem_shared>>
      tpu.enqueue_dma source(%dma_start3A_20 : memref<624x128xf32, #tpu.memory_space<vmem_shared>>) target(%dma_start3A_18 : memref<624x128xf32, #tpu.memory_space<hbm>>) target_semaphore(%run_scoped3A : memref<!tpu.dma_semaphore, #tpu.memory_space<semaphore_mem>>)
      %dma_wait3A = arith.constant 0 : i32
      %dma_wait3A_21 = tpu.memref_slice %arg9[%arg0, %mul3A_11, %dma_wait3A] : memref<2x10000x128xf32, #tpu.memory_space<hbm>> -> memref<1x624x128xf32, #tpu.memory_space<hbm>>
      %dma_wait3A_22 = tpu.memref_squeeze %dma_wait3A_21 : memref<1x624x128xf32, #tpu.memory_space<hbm>> -> memref<624x128xf32, #tpu.memory_space<hbm>>
      %dma_wait3A_23 = arith.constant 0 : i32
      %dma_wait3A_24 = tpu.memref_slice %arg12[%mul3A_11, %dma_wait3A_23] : memref<10000x128xf32, #tpu.memory_space<vmem_shared>> -> memref<624x128xf32, #tpu.memory_space<vmem_shared>>
      tpu.wait_dma2 semaphore(%run_scoped3A : memref<!tpu.dma_semaphore, #tpu.memory_space<semaphore_mem>>) src(%dma_wait3A_24 : memref<624x128xf32, #tpu.memory_space<vmem_shared>>) dst(%dma_wait3A_22 : memref<624x128xf32, #tpu.memory_space<hbm>>)
      tpu.yield
    }) : () -> ()
    "tpu.region"() ({
      %run_scoped3A = tpu.sem_alloc : memref<!tpu.dma_semaphore, #tpu.memory_space<semaphore_mem>>
      %dma_start3A = arith.constant 0 : i32
      %dma_start3A_17 = tpu.memref_slice %arg10[%arg0, %mul3A_11, %dma_start3A] : memref<2x10000x16xf32, #tpu.memory_space<hbm>> -> memref<1x624x16xf32, #tpu.memory_space<hbm>>
      %dma_start3A_18 = tpu.memref_squeeze %dma_start3A_17 : memref<1x624x16xf32, #tpu.memory_space<hbm>> -> memref<624x16xf32, #tpu.memory_space<hbm>>
      %dma_start3A_19 = arith.constant 0 : i32
      %dma_start3A_20 = tpu.memref_slice %arg13[%mul3A_11, %dma_start3A_19] : memref<10000x16xf32, #tpu.memory_space<vmem_shared>> -> memref<624x16xf32, #tpu.memory_space<vmem_shared>>
      tpu.enqueue_dma source(%dma_start3A_20 : memref<624x16xf32, #tpu.memory_space<vmem_shared>>) target(%dma_start3A_18 : memref<624x16xf32, #tpu.memory_space<hbm>>) target_semaphore(%run_scoped3A : memref<!tpu.dma_semaphore, #tpu.memory_space<semaphore_mem>>)
      %dma_wait3A = arith.constant 0 : i32
      %dma_wait3A_21 = tpu.memref_slice %arg10[%arg0, %mul3A_11, %dma_wait3A] : memref<2x10000x16xf32, #tpu.memory_space<hbm>> -> memref<1x624x16xf32, #tpu.memory_space<hbm>>
      %dma_wait3A_22 = tpu.memref_squeeze %dma_wait3A_21 : memref<1x624x16xf32, #tpu.memory_space<hbm>> -> memref<624x16xf32, #tpu.memory_space<hbm>>
      %dma_wait3A_23 = arith.constant 0 : i32
      %dma_wait3A_24 = tpu.memref_slice %arg13[%mul3A_11, %dma_wait3A_23] : memref<10000x16xf32, #tpu.memory_space<vmem_shared>> -> memref<624x16xf32, #tpu.memory_space<vmem_shared>>
      tpu.wait_dma2 semaphore(%run_scoped3A : memref<!tpu.dma_semaphore, #tpu.memory_space<semaphore_mem>>) src(%dma_wait3A_24 : memref<624x16xf32, #tpu.memory_space<vmem_shared>>) dst(%dma_wait3A_22 : memref<624x16xf32, #tpu.memory_space<hbm>>)
      tpu.yield
    }) : () -> ()
    %eq3A_12 = arith.constant 0 : i32
    %eq3A_13 = arith.cmpi eq, %arg1, %eq3A_12 : i32
    %convert_element_type3A_14 = arith.extui %eq3A_13 : i1 to i32
    %cond3A_15 = arith.constant 0 : i32
    %cond3A_16 = arith.cmpi ne, %convert_element_type3A_14, %cond3A_15 : i32
    scf.if %cond3A_16 {
      "tpu.region"() ({
        %run_scoped3A = tpu.sem_alloc : memref<!tpu.dma_semaphore, #tpu.memory_space<semaphore_mem>>
        %dma_start3A = arith.constant 9984 : i32
        %dma_start3A_17 = arith.constant 0 : i32
        %dma_start3A_18 = tpu.memref_slice %arg9[%arg0, %dma_start3A, %dma_start3A_17] : memref<2x10000x128xf32, #tpu.memory_space<hbm>> -> memref<1x16x128xf32, #tpu.memory_space<hbm>>
        %dma_start3A_19 = tpu.memref_squeeze %dma_start3A_18 : memref<1x16x128xf32, #tpu.memory_space<hbm>> -> memref<16x128xf32, #tpu.memory_space<hbm>>
        %dma_start3A_20 = arith.constant 9984 : i32
        %dma_start3A_21 = arith.constant 0 : i32
        %dma_start3A_22 = tpu.memref_slice %arg12[%dma_start3A_20, %dma_start3A_21] : memref<10000x128xf32, #tpu.memory_space<vmem_shared>> -> memref<16x128xf32, #tpu.memory_space<vmem_shared>>
        tpu.enqueue_dma source(%dma_start3A_22 : memref<16x128xf32, #tpu.memory_space<vmem_shared>>) target(%dma_start3A_19 : memref<16x128xf32, #tpu.memory_space<hbm>>) target_semaphore(%run_scoped3A : memref<!tpu.dma_semaphore, #tpu.memory_space<semaphore_mem>>)
        %dma_wait3A = arith.constant 9984 : i32
        %dma_wait3A_23 = arith.constant 0 : i32
        %dma_wait3A_24 = tpu.memref_slice %arg9[%arg0, %dma_wait3A, %dma_wait3A_23] : memref<2x10000x128xf32, #tpu.memory_space<hbm>> -> memref<1x16x128xf32, #tpu.memory_space<hbm>>
        %dma_wait3A_25 = tpu.memref_squeeze %dma_wait3A_24 : memref<1x16x128xf32, #tpu.memory_space<hbm>> -> memref<16x128xf32, #tpu.memory_space<hbm>>
        %dma_wait3A_26 = arith.constant 9984 : i32
        %dma_wait3A_27 = arith.constant 0 : i32
        %dma_wait3A_28 = tpu.memref_slice %arg12[%dma_wait3A_26, %dma_wait3A_27] : memref<10000x128xf32, #tpu.memory_space<vmem_shared>> -> memref<16x128xf32, #tpu.memory_space<vmem_shared>>
        tpu.wait_dma2 semaphore(%run_scoped3A : memref<!tpu.dma_semaphore, #tpu.memory_space<semaphore_mem>>) src(%dma_wait3A_28 : memref<16x128xf32, #tpu.memory_space<vmem_shared>>) dst(%dma_wait3A_25 : memref<16x128xf32, #tpu.memory_space<hbm>>)
        tpu.yield
      }) : () -> ()
      "tpu.region"() ({
        %run_scoped3A = tpu.sem_alloc : memref<!tpu.dma_semaphore, #tpu.memory_space<semaphore_mem>>
        %dma_start3A = arith.constant 9984 : i32
        %dma_start3A_17 = arith.constant 0 : i32
        %dma_start3A_18 = tpu.memref_slice %arg10[%arg0, %dma_start3A, %dma_start3A_17] : memref<2x10000x16xf32, #tpu.memory_space<hbm>> -> memref<1x16x16xf32, #tpu.memory_space<hbm>>
        %dma_start3A_19 = tpu.memref_squeeze %dma_start3A_18 : memref<1x16x16xf32, #tpu.memory_space<hbm>> -> memref<16x16xf32, #tpu.memory_space<hbm>>
        %dma_start3A_20 = arith.constant 9984 : i32
        %dma_start3A_21 = arith.constant 0 : i32
        %dma_start3A_22 = tpu.memref_slice %arg13[%dma_start3A_20, %dma_start3A_21] : memref<10000x16xf32, #tpu.memory_space<vmem_shared>> -> memref<16x16xf32, #tpu.memory_space<vmem_shared>>
        tpu.enqueue_dma source(%dma_start3A_22 : memref<16x16xf32, #tpu.memory_space<vmem_shared>>) target(%dma_start3A_19 : memref<16x16xf32, #tpu.memory_space<hbm>>) target_semaphore(%run_scoped3A : memref<!tpu.dma_semaphore, #tpu.memory_space<semaphore_mem>>)
        %dma_wait3A = arith.constant 9984 : i32
        %dma_wait3A_23 = arith.constant 0 : i32
        %dma_wait3A_24 = tpu.memref_slice %arg10[%arg0, %dma_wait3A, %dma_wait3A_23] : memref<2x10000x16xf32, #tpu.memory_space<hbm>> -> memref<1x16x16xf32, #tpu.memory_space<hbm>>
        %dma_wait3A_25 = tpu.memref_squeeze %dma_wait3A_24 : memref<1x16x16xf32, #tpu.memory_space<hbm>> -> memref<16x16xf32, #tpu.memory_space<hbm>>
        %dma_wait3A_26 = arith.constant 9984 : i32
        %dma_wait3A_27 = arith.constant 0 : i32
        %dma_wait3A_28 = tpu.memref_slice %arg13[%dma_wait3A_26, %dma_wait3A_27] : memref<10000x16xf32, #tpu.memory_space<vmem_shared>> -> memref<16x16xf32, #tpu.memory_space<vmem_shared>>
        tpu.wait_dma2 semaphore(%run_scoped3A : memref<!tpu.dma_semaphore, #tpu.memory_space<semaphore_mem>>) src(%dma_wait3A_28 : memref<16x16xf32, #tpu.memory_space<vmem_shared>>) dst(%dma_wait3A_25 : memref<16x16xf32, #tpu.memory_space<hbm>>)
        tpu.yield
      }) : () -> ()
    } else {
    }
    return
  }
}

#map = affine_map<(d0, d1) -> (0)>
#map1 = affine_map<(d0, d1) -> (0, 0)>
#map2 = affine_map<(d0, d1) -> (0, 0, 0)>
module attributes {stable_mosaic.version = 14 : i64} {
  func.func @_edge2_body(%arg0: i32, %arg1: i32, %arg2: memref<320000xi32, #tpu.memory_space<hbm>>, %arg3: memref<320000x16xf32, #tpu.memory_space<hbm>>, %arg4: memref<320000x16xf32, #tpu.memory_space<hbm>>, %arg5: memref<2x10000x128xf32, #tpu.memory_space<hbm>>, %arg6: memref<10000x128xf32, #tpu.memory_space<vmem_shared>>, %arg7: memref<40xi32, #tpu.memory_space<vmem>>, %arg8: memref<40x16xf32, #tpu.memory_space<vmem>>, %arg9: memref<40x16xf32, #tpu.memory_space<vmem>>, %arg10: memref<40x128xf32, #tpu.memory_space<vmem>>) attributes {dimension_semantics = [#tpu.dimension_semantics<core_parallel>, #tpu.dimension_semantics<subcore_parallel>], iteration_bounds = array<i64: 2, 16>, scalar_prefetch = 0 : i64, scratch_operands = 5 : i64, tpu.core_type = #tpu.core_type<sc_vector_subcore>, window_params = [{transform_indices = #map}, {transform_indices = #map1}, {transform_indices = #map1}, {transform_indices = #map2}]} {
    %mul3A = arith.constant 16 : i32
    %mul3A_0 = arith.muli %arg0, %mul3A : i32
    %add3A = arith.addi %mul3A_0, %arg1 : i32
    %broadcast_in_dim3A = arith.constant 0.000000e+00 : f32
    %broadcast_in_dim3A_1 = vector.broadcast %broadcast_in_dim3A : f32 to vector<16xf32>
    %iota3A = tpu.iota {dimensions = array<i32: 0>} : vector<16xi32>
    %swap3A = arith.constant 0 : i32
    %swap3A_2 = arith.index_cast %swap3A : i32 to index
    %swap3A_3 = arith.constant 0 : index
    %swap3A_4 = tpu.vector_load %arg10[%swap3A_2, %swap3A_3] {strides = array<i32>} : memref<40x128xf32, #tpu.memory_space<vmem>>, vector<16xf32>,
    tpu.vector_store %arg10[%swap3A_2, %swap3A_3], %broadcast_in_dim3A_1 {strides = array<i32>} : memref<40x128xf32, #tpu.memory_space<vmem>>, vector<16xf32>,
    %swap3A_5 = arith.constant 0 : i32
    %swap3A_6 = arith.index_cast %swap3A_5 : i32 to index
    %swap3A_7 = arith.constant 16 : index
    %swap3A_8 = tpu.vector_load %arg10[%swap3A_6, %swap3A_7] {strides = array<i32>} : memref<40x128xf32, #tpu.memory_space<vmem>>, vector<16xf32>,
    tpu.vector_store %arg10[%swap3A_6, %swap3A_7], %broadcast_in_dim3A_1 {strides = array<i32>} : memref<40x128xf32, #tpu.memory_space<vmem>>, vector<16xf32>,
    %swap3A_9 = arith.constant 0 : i32
    %swap3A_10 = arith.index_cast %swap3A_9 : i32 to index
    %swap3A_11 = arith.constant 32 : index
    %swap3A_12 = tpu.vector_load %arg10[%swap3A_10, %swap3A_11] {strides = array<i32>} : memref<40x128xf32, #tpu.memory_space<vmem>>, vector<16xf32>,
    tpu.vector_store %arg10[%swap3A_10, %swap3A_11], %broadcast_in_dim3A_1 {strides = array<i32>} : memref<40x128xf32, #tpu.memory_space<vmem>>, vector<16xf32>,
    %swap3A_13 = arith.constant 0 : i32
    %swap3A_14 = arith.index_cast %swap3A_13 : i32 to index
    %swap3A_15 = arith.constant 48 : index
    %swap3A_16 = tpu.vector_load %arg10[%swap3A_14, %swap3A_15] {strides = array<i32>} : memref<40x128xf32, #tpu.memory_space<vmem>>, vector<16xf32>,
    tpu.vector_store %arg10[%swap3A_14, %swap3A_15], %broadcast_in_dim3A_1 {strides = array<i32>} : memref<40x128xf32, #tpu.memory_space<vmem>>, vector<16xf32>,
    %swap3A_17 = arith.constant 0 : i32
    %swap3A_18 = arith.index_cast %swap3A_17 : i32 to index
    %swap3A_19 = arith.constant 64 : index
    %swap3A_20 = tpu.vector_load %arg10[%swap3A_18, %swap3A_19] {strides = array<i32>} : memref<40x128xf32, #tpu.memory_space<vmem>>, vector<16xf32>,
    tpu.vector_store %arg10[%swap3A_18, %swap3A_19], %broadcast_in_dim3A_1 {strides = array<i32>} : memref<40x128xf32, #tpu.memory_space<vmem>>, vector<16xf32>,
    %swap3A_21 = arith.constant 0 : i32
    %swap3A_22 = arith.index_cast %swap3A_21 : i32 to index
    %swap3A_23 = arith.constant 80 : index
    %swap3A_24 = tpu.vector_load %arg10[%swap3A_22, %swap3A_23] {strides = array<i32>} : memref<40x128xf32, #tpu.memory_space<vmem>>, vector<16xf32>,
    tpu.vector_store %arg10[%swap3A_22, %swap3A_23], %broadcast_in_dim3A_1 {strides = array<i32>} : memref<40x128xf32, #tpu.memory_space<vmem>>, vector<16xf32>,
    %swap3A_25 = arith.constant 0 : i32
    %swap3A_26 = arith.index_cast %swap3A_25 : i32 to index
    %swap3A_27 = arith.constant 96 : index
    %swap3A_28 = tpu.vector_load %arg10[%swap3A_26, %swap3A_27] {strides = array<i32>} : memref<40x128xf32, #tpu.memory_space<vmem>>, vector<16xf32>,
    tpu.vector_store %arg10[%swap3A_26, %swap3A_27], %broadcast_in_dim3A_1 {strides = array<i32>} : memref<40x128xf32, #tpu.memory_space<vmem>>, vector<16xf32>,
    %swap3A_29 = arith.constant 0 : i32
    %swap3A_30 = arith.index_cast %swap3A_29 : i32 to index
    %swap3A_31 = arith.constant 112 : index
    %swap3A_32 = tpu.vector_load %arg10[%swap3A_30, %swap3A_31] {strides = array<i32>} : memref<40x128xf32, #tpu.memory_space<vmem>>, vector<16xf32>,
    tpu.vector_store %arg10[%swap3A_30, %swap3A_31], %broadcast_in_dim3A_1 {strides = array<i32>} : memref<40x128xf32, #tpu.memory_space<vmem>>, vector<16xf32>,
    %swap3A_33 = arith.constant 1 : i32
    %swap3A_34 = arith.index_cast %swap3A_33 : i32 to index
    %swap3A_35 = arith.constant 0 : index
    %swap3A_36 = tpu.vector_load %arg10[%swap3A_34, %swap3A_35] {strides = array<i32>} : memref<40x128xf32, #tpu.memory_space<vmem>>, vector<16xf32>,
    tpu.vector_store %arg10[%swap3A_34, %swap3A_35], %broadcast_in_dim3A_1 {strides = array<i32>} : memref<40x128xf32, #tpu.memory_space<vmem>>, vector<16xf32>,
    %swap3A_37 = arith.constant 1 : i32
    %swap3A_38 = arith.index_cast %swap3A_37 : i32 to index
    %swap3A_39 = arith.constant 16 : index
    %swap3A_40 = tpu.vector_load %arg10[%swap3A_38, %swap3A_39] {strides = array<i32>} : memref<40x128xf32, #tpu.memory_space<vmem>>, vector<16xf32>,
    tpu.vector_store %arg10[%swap3A_38, %swap3A_39], %broadcast_in_dim3A_1 {strides = array<i32>} : memref<40x128xf32, #tpu.memory_space<vmem>>, vector<16xf32>,
    %swap3A_41 = arith.constant 1 : i32
    %swap3A_42 = arith.index_cast %swap3A_41 : i32 to index
    %swap3A_43 = arith.constant 32 : index
    %swap3A_44 = tpu.vector_load %arg10[%swap3A_42, %swap3A_43] {strides = array<i32>} : memref<40x128xf32, #tpu.memory_space<vmem>>, vector<16xf32>,
    tpu.vector_store %arg10[%swap3A_42, %swap3A_43], %broadcast_in_dim3A_1 {strides = array<i32>} : memref<40x128xf32, #tpu.memory_space<vmem>>, vector<16xf32>,
    %swap3A_45 = arith.constant 1 : i32
    %swap3A_46 = arith.index_cast %swap3A_45 : i32 to index
    %swap3A_47 = arith.constant 48 : index
    %swap3A_48 = tpu.vector_load %arg10[%swap3A_46, %swap3A_47] {strides = array<i32>} : memref<40x128xf32, #tpu.memory_space<vmem>>, vector<16xf32>,
    tpu.vector_store %arg10[%swap3A_46, %swap3A_47], %broadcast_in_dim3A_1 {strides = array<i32>} : memref<40x128xf32, #tpu.memory_space<vmem>>, vector<16xf32>,
    %swap3A_49 = arith.constant 1 : i32
    %swap3A_50 = arith.index_cast %swap3A_49 : i32 to index
    %swap3A_51 = arith.constant 64 : index
    %swap3A_52 = tpu.vector_load %arg10[%swap3A_50, %swap3A_51] {strides = array<i32>} : memref<40x128xf32, #tpu.memory_space<vmem>>, vector<16xf32>,
    tpu.vector_store %arg10[%swap3A_50, %swap3A_51], %broadcast_in_dim3A_1 {strides = array<i32>} : memref<40x128xf32, #tpu.memory_space<vmem>>, vector<16xf32>,
    %swap3A_53 = arith.constant 1 : i32
    %swap3A_54 = arith.index_cast %swap3A_53 : i32 to index
    %swap3A_55 = arith.constant 80 : index
    %swap3A_56 = tpu.vector_load %arg10[%swap3A_54, %swap3A_55] {strides = array<i32>} : memref<40x128xf32, #tpu.memory_space<vmem>>, vector<16xf32>,
    tpu.vector_store %arg10[%swap3A_54, %swap3A_55], %broadcast_in_dim3A_1 {strides = array<i32>} : memref<40x128xf32, #tpu.memory_space<vmem>>, vector<16xf32>,
    %swap3A_57 = arith.constant 1 : i32
    %swap3A_58 = arith.index_cast %swap3A_57 : i32 to index
    %swap3A_59 = arith.constant 96 : index
    %swap3A_60 = tpu.vector_load %arg10[%swap3A_58, %swap3A_59] {strides = array<i32>} : memref<40x128xf32, #tpu.memory_space<vmem>>, vector<16xf32>,
    tpu.vector_store %arg10[%swap3A_58, %swap3A_59], %broadcast_in_dim3A_1 {strides = array<i32>} : memref<40x128xf32, #tpu.memory_space<vmem>>, vector<16xf32>,
    %swap3A_61 = arith.constant 1 : i32
    %swap3A_62 = arith.index_cast %swap3A_61 : i32 to index
    %swap3A_63 = arith.constant 112 : index
    %swap3A_64 = tpu.vector_load %arg10[%swap3A_62, %swap3A_63] {strides = array<i32>} : memref<40x128xf32, #tpu.memory_space<vmem>>, vector<16xf32>,
    tpu.vector_store %arg10[%swap3A_62, %swap3A_63], %broadcast_in_dim3A_1 {strides = array<i32>} : memref<40x128xf32, #tpu.memory_space<vmem>>, vector<16xf32>,
    %swap3A_65 = arith.constant 2 : i32
    %swap3A_66 = arith.index_cast %swap3A_65 : i32 to index
    %swap3A_67 = arith.constant 0 : index
    %swap3A_68 = tpu.vector_load %arg10[%swap3A_66, %swap3A_67] {strides = array<i32>} : memref<40x128xf32, #tpu.memory_space<vmem>>, vector<16xf32>,
    tpu.vector_store %arg10[%swap3A_66, %swap3A_67], %broadcast_in_dim3A_1 {strides = array<i32>} : memref<40x128xf32, #tpu.memory_space<vmem>>, vector<16xf32>,
    %swap3A_69 = arith.constant 2 : i32
    %swap3A_70 = arith.index_cast %swap3A_69 : i32 to index
    %swap3A_71 = arith.constant 16 : index
    %swap3A_72 = tpu.vector_load %arg10[%swap3A_70, %swap3A_71] {strides = array<i32>} : memref<40x128xf32, #tpu.memory_space<vmem>>, vector<16xf32>,
    tpu.vector_store %arg10[%swap3A_70, %swap3A_71], %broadcast_in_dim3A_1 {strides = array<i32>} : memref<40x128xf32, #tpu.memory_space<vmem>>, vector<16xf32>,
    %swap3A_73 = arith.constant 2 : i32
    %swap3A_74 = arith.index_cast %swap3A_73 : i32 to index
    %swap3A_75 = arith.constant 32 : index
    %swap3A_76 = tpu.vector_load %arg10[%swap3A_74, %swap3A_75] {strides = array<i32>} : memref<40x128xf32, #tpu.memory_space<vmem>>, vector<16xf32>,
    tpu.vector_store %arg10[%swap3A_74, %swap3A_75], %broadcast_in_dim3A_1 {strides = array<i32>} : memref<40x128xf32, #tpu.memory_space<vmem>>, vector<16xf32>,
    %swap3A_77 = arith.constant 2 : i32
    %swap3A_78 = arith.index_cast %swap3A_77 : i32 to index
    %swap3A_79 = arith.constant 48 : index
    %swap3A_80 = tpu.vector_load %arg10[%swap3A_78, %swap3A_79] {strides = array<i32>} : memref<40x128xf32, #tpu.memory_space<vmem>>, vector<16xf32>,
    tpu.vector_store %arg10[%swap3A_78, %swap3A_79], %broadcast_in_dim3A_1 {strides = array<i32>} : memref<40x128xf32, #tpu.memory_space<vmem>>, vector<16xf32>,
    %swap3A_81 = arith.constant 2 : i32
    %swap3A_82 = arith.index_cast %swap3A_81 : i32 to index
    %swap3A_83 = arith.constant 64 : index
    %swap3A_84 = tpu.vector_load %arg10[%swap3A_82, %swap3A_83] {strides = array<i32>} : memref<40x128xf32, #tpu.memory_space<vmem>>, vector<16xf32>,
    tpu.vector_store %arg10[%swap3A_82, %swap3A_83], %broadcast_in_dim3A_1 {strides = array<i32>} : memref<40x128xf32, #tpu.memory_space<vmem>>, vector<16xf32>,
    %swap3A_85 = arith.constant 2 : i32
    %swap3A_86 = arith.index_cast %swap3A_85 : i32 to index
    %swap3A_87 = arith.constant 80 : index
    %swap3A_88 = tpu.vector_load %arg10[%swap3A_86, %swap3A_87] {strides = array<i32>} : memref<40x128xf32, #tpu.memory_space<vmem>>, vector<16xf32>,
    tpu.vector_store %arg10[%swap3A_86, %swap3A_87], %broadcast_in_dim3A_1 {strides = array<i32>} : memref<40x128xf32, #tpu.memory_space<vmem>>, vector<16xf32>,
    %swap3A_89 = arith.constant 2 : i32
    %swap3A_90 = arith.index_cast %swap3A_89 : i32 to index
    %swap3A_91 = arith.constant 96 : index
    %swap3A_92 = tpu.vector_load %arg10[%swap3A_90, %swap3A_91] {strides = array<i32>} : memref<40x128xf32, #tpu.memory_space<vmem>>, vector<16xf32>,
    tpu.vector_store %arg10[%swap3A_90, %swap3A_91], %broadcast_in_dim3A_1 {strides = array<i32>} : memref<40x128xf32, #tpu.memory_space<vmem>>, vector<16xf32>,
    %swap3A_93 = arith.constant 2 : i32
    %swap3A_94 = arith.index_cast %swap3A_93 : i32 to index
    %swap3A_95 = arith.constant 112 : index
    %swap3A_96 = tpu.vector_load %arg10[%swap3A_94, %swap3A_95] {strides = array<i32>} : memref<40x128xf32, #tpu.memory_space<vmem>>, vector<16xf32>,
    tpu.vector_store %arg10[%swap3A_94, %swap3A_95], %broadcast_in_dim3A_1 {strides = array<i32>} : memref<40x128xf32, #tpu.memory_space<vmem>>, vector<16xf32>,
    %swap3A_97 = arith.constant 3 : i32
    %swap3A_98 = arith.index_cast %swap3A_97 : i32 to index
    %swap3A_99 = arith.constant 0 : index
    %swap3A_100 = tpu.vector_load %arg10[%swap3A_98, %swap3A_99] {strides = array<i32>} : memref<40x128xf32, #tpu.memory_space<vmem>>, vector<16xf32>,
    tpu.vector_store %arg10[%swap3A_98, %swap3A_99], %broadcast_in_dim3A_1 {strides = array<i32>} : memref<40x128xf32, #tpu.memory_space<vmem>>, vector<16xf32>,
    %swap3A_101 = arith.constant 3 : i32
    %swap3A_102 = arith.index_cast %swap3A_101 : i32 to index
    %swap3A_103 = arith.constant 16 : index
    %swap3A_104 = tpu.vector_load %arg10[%swap3A_102, %swap3A_103] {strides = array<i32>} : memref<40x128xf32, #tpu.memory_space<vmem>>, vector<16xf32>,
    tpu.vector_store %arg10[%swap3A_102, %swap3A_103], %broadcast_in_dim3A_1 {strides = array<i32>} : memref<40x128xf32, #tpu.memory_space<vmem>>, vector<16xf32>,
    %swap3A_105 = arith.constant 3 : i32
    %swap3A_106 = arith.index_cast %swap3A_105 : i32 to index
    %swap3A_107 = arith.constant 32 : index
    %swap3A_108 = tpu.vector_load %arg10[%swap3A_106, %swap3A_107] {strides = array<i32>} : memref<40x128xf32, #tpu.memory_space<vmem>>, vector<16xf32>,
    tpu.vector_store %arg10[%swap3A_106, %swap3A_107], %broadcast_in_dim3A_1 {strides = array<i32>} : memref<40x128xf32, #tpu.memory_space<vmem>>, vector<16xf32>,
    %swap3A_109 = arith.constant 3 : i32
    %swap3A_110 = arith.index_cast %swap3A_109 : i32 to index
    %swap3A_111 = arith.constant 48 : index
    %swap3A_112 = tpu.vector_load %arg10[%swap3A_110, %swap3A_111] {strides = array<i32>} : memref<40x128xf32, #tpu.memory_space<vmem>>, vector<16xf32>,
    tpu.vector_store %arg10[%swap3A_110, %swap3A_111], %broadcast_in_dim3A_1 {strides = array<i32>} : memref<40x128xf32, #tpu.memory_space<vmem>>, vector<16xf32>,
    %swap3A_113 = arith.constant 3 : i32
    %swap3A_114 = arith.index_cast %swap3A_113 : i32 to index
    %swap3A_115 = arith.constant 64 : index
    %swap3A_116 = tpu.vector_load %arg10[%swap3A_114, %swap3A_115] {strides = array<i32>} : memref<40x128xf32, #tpu.memory_space<vmem>>, vector<16xf32>,
    tpu.vector_store %arg10[%swap3A_114, %swap3A_115], %broadcast_in_dim3A_1 {strides = array<i32>} : memref<40x128xf32, #tpu.memory_space<vmem>>, vector<16xf32>,
    %swap3A_117 = arith.constant 3 : i32
    %swap3A_118 = arith.index_cast %swap3A_117 : i32 to index
    %swap3A_119 = arith.constant 80 : index
    %swap3A_120 = tpu.vector_load %arg10[%swap3A_118, %swap3A_119] {strides = array<i32>} : memref<40x128xf32, #tpu.memory_space<vmem>>, vector<16xf32>,
    tpu.vector_store %arg10[%swap3A_118, %swap3A_119], %broadcast_in_dim3A_1 {strides = array<i32>} : memref<40x128xf32, #tpu.memory_space<vmem>>, vector<16xf32>,
    %swap3A_121 = arith.constant 3 : i32
    %swap3A_122 = arith.index_cast %swap3A_121 : i32 to index
    %swap3A_123 = arith.constant 96 : index
    %swap3A_124 = tpu.vector_load %arg10[%swap3A_122, %swap3A_123] {strides = array<i32>} : memref<40x128xf32, #tpu.memory_space<vmem>>, vector<16xf32>,
    tpu.vector_store %arg10[%swap3A_122, %swap3A_123], %broadcast_in_dim3A_1 {strides = array<i32>} : memref<40x128xf32, #tpu.memory_space<vmem>>, vector<16xf32>,
    %swap3A_125 = arith.constant 3 : i32
    %swap3A_126 = arith.index_cast %swap3A_125 : i32 to index
    %swap3A_127 = arith.constant 112 : index
    %swap3A_128 = tpu.vector_load %arg10[%swap3A_126, %swap3A_127] {strides = array<i32>} : memref<40x128xf32, #tpu.memory_space<vmem>>, vector<16xf32>,
    tpu.vector_store %arg10[%swap3A_126, %swap3A_127], %broadcast_in_dim3A_1 {strides = array<i32>} : memref<40x128xf32, #tpu.memory_space<vmem>>, vector<16xf32>,
    %swap3A_129 = arith.constant 4 : i32
    %swap3A_130 = arith.index_cast %swap3A_129 : i32 to index
    %swap3A_131 = arith.constant 0 : index
    %swap3A_132 = tpu.vector_load %arg10[%swap3A_130, %swap3A_131] {strides = array<i32>} : memref<40x128xf32, #tpu.memory_space<vmem>>, vector<16xf32>,
    tpu.vector_store %arg10[%swap3A_130, %swap3A_131], %broadcast_in_dim3A_1 {strides = array<i32>} : memref<40x128xf32, #tpu.memory_space<vmem>>, vector<16xf32>,
    %swap3A_133 = arith.constant 4 : i32
    %swap3A_134 = arith.index_cast %swap3A_133 : i32 to index
    %swap3A_135 = arith.constant 16 : index
    %swap3A_136 = tpu.vector_load %arg10[%swap3A_134, %swap3A_135] {strides = array<i32>} : memref<40x128xf32, #tpu.memory_space<vmem>>, vector<16xf32>,
    tpu.vector_store %arg10[%swap3A_134, %swap3A_135], %broadcast_in_dim3A_1 {strides = array<i32>} : memref<40x128xf32, #tpu.memory_space<vmem>>, vector<16xf32>,
    %swap3A_137 = arith.constant 4 : i32
    %swap3A_138 = arith.index_cast %swap3A_137 : i32 to index
    %swap3A_139 = arith.constant 32 : index
    %swap3A_140 = tpu.vector_load %arg10[%swap3A_138, %swap3A_139] {strides = array<i32>} : memref<40x128xf32, #tpu.memory_space<vmem>>, vector<16xf32>,
    tpu.vector_store %arg10[%swap3A_138, %swap3A_139], %broadcast_in_dim3A_1 {strides = array<i32>} : memref<40x128xf32, #tpu.memory_space<vmem>>, vector<16xf32>,
    %swap3A_141 = arith.constant 4 : i32
    %swap3A_142 = arith.index_cast %swap3A_141 : i32 to index
    %swap3A_143 = arith.constant 48 : index
    %swap3A_144 = tpu.vector_load %arg10[%swap3A_142, %swap3A_143] {strides = array<i32>} : memref<40x128xf32, #tpu.memory_space<vmem>>, vector<16xf32>,
    tpu.vector_store %arg10[%swap3A_142, %swap3A_143], %broadcast_in_dim3A_1 {strides = array<i32>} : memref<40x128xf32, #tpu.memory_space<vmem>>, vector<16xf32>,
    %swap3A_145 = arith.constant 4 : i32
    %swap3A_146 = arith.index_cast %swap3A_145 : i32 to index
    %swap3A_147 = arith.constant 64 : index
    %swap3A_148 = tpu.vector_load %arg10[%swap3A_146, %swap3A_147] {strides = array<i32>} : memref<40x128xf32, #tpu.memory_space<vmem>>, vector<16xf32>,
    tpu.vector_store %arg10[%swap3A_146, %swap3A_147], %broadcast_in_dim3A_1 {strides = array<i32>} : memref<40x128xf32, #tpu.memory_space<vmem>>, vector<16xf32>,
    %swap3A_149 = arith.constant 4 : i32
    %swap3A_150 = arith.index_cast %swap3A_149 : i32 to index
    %swap3A_151 = arith.constant 80 : index
    %swap3A_152 = tpu.vector_load %arg10[%swap3A_150, %swap3A_151] {strides = array<i32>} : memref<40x128xf32, #tpu.memory_space<vmem>>, vector<16xf32>,
    tpu.vector_store %arg10[%swap3A_150, %swap3A_151], %broadcast_in_dim3A_1 {strides = array<i32>} : memref<40x128xf32, #tpu.memory_space<vmem>>, vector<16xf32>,
    %swap3A_153 = arith.constant 4 : i32
    %swap3A_154 = arith.index_cast %swap3A_153 : i32 to index
    %swap3A_155 = arith.constant 96 : index
    %swap3A_156 = tpu.vector_load %arg10[%swap3A_154, %swap3A_155] {strides = array<i32>} : memref<40x128xf32, #tpu.memory_space<vmem>>, vector<16xf32>,
    tpu.vector_store %arg10[%swap3A_154, %swap3A_155], %broadcast_in_dim3A_1 {strides = array<i32>} : memref<40x128xf32, #tpu.memory_space<vmem>>, vector<16xf32>,
    %swap3A_157 = arith.constant 4 : i32
    %swap3A_158 = arith.index_cast %swap3A_157 : i32 to index
    %swap3A_159 = arith.constant 112 : index
    %swap3A_160 = tpu.vector_load %arg10[%swap3A_158, %swap3A_159] {strides = array<i32>} : memref<40x128xf32, #tpu.memory_space<vmem>>, vector<16xf32>,
    tpu.vector_store %arg10[%swap3A_158, %swap3A_159], %broadcast_in_dim3A_1 {strides = array<i32>} : memref<40x128xf32, #tpu.memory_space<vmem>>, vector<16xf32>,
    %swap3A_161 = arith.constant 5 : i32
    %swap3A_162 = arith.index_cast %swap3A_161 : i32 to index
    %swap3A_163 = arith.constant 0 : index
    %swap3A_164 = tpu.vector_load %arg10[%swap3A_162, %swap3A_163] {strides = array<i32>} : memref<40x128xf32, #tpu.memory_space<vmem>>, vector<16xf32>,
    tpu.vector_store %arg10[%swap3A_162, %swap3A_163], %broadcast_in_dim3A_1 {strides = array<i32>} : memref<40x128xf32, #tpu.memory_space<vmem>>, vector<16xf32>,
    %swap3A_165 = arith.constant 5 : i32
    %swap3A_166 = arith.index_cast %swap3A_165 : i32 to index
    %swap3A_167 = arith.constant 16 : index
    %swap3A_168 = tpu.vector_load %arg10[%swap3A_166, %swap3A_167] {strides = array<i32>} : memref<40x128xf32, #tpu.memory_space<vmem>>, vector<16xf32>,
    tpu.vector_store %arg10[%swap3A_166, %swap3A_167], %broadcast_in_dim3A_1 {strides = array<i32>} : memref<40x128xf32, #tpu.memory_space<vmem>>, vector<16xf32>,
    %swap3A_169 = arith.constant 5 : i32
    %swap3A_170 = arith.index_cast %swap3A_169 : i32 to index
    %swap3A_171 = arith.constant 32 : index
    %swap3A_172 = tpu.vector_load %arg10[%swap3A_170, %swap3A_171] {strides = array<i32>} : memref<40x128xf32, #tpu.memory_space<vmem>>, vector<16xf32>,
    tpu.vector_store %arg10[%swap3A_170, %swap3A_171], %broadcast_in_dim3A_1 {strides = array<i32>} : memref<40x128xf32, #tpu.memory_space<vmem>>, vector<16xf32>,
    %swap3A_173 = arith.constant 5 : i32
    %swap3A_174 = arith.index_cast %swap3A_173 : i32 to index
    %swap3A_175 = arith.constant 48 : index
    %swap3A_176 = tpu.vector_load %arg10[%swap3A_174, %swap3A_175] {strides = array<i32>} : memref<40x128xf32, #tpu.memory_space<vmem>>, vector<16xf32>,
    tpu.vector_store %arg10[%swap3A_174, %swap3A_175], %broadcast_in_dim3A_1 {strides = array<i32>} : memref<40x128xf32, #tpu.memory_space<vmem>>, vector<16xf32>,
    %swap3A_177 = arith.constant 5 : i32
    %swap3A_178 = arith.index_cast %swap3A_177 : i32 to index
    %swap3A_179 = arith.constant 64 : index
    %swap3A_180 = tpu.vector_load %arg10[%swap3A_178, %swap3A_179] {strides = array<i32>} : memref<40x128xf32, #tpu.memory_space<vmem>>, vector<16xf32>,
    tpu.vector_store %arg10[%swap3A_178, %swap3A_179], %broadcast_in_dim3A_1 {strides = array<i32>} : memref<40x128xf32, #tpu.memory_space<vmem>>, vector<16xf32>,
    %swap3A_181 = arith.constant 5 : i32
    %swap3A_182 = arith.index_cast %swap3A_181 : i32 to index
    %swap3A_183 = arith.constant 80 : index
    %swap3A_184 = tpu.vector_load %arg10[%swap3A_182, %swap3A_183] {strides = array<i32>} : memref<40x128xf32, #tpu.memory_space<vmem>>, vector<16xf32>,
    tpu.vector_store %arg10[%swap3A_182, %swap3A_183], %broadcast_in_dim3A_1 {strides = array<i32>} : memref<40x128xf32, #tpu.memory_space<vmem>>, vector<16xf32>,
    %swap3A_185 = arith.constant 5 : i32
    %swap3A_186 = arith.index_cast %swap3A_185 : i32 to index
    %swap3A_187 = arith.constant 96 : index
    %swap3A_188 = tpu.vector_load %arg10[%swap3A_186, %swap3A_187] {strides = array<i32>} : memref<40x128xf32, #tpu.memory_space<vmem>>, vector<16xf32>,
    tpu.vector_store %arg10[%swap3A_186, %swap3A_187], %broadcast_in_dim3A_1 {strides = array<i32>} : memref<40x128xf32, #tpu.memory_space<vmem>>, vector<16xf32>,
    %swap3A_189 = arith.constant 5 : i32
    %swap3A_190 = arith.index_cast %swap3A_189 : i32 to index
    %swap3A_191 = arith.constant 112 : index
    %swap3A_192 = tpu.vector_load %arg10[%swap3A_190, %swap3A_191] {strides = array<i32>} : memref<40x128xf32, #tpu.memory_space<vmem>>, vector<16xf32>,
    tpu.vector_store %arg10[%swap3A_190, %swap3A_191], %broadcast_in_dim3A_1 {strides = array<i32>} : memref<40x128xf32, #tpu.memory_space<vmem>>, vector<16xf32>,
    %swap3A_193 = arith.constant 6 : i32
    %swap3A_194 = arith.index_cast %swap3A_193 : i32 to index
    %swap3A_195 = arith.constant 0 : index
    %swap3A_196 = tpu.vector_load %arg10[%swap3A_194, %swap3A_195] {strides = array<i32>} : memref<40x128xf32, #tpu.memory_space<vmem>>, vector<16xf32>,
    tpu.vector_store %arg10[%swap3A_194, %swap3A_195], %broadcast_in_dim3A_1 {strides = array<i32>} : memref<40x128xf32, #tpu.memory_space<vmem>>, vector<16xf32>,
    %swap3A_197 = arith.constant 6 : i32
    %swap3A_198 = arith.index_cast %swap3A_197 : i32 to index
    %swap3A_199 = arith.constant 16 : index
    %swap3A_200 = tpu.vector_load %arg10[%swap3A_198, %swap3A_199] {strides = array<i32>} : memref<40x128xf32, #tpu.memory_space<vmem>>, vector<16xf32>,
    tpu.vector_store %arg10[%swap3A_198, %swap3A_199], %broadcast_in_dim3A_1 {strides = array<i32>} : memref<40x128xf32, #tpu.memory_space<vmem>>, vector<16xf32>,
    %swap3A_201 = arith.constant 6 : i32
    %swap3A_202 = arith.index_cast %swap3A_201 : i32 to index
    %swap3A_203 = arith.constant 32 : index
    %swap3A_204 = tpu.vector_load %arg10[%swap3A_202, %swap3A_203] {strides = array<i32>} : memref<40x128xf32, #tpu.memory_space<vmem>>, vector<16xf32>,
    tpu.vector_store %arg10[%swap3A_202, %swap3A_203], %broadcast_in_dim3A_1 {strides = array<i32>} : memref<40x128xf32, #tpu.memory_space<vmem>>, vector<16xf32>,
    %swap3A_205 = arith.constant 6 : i32
    %swap3A_206 = arith.index_cast %swap3A_205 : i32 to index
    %swap3A_207 = arith.constant 48 : index
    %swap3A_208 = tpu.vector_load %arg10[%swap3A_206, %swap3A_207] {strides = array<i32>} : memref<40x128xf32, #tpu.memory_space<vmem>>, vector<16xf32>,
    tpu.vector_store %arg10[%swap3A_206, %swap3A_207], %broadcast_in_dim3A_1 {strides = array<i32>} : memref<40x128xf32, #tpu.memory_space<vmem>>, vector<16xf32>,
    %swap3A_209 = arith.constant 6 : i32
    %swap3A_210 = arith.index_cast %swap3A_209 : i32 to index
    %swap3A_211 = arith.constant 64 : index
    %swap3A_212 = tpu.vector_load %arg10[%swap3A_210, %swap3A_211] {strides = array<i32>} : memref<40x128xf32, #tpu.memory_space<vmem>>, vector<16xf32>,
    tpu.vector_store %arg10[%swap3A_210, %swap3A_211], %broadcast_in_dim3A_1 {strides = array<i32>} : memref<40x128xf32, #tpu.memory_space<vmem>>, vector<16xf32>,
    %swap3A_213 = arith.constant 6 : i32
    %swap3A_214 = arith.index_cast %swap3A_213 : i32 to index
    %swap3A_215 = arith.constant 80 : index
    %swap3A_216 = tpu.vector_load %arg10[%swap3A_214, %swap3A_215] {strides = array<i32>} : memref<40x128xf32, #tpu.memory_space<vmem>>, vector<16xf32>,
    tpu.vector_store %arg10[%swap3A_214, %swap3A_215], %broadcast_in_dim3A_1 {strides = array<i32>} : memref<40x128xf32, #tpu.memory_space<vmem>>, vector<16xf32>,
    %swap3A_217 = arith.constant 6 : i32
    %swap3A_218 = arith.index_cast %swap3A_217 : i32 to index
    %swap3A_219 = arith.constant 96 : index
    %swap3A_220 = tpu.vector_load %arg10[%swap3A_218, %swap3A_219] {strides = array<i32>} : memref<40x128xf32, #tpu.memory_space<vmem>>, vector<16xf32>,
    tpu.vector_store %arg10[%swap3A_218, %swap3A_219], %broadcast_in_dim3A_1 {strides = array<i32>} : memref<40x128xf32, #tpu.memory_space<vmem>>, vector<16xf32>,
    %swap3A_221 = arith.constant 6 : i32
    %swap3A_222 = arith.index_cast %swap3A_221 : i32 to index
    %swap3A_223 = arith.constant 112 : index
    %swap3A_224 = tpu.vector_load %arg10[%swap3A_222, %swap3A_223] {strides = array<i32>} : memref<40x128xf32, #tpu.memory_space<vmem>>, vector<16xf32>,
    tpu.vector_store %arg10[%swap3A_222, %swap3A_223], %broadcast_in_dim3A_1 {strides = array<i32>} : memref<40x128xf32, #tpu.memory_space<vmem>>, vector<16xf32>,
    %swap3A_225 = arith.constant 7 : i32
    %swap3A_226 = arith.index_cast %swap3A_225 : i32 to index
    %swap3A_227 = arith.constant 0 : index
    %swap3A_228 = tpu.vector_load %arg10[%swap3A_226, %swap3A_227] {strides = array<i32>} : memref<40x128xf32, #tpu.memory_space<vmem>>, vector<16xf32>,
    tpu.vector_store %arg10[%swap3A_226, %swap3A_227], %broadcast_in_dim3A_1 {strides = array<i32>} : memref<40x128xf32, #tpu.memory_space<vmem>>, vector<16xf32>,
    %swap3A_229 = arith.constant 7 : i32
    %swap3A_230 = arith.index_cast %swap3A_229 : i32 to index
    %swap3A_231 = arith.constant 16 : index
    %swap3A_232 = tpu.vector_load %arg10[%swap3A_230, %swap3A_231] {strides = array<i32>} : memref<40x128xf32, #tpu.memory_space<vmem>>, vector<16xf32>,
    tpu.vector_store %arg10[%swap3A_230, %swap3A_231], %broadcast_in_dim3A_1 {strides = array<i32>} : memref<40x128xf32, #tpu.memory_space<vmem>>, vector<16xf32>,
    %swap3A_233 = arith.constant 7 : i32
    %swap3A_234 = arith.index_cast %swap3A_233 : i32 to index
    %swap3A_235 = arith.constant 32 : index
    %swap3A_236 = tpu.vector_load %arg10[%swap3A_234, %swap3A_235] {strides = array<i32>} : memref<40x128xf32, #tpu.memory_space<vmem>>, vector<16xf32>,
    tpu.vector_store %arg10[%swap3A_234, %swap3A_235], %broadcast_in_dim3A_1 {strides = array<i32>} : memref<40x128xf32, #tpu.memory_space<vmem>>, vector<16xf32>,
    %swap3A_237 = arith.constant 7 : i32
    %swap3A_238 = arith.index_cast %swap3A_237 : i32 to index
    %swap3A_239 = arith.constant 48 : index
    %swap3A_240 = tpu.vector_load %arg10[%swap3A_238, %swap3A_239] {strides = array<i32>} : memref<40x128xf32, #tpu.memory_space<vmem>>, vector<16xf32>,
    tpu.vector_store %arg10[%swap3A_238, %swap3A_239], %broadcast_in_dim3A_1 {strides = array<i32>} : memref<40x128xf32, #tpu.memory_space<vmem>>, vector<16xf32>,
    %swap3A_241 = arith.constant 7 : i32
    %swap3A_242 = arith.index_cast %swap3A_241 : i32 to index
    %swap3A_243 = arith.constant 64 : index
    %swap3A_244 = tpu.vector_load %arg10[%swap3A_242, %swap3A_243] {strides = array<i32>} : memref<40x128xf32, #tpu.memory_space<vmem>>, vector<16xf32>,
    tpu.vector_store %arg10[%swap3A_242, %swap3A_243], %broadcast_in_dim3A_1 {strides = array<i32>} : memref<40x128xf32, #tpu.memory_space<vmem>>, vector<16xf32>,
    %swap3A_245 = arith.constant 7 : i32
    %swap3A_246 = arith.index_cast %swap3A_245 : i32 to index
    %swap3A_247 = arith.constant 80 : index
    %swap3A_248 = tpu.vector_load %arg10[%swap3A_246, %swap3A_247] {strides = array<i32>} : memref<40x128xf32, #tpu.memory_space<vmem>>, vector<16xf32>,
    tpu.vector_store %arg10[%swap3A_246, %swap3A_247], %broadcast_in_dim3A_1 {strides = array<i32>} : memref<40x128xf32, #tpu.memory_space<vmem>>, vector<16xf32>,
    %swap3A_249 = arith.constant 7 : i32
    %swap3A_250 = arith.index_cast %swap3A_249 : i32 to index
    %swap3A_251 = arith.constant 96 : index
    %swap3A_252 = tpu.vector_load %arg10[%swap3A_250, %swap3A_251] {strides = array<i32>} : memref<40x128xf32, #tpu.memory_space<vmem>>, vector<16xf32>,
    tpu.vector_store %arg10[%swap3A_250, %swap3A_251], %broadcast_in_dim3A_1 {strides = array<i32>} : memref<40x128xf32, #tpu.memory_space<vmem>>, vector<16xf32>,
    %swap3A_253 = arith.constant 7 : i32
    %swap3A_254 = arith.index_cast %swap3A_253 : i32 to index
    %swap3A_255 = arith.constant 112 : index
    %swap3A_256 = tpu.vector_load %arg10[%swap3A_254, %swap3A_255] {strides = array<i32>} : memref<40x128xf32, #tpu.memory_space<vmem>>, vector<16xf32>,
    tpu.vector_store %arg10[%swap3A_254, %swap3A_255], %broadcast_in_dim3A_1 {strides = array<i32>} : memref<40x128xf32, #tpu.memory_space<vmem>>, vector<16xf32>,
    %swap3A_257 = arith.constant 8 : i32
    %swap3A_258 = arith.index_cast %swap3A_257 : i32 to index
    %swap3A_259 = arith.constant 0 : index
    %swap3A_260 = tpu.vector_load %arg10[%swap3A_258, %swap3A_259] {strides = array<i32>} : memref<40x128xf32, #tpu.memory_space<vmem>>, vector<16xf32>,
    tpu.vector_store %arg10[%swap3A_258, %swap3A_259], %broadcast_in_dim3A_1 {strides = array<i32>} : memref<40x128xf32, #tpu.memory_space<vmem>>, vector<16xf32>,
    %swap3A_261 = arith.constant 8 : i32
    %swap3A_262 = arith.index_cast %swap3A_261 : i32 to index
    %swap3A_263 = arith.constant 16 : index
    %swap3A_264 = tpu.vector_load %arg10[%swap3A_262, %swap3A_263] {strides = array<i32>} : memref<40x128xf32, #tpu.memory_space<vmem>>, vector<16xf32>,
    tpu.vector_store %arg10[%swap3A_262, %swap3A_263], %broadcast_in_dim3A_1 {strides = array<i32>} : memref<40x128xf32, #tpu.memory_space<vmem>>, vector<16xf32>,
    %swap3A_265 = arith.constant 8 : i32
    %swap3A_266 = arith.index_cast %swap3A_265 : i32 to index
    %swap3A_267 = arith.constant 32 : index
    %swap3A_268 = tpu.vector_load %arg10[%swap3A_266, %swap3A_267] {strides = array<i32>} : memref<40x128xf32, #tpu.memory_space<vmem>>, vector<16xf32>,
    tpu.vector_store %arg10[%swap3A_266, %swap3A_267], %broadcast_in_dim3A_1 {strides = array<i32>} : memref<40x128xf32, #tpu.memory_space<vmem>>, vector<16xf32>,
    %swap3A_269 = arith.constant 8 : i32
    %swap3A_270 = arith.index_cast %swap3A_269 : i32 to index
    %swap3A_271 = arith.constant 48 : index
    %swap3A_272 = tpu.vector_load %arg10[%swap3A_270, %swap3A_271] {strides = array<i32>} : memref<40x128xf32, #tpu.memory_space<vmem>>, vector<16xf32>,
    tpu.vector_store %arg10[%swap3A_270, %swap3A_271], %broadcast_in_dim3A_1 {strides = array<i32>} : memref<40x128xf32, #tpu.memory_space<vmem>>, vector<16xf32>,
    %swap3A_273 = arith.constant 8 : i32
    %swap3A_274 = arith.index_cast %swap3A_273 : i32 to index
    %swap3A_275 = arith.constant 64 : index
    %swap3A_276 = tpu.vector_load %arg10[%swap3A_274, %swap3A_275] {strides = array<i32>} : memref<40x128xf32, #tpu.memory_space<vmem>>, vector<16xf32>,
    tpu.vector_store %arg10[%swap3A_274, %swap3A_275], %broadcast_in_dim3A_1 {strides = array<i32>} : memref<40x128xf32, #tpu.memory_space<vmem>>, vector<16xf32>,
    %swap3A_277 = arith.constant 8 : i32
    %swap3A_278 = arith.index_cast %swap3A_277 : i32 to index
    %swap3A_279 = arith.constant 80 : index
    %swap3A_280 = tpu.vector_load %arg10[%swap3A_278, %swap3A_279] {strides = array<i32>} : memref<40x128xf32, #tpu.memory_space<vmem>>, vector<16xf32>,
    tpu.vector_store %arg10[%swap3A_278, %swap3A_279], %broadcast_in_dim3A_1 {strides = array<i32>} : memref<40x128xf32, #tpu.memory_space<vmem>>, vector<16xf32>,
    %swap3A_281 = arith.constant 8 : i32
    %swap3A_282 = arith.index_cast %swap3A_281 : i32 to index
    %swap3A_283 = arith.constant 96 : index
    %swap3A_284 = tpu.vector_load %arg10[%swap3A_282, %swap3A_283] {strides = array<i32>} : memref<40x128xf32, #tpu.memory_space<vmem>>, vector<16xf32>,
    tpu.vector_store %arg10[%swap3A_282, %swap3A_283], %broadcast_in_dim3A_1 {strides = array<i32>} : memref<40x128xf32, #tpu.memory_space<vmem>>, vector<16xf32>,
    %swap3A_285 = arith.constant 8 : i32
    %swap3A_286 = arith.index_cast %swap3A_285 : i32 to index
    %swap3A_287 = arith.constant 112 : index
    %swap3A_288 = tpu.vector_load %arg10[%swap3A_286, %swap3A_287] {strides = array<i32>} : memref<40x128xf32, #tpu.memory_space<vmem>>, vector<16xf32>,
    tpu.vector_store %arg10[%swap3A_286, %swap3A_287], %broadcast_in_dim3A_1 {strides = array<i32>} : memref<40x128xf32, #tpu.memory_space<vmem>>, vector<16xf32>,
    %swap3A_289 = arith.constant 9 : i32
    %swap3A_290 = arith.index_cast %swap3A_289 : i32 to index
    %swap3A_291 = arith.constant 0 : index
    %swap3A_292 = tpu.vector_load %arg10[%swap3A_290, %swap3A_291] {strides = array<i32>} : memref<40x128xf32, #tpu.memory_space<vmem>>, vector<16xf32>,
    tpu.vector_store %arg10[%swap3A_290, %swap3A_291], %broadcast_in_dim3A_1 {strides = array<i32>} : memref<40x128xf32, #tpu.memory_space<vmem>>, vector<16xf32>,
    %swap3A_293 = arith.constant 9 : i32
    %swap3A_294 = arith.index_cast %swap3A_293 : i32 to index
    %swap3A_295 = arith.constant 16 : index
    %swap3A_296 = tpu.vector_load %arg10[%swap3A_294, %swap3A_295] {strides = array<i32>} : memref<40x128xf32, #tpu.memory_space<vmem>>, vector<16xf32>,
    tpu.vector_store %arg10[%swap3A_294, %swap3A_295], %broadcast_in_dim3A_1 {strides = array<i32>} : memref<40x128xf32, #tpu.memory_space<vmem>>, vector<16xf32>,
    %swap3A_297 = arith.constant 9 : i32
    %swap3A_298 = arith.index_cast %swap3A_297 : i32 to index
    %swap3A_299 = arith.constant 32 : index
    %swap3A_300 = tpu.vector_load %arg10[%swap3A_298, %swap3A_299] {strides = array<i32>} : memref<40x128xf32, #tpu.memory_space<vmem>>, vector<16xf32>,
    tpu.vector_store %arg10[%swap3A_298, %swap3A_299], %broadcast_in_dim3A_1 {strides = array<i32>} : memref<40x128xf32, #tpu.memory_space<vmem>>, vector<16xf32>,
    %swap3A_301 = arith.constant 9 : i32
    %swap3A_302 = arith.index_cast %swap3A_301 : i32 to index
    %swap3A_303 = arith.constant 48 : index
    %swap3A_304 = tpu.vector_load %arg10[%swap3A_302, %swap3A_303] {strides = array<i32>} : memref<40x128xf32, #tpu.memory_space<vmem>>, vector<16xf32>,
    tpu.vector_store %arg10[%swap3A_302, %swap3A_303], %broadcast_in_dim3A_1 {strides = array<i32>} : memref<40x128xf32, #tpu.memory_space<vmem>>, vector<16xf32>,
    %swap3A_305 = arith.constant 9 : i32
    %swap3A_306 = arith.index_cast %swap3A_305 : i32 to index
    %swap3A_307 = arith.constant 64 : index
    %swap3A_308 = tpu.vector_load %arg10[%swap3A_306, %swap3A_307] {strides = array<i32>} : memref<40x128xf32, #tpu.memory_space<vmem>>, vector<16xf32>,
    tpu.vector_store %arg10[%swap3A_306, %swap3A_307], %broadcast_in_dim3A_1 {strides = array<i32>} : memref<40x128xf32, #tpu.memory_space<vmem>>, vector<16xf32>,
    %swap3A_309 = arith.constant 9 : i32
    %swap3A_310 = arith.index_cast %swap3A_309 : i32 to index
    %swap3A_311 = arith.constant 80 : index
    %swap3A_312 = tpu.vector_load %arg10[%swap3A_310, %swap3A_311] {strides = array<i32>} : memref<40x128xf32, #tpu.memory_space<vmem>>, vector<16xf32>,
    tpu.vector_store %arg10[%swap3A_310, %swap3A_311], %broadcast_in_dim3A_1 {strides = array<i32>} : memref<40x128xf32, #tpu.memory_space<vmem>>, vector<16xf32>,
    %swap3A_313 = arith.constant 9 : i32
    %swap3A_314 = arith.index_cast %swap3A_313 : i32 to index
    %swap3A_315 = arith.constant 96 : index
    %swap3A_316 = tpu.vector_load %arg10[%swap3A_314, %swap3A_315] {strides = array<i32>} : memref<40x128xf32, #tpu.memory_space<vmem>>, vector<16xf32>,
    tpu.vector_store %arg10[%swap3A_314, %swap3A_315], %broadcast_in_dim3A_1 {strides = array<i32>} : memref<40x128xf32, #tpu.memory_space<vmem>>, vector<16xf32>,
    %swap3A_317 = arith.constant 9 : i32
    %swap3A_318 = arith.index_cast %swap3A_317 : i32 to index
    %swap3A_319 = arith.constant 112 : index
    %swap3A_320 = tpu.vector_load %arg10[%swap3A_318, %swap3A_319] {strides = array<i32>} : memref<40x128xf32, #tpu.memory_space<vmem>>, vector<16xf32>,
    tpu.vector_store %arg10[%swap3A_318, %swap3A_319], %broadcast_in_dim3A_1 {strides = array<i32>} : memref<40x128xf32, #tpu.memory_space<vmem>>, vector<16xf32>,
    %swap3A_321 = arith.constant 10 : i32
    %swap3A_322 = arith.index_cast %swap3A_321 : i32 to index
    %swap3A_323 = arith.constant 0 : index
    %swap3A_324 = tpu.vector_load %arg10[%swap3A_322, %swap3A_323] {strides = array<i32>} : memref<40x128xf32, #tpu.memory_space<vmem>>, vector<16xf32>,
    tpu.vector_store %arg10[%swap3A_322, %swap3A_323], %broadcast_in_dim3A_1 {strides = array<i32>} : memref<40x128xf32, #tpu.memory_space<vmem>>, vector<16xf32>,
    %swap3A_325 = arith.constant 10 : i32
    %swap3A_326 = arith.index_cast %swap3A_325 : i32 to index
    %swap3A_327 = arith.constant 16 : index
    %swap3A_328 = tpu.vector_load %arg10[%swap3A_326, %swap3A_327] {strides = array<i32>} : memref<40x128xf32, #tpu.memory_space<vmem>>, vector<16xf32>,
    tpu.vector_store %arg10[%swap3A_326, %swap3A_327], %broadcast_in_dim3A_1 {strides = array<i32>} : memref<40x128xf32, #tpu.memory_space<vmem>>, vector<16xf32>,
    %swap3A_329 = arith.constant 10 : i32
    %swap3A_330 = arith.index_cast %swap3A_329 : i32 to index
    %swap3A_331 = arith.constant 32 : index
    %swap3A_332 = tpu.vector_load %arg10[%swap3A_330, %swap3A_331] {strides = array<i32>} : memref<40x128xf32, #tpu.memory_space<vmem>>, vector<16xf32>,
    tpu.vector_store %arg10[%swap3A_330, %swap3A_331], %broadcast_in_dim3A_1 {strides = array<i32>} : memref<40x128xf32, #tpu.memory_space<vmem>>, vector<16xf32>,
    %swap3A_333 = arith.constant 10 : i32
    %swap3A_334 = arith.index_cast %swap3A_333 : i32 to index
    %swap3A_335 = arith.constant 48 : index
    %swap3A_336 = tpu.vector_load %arg10[%swap3A_334, %swap3A_335] {strides = array<i32>} : memref<40x128xf32, #tpu.memory_space<vmem>>, vector<16xf32>,
    tpu.vector_store %arg10[%swap3A_334, %swap3A_335], %broadcast_in_dim3A_1 {strides = array<i32>} : memref<40x128xf32, #tpu.memory_space<vmem>>, vector<16xf32>,
    %swap3A_337 = arith.constant 10 : i32
    %swap3A_338 = arith.index_cast %swap3A_337 : i32 to index
    %swap3A_339 = arith.constant 64 : index
    %swap3A_340 = tpu.vector_load %arg10[%swap3A_338, %swap3A_339] {strides = array<i32>} : memref<40x128xf32, #tpu.memory_space<vmem>>, vector<16xf32>,
    tpu.vector_store %arg10[%swap3A_338, %swap3A_339], %broadcast_in_dim3A_1 {strides = array<i32>} : memref<40x128xf32, #tpu.memory_space<vmem>>, vector<16xf32>,
    %swap3A_341 = arith.constant 10 : i32
    %swap3A_342 = arith.index_cast %swap3A_341 : i32 to index
    %swap3A_343 = arith.constant 80 : index
    %swap3A_344 = tpu.vector_load %arg10[%swap3A_342, %swap3A_343] {strides = array<i32>} : memref<40x128xf32, #tpu.memory_space<vmem>>, vector<16xf32>,
    tpu.vector_store %arg10[%swap3A_342, %swap3A_343], %broadcast_in_dim3A_1 {strides = array<i32>} : memref<40x128xf32, #tpu.memory_space<vmem>>, vector<16xf32>,
    %swap3A_345 = arith.constant 10 : i32
    %swap3A_346 = arith.index_cast %swap3A_345 : i32 to index
    %swap3A_347 = arith.constant 96 : index
    %swap3A_348 = tpu.vector_load %arg10[%swap3A_346, %swap3A_347] {strides = array<i32>} : memref<40x128xf32, #tpu.memory_space<vmem>>, vector<16xf32>,
    tpu.vector_store %arg10[%swap3A_346, %swap3A_347], %broadcast_in_dim3A_1 {strides = array<i32>} : memref<40x128xf32, #tpu.memory_space<vmem>>, vector<16xf32>,
    %swap3A_349 = arith.constant 10 : i32
    %swap3A_350 = arith.index_cast %swap3A_349 : i32 to index
    %swap3A_351 = arith.constant 112 : index
    %swap3A_352 = tpu.vector_load %arg10[%swap3A_350, %swap3A_351] {strides = array<i32>} : memref<40x128xf32, #tpu.memory_space<vmem>>, vector<16xf32>,
    tpu.vector_store %arg10[%swap3A_350, %swap3A_351], %broadcast_in_dim3A_1 {strides = array<i32>} : memref<40x128xf32, #tpu.memory_space<vmem>>, vector<16xf32>,
    %swap3A_353 = arith.constant 11 : i32
    %swap3A_354 = arith.index_cast %swap3A_353 : i32 to index
    %swap3A_355 = arith.constant 0 : index
    %swap3A_356 = tpu.vector_load %arg10[%swap3A_354, %swap3A_355] {strides = array<i32>} : memref<40x128xf32, #tpu.memory_space<vmem>>, vector<16xf32>,
    tpu.vector_store %arg10[%swap3A_354, %swap3A_355], %broadcast_in_dim3A_1 {strides = array<i32>} : memref<40x128xf32, #tpu.memory_space<vmem>>, vector<16xf32>,
    %swap3A_357 = arith.constant 11 : i32
    %swap3A_358 = arith.index_cast %swap3A_357 : i32 to index
    %swap3A_359 = arith.constant 16 : index
    %swap3A_360 = tpu.vector_load %arg10[%swap3A_358, %swap3A_359] {strides = array<i32>} : memref<40x128xf32, #tpu.memory_space<vmem>>, vector<16xf32>,
    tpu.vector_store %arg10[%swap3A_358, %swap3A_359], %broadcast_in_dim3A_1 {strides = array<i32>} : memref<40x128xf32, #tpu.memory_space<vmem>>, vector<16xf32>,
    %swap3A_361 = arith.constant 11 : i32
    %swap3A_362 = arith.index_cast %swap3A_361 : i32 to index
    %swap3A_363 = arith.constant 32 : index
    %swap3A_364 = tpu.vector_load %arg10[%swap3A_362, %swap3A_363] {strides = array<i32>} : memref<40x128xf32, #tpu.memory_space<vmem>>, vector<16xf32>,
    tpu.vector_store %arg10[%swap3A_362, %swap3A_363], %broadcast_in_dim3A_1 {strides = array<i32>} : memref<40x128xf32, #tpu.memory_space<vmem>>, vector<16xf32>,
    %swap3A_365 = arith.constant 11 : i32
    %swap3A_366 = arith.index_cast %swap3A_365 : i32 to index
    %swap3A_367 = arith.constant 48 : index
    %swap3A_368 = tpu.vector_load %arg10[%swap3A_366, %swap3A_367] {strides = array<i32>} : memref<40x128xf32, #tpu.memory_space<vmem>>, vector<16xf32>,
    tpu.vector_store %arg10[%swap3A_366, %swap3A_367], %broadcast_in_dim3A_1 {strides = array<i32>} : memref<40x128xf32, #tpu.memory_space<vmem>>, vector<16xf32>,
    %swap3A_369 = arith.constant 11 : i32
    %swap3A_370 = arith.index_cast %swap3A_369 : i32 to index
    %swap3A_371 = arith.constant 64 : index
    %swap3A_372 = tpu.vector_load %arg10[%swap3A_370, %swap3A_371] {strides = array<i32>} : memref<40x128xf32, #tpu.memory_space<vmem>>, vector<16xf32>,
    tpu.vector_store %arg10[%swap3A_370, %swap3A_371], %broadcast_in_dim3A_1 {strides = array<i32>} : memref<40x128xf32, #tpu.memory_space<vmem>>, vector<16xf32>,
    %swap3A_373 = arith.constant 11 : i32
    %swap3A_374 = arith.index_cast %swap3A_373 : i32 to index
    %swap3A_375 = arith.constant 80 : index
    %swap3A_376 = tpu.vector_load %arg10[%swap3A_374, %swap3A_375] {strides = array<i32>} : memref<40x128xf32, #tpu.memory_space<vmem>>, vector<16xf32>,
    tpu.vector_store %arg10[%swap3A_374, %swap3A_375], %broadcast_in_dim3A_1 {strides = array<i32>} : memref<40x128xf32, #tpu.memory_space<vmem>>, vector<16xf32>,
    %swap3A_377 = arith.constant 11 : i32
    %swap3A_378 = arith.index_cast %swap3A_377 : i32 to index
    %swap3A_379 = arith.constant 96 : index
    %swap3A_380 = tpu.vector_load %arg10[%swap3A_378, %swap3A_379] {strides = array<i32>} : memref<40x128xf32, #tpu.memory_space<vmem>>, vector<16xf32>,
    tpu.vector_store %arg10[%swap3A_378, %swap3A_379], %broadcast_in_dim3A_1 {strides = array<i32>} : memref<40x128xf32, #tpu.memory_space<vmem>>, vector<16xf32>,
    %swap3A_381 = arith.constant 11 : i32
    %swap3A_382 = arith.index_cast %swap3A_381 : i32 to index
    %swap3A_383 = arith.constant 112 : index
    %swap3A_384 = tpu.vector_load %arg10[%swap3A_382, %swap3A_383] {strides = array<i32>} : memref<40x128xf32, #tpu.memory_space<vmem>>, vector<16xf32>,
    tpu.vector_store %arg10[%swap3A_382, %swap3A_383], %broadcast_in_dim3A_1 {strides = array<i32>} : memref<40x128xf32, #tpu.memory_space<vmem>>, vector<16xf32>,
    %swap3A_385 = arith.constant 12 : i32
    %swap3A_386 = arith.index_cast %swap3A_385 : i32 to index
    %swap3A_387 = arith.constant 0 : index
    %swap3A_388 = tpu.vector_load %arg10[%swap3A_386, %swap3A_387] {strides = array<i32>} : memref<40x128xf32, #tpu.memory_space<vmem>>, vector<16xf32>,
    tpu.vector_store %arg10[%swap3A_386, %swap3A_387], %broadcast_in_dim3A_1 {strides = array<i32>} : memref<40x128xf32, #tpu.memory_space<vmem>>, vector<16xf32>,
    %swap3A_389 = arith.constant 12 : i32
    %swap3A_390 = arith.index_cast %swap3A_389 : i32 to index
    %swap3A_391 = arith.constant 16 : index
    %swap3A_392 = tpu.vector_load %arg10[%swap3A_390, %swap3A_391] {strides = array<i32>} : memref<40x128xf32, #tpu.memory_space<vmem>>, vector<16xf32>,
    tpu.vector_store %arg10[%swap3A_390, %swap3A_391], %broadcast_in_dim3A_1 {strides = array<i32>} : memref<40x128xf32, #tpu.memory_space<vmem>>, vector<16xf32>,
    %swap3A_393 = arith.constant 12 : i32
    %swap3A_394 = arith.index_cast %swap3A_393 : i32 to index
    %swap3A_395 = arith.constant 32 : index
    %swap3A_396 = tpu.vector_load %arg10[%swap3A_394, %swap3A_395] {strides = array<i32>} : memref<40x128xf32, #tpu.memory_space<vmem>>, vector<16xf32>,
    tpu.vector_store %arg10[%swap3A_394, %swap3A_395], %broadcast_in_dim3A_1 {strides = array<i32>} : memref<40x128xf32, #tpu.memory_space<vmem>>, vector<16xf32>,
    %swap3A_397 = arith.constant 12 : i32
    %swap3A_398 = arith.index_cast %swap3A_397 : i32 to index
    %swap3A_399 = arith.constant 48 : index
    %swap3A_400 = tpu.vector_load %arg10[%swap3A_398, %swap3A_399] {strides = array<i32>} : memref<40x128xf32, #tpu.memory_space<vmem>>, vector<16xf32>,
    tpu.vector_store %arg10[%swap3A_398, %swap3A_399], %broadcast_in_dim3A_1 {strides = array<i32>} : memref<40x128xf32, #tpu.memory_space<vmem>>, vector<16xf32>,
    %swap3A_401 = arith.constant 12 : i32
    %swap3A_402 = arith.index_cast %swap3A_401 : i32 to index
    %swap3A_403 = arith.constant 64 : index
    %swap3A_404 = tpu.vector_load %arg10[%swap3A_402, %swap3A_403] {strides = array<i32>} : memref<40x128xf32, #tpu.memory_space<vmem>>, vector<16xf32>,
    tpu.vector_store %arg10[%swap3A_402, %swap3A_403], %broadcast_in_dim3A_1 {strides = array<i32>} : memref<40x128xf32, #tpu.memory_space<vmem>>, vector<16xf32>,
    %swap3A_405 = arith.constant 12 : i32
    %swap3A_406 = arith.index_cast %swap3A_405 : i32 to index
    %swap3A_407 = arith.constant 80 : index
    %swap3A_408 = tpu.vector_load %arg10[%swap3A_406, %swap3A_407] {strides = array<i32>} : memref<40x128xf32, #tpu.memory_space<vmem>>, vector<16xf32>,
    tpu.vector_store %arg10[%swap3A_406, %swap3A_407], %broadcast_in_dim3A_1 {strides = array<i32>} : memref<40x128xf32, #tpu.memory_space<vmem>>, vector<16xf32>,
    %swap3A_409 = arith.constant 12 : i32
    %swap3A_410 = arith.index_cast %swap3A_409 : i32 to index
    %swap3A_411 = arith.constant 96 : index
    %swap3A_412 = tpu.vector_load %arg10[%swap3A_410, %swap3A_411] {strides = array<i32>} : memref<40x128xf32, #tpu.memory_space<vmem>>, vector<16xf32>,
    tpu.vector_store %arg10[%swap3A_410, %swap3A_411], %broadcast_in_dim3A_1 {strides = array<i32>} : memref<40x128xf32, #tpu.memory_space<vmem>>, vector<16xf32>,
    %swap3A_413 = arith.constant 12 : i32
    %swap3A_414 = arith.index_cast %swap3A_413 : i32 to index
    %swap3A_415 = arith.constant 112 : index
    %swap3A_416 = tpu.vector_load %arg10[%swap3A_414, %swap3A_415] {strides = array<i32>} : memref<40x128xf32, #tpu.memory_space<vmem>>, vector<16xf32>,
    tpu.vector_store %arg10[%swap3A_414, %swap3A_415], %broadcast_in_dim3A_1 {strides = array<i32>} : memref<40x128xf32, #tpu.memory_space<vmem>>, vector<16xf32>,
    %swap3A_417 = arith.constant 13 : i32
    %swap3A_418 = arith.index_cast %swap3A_417 : i32 to index
    %swap3A_419 = arith.constant 0 : index
    %swap3A_420 = tpu.vector_load %arg10[%swap3A_418, %swap3A_419] {strides = array<i32>} : memref<40x128xf32, #tpu.memory_space<vmem>>, vector<16xf32>,
    tpu.vector_store %arg10[%swap3A_418, %swap3A_419], %broadcast_in_dim3A_1 {strides = array<i32>} : memref<40x128xf32, #tpu.memory_space<vmem>>, vector<16xf32>,
    %swap3A_421 = arith.constant 13 : i32
    %swap3A_422 = arith.index_cast %swap3A_421 : i32 to index
    %swap3A_423 = arith.constant 16 : index
    %swap3A_424 = tpu.vector_load %arg10[%swap3A_422, %swap3A_423] {strides = array<i32>} : memref<40x128xf32, #tpu.memory_space<vmem>>, vector<16xf32>,
    tpu.vector_store %arg10[%swap3A_422, %swap3A_423], %broadcast_in_dim3A_1 {strides = array<i32>} : memref<40x128xf32, #tpu.memory_space<vmem>>, vector<16xf32>,
    %swap3A_425 = arith.constant 13 : i32
    %swap3A_426 = arith.index_cast %swap3A_425 : i32 to index
    %swap3A_427 = arith.constant 32 : index
    %swap3A_428 = tpu.vector_load %arg10[%swap3A_426, %swap3A_427] {strides = array<i32>} : memref<40x128xf32, #tpu.memory_space<vmem>>, vector<16xf32>,
    tpu.vector_store %arg10[%swap3A_426, %swap3A_427], %broadcast_in_dim3A_1 {strides = array<i32>} : memref<40x128xf32, #tpu.memory_space<vmem>>, vector<16xf32>,
    %swap3A_429 = arith.constant 13 : i32
    %swap3A_430 = arith.index_cast %swap3A_429 : i32 to index
    %swap3A_431 = arith.constant 48 : index
    %swap3A_432 = tpu.vector_load %arg10[%swap3A_430, %swap3A_431] {strides = array<i32>} : memref<40x128xf32, #tpu.memory_space<vmem>>, vector<16xf32>,
    tpu.vector_store %arg10[%swap3A_430, %swap3A_431], %broadcast_in_dim3A_1 {strides = array<i32>} : memref<40x128xf32, #tpu.memory_space<vmem>>, vector<16xf32>,
    %swap3A_433 = arith.constant 13 : i32
    %swap3A_434 = arith.index_cast %swap3A_433 : i32 to index
    %swap3A_435 = arith.constant 64 : index
    %swap3A_436 = tpu.vector_load %arg10[%swap3A_434, %swap3A_435] {strides = array<i32>} : memref<40x128xf32, #tpu.memory_space<vmem>>, vector<16xf32>,
    tpu.vector_store %arg10[%swap3A_434, %swap3A_435], %broadcast_in_dim3A_1 {strides = array<i32>} : memref<40x128xf32, #tpu.memory_space<vmem>>, vector<16xf32>,
    %swap3A_437 = arith.constant 13 : i32
    %swap3A_438 = arith.index_cast %swap3A_437 : i32 to index
    %swap3A_439 = arith.constant 80 : index
    %swap3A_440 = tpu.vector_load %arg10[%swap3A_438, %swap3A_439] {strides = array<i32>} : memref<40x128xf32, #tpu.memory_space<vmem>>, vector<16xf32>,
    tpu.vector_store %arg10[%swap3A_438, %swap3A_439], %broadcast_in_dim3A_1 {strides = array<i32>} : memref<40x128xf32, #tpu.memory_space<vmem>>, vector<16xf32>,
    %swap3A_441 = arith.constant 13 : i32
    %swap3A_442 = arith.index_cast %swap3A_441 : i32 to index
    %swap3A_443 = arith.constant 96 : index
    %swap3A_444 = tpu.vector_load %arg10[%swap3A_442, %swap3A_443] {strides = array<i32>} : memref<40x128xf32, #tpu.memory_space<vmem>>, vector<16xf32>,
    tpu.vector_store %arg10[%swap3A_442, %swap3A_443], %broadcast_in_dim3A_1 {strides = array<i32>} : memref<40x128xf32, #tpu.memory_space<vmem>>, vector<16xf32>,
    %swap3A_445 = arith.constant 13 : i32
    %swap3A_446 = arith.index_cast %swap3A_445 : i32 to index
    %swap3A_447 = arith.constant 112 : index
    %swap3A_448 = tpu.vector_load %arg10[%swap3A_446, %swap3A_447] {strides = array<i32>} : memref<40x128xf32, #tpu.memory_space<vmem>>, vector<16xf32>,
    tpu.vector_store %arg10[%swap3A_446, %swap3A_447], %broadcast_in_dim3A_1 {strides = array<i32>} : memref<40x128xf32, #tpu.memory_space<vmem>>, vector<16xf32>,
    %swap3A_449 = arith.constant 14 : i32
    %swap3A_450 = arith.index_cast %swap3A_449 : i32 to index
    %swap3A_451 = arith.constant 0 : index
    %swap3A_452 = tpu.vector_load %arg10[%swap3A_450, %swap3A_451] {strides = array<i32>} : memref<40x128xf32, #tpu.memory_space<vmem>>, vector<16xf32>,
    tpu.vector_store %arg10[%swap3A_450, %swap3A_451], %broadcast_in_dim3A_1 {strides = array<i32>} : memref<40x128xf32, #tpu.memory_space<vmem>>, vector<16xf32>,
    %swap3A_453 = arith.constant 14 : i32
    %swap3A_454 = arith.index_cast %swap3A_453 : i32 to index
    %swap3A_455 = arith.constant 16 : index
    %swap3A_456 = tpu.vector_load %arg10[%swap3A_454, %swap3A_455] {strides = array<i32>} : memref<40x128xf32, #tpu.memory_space<vmem>>, vector<16xf32>,
    tpu.vector_store %arg10[%swap3A_454, %swap3A_455], %broadcast_in_dim3A_1 {strides = array<i32>} : memref<40x128xf32, #tpu.memory_space<vmem>>, vector<16xf32>,
    %swap3A_457 = arith.constant 14 : i32
    %swap3A_458 = arith.index_cast %swap3A_457 : i32 to index
    %swap3A_459 = arith.constant 32 : index
    %swap3A_460 = tpu.vector_load %arg10[%swap3A_458, %swap3A_459] {strides = array<i32>} : memref<40x128xf32, #tpu.memory_space<vmem>>, vector<16xf32>,
    tpu.vector_store %arg10[%swap3A_458, %swap3A_459], %broadcast_in_dim3A_1 {strides = array<i32>} : memref<40x128xf32, #tpu.memory_space<vmem>>, vector<16xf32>,
    %swap3A_461 = arith.constant 14 : i32
    %swap3A_462 = arith.index_cast %swap3A_461 : i32 to index
    %swap3A_463 = arith.constant 48 : index
    %swap3A_464 = tpu.vector_load %arg10[%swap3A_462, %swap3A_463] {strides = array<i32>} : memref<40x128xf32, #tpu.memory_space<vmem>>, vector<16xf32>,
    tpu.vector_store %arg10[%swap3A_462, %swap3A_463], %broadcast_in_dim3A_1 {strides = array<i32>} : memref<40x128xf32, #tpu.memory_space<vmem>>, vector<16xf32>,
    %swap3A_465 = arith.constant 14 : i32
    %swap3A_466 = arith.index_cast %swap3A_465 : i32 to index
    %swap3A_467 = arith.constant 64 : index
    %swap3A_468 = tpu.vector_load %arg10[%swap3A_466, %swap3A_467] {strides = array<i32>} : memref<40x128xf32, #tpu.memory_space<vmem>>, vector<16xf32>,
    tpu.vector_store %arg10[%swap3A_466, %swap3A_467], %broadcast_in_dim3A_1 {strides = array<i32>} : memref<40x128xf32, #tpu.memory_space<vmem>>, vector<16xf32>,
    %swap3A_469 = arith.constant 14 : i32
    %swap3A_470 = arith.index_cast %swap3A_469 : i32 to index
    %swap3A_471 = arith.constant 80 : index
    %swap3A_472 = tpu.vector_load %arg10[%swap3A_470, %swap3A_471] {strides = array<i32>} : memref<40x128xf32, #tpu.memory_space<vmem>>, vector<16xf32>,
    tpu.vector_store %arg10[%swap3A_470, %swap3A_471], %broadcast_in_dim3A_1 {strides = array<i32>} : memref<40x128xf32, #tpu.memory_space<vmem>>, vector<16xf32>,
    %swap3A_473 = arith.constant 14 : i32
    %swap3A_474 = arith.index_cast %swap3A_473 : i32 to index
    %swap3A_475 = arith.constant 96 : index
    %swap3A_476 = tpu.vector_load %arg10[%swap3A_474, %swap3A_475] {strides = array<i32>} : memref<40x128xf32, #tpu.memory_space<vmem>>, vector<16xf32>,
    tpu.vector_store %arg10[%swap3A_474, %swap3A_475], %broadcast_in_dim3A_1 {strides = array<i32>} : memref<40x128xf32, #tpu.memory_space<vmem>>, vector<16xf32>,
    %swap3A_477 = arith.constant 14 : i32
    %swap3A_478 = arith.index_cast %swap3A_477 : i32 to index
    %swap3A_479 = arith.constant 112 : index
    %swap3A_480 = tpu.vector_load %arg10[%swap3A_478, %swap3A_479] {strides = array<i32>} : memref<40x128xf32, #tpu.memory_space<vmem>>, vector<16xf32>,
    tpu.vector_store %arg10[%swap3A_478, %swap3A_479], %broadcast_in_dim3A_1 {strides = array<i32>} : memref<40x128xf32, #tpu.memory_space<vmem>>, vector<16xf32>,
    %swap3A_481 = arith.constant 15 : i32
    %swap3A_482 = arith.index_cast %swap3A_481 : i32 to index
    %swap3A_483 = arith.constant 0 : index
    %swap3A_484 = tpu.vector_load %arg10[%swap3A_482, %swap3A_483] {strides = array<i32>} : memref<40x128xf32, #tpu.memory_space<vmem>>, vector<16xf32>,
    tpu.vector_store %arg10[%swap3A_482, %swap3A_483], %broadcast_in_dim3A_1 {strides = array<i32>} : memref<40x128xf32, #tpu.memory_space<vmem>>, vector<16xf32>,
    %swap3A_485 = arith.constant 15 : i32
    %swap3A_486 = arith.index_cast %swap3A_485 : i32 to index
    %swap3A_487 = arith.constant 16 : index
    %swap3A_488 = tpu.vector_load %arg10[%swap3A_486, %swap3A_487] {strides = array<i32>} : memref<40x128xf32, #tpu.memory_space<vmem>>, vector<16xf32>,
    tpu.vector_store %arg10[%swap3A_486, %swap3A_487], %broadcast_in_dim3A_1 {strides = array<i32>} : memref<40x128xf32, #tpu.memory_space<vmem>>, vector<16xf32>,
    %swap3A_489 = arith.constant 15 : i32
    %swap3A_490 = arith.index_cast %swap3A_489 : i32 to index
    %swap3A_491 = arith.constant 32 : index
    %swap3A_492 = tpu.vector_load %arg10[%swap3A_490, %swap3A_491] {strides = array<i32>} : memref<40x128xf32, #tpu.memory_space<vmem>>, vector<16xf32>,
    tpu.vector_store %arg10[%swap3A_490, %swap3A_491], %broadcast_in_dim3A_1 {strides = array<i32>} : memref<40x128xf32, #tpu.memory_space<vmem>>, vector<16xf32>,
    %swap3A_493 = arith.constant 15 : i32
    %swap3A_494 = arith.index_cast %swap3A_493 : i32 to index
    %swap3A_495 = arith.constant 48 : index
    %swap3A_496 = tpu.vector_load %arg10[%swap3A_494, %swap3A_495] {strides = array<i32>} : memref<40x128xf32, #tpu.memory_space<vmem>>, vector<16xf32>,
    tpu.vector_store %arg10[%swap3A_494, %swap3A_495], %broadcast_in_dim3A_1 {strides = array<i32>} : memref<40x128xf32, #tpu.memory_space<vmem>>, vector<16xf32>,
    %swap3A_497 = arith.constant 15 : i32
    %swap3A_498 = arith.index_cast %swap3A_497 : i32 to index
    %swap3A_499 = arith.constant 64 : index
    %swap3A_500 = tpu.vector_load %arg10[%swap3A_498, %swap3A_499] {strides = array<i32>} : memref<40x128xf32, #tpu.memory_space<vmem>>, vector<16xf32>,
    tpu.vector_store %arg10[%swap3A_498, %swap3A_499], %broadcast_in_dim3A_1 {strides = array<i32>} : memref<40x128xf32, #tpu.memory_space<vmem>>, vector<16xf32>,
    %swap3A_501 = arith.constant 15 : i32
    %swap3A_502 = arith.index_cast %swap3A_501 : i32 to index
    %swap3A_503 = arith.constant 80 : index
    %swap3A_504 = tpu.vector_load %arg10[%swap3A_502, %swap3A_503] {strides = array<i32>} : memref<40x128xf32, #tpu.memory_space<vmem>>, vector<16xf32>,
    tpu.vector_store %arg10[%swap3A_502, %swap3A_503], %broadcast_in_dim3A_1 {strides = array<i32>} : memref<40x128xf32, #tpu.memory_space<vmem>>, vector<16xf32>,
    %swap3A_505 = arith.constant 15 : i32
    %swap3A_506 = arith.index_cast %swap3A_505 : i32 to index
    %swap3A_507 = arith.constant 96 : index
    %swap3A_508 = tpu.vector_load %arg10[%swap3A_506, %swap3A_507] {strides = array<i32>} : memref<40x128xf32, #tpu.memory_space<vmem>>, vector<16xf32>,
    tpu.vector_store %arg10[%swap3A_506, %swap3A_507], %broadcast_in_dim3A_1 {strides = array<i32>} : memref<40x128xf32, #tpu.memory_space<vmem>>, vector<16xf32>,
    %swap3A_509 = arith.constant 15 : i32
    %swap3A_510 = arith.index_cast %swap3A_509 : i32 to index
    %swap3A_511 = arith.constant 112 : index
    %swap3A_512 = tpu.vector_load %arg10[%swap3A_510, %swap3A_511] {strides = array<i32>} : memref<40x128xf32, #tpu.memory_space<vmem>>, vector<16xf32>,
    tpu.vector_store %arg10[%swap3A_510, %swap3A_511], %broadcast_in_dim3A_1 {strides = array<i32>} : memref<40x128xf32, #tpu.memory_space<vmem>>, vector<16xf32>,
    %swap3A_513 = arith.constant 16 : i32
    %swap3A_514 = arith.index_cast %swap3A_513 : i32 to index
    %swap3A_515 = arith.constant 0 : index
    %swap3A_516 = tpu.vector_load %arg10[%swap3A_514, %swap3A_515] {strides = array<i32>} : memref<40x128xf32, #tpu.memory_space<vmem>>, vector<16xf32>,
    tpu.vector_store %arg10[%swap3A_514, %swap3A_515], %broadcast_in_dim3A_1 {strides = array<i32>} : memref<40x128xf32, #tpu.memory_space<vmem>>, vector<16xf32>,
    %swap3A_517 = arith.constant 16 : i32
    %swap3A_518 = arith.index_cast %swap3A_517 : i32 to index
    %swap3A_519 = arith.constant 16 : index
    %swap3A_520 = tpu.vector_load %arg10[%swap3A_518, %swap3A_519] {strides = array<i32>} : memref<40x128xf32, #tpu.memory_space<vmem>>, vector<16xf32>,
    tpu.vector_store %arg10[%swap3A_518, %swap3A_519], %broadcast_in_dim3A_1 {strides = array<i32>} : memref<40x128xf32, #tpu.memory_space<vmem>>, vector<16xf32>,
    %swap3A_521 = arith.constant 16 : i32
    %swap3A_522 = arith.index_cast %swap3A_521 : i32 to index
    %swap3A_523 = arith.constant 32 : index
    %swap3A_524 = tpu.vector_load %arg10[%swap3A_522, %swap3A_523] {strides = array<i32>} : memref<40x128xf32, #tpu.memory_space<vmem>>, vector<16xf32>,
    tpu.vector_store %arg10[%swap3A_522, %swap3A_523], %broadcast_in_dim3A_1 {strides = array<i32>} : memref<40x128xf32, #tpu.memory_space<vmem>>, vector<16xf32>,
    %swap3A_525 = arith.constant 16 : i32
    %swap3A_526 = arith.index_cast %swap3A_525 : i32 to index
    %swap3A_527 = arith.constant 48 : index
    %swap3A_528 = tpu.vector_load %arg10[%swap3A_526, %swap3A_527] {strides = array<i32>} : memref<40x128xf32, #tpu.memory_space<vmem>>, vector<16xf32>,
    tpu.vector_store %arg10[%swap3A_526, %swap3A_527], %broadcast_in_dim3A_1 {strides = array<i32>} : memref<40x128xf32, #tpu.memory_space<vmem>>, vector<16xf32>,
    %swap3A_529 = arith.constant 16 : i32
    %swap3A_530 = arith.index_cast %swap3A_529 : i32 to index
    %swap3A_531 = arith.constant 64 : index
    %swap3A_532 = tpu.vector_load %arg10[%swap3A_530, %swap3A_531] {strides = array<i32>} : memref<40x128xf32, #tpu.memory_space<vmem>>, vector<16xf32>,
    tpu.vector_store %arg10[%swap3A_530, %swap3A_531], %broadcast_in_dim3A_1 {strides = array<i32>} : memref<40x128xf32, #tpu.memory_space<vmem>>, vector<16xf32>,
    %swap3A_533 = arith.constant 16 : i32
    %swap3A_534 = arith.index_cast %swap3A_533 : i32 to index
    %swap3A_535 = arith.constant 80 : index
    %swap3A_536 = tpu.vector_load %arg10[%swap3A_534, %swap3A_535] {strides = array<i32>} : memref<40x128xf32, #tpu.memory_space<vmem>>, vector<16xf32>,
    tpu.vector_store %arg10[%swap3A_534, %swap3A_535], %broadcast_in_dim3A_1 {strides = array<i32>} : memref<40x128xf32, #tpu.memory_space<vmem>>, vector<16xf32>,
    %swap3A_537 = arith.constant 16 : i32
    %swap3A_538 = arith.index_cast %swap3A_537 : i32 to index
    %swap3A_539 = arith.constant 96 : index
    %swap3A_540 = tpu.vector_load %arg10[%swap3A_538, %swap3A_539] {strides = array<i32>} : memref<40x128xf32, #tpu.memory_space<vmem>>, vector<16xf32>,
    tpu.vector_store %arg10[%swap3A_538, %swap3A_539], %broadcast_in_dim3A_1 {strides = array<i32>} : memref<40x128xf32, #tpu.memory_space<vmem>>, vector<16xf32>,
    %swap3A_541 = arith.constant 16 : i32
    %swap3A_542 = arith.index_cast %swap3A_541 : i32 to index
    %swap3A_543 = arith.constant 112 : index
    %swap3A_544 = tpu.vector_load %arg10[%swap3A_542, %swap3A_543] {strides = array<i32>} : memref<40x128xf32, #tpu.memory_space<vmem>>, vector<16xf32>,
    tpu.vector_store %arg10[%swap3A_542, %swap3A_543], %broadcast_in_dim3A_1 {strides = array<i32>} : memref<40x128xf32, #tpu.memory_space<vmem>>, vector<16xf32>,
    %swap3A_545 = arith.constant 17 : i32
    %swap3A_546 = arith.index_cast %swap3A_545 : i32 to index
    %swap3A_547 = arith.constant 0 : index
    %swap3A_548 = tpu.vector_load %arg10[%swap3A_546, %swap3A_547] {strides = array<i32>} : memref<40x128xf32, #tpu.memory_space<vmem>>, vector<16xf32>,
    tpu.vector_store %arg10[%swap3A_546, %swap3A_547], %broadcast_in_dim3A_1 {strides = array<i32>} : memref<40x128xf32, #tpu.memory_space<vmem>>, vector<16xf32>,
    %swap3A_549 = arith.constant 17 : i32
    %swap3A_550 = arith.index_cast %swap3A_549 : i32 to index
    %swap3A_551 = arith.constant 16 : index
    %swap3A_552 = tpu.vector_load %arg10[%swap3A_550, %swap3A_551] {strides = array<i32>} : memref<40x128xf32, #tpu.memory_space<vmem>>, vector<16xf32>,
    tpu.vector_store %arg10[%swap3A_550, %swap3A_551], %broadcast_in_dim3A_1 {strides = array<i32>} : memref<40x128xf32, #tpu.memory_space<vmem>>, vector<16xf32>,
    %swap3A_553 = arith.constant 17 : i32
    %swap3A_554 = arith.index_cast %swap3A_553 : i32 to index
    %swap3A_555 = arith.constant 32 : index
    %swap3A_556 = tpu.vector_load %arg10[%swap3A_554, %swap3A_555] {strides = array<i32>} : memref<40x128xf32, #tpu.memory_space<vmem>>, vector<16xf32>,
    tpu.vector_store %arg10[%swap3A_554, %swap3A_555], %broadcast_in_dim3A_1 {strides = array<i32>} : memref<40x128xf32, #tpu.memory_space<vmem>>, vector<16xf32>,
    %swap3A_557 = arith.constant 17 : i32
    %swap3A_558 = arith.index_cast %swap3A_557 : i32 to index
    %swap3A_559 = arith.constant 48 : index
    %swap3A_560 = tpu.vector_load %arg10[%swap3A_558, %swap3A_559] {strides = array<i32>} : memref<40x128xf32, #tpu.memory_space<vmem>>, vector<16xf32>,
    tpu.vector_store %arg10[%swap3A_558, %swap3A_559], %broadcast_in_dim3A_1 {strides = array<i32>} : memref<40x128xf32, #tpu.memory_space<vmem>>, vector<16xf32>,
    %swap3A_561 = arith.constant 17 : i32
    %swap3A_562 = arith.index_cast %swap3A_561 : i32 to index
    %swap3A_563 = arith.constant 64 : index
    %swap3A_564 = tpu.vector_load %arg10[%swap3A_562, %swap3A_563] {strides = array<i32>} : memref<40x128xf32, #tpu.memory_space<vmem>>, vector<16xf32>,
    tpu.vector_store %arg10[%swap3A_562, %swap3A_563], %broadcast_in_dim3A_1 {strides = array<i32>} : memref<40x128xf32, #tpu.memory_space<vmem>>, vector<16xf32>,
    %swap3A_565 = arith.constant 17 : i32
    %swap3A_566 = arith.index_cast %swap3A_565 : i32 to index
    %swap3A_567 = arith.constant 80 : index
    %swap3A_568 = tpu.vector_load %arg10[%swap3A_566, %swap3A_567] {strides = array<i32>} : memref<40x128xf32, #tpu.memory_space<vmem>>, vector<16xf32>,
    tpu.vector_store %arg10[%swap3A_566, %swap3A_567], %broadcast_in_dim3A_1 {strides = array<i32>} : memref<40x128xf32, #tpu.memory_space<vmem>>, vector<16xf32>,
    %swap3A_569 = arith.constant 17 : i32
    %swap3A_570 = arith.index_cast %swap3A_569 : i32 to index
    %swap3A_571 = arith.constant 96 : index
    %swap3A_572 = tpu.vector_load %arg10[%swap3A_570, %swap3A_571] {strides = array<i32>} : memref<40x128xf32, #tpu.memory_space<vmem>>, vector<16xf32>,
    tpu.vector_store %arg10[%swap3A_570, %swap3A_571], %broadcast_in_dim3A_1 {strides = array<i32>} : memref<40x128xf32, #tpu.memory_space<vmem>>, vector<16xf32>,
    %swap3A_573 = arith.constant 17 : i32
    %swap3A_574 = arith.index_cast %swap3A_573 : i32 to index
    %swap3A_575 = arith.constant 112 : index
    %swap3A_576 = tpu.vector_load %arg10[%swap3A_574, %swap3A_575] {strides = array<i32>} : memref<40x128xf32, #tpu.memory_space<vmem>>, vector<16xf32>,
    tpu.vector_store %arg10[%swap3A_574, %swap3A_575], %broadcast_in_dim3A_1 {strides = array<i32>} : memref<40x128xf32, #tpu.memory_space<vmem>>, vector<16xf32>,
    %swap3A_577 = arith.constant 18 : i32
    %swap3A_578 = arith.index_cast %swap3A_577 : i32 to index
    %swap3A_579 = arith.constant 0 : index
    %swap3A_580 = tpu.vector_load %arg10[%swap3A_578, %swap3A_579] {strides = array<i32>} : memref<40x128xf32, #tpu.memory_space<vmem>>, vector<16xf32>,
    tpu.vector_store %arg10[%swap3A_578, %swap3A_579], %broadcast_in_dim3A_1 {strides = array<i32>} : memref<40x128xf32, #tpu.memory_space<vmem>>, vector<16xf32>,
    %swap3A_581 = arith.constant 18 : i32
    %swap3A_582 = arith.index_cast %swap3A_581 : i32 to index
    %swap3A_583 = arith.constant 16 : index
    %swap3A_584 = tpu.vector_load %arg10[%swap3A_582, %swap3A_583] {strides = array<i32>} : memref<40x128xf32, #tpu.memory_space<vmem>>, vector<16xf32>,
    tpu.vector_store %arg10[%swap3A_582, %swap3A_583], %broadcast_in_dim3A_1 {strides = array<i32>} : memref<40x128xf32, #tpu.memory_space<vmem>>, vector<16xf32>,
    %swap3A_585 = arith.constant 18 : i32
    %swap3A_586 = arith.index_cast %swap3A_585 : i32 to index
    %swap3A_587 = arith.constant 32 : index
    %swap3A_588 = tpu.vector_load %arg10[%swap3A_586, %swap3A_587] {strides = array<i32>} : memref<40x128xf32, #tpu.memory_space<vmem>>, vector<16xf32>,
    tpu.vector_store %arg10[%swap3A_586, %swap3A_587], %broadcast_in_dim3A_1 {strides = array<i32>} : memref<40x128xf32, #tpu.memory_space<vmem>>, vector<16xf32>,
    %swap3A_589 = arith.constant 18 : i32
    %swap3A_590 = arith.index_cast %swap3A_589 : i32 to index
    %swap3A_591 = arith.constant 48 : index
    %swap3A_592 = tpu.vector_load %arg10[%swap3A_590, %swap3A_591] {strides = array<i32>} : memref<40x128xf32, #tpu.memory_space<vmem>>, vector<16xf32>,
    tpu.vector_store %arg10[%swap3A_590, %swap3A_591], %broadcast_in_dim3A_1 {strides = array<i32>} : memref<40x128xf32, #tpu.memory_space<vmem>>, vector<16xf32>,
    %swap3A_593 = arith.constant 18 : i32
    %swap3A_594 = arith.index_cast %swap3A_593 : i32 to index
    %swap3A_595 = arith.constant 64 : index
    %swap3A_596 = tpu.vector_load %arg10[%swap3A_594, %swap3A_595] {strides = array<i32>} : memref<40x128xf32, #tpu.memory_space<vmem>>, vector<16xf32>,
    tpu.vector_store %arg10[%swap3A_594, %swap3A_595], %broadcast_in_dim3A_1 {strides = array<i32>} : memref<40x128xf32, #tpu.memory_space<vmem>>, vector<16xf32>,
    %swap3A_597 = arith.constant 18 : i32
    %swap3A_598 = arith.index_cast %swap3A_597 : i32 to index
    %swap3A_599 = arith.constant 80 : index
    %swap3A_600 = tpu.vector_load %arg10[%swap3A_598, %swap3A_599] {strides = array<i32>} : memref<40x128xf32, #tpu.memory_space<vmem>>, vector<16xf32>,
    tpu.vector_store %arg10[%swap3A_598, %swap3A_599], %broadcast_in_dim3A_1 {strides = array<i32>} : memref<40x128xf32, #tpu.memory_space<vmem>>, vector<16xf32>,
    %swap3A_601 = arith.constant 18 : i32
    %swap3A_602 = arith.index_cast %swap3A_601 : i32 to index
    %swap3A_603 = arith.constant 96 : index
    %swap3A_604 = tpu.vector_load %arg10[%swap3A_602, %swap3A_603] {strides = array<i32>} : memref<40x128xf32, #tpu.memory_space<vmem>>, vector<16xf32>,
    tpu.vector_store %arg10[%swap3A_602, %swap3A_603], %broadcast_in_dim3A_1 {strides = array<i32>} : memref<40x128xf32, #tpu.memory_space<vmem>>, vector<16xf32>,
    %swap3A_605 = arith.constant 18 : i32
    %swap3A_606 = arith.index_cast %swap3A_605 : i32 to index
    %swap3A_607 = arith.constant 112 : index
    %swap3A_608 = tpu.vector_load %arg10[%swap3A_606, %swap3A_607] {strides = array<i32>} : memref<40x128xf32, #tpu.memory_space<vmem>>, vector<16xf32>,
    tpu.vector_store %arg10[%swap3A_606, %swap3A_607], %broadcast_in_dim3A_1 {strides = array<i32>} : memref<40x128xf32, #tpu.memory_space<vmem>>, vector<16xf32>,
    %swap3A_609 = arith.constant 19 : i32
    %swap3A_610 = arith.index_cast %swap3A_609 : i32 to index
    %swap3A_611 = arith.constant 0 : index
    %swap3A_612 = tpu.vector_load %arg10[%swap3A_610, %swap3A_611] {strides = array<i32>} : memref<40x128xf32, #tpu.memory_space<vmem>>, vector<16xf32>,
    tpu.vector_store %arg10[%swap3A_610, %swap3A_611], %broadcast_in_dim3A_1 {strides = array<i32>} : memref<40x128xf32, #tpu.memory_space<vmem>>, vector<16xf32>,
    %swap3A_613 = arith.constant 19 : i32
    %swap3A_614 = arith.index_cast %swap3A_613 : i32 to index
    %swap3A_615 = arith.constant 16 : index
    %swap3A_616 = tpu.vector_load %arg10[%swap3A_614, %swap3A_615] {strides = array<i32>} : memref<40x128xf32, #tpu.memory_space<vmem>>, vector<16xf32>,
    tpu.vector_store %arg10[%swap3A_614, %swap3A_615], %broadcast_in_dim3A_1 {strides = array<i32>} : memref<40x128xf32, #tpu.memory_space<vmem>>, vector<16xf32>,
    %swap3A_617 = arith.constant 19 : i32
    %swap3A_618 = arith.index_cast %swap3A_617 : i32 to index
    %swap3A_619 = arith.constant 32 : index
    %swap3A_620 = tpu.vector_load %arg10[%swap3A_618, %swap3A_619] {strides = array<i32>} : memref<40x128xf32, #tpu.memory_space<vmem>>, vector<16xf32>,
    tpu.vector_store %arg10[%swap3A_618, %swap3A_619], %broadcast_in_dim3A_1 {strides = array<i32>} : memref<40x128xf32, #tpu.memory_space<vmem>>, vector<16xf32>,
    %swap3A_621 = arith.constant 19 : i32
    %swap3A_622 = arith.index_cast %swap3A_621 : i32 to index
    %swap3A_623 = arith.constant 48 : index
    %swap3A_624 = tpu.vector_load %arg10[%swap3A_622, %swap3A_623] {strides = array<i32>} : memref<40x128xf32, #tpu.memory_space<vmem>>, vector<16xf32>,
    tpu.vector_store %arg10[%swap3A_622, %swap3A_623], %broadcast_in_dim3A_1 {strides = array<i32>} : memref<40x128xf32, #tpu.memory_space<vmem>>, vector<16xf32>,
    %swap3A_625 = arith.constant 19 : i32
    %swap3A_626 = arith.index_cast %swap3A_625 : i32 to index
    %swap3A_627 = arith.constant 64 : index
    %swap3A_628 = tpu.vector_load %arg10[%swap3A_626, %swap3A_627] {strides = array<i32>} : memref<40x128xf32, #tpu.memory_space<vmem>>, vector<16xf32>,
    tpu.vector_store %arg10[%swap3A_626, %swap3A_627], %broadcast_in_dim3A_1 {strides = array<i32>} : memref<40x128xf32, #tpu.memory_space<vmem>>, vector<16xf32>,
    %swap3A_629 = arith.constant 19 : i32
    %swap3A_630 = arith.index_cast %swap3A_629 : i32 to index
    %swap3A_631 = arith.constant 80 : index
    %swap3A_632 = tpu.vector_load %arg10[%swap3A_630, %swap3A_631] {strides = array<i32>} : memref<40x128xf32, #tpu.memory_space<vmem>>, vector<16xf32>,
    tpu.vector_store %arg10[%swap3A_630, %swap3A_631], %broadcast_in_dim3A_1 {strides = array<i32>} : memref<40x128xf32, #tpu.memory_space<vmem>>, vector<16xf32>,
    %swap3A_633 = arith.constant 19 : i32
    %swap3A_634 = arith.index_cast %swap3A_633 : i32 to index
    %swap3A_635 = arith.constant 96 : index
    %swap3A_636 = tpu.vector_load %arg10[%swap3A_634, %swap3A_635] {strides = array<i32>} : memref<40x128xf32, #tpu.memory_space<vmem>>, vector<16xf32>,
    tpu.vector_store %arg10[%swap3A_634, %swap3A_635], %broadcast_in_dim3A_1 {strides = array<i32>} : memref<40x128xf32, #tpu.memory_space<vmem>>, vector<16xf32>,
    %swap3A_637 = arith.constant 19 : i32
    %swap3A_638 = arith.index_cast %swap3A_637 : i32 to index
    %swap3A_639 = arith.constant 112 : index
    %swap3A_640 = tpu.vector_load %arg10[%swap3A_638, %swap3A_639] {strides = array<i32>} : memref<40x128xf32, #tpu.memory_space<vmem>>, vector<16xf32>,
    tpu.vector_store %arg10[%swap3A_638, %swap3A_639], %broadcast_in_dim3A_1 {strides = array<i32>} : memref<40x128xf32, #tpu.memory_space<vmem>>, vector<16xf32>,
    %swap3A_641 = arith.constant 20 : i32
    %swap3A_642 = arith.index_cast %swap3A_641 : i32 to index
    %swap3A_643 = arith.constant 0 : index
    %swap3A_644 = tpu.vector_load %arg10[%swap3A_642, %swap3A_643] {strides = array<i32>} : memref<40x128xf32, #tpu.memory_space<vmem>>, vector<16xf32>,
    tpu.vector_store %arg10[%swap3A_642, %swap3A_643], %broadcast_in_dim3A_1 {strides = array<i32>} : memref<40x128xf32, #tpu.memory_space<vmem>>, vector<16xf32>,
    %swap3A_645 = arith.constant 20 : i32
    %swap3A_646 = arith.index_cast %swap3A_645 : i32 to index
    %swap3A_647 = arith.constant 16 : index
    %swap3A_648 = tpu.vector_load %arg10[%swap3A_646, %swap3A_647] {strides = array<i32>} : memref<40x128xf32, #tpu.memory_space<vmem>>, vector<16xf32>,
    tpu.vector_store %arg10[%swap3A_646, %swap3A_647], %broadcast_in_dim3A_1 {strides = array<i32>} : memref<40x128xf32, #tpu.memory_space<vmem>>, vector<16xf32>,
    %swap3A_649 = arith.constant 20 : i32
    %swap3A_650 = arith.index_cast %swap3A_649 : i32 to index
    %swap3A_651 = arith.constant 32 : index
    %swap3A_652 = tpu.vector_load %arg10[%swap3A_650, %swap3A_651] {strides = array<i32>} : memref<40x128xf32, #tpu.memory_space<vmem>>, vector<16xf32>,
    tpu.vector_store %arg10[%swap3A_650, %swap3A_651], %broadcast_in_dim3A_1 {strides = array<i32>} : memref<40x128xf32, #tpu.memory_space<vmem>>, vector<16xf32>,
    %swap3A_653 = arith.constant 20 : i32
    %swap3A_654 = arith.index_cast %swap3A_653 : i32 to index
    %swap3A_655 = arith.constant 48 : index
    %swap3A_656 = tpu.vector_load %arg10[%swap3A_654, %swap3A_655] {strides = array<i32>} : memref<40x128xf32, #tpu.memory_space<vmem>>, vector<16xf32>,
    tpu.vector_store %arg10[%swap3A_654, %swap3A_655], %broadcast_in_dim3A_1 {strides = array<i32>} : memref<40x128xf32, #tpu.memory_space<vmem>>, vector<16xf32>,
    %swap3A_657 = arith.constant 20 : i32
    %swap3A_658 = arith.index_cast %swap3A_657 : i32 to index
    %swap3A_659 = arith.constant 64 : index
    %swap3A_660 = tpu.vector_load %arg10[%swap3A_658, %swap3A_659] {strides = array<i32>} : memref<40x128xf32, #tpu.memory_space<vmem>>, vector<16xf32>,
    tpu.vector_store %arg10[%swap3A_658, %swap3A_659], %broadcast_in_dim3A_1 {strides = array<i32>} : memref<40x128xf32, #tpu.memory_space<vmem>>, vector<16xf32>,
    %swap3A_661 = arith.constant 20 : i32
    %swap3A_662 = arith.index_cast %swap3A_661 : i32 to index
    %swap3A_663 = arith.constant 80 : index
    %swap3A_664 = tpu.vector_load %arg10[%swap3A_662, %swap3A_663] {strides = array<i32>} : memref<40x128xf32, #tpu.memory_space<vmem>>, vector<16xf32>,
    tpu.vector_store %arg10[%swap3A_662, %swap3A_663], %broadcast_in_dim3A_1 {strides = array<i32>} : memref<40x128xf32, #tpu.memory_space<vmem>>, vector<16xf32>,
    %swap3A_665 = arith.constant 20 : i32
    %swap3A_666 = arith.index_cast %swap3A_665 : i32 to index
    %swap3A_667 = arith.constant 96 : index
    %swap3A_668 = tpu.vector_load %arg10[%swap3A_666, %swap3A_667] {strides = array<i32>} : memref<40x128xf32, #tpu.memory_space<vmem>>, vector<16xf32>,
    tpu.vector_store %arg10[%swap3A_666, %swap3A_667], %broadcast_in_dim3A_1 {strides = array<i32>} : memref<40x128xf32, #tpu.memory_space<vmem>>, vector<16xf32>,
    %swap3A_669 = arith.constant 20 : i32
    %swap3A_670 = arith.index_cast %swap3A_669 : i32 to index
    %swap3A_671 = arith.constant 112 : index
    %swap3A_672 = tpu.vector_load %arg10[%swap3A_670, %swap3A_671] {strides = array<i32>} : memref<40x128xf32, #tpu.memory_space<vmem>>, vector<16xf32>,
    tpu.vector_store %arg10[%swap3A_670, %swap3A_671], %broadcast_in_dim3A_1 {strides = array<i32>} : memref<40x128xf32, #tpu.memory_space<vmem>>, vector<16xf32>,
    %swap3A_673 = arith.constant 21 : i32
    %swap3A_674 = arith.index_cast %swap3A_673 : i32 to index
    %swap3A_675 = arith.constant 0 : index
    %swap3A_676 = tpu.vector_load %arg10[%swap3A_674, %swap3A_675] {strides = array<i32>} : memref<40x128xf32, #tpu.memory_space<vmem>>, vector<16xf32>,
    tpu.vector_store %arg10[%swap3A_674, %swap3A_675], %broadcast_in_dim3A_1 {strides = array<i32>} : memref<40x128xf32, #tpu.memory_space<vmem>>, vector<16xf32>,
    %swap3A_677 = arith.constant 21 : i32
    %swap3A_678 = arith.index_cast %swap3A_677 : i32 to index
    %swap3A_679 = arith.constant 16 : index
    %swap3A_680 = tpu.vector_load %arg10[%swap3A_678, %swap3A_679] {strides = array<i32>} : memref<40x128xf32, #tpu.memory_space<vmem>>, vector<16xf32>,
    tpu.vector_store %arg10[%swap3A_678, %swap3A_679], %broadcast_in_dim3A_1 {strides = array<i32>} : memref<40x128xf32, #tpu.memory_space<vmem>>, vector<16xf32>,
    %swap3A_681 = arith.constant 21 : i32
    %swap3A_682 = arith.index_cast %swap3A_681 : i32 to index
    %swap3A_683 = arith.constant 32 : index
    %swap3A_684 = tpu.vector_load %arg10[%swap3A_682, %swap3A_683] {strides = array<i32>} : memref<40x128xf32, #tpu.memory_space<vmem>>, vector<16xf32>,
    tpu.vector_store %arg10[%swap3A_682, %swap3A_683], %broadcast_in_dim3A_1 {strides = array<i32>} : memref<40x128xf32, #tpu.memory_space<vmem>>, vector<16xf32>,
    %swap3A_685 = arith.constant 21 : i32
    %swap3A_686 = arith.index_cast %swap3A_685 : i32 to index
    %swap3A_687 = arith.constant 48 : index
    %swap3A_688 = tpu.vector_load %arg10[%swap3A_686, %swap3A_687] {strides = array<i32>} : memref<40x128xf32, #tpu.memory_space<vmem>>, vector<16xf32>,
    tpu.vector_store %arg10[%swap3A_686, %swap3A_687], %broadcast_in_dim3A_1 {strides = array<i32>} : memref<40x128xf32, #tpu.memory_space<vmem>>, vector<16xf32>,
    %swap3A_689 = arith.constant 21 : i32
    %swap3A_690 = arith.index_cast %swap3A_689 : i32 to index
    %swap3A_691 = arith.constant 64 : index
    %swap3A_692 = tpu.vector_load %arg10[%swap3A_690, %swap3A_691] {strides = array<i32>} : memref<40x128xf32, #tpu.memory_space<vmem>>, vector<16xf32>,
    tpu.vector_store %arg10[%swap3A_690, %swap3A_691], %broadcast_in_dim3A_1 {strides = array<i32>} : memref<40x128xf32, #tpu.memory_space<vmem>>, vector<16xf32>,
    %swap3A_693 = arith.constant 21 : i32
    %swap3A_694 = arith.index_cast %swap3A_693 : i32 to index
    %swap3A_695 = arith.constant 80 : index
    %swap3A_696 = tpu.vector_load %arg10[%swap3A_694, %swap3A_695] {strides = array<i32>} : memref<40x128xf32, #tpu.memory_space<vmem>>, vector<16xf32>,
    tpu.vector_store %arg10[%swap3A_694, %swap3A_695], %broadcast_in_dim3A_1 {strides = array<i32>} : memref<40x128xf32, #tpu.memory_space<vmem>>, vector<16xf32>,
    %swap3A_697 = arith.constant 21 : i32
    %swap3A_698 = arith.index_cast %swap3A_697 : i32 to index
    %swap3A_699 = arith.constant 96 : index
    %swap3A_700 = tpu.vector_load %arg10[%swap3A_698, %swap3A_699] {strides = array<i32>} : memref<40x128xf32, #tpu.memory_space<vmem>>, vector<16xf32>,
    tpu.vector_store %arg10[%swap3A_698, %swap3A_699], %broadcast_in_dim3A_1 {strides = array<i32>} : memref<40x128xf32, #tpu.memory_space<vmem>>, vector<16xf32>,
    %swap3A_701 = arith.constant 21 : i32
    %swap3A_702 = arith.index_cast %swap3A_701 : i32 to index
    %swap3A_703 = arith.constant 112 : index
    %swap3A_704 = tpu.vector_load %arg10[%swap3A_702, %swap3A_703] {strides = array<i32>} : memref<40x128xf32, #tpu.memory_space<vmem>>, vector<16xf32>,
    tpu.vector_store %arg10[%swap3A_702, %swap3A_703], %broadcast_in_dim3A_1 {strides = array<i32>} : memref<40x128xf32, #tpu.memory_space<vmem>>, vector<16xf32>,
    %swap3A_705 = arith.constant 22 : i32
    %swap3A_706 = arith.index_cast %swap3A_705 : i32 to index
    %swap3A_707 = arith.constant 0 : index
    %swap3A_708 = tpu.vector_load %arg10[%swap3A_706, %swap3A_707] {strides = array<i32>} : memref<40x128xf32, #tpu.memory_space<vmem>>, vector<16xf32>,
    tpu.vector_store %arg10[%swap3A_706, %swap3A_707], %broadcast_in_dim3A_1 {strides = array<i32>} : memref<40x128xf32, #tpu.memory_space<vmem>>, vector<16xf32>,
    %swap3A_709 = arith.constant 22 : i32
    %swap3A_710 = arith.index_cast %swap3A_709 : i32 to index
    %swap3A_711 = arith.constant 16 : index
    %swap3A_712 = tpu.vector_load %arg10[%swap3A_710, %swap3A_711] {strides = array<i32>} : memref<40x128xf32, #tpu.memory_space<vmem>>, vector<16xf32>,
    tpu.vector_store %arg10[%swap3A_710, %swap3A_711], %broadcast_in_dim3A_1 {strides = array<i32>} : memref<40x128xf32, #tpu.memory_space<vmem>>, vector<16xf32>,
    %swap3A_713 = arith.constant 22 : i32
    %swap3A_714 = arith.index_cast %swap3A_713 : i32 to index
    %swap3A_715 = arith.constant 32 : index
    %swap3A_716 = tpu.vector_load %arg10[%swap3A_714, %swap3A_715] {strides = array<i32>} : memref<40x128xf32, #tpu.memory_space<vmem>>, vector<16xf32>,
    tpu.vector_store %arg10[%swap3A_714, %swap3A_715], %broadcast_in_dim3A_1 {strides = array<i32>} : memref<40x128xf32, #tpu.memory_space<vmem>>, vector<16xf32>,
    %swap3A_717 = arith.constant 22 : i32
    %swap3A_718 = arith.index_cast %swap3A_717 : i32 to index
    %swap3A_719 = arith.constant 48 : index
    %swap3A_720 = tpu.vector_load %arg10[%swap3A_718, %swap3A_719] {strides = array<i32>} : memref<40x128xf32, #tpu.memory_space<vmem>>, vector<16xf32>,
    tpu.vector_store %arg10[%swap3A_718, %swap3A_719], %broadcast_in_dim3A_1 {strides = array<i32>} : memref<40x128xf32, #tpu.memory_space<vmem>>, vector<16xf32>,
    %swap3A_721 = arith.constant 22 : i32
    %swap3A_722 = arith.index_cast %swap3A_721 : i32 to index
    %swap3A_723 = arith.constant 64 : index
    %swap3A_724 = tpu.vector_load %arg10[%swap3A_722, %swap3A_723] {strides = array<i32>} : memref<40x128xf32, #tpu.memory_space<vmem>>, vector<16xf32>,
    tpu.vector_store %arg10[%swap3A_722, %swap3A_723], %broadcast_in_dim3A_1 {strides = array<i32>} : memref<40x128xf32, #tpu.memory_space<vmem>>, vector<16xf32>,
    %swap3A_725 = arith.constant 22 : i32
    %swap3A_726 = arith.index_cast %swap3A_725 : i32 to index
    %swap3A_727 = arith.constant 80 : index
    %swap3A_728 = tpu.vector_load %arg10[%swap3A_726, %swap3A_727] {strides = array<i32>} : memref<40x128xf32, #tpu.memory_space<vmem>>, vector<16xf32>,
    tpu.vector_store %arg10[%swap3A_726, %swap3A_727], %broadcast_in_dim3A_1 {strides = array<i32>} : memref<40x128xf32, #tpu.memory_space<vmem>>, vector<16xf32>,
    %swap3A_729 = arith.constant 22 : i32
    %swap3A_730 = arith.index_cast %swap3A_729 : i32 to index
    %swap3A_731 = arith.constant 96 : index
    %swap3A_732 = tpu.vector_load %arg10[%swap3A_730, %swap3A_731] {strides = array<i32>} : memref<40x128xf32, #tpu.memory_space<vmem>>, vector<16xf32>,
    tpu.vector_store %arg10[%swap3A_730, %swap3A_731], %broadcast_in_dim3A_1 {strides = array<i32>} : memref<40x128xf32, #tpu.memory_space<vmem>>, vector<16xf32>,
    %swap3A_733 = arith.constant 22 : i32
    %swap3A_734 = arith.index_cast %swap3A_733 : i32 to index
    %swap3A_735 = arith.constant 112 : index
    %swap3A_736 = tpu.vector_load %arg10[%swap3A_734, %swap3A_735] {strides = array<i32>} : memref<40x128xf32, #tpu.memory_space<vmem>>, vector<16xf32>,
    tpu.vector_store %arg10[%swap3A_734, %swap3A_735], %broadcast_in_dim3A_1 {strides = array<i32>} : memref<40x128xf32, #tpu.memory_space<vmem>>, vector<16xf32>,
    %swap3A_737 = arith.constant 23 : i32
    %swap3A_738 = arith.index_cast %swap3A_737 : i32 to index
    %swap3A_739 = arith.constant 0 : index
    %swap3A_740 = tpu.vector_load %arg10[%swap3A_738, %swap3A_739] {strides = array<i32>} : memref<40x128xf32, #tpu.memory_space<vmem>>, vector<16xf32>,
    tpu.vector_store %arg10[%swap3A_738, %swap3A_739], %broadcast_in_dim3A_1 {strides = array<i32>} : memref<40x128xf32, #tpu.memory_space<vmem>>, vector<16xf32>,
    %swap3A_741 = arith.constant 23 : i32
    %swap3A_742 = arith.index_cast %swap3A_741 : i32 to index
    %swap3A_743 = arith.constant 16 : index
    %swap3A_744 = tpu.vector_load %arg10[%swap3A_742, %swap3A_743] {strides = array<i32>} : memref<40x128xf32, #tpu.memory_space<vmem>>, vector<16xf32>,
    tpu.vector_store %arg10[%swap3A_742, %swap3A_743], %broadcast_in_dim3A_1 {strides = array<i32>} : memref<40x128xf32, #tpu.memory_space<vmem>>, vector<16xf32>,
    %swap3A_745 = arith.constant 23 : i32
    %swap3A_746 = arith.index_cast %swap3A_745 : i32 to index
    %swap3A_747 = arith.constant 32 : index
    %swap3A_748 = tpu.vector_load %arg10[%swap3A_746, %swap3A_747] {strides = array<i32>} : memref<40x128xf32, #tpu.memory_space<vmem>>, vector<16xf32>,
    tpu.vector_store %arg10[%swap3A_746, %swap3A_747], %broadcast_in_dim3A_1 {strides = array<i32>} : memref<40x128xf32, #tpu.memory_space<vmem>>, vector<16xf32>,
    %swap3A_749 = arith.constant 23 : i32
    %swap3A_750 = arith.index_cast %swap3A_749 : i32 to index
    %swap3A_751 = arith.constant 48 : index
    %swap3A_752 = tpu.vector_load %arg10[%swap3A_750, %swap3A_751] {strides = array<i32>} : memref<40x128xf32, #tpu.memory_space<vmem>>, vector<16xf32>,
    tpu.vector_store %arg10[%swap3A_750, %swap3A_751], %broadcast_in_dim3A_1 {strides = array<i32>} : memref<40x128xf32, #tpu.memory_space<vmem>>, vector<16xf32>,
    %swap3A_753 = arith.constant 23 : i32
    %swap3A_754 = arith.index_cast %swap3A_753 : i32 to index
    %swap3A_755 = arith.constant 64 : index
    %swap3A_756 = tpu.vector_load %arg10[%swap3A_754, %swap3A_755] {strides = array<i32>} : memref<40x128xf32, #tpu.memory_space<vmem>>, vector<16xf32>,
    tpu.vector_store %arg10[%swap3A_754, %swap3A_755], %broadcast_in_dim3A_1 {strides = array<i32>} : memref<40x128xf32, #tpu.memory_space<vmem>>, vector<16xf32>,
    %swap3A_757 = arith.constant 23 : i32
    %swap3A_758 = arith.index_cast %swap3A_757 : i32 to index
    %swap3A_759 = arith.constant 80 : index
    %swap3A_760 = tpu.vector_load %arg10[%swap3A_758, %swap3A_759] {strides = array<i32>} : memref<40x128xf32, #tpu.memory_space<vmem>>, vector<16xf32>,
    tpu.vector_store %arg10[%swap3A_758, %swap3A_759], %broadcast_in_dim3A_1 {strides = array<i32>} : memref<40x128xf32, #tpu.memory_space<vmem>>, vector<16xf32>,
    %swap3A_761 = arith.constant 23 : i32
    %swap3A_762 = arith.index_cast %swap3A_761 : i32 to index
    %swap3A_763 = arith.constant 96 : index
    %swap3A_764 = tpu.vector_load %arg10[%swap3A_762, %swap3A_763] {strides = array<i32>} : memref<40x128xf32, #tpu.memory_space<vmem>>, vector<16xf32>,
    tpu.vector_store %arg10[%swap3A_762, %swap3A_763], %broadcast_in_dim3A_1 {strides = array<i32>} : memref<40x128xf32, #tpu.memory_space<vmem>>, vector<16xf32>,
    %swap3A_765 = arith.constant 23 : i32
    %swap3A_766 = arith.index_cast %swap3A_765 : i32 to index
    %swap3A_767 = arith.constant 112 : index
    %swap3A_768 = tpu.vector_load %arg10[%swap3A_766, %swap3A_767] {strides = array<i32>} : memref<40x128xf32, #tpu.memory_space<vmem>>, vector<16xf32>,
    tpu.vector_store %arg10[%swap3A_766, %swap3A_767], %broadcast_in_dim3A_1 {strides = array<i32>} : memref<40x128xf32, #tpu.memory_space<vmem>>, vector<16xf32>,
    %swap3A_769 = arith.constant 24 : i32
    %swap3A_770 = arith.index_cast %swap3A_769 : i32 to index
    %swap3A_771 = arith.constant 0 : index
    %swap3A_772 = tpu.vector_load %arg10[%swap3A_770, %swap3A_771] {strides = array<i32>} : memref<40x128xf32, #tpu.memory_space<vmem>>, vector<16xf32>,
    tpu.vector_store %arg10[%swap3A_770, %swap3A_771], %broadcast_in_dim3A_1 {strides = array<i32>} : memref<40x128xf32, #tpu.memory_space<vmem>>, vector<16xf32>,
    %swap3A_773 = arith.constant 24 : i32
    %swap3A_774 = arith.index_cast %swap3A_773 : i32 to index
    %swap3A_775 = arith.constant 16 : index
    %swap3A_776 = tpu.vector_load %arg10[%swap3A_774, %swap3A_775] {strides = array<i32>} : memref<40x128xf32, #tpu.memory_space<vmem>>, vector<16xf32>,
    tpu.vector_store %arg10[%swap3A_774, %swap3A_775], %broadcast_in_dim3A_1 {strides = array<i32>} : memref<40x128xf32, #tpu.memory_space<vmem>>, vector<16xf32>,
    %swap3A_777 = arith.constant 24 : i32
    %swap3A_778 = arith.index_cast %swap3A_777 : i32 to index
    %swap3A_779 = arith.constant 32 : index
    %swap3A_780 = tpu.vector_load %arg10[%swap3A_778, %swap3A_779] {strides = array<i32>} : memref<40x128xf32, #tpu.memory_space<vmem>>, vector<16xf32>,
    tpu.vector_store %arg10[%swap3A_778, %swap3A_779], %broadcast_in_dim3A_1 {strides = array<i32>} : memref<40x128xf32, #tpu.memory_space<vmem>>, vector<16xf32>,
    %swap3A_781 = arith.constant 24 : i32
    %swap3A_782 = arith.index_cast %swap3A_781 : i32 to index
    %swap3A_783 = arith.constant 48 : index
    %swap3A_784 = tpu.vector_load %arg10[%swap3A_782, %swap3A_783] {strides = array<i32>} : memref<40x128xf32, #tpu.memory_space<vmem>>, vector<16xf32>,
    tpu.vector_store %arg10[%swap3A_782, %swap3A_783], %broadcast_in_dim3A_1 {strides = array<i32>} : memref<40x128xf32, #tpu.memory_space<vmem>>, vector<16xf32>,
    %swap3A_785 = arith.constant 24 : i32
    %swap3A_786 = arith.index_cast %swap3A_785 : i32 to index
    %swap3A_787 = arith.constant 64 : index
    %swap3A_788 = tpu.vector_load %arg10[%swap3A_786, %swap3A_787] {strides = array<i32>} : memref<40x128xf32, #tpu.memory_space<vmem>>, vector<16xf32>,
    tpu.vector_store %arg10[%swap3A_786, %swap3A_787], %broadcast_in_dim3A_1 {strides = array<i32>} : memref<40x128xf32, #tpu.memory_space<vmem>>, vector<16xf32>,
    %swap3A_789 = arith.constant 24 : i32
    %swap3A_790 = arith.index_cast %swap3A_789 : i32 to index
    %swap3A_791 = arith.constant 80 : index
    %swap3A_792 = tpu.vector_load %arg10[%swap3A_790, %swap3A_791] {strides = array<i32>} : memref<40x128xf32, #tpu.memory_space<vmem>>, vector<16xf32>,
    tpu.vector_store %arg10[%swap3A_790, %swap3A_791], %broadcast_in_dim3A_1 {strides = array<i32>} : memref<40x128xf32, #tpu.memory_space<vmem>>, vector<16xf32>,
    %swap3A_793 = arith.constant 24 : i32
    %swap3A_794 = arith.index_cast %swap3A_793 : i32 to index
    %swap3A_795 = arith.constant 96 : index
    %swap3A_796 = tpu.vector_load %arg10[%swap3A_794, %swap3A_795] {strides = array<i32>} : memref<40x128xf32, #tpu.memory_space<vmem>>, vector<16xf32>,
    tpu.vector_store %arg10[%swap3A_794, %swap3A_795], %broadcast_in_dim3A_1 {strides = array<i32>} : memref<40x128xf32, #tpu.memory_space<vmem>>, vector<16xf32>,
    %swap3A_797 = arith.constant 24 : i32
    %swap3A_798 = arith.index_cast %swap3A_797 : i32 to index
    %swap3A_799 = arith.constant 112 : index
    %swap3A_800 = tpu.vector_load %arg10[%swap3A_798, %swap3A_799] {strides = array<i32>} : memref<40x128xf32, #tpu.memory_space<vmem>>, vector<16xf32>,
    tpu.vector_store %arg10[%swap3A_798, %swap3A_799], %broadcast_in_dim3A_1 {strides = array<i32>} : memref<40x128xf32, #tpu.memory_space<vmem>>, vector<16xf32>,
    %swap3A_801 = arith.constant 25 : i32
    %swap3A_802 = arith.index_cast %swap3A_801 : i32 to index
    %swap3A_803 = arith.constant 0 : index
    %swap3A_804 = tpu.vector_load %arg10[%swap3A_802, %swap3A_803] {strides = array<i32>} : memref<40x128xf32, #tpu.memory_space<vmem>>, vector<16xf32>,
    tpu.vector_store %arg10[%swap3A_802, %swap3A_803], %broadcast_in_dim3A_1 {strides = array<i32>} : memref<40x128xf32, #tpu.memory_space<vmem>>, vector<16xf32>,
    %swap3A_805 = arith.constant 25 : i32
    %swap3A_806 = arith.index_cast %swap3A_805 : i32 to index
    %swap3A_807 = arith.constant 16 : index
    %swap3A_808 = tpu.vector_load %arg10[%swap3A_806, %swap3A_807] {strides = array<i32>} : memref<40x128xf32, #tpu.memory_space<vmem>>, vector<16xf32>,
    tpu.vector_store %arg10[%swap3A_806, %swap3A_807], %broadcast_in_dim3A_1 {strides = array<i32>} : memref<40x128xf32, #tpu.memory_space<vmem>>, vector<16xf32>,
    %swap3A_809 = arith.constant 25 : i32
    %swap3A_810 = arith.index_cast %swap3A_809 : i32 to index
    %swap3A_811 = arith.constant 32 : index
    %swap3A_812 = tpu.vector_load %arg10[%swap3A_810, %swap3A_811] {strides = array<i32>} : memref<40x128xf32, #tpu.memory_space<vmem>>, vector<16xf32>,
    tpu.vector_store %arg10[%swap3A_810, %swap3A_811], %broadcast_in_dim3A_1 {strides = array<i32>} : memref<40x128xf32, #tpu.memory_space<vmem>>, vector<16xf32>,
    %swap3A_813 = arith.constant 25 : i32
    %swap3A_814 = arith.index_cast %swap3A_813 : i32 to index
    %swap3A_815 = arith.constant 48 : index
    %swap3A_816 = tpu.vector_load %arg10[%swap3A_814, %swap3A_815] {strides = array<i32>} : memref<40x128xf32, #tpu.memory_space<vmem>>, vector<16xf32>,
    tpu.vector_store %arg10[%swap3A_814, %swap3A_815], %broadcast_in_dim3A_1 {strides = array<i32>} : memref<40x128xf32, #tpu.memory_space<vmem>>, vector<16xf32>,
    %swap3A_817 = arith.constant 25 : i32
    %swap3A_818 = arith.index_cast %swap3A_817 : i32 to index
    %swap3A_819 = arith.constant 64 : index
    %swap3A_820 = tpu.vector_load %arg10[%swap3A_818, %swap3A_819] {strides = array<i32>} : memref<40x128xf32, #tpu.memory_space<vmem>>, vector<16xf32>,
    tpu.vector_store %arg10[%swap3A_818, %swap3A_819], %broadcast_in_dim3A_1 {strides = array<i32>} : memref<40x128xf32, #tpu.memory_space<vmem>>, vector<16xf32>,
    %swap3A_821 = arith.constant 25 : i32
    %swap3A_822 = arith.index_cast %swap3A_821 : i32 to index
    %swap3A_823 = arith.constant 80 : index
    %swap3A_824 = tpu.vector_load %arg10[%swap3A_822, %swap3A_823] {strides = array<i32>} : memref<40x128xf32, #tpu.memory_space<vmem>>, vector<16xf32>,
    tpu.vector_store %arg10[%swap3A_822, %swap3A_823], %broadcast_in_dim3A_1 {strides = array<i32>} : memref<40x128xf32, #tpu.memory_space<vmem>>, vector<16xf32>,
    %swap3A_825 = arith.constant 25 : i32
    %swap3A_826 = arith.index_cast %swap3A_825 : i32 to index
    %swap3A_827 = arith.constant 96 : index
    %swap3A_828 = tpu.vector_load %arg10[%swap3A_826, %swap3A_827] {strides = array<i32>} : memref<40x128xf32, #tpu.memory_space<vmem>>, vector<16xf32>,
    tpu.vector_store %arg10[%swap3A_826, %swap3A_827], %broadcast_in_dim3A_1 {strides = array<i32>} : memref<40x128xf32, #tpu.memory_space<vmem>>, vector<16xf32>,
    %swap3A_829 = arith.constant 25 : i32
    %swap3A_830 = arith.index_cast %swap3A_829 : i32 to index
    %swap3A_831 = arith.constant 112 : index
    %swap3A_832 = tpu.vector_load %arg10[%swap3A_830, %swap3A_831] {strides = array<i32>} : memref<40x128xf32, #tpu.memory_space<vmem>>, vector<16xf32>,
    tpu.vector_store %arg10[%swap3A_830, %swap3A_831], %broadcast_in_dim3A_1 {strides = array<i32>} : memref<40x128xf32, #tpu.memory_space<vmem>>, vector<16xf32>,
    %swap3A_833 = arith.constant 26 : i32
    %swap3A_834 = arith.index_cast %swap3A_833 : i32 to index
    %swap3A_835 = arith.constant 0 : index
    %swap3A_836 = tpu.vector_load %arg10[%swap3A_834, %swap3A_835] {strides = array<i32>} : memref<40x128xf32, #tpu.memory_space<vmem>>, vector<16xf32>,
    tpu.vector_store %arg10[%swap3A_834, %swap3A_835], %broadcast_in_dim3A_1 {strides = array<i32>} : memref<40x128xf32, #tpu.memory_space<vmem>>, vector<16xf32>,
    %swap3A_837 = arith.constant 26 : i32
    %swap3A_838 = arith.index_cast %swap3A_837 : i32 to index
    %swap3A_839 = arith.constant 16 : index
    %swap3A_840 = tpu.vector_load %arg10[%swap3A_838, %swap3A_839] {strides = array<i32>} : memref<40x128xf32, #tpu.memory_space<vmem>>, vector<16xf32>,
    tpu.vector_store %arg10[%swap3A_838, %swap3A_839], %broadcast_in_dim3A_1 {strides = array<i32>} : memref<40x128xf32, #tpu.memory_space<vmem>>, vector<16xf32>,
    %swap3A_841 = arith.constant 26 : i32
    %swap3A_842 = arith.index_cast %swap3A_841 : i32 to index
    %swap3A_843 = arith.constant 32 : index
    %swap3A_844 = tpu.vector_load %arg10[%swap3A_842, %swap3A_843] {strides = array<i32>} : memref<40x128xf32, #tpu.memory_space<vmem>>, vector<16xf32>,
    tpu.vector_store %arg10[%swap3A_842, %swap3A_843], %broadcast_in_dim3A_1 {strides = array<i32>} : memref<40x128xf32, #tpu.memory_space<vmem>>, vector<16xf32>,
    %swap3A_845 = arith.constant 26 : i32
    %swap3A_846 = arith.index_cast %swap3A_845 : i32 to index
    %swap3A_847 = arith.constant 48 : index
    %swap3A_848 = tpu.vector_load %arg10[%swap3A_846, %swap3A_847] {strides = array<i32>} : memref<40x128xf32, #tpu.memory_space<vmem>>, vector<16xf32>,
    tpu.vector_store %arg10[%swap3A_846, %swap3A_847], %broadcast_in_dim3A_1 {strides = array<i32>} : memref<40x128xf32, #tpu.memory_space<vmem>>, vector<16xf32>,
    %swap3A_849 = arith.constant 26 : i32
    %swap3A_850 = arith.index_cast %swap3A_849 : i32 to index
    %swap3A_851 = arith.constant 64 : index
    %swap3A_852 = tpu.vector_load %arg10[%swap3A_850, %swap3A_851] {strides = array<i32>} : memref<40x128xf32, #tpu.memory_space<vmem>>, vector<16xf32>,
    tpu.vector_store %arg10[%swap3A_850, %swap3A_851], %broadcast_in_dim3A_1 {strides = array<i32>} : memref<40x128xf32, #tpu.memory_space<vmem>>, vector<16xf32>,
    %swap3A_853 = arith.constant 26 : i32
    %swap3A_854 = arith.index_cast %swap3A_853 : i32 to index
    %swap3A_855 = arith.constant 80 : index
    %swap3A_856 = tpu.vector_load %arg10[%swap3A_854, %swap3A_855] {strides = array<i32>} : memref<40x128xf32, #tpu.memory_space<vmem>>, vector<16xf32>,
    tpu.vector_store %arg10[%swap3A_854, %swap3A_855], %broadcast_in_dim3A_1 {strides = array<i32>} : memref<40x128xf32, #tpu.memory_space<vmem>>, vector<16xf32>,
    %swap3A_857 = arith.constant 26 : i32
    %swap3A_858 = arith.index_cast %swap3A_857 : i32 to index
    %swap3A_859 = arith.constant 96 : index
    %swap3A_860 = tpu.vector_load %arg10[%swap3A_858, %swap3A_859] {strides = array<i32>} : memref<40x128xf32, #tpu.memory_space<vmem>>, vector<16xf32>,
    tpu.vector_store %arg10[%swap3A_858, %swap3A_859], %broadcast_in_dim3A_1 {strides = array<i32>} : memref<40x128xf32, #tpu.memory_space<vmem>>, vector<16xf32>,
    %swap3A_861 = arith.constant 26 : i32
    %swap3A_862 = arith.index_cast %swap3A_861 : i32 to index
    %swap3A_863 = arith.constant 112 : index
    %swap3A_864 = tpu.vector_load %arg10[%swap3A_862, %swap3A_863] {strides = array<i32>} : memref<40x128xf32, #tpu.memory_space<vmem>>, vector<16xf32>,
    tpu.vector_store %arg10[%swap3A_862, %swap3A_863], %broadcast_in_dim3A_1 {strides = array<i32>} : memref<40x128xf32, #tpu.memory_space<vmem>>, vector<16xf32>,
    %swap3A_865 = arith.constant 27 : i32
    %swap3A_866 = arith.index_cast %swap3A_865 : i32 to index
    %swap3A_867 = arith.constant 0 : index
    %swap3A_868 = tpu.vector_load %arg10[%swap3A_866, %swap3A_867] {strides = array<i32>} : memref<40x128xf32, #tpu.memory_space<vmem>>, vector<16xf32>,
    tpu.vector_store %arg10[%swap3A_866, %swap3A_867], %broadcast_in_dim3A_1 {strides = array<i32>} : memref<40x128xf32, #tpu.memory_space<vmem>>, vector<16xf32>,
    %swap3A_869 = arith.constant 27 : i32
    %swap3A_870 = arith.index_cast %swap3A_869 : i32 to index
    %swap3A_871 = arith.constant 16 : index
    %swap3A_872 = tpu.vector_load %arg10[%swap3A_870, %swap3A_871] {strides = array<i32>} : memref<40x128xf32, #tpu.memory_space<vmem>>, vector<16xf32>,
    tpu.vector_store %arg10[%swap3A_870, %swap3A_871], %broadcast_in_dim3A_1 {strides = array<i32>} : memref<40x128xf32, #tpu.memory_space<vmem>>, vector<16xf32>,
    %swap3A_873 = arith.constant 27 : i32
    %swap3A_874 = arith.index_cast %swap3A_873 : i32 to index
    %swap3A_875 = arith.constant 32 : index
    %swap3A_876 = tpu.vector_load %arg10[%swap3A_874, %swap3A_875] {strides = array<i32>} : memref<40x128xf32, #tpu.memory_space<vmem>>, vector<16xf32>,
    tpu.vector_store %arg10[%swap3A_874, %swap3A_875], %broadcast_in_dim3A_1 {strides = array<i32>} : memref<40x128xf32, #tpu.memory_space<vmem>>, vector<16xf32>,
    %swap3A_877 = arith.constant 27 : i32
    %swap3A_878 = arith.index_cast %swap3A_877 : i32 to index
    %swap3A_879 = arith.constant 48 : index
    %swap3A_880 = tpu.vector_load %arg10[%swap3A_878, %swap3A_879] {strides = array<i32>} : memref<40x128xf32, #tpu.memory_space<vmem>>, vector<16xf32>,
    tpu.vector_store %arg10[%swap3A_878, %swap3A_879], %broadcast_in_dim3A_1 {strides = array<i32>} : memref<40x128xf32, #tpu.memory_space<vmem>>, vector<16xf32>,
    %swap3A_881 = arith.constant 27 : i32
    %swap3A_882 = arith.index_cast %swap3A_881 : i32 to index
    %swap3A_883 = arith.constant 64 : index
    %swap3A_884 = tpu.vector_load %arg10[%swap3A_882, %swap3A_883] {strides = array<i32>} : memref<40x128xf32, #tpu.memory_space<vmem>>, vector<16xf32>,
    tpu.vector_store %arg10[%swap3A_882, %swap3A_883], %broadcast_in_dim3A_1 {strides = array<i32>} : memref<40x128xf32, #tpu.memory_space<vmem>>, vector<16xf32>,
    %swap3A_885 = arith.constant 27 : i32
    %swap3A_886 = arith.index_cast %swap3A_885 : i32 to index
    %swap3A_887 = arith.constant 80 : index
    %swap3A_888 = tpu.vector_load %arg10[%swap3A_886, %swap3A_887] {strides = array<i32>} : memref<40x128xf32, #tpu.memory_space<vmem>>, vector<16xf32>,
    tpu.vector_store %arg10[%swap3A_886, %swap3A_887], %broadcast_in_dim3A_1 {strides = array<i32>} : memref<40x128xf32, #tpu.memory_space<vmem>>, vector<16xf32>,
    %swap3A_889 = arith.constant 27 : i32
    %swap3A_890 = arith.index_cast %swap3A_889 : i32 to index
    %swap3A_891 = arith.constant 96 : index
    %swap3A_892 = tpu.vector_load %arg10[%swap3A_890, %swap3A_891] {strides = array<i32>} : memref<40x128xf32, #tpu.memory_space<vmem>>, vector<16xf32>,
    tpu.vector_store %arg10[%swap3A_890, %swap3A_891], %broadcast_in_dim3A_1 {strides = array<i32>} : memref<40x128xf32, #tpu.memory_space<vmem>>, vector<16xf32>,
    %swap3A_893 = arith.constant 27 : i32
    %swap3A_894 = arith.index_cast %swap3A_893 : i32 to index
    %swap3A_895 = arith.constant 112 : index
    %swap3A_896 = tpu.vector_load %arg10[%swap3A_894, %swap3A_895] {strides = array<i32>} : memref<40x128xf32, #tpu.memory_space<vmem>>, vector<16xf32>,
    tpu.vector_store %arg10[%swap3A_894, %swap3A_895], %broadcast_in_dim3A_1 {strides = array<i32>} : memref<40x128xf32, #tpu.memory_space<vmem>>, vector<16xf32>,
    %swap3A_897 = arith.constant 28 : i32
    %swap3A_898 = arith.index_cast %swap3A_897 : i32 to index
    %swap3A_899 = arith.constant 0 : index
    %swap3A_900 = tpu.vector_load %arg10[%swap3A_898, %swap3A_899] {strides = array<i32>} : memref<40x128xf32, #tpu.memory_space<vmem>>, vector<16xf32>,
    tpu.vector_store %arg10[%swap3A_898, %swap3A_899], %broadcast_in_dim3A_1 {strides = array<i32>} : memref<40x128xf32, #tpu.memory_space<vmem>>, vector<16xf32>,
    %swap3A_901 = arith.constant 28 : i32
    %swap3A_902 = arith.index_cast %swap3A_901 : i32 to index
    %swap3A_903 = arith.constant 16 : index
    %swap3A_904 = tpu.vector_load %arg10[%swap3A_902, %swap3A_903] {strides = array<i32>} : memref<40x128xf32, #tpu.memory_space<vmem>>, vector<16xf32>,
    tpu.vector_store %arg10[%swap3A_902, %swap3A_903], %broadcast_in_dim3A_1 {strides = array<i32>} : memref<40x128xf32, #tpu.memory_space<vmem>>, vector<16xf32>,
    %swap3A_905 = arith.constant 28 : i32
    %swap3A_906 = arith.index_cast %swap3A_905 : i32 to index
    %swap3A_907 = arith.constant 32 : index
    %swap3A_908 = tpu.vector_load %arg10[%swap3A_906, %swap3A_907] {strides = array<i32>} : memref<40x128xf32, #tpu.memory_space<vmem>>, vector<16xf32>,
    tpu.vector_store %arg10[%swap3A_906, %swap3A_907], %broadcast_in_dim3A_1 {strides = array<i32>} : memref<40x128xf32, #tpu.memory_space<vmem>>, vector<16xf32>,
    %swap3A_909 = arith.constant 28 : i32
    %swap3A_910 = arith.index_cast %swap3A_909 : i32 to index
    %swap3A_911 = arith.constant 48 : index
    %swap3A_912 = tpu.vector_load %arg10[%swap3A_910, %swap3A_911] {strides = array<i32>} : memref<40x128xf32, #tpu.memory_space<vmem>>, vector<16xf32>,
    tpu.vector_store %arg10[%swap3A_910, %swap3A_911], %broadcast_in_dim3A_1 {strides = array<i32>} : memref<40x128xf32, #tpu.memory_space<vmem>>, vector<16xf32>,
    %swap3A_913 = arith.constant 28 : i32
    %swap3A_914 = arith.index_cast %swap3A_913 : i32 to index
    %swap3A_915 = arith.constant 64 : index
    %swap3A_916 = tpu.vector_load %arg10[%swap3A_914, %swap3A_915] {strides = array<i32>} : memref<40x128xf32, #tpu.memory_space<vmem>>, vector<16xf32>,
    tpu.vector_store %arg10[%swap3A_914, %swap3A_915], %broadcast_in_dim3A_1 {strides = array<i32>} : memref<40x128xf32, #tpu.memory_space<vmem>>, vector<16xf32>,
    %swap3A_917 = arith.constant 28 : i32
    %swap3A_918 = arith.index_cast %swap3A_917 : i32 to index
    %swap3A_919 = arith.constant 80 : index
    %swap3A_920 = tpu.vector_load %arg10[%swap3A_918, %swap3A_919] {strides = array<i32>} : memref<40x128xf32, #tpu.memory_space<vmem>>, vector<16xf32>,
    tpu.vector_store %arg10[%swap3A_918, %swap3A_919], %broadcast_in_dim3A_1 {strides = array<i32>} : memref<40x128xf32, #tpu.memory_space<vmem>>, vector<16xf32>,
    %swap3A_921 = arith.constant 28 : i32
    %swap3A_922 = arith.index_cast %swap3A_921 : i32 to index
    %swap3A_923 = arith.constant 96 : index
    %swap3A_924 = tpu.vector_load %arg10[%swap3A_922, %swap3A_923] {strides = array<i32>} : memref<40x128xf32, #tpu.memory_space<vmem>>, vector<16xf32>,
    tpu.vector_store %arg10[%swap3A_922, %swap3A_923], %broadcast_in_dim3A_1 {strides = array<i32>} : memref<40x128xf32, #tpu.memory_space<vmem>>, vector<16xf32>,
    %swap3A_925 = arith.constant 28 : i32
    %swap3A_926 = arith.index_cast %swap3A_925 : i32 to index
    %swap3A_927 = arith.constant 112 : index
    %swap3A_928 = tpu.vector_load %arg10[%swap3A_926, %swap3A_927] {strides = array<i32>} : memref<40x128xf32, #tpu.memory_space<vmem>>, vector<16xf32>,
    tpu.vector_store %arg10[%swap3A_926, %swap3A_927], %broadcast_in_dim3A_1 {strides = array<i32>} : memref<40x128xf32, #tpu.memory_space<vmem>>, vector<16xf32>,
    %swap3A_929 = arith.constant 29 : i32
    %swap3A_930 = arith.index_cast %swap3A_929 : i32 to index
    %swap3A_931 = arith.constant 0 : index
    %swap3A_932 = tpu.vector_load %arg10[%swap3A_930, %swap3A_931] {strides = array<i32>} : memref<40x128xf32, #tpu.memory_space<vmem>>, vector<16xf32>,
    tpu.vector_store %arg10[%swap3A_930, %swap3A_931], %broadcast_in_dim3A_1 {strides = array<i32>} : memref<40x128xf32, #tpu.memory_space<vmem>>, vector<16xf32>,
    %swap3A_933 = arith.constant 29 : i32
    %swap3A_934 = arith.index_cast %swap3A_933 : i32 to index
    %swap3A_935 = arith.constant 16 : index
    %swap3A_936 = tpu.vector_load %arg10[%swap3A_934, %swap3A_935] {strides = array<i32>} : memref<40x128xf32, #tpu.memory_space<vmem>>, vector<16xf32>,
    tpu.vector_store %arg10[%swap3A_934, %swap3A_935], %broadcast_in_dim3A_1 {strides = array<i32>} : memref<40x128xf32, #tpu.memory_space<vmem>>, vector<16xf32>,
    %swap3A_937 = arith.constant 29 : i32
    %swap3A_938 = arith.index_cast %swap3A_937 : i32 to index
    %swap3A_939 = arith.constant 32 : index
    %swap3A_940 = tpu.vector_load %arg10[%swap3A_938, %swap3A_939] {strides = array<i32>} : memref<40x128xf32, #tpu.memory_space<vmem>>, vector<16xf32>,
    tpu.vector_store %arg10[%swap3A_938, %swap3A_939], %broadcast_in_dim3A_1 {strides = array<i32>} : memref<40x128xf32, #tpu.memory_space<vmem>>, vector<16xf32>,
    %swap3A_941 = arith.constant 29 : i32
    %swap3A_942 = arith.index_cast %swap3A_941 : i32 to index
    %swap3A_943 = arith.constant 48 : index
    %swap3A_944 = tpu.vector_load %arg10[%swap3A_942, %swap3A_943] {strides = array<i32>} : memref<40x128xf32, #tpu.memory_space<vmem>>, vector<16xf32>,
    tpu.vector_store %arg10[%swap3A_942, %swap3A_943], %broadcast_in_dim3A_1 {strides = array<i32>} : memref<40x128xf32, #tpu.memory_space<vmem>>, vector<16xf32>,
    %swap3A_945 = arith.constant 29 : i32
    %swap3A_946 = arith.index_cast %swap3A_945 : i32 to index
    %swap3A_947 = arith.constant 64 : index
    %swap3A_948 = tpu.vector_load %arg10[%swap3A_946, %swap3A_947] {strides = array<i32>} : memref<40x128xf32, #tpu.memory_space<vmem>>, vector<16xf32>,
    tpu.vector_store %arg10[%swap3A_946, %swap3A_947], %broadcast_in_dim3A_1 {strides = array<i32>} : memref<40x128xf32, #tpu.memory_space<vmem>>, vector<16xf32>,
    %swap3A_949 = arith.constant 29 : i32
    %swap3A_950 = arith.index_cast %swap3A_949 : i32 to index
    %swap3A_951 = arith.constant 80 : index
    %swap3A_952 = tpu.vector_load %arg10[%swap3A_950, %swap3A_951] {strides = array<i32>} : memref<40x128xf32, #tpu.memory_space<vmem>>, vector<16xf32>,
    tpu.vector_store %arg10[%swap3A_950, %swap3A_951], %broadcast_in_dim3A_1 {strides = array<i32>} : memref<40x128xf32, #tpu.memory_space<vmem>>, vector<16xf32>,
    %swap3A_953 = arith.constant 29 : i32
    %swap3A_954 = arith.index_cast %swap3A_953 : i32 to index
    %swap3A_955 = arith.constant 96 : index
    %swap3A_956 = tpu.vector_load %arg10[%swap3A_954, %swap3A_955] {strides = array<i32>} : memref<40x128xf32, #tpu.memory_space<vmem>>, vector<16xf32>,
    tpu.vector_store %arg10[%swap3A_954, %swap3A_955], %broadcast_in_dim3A_1 {strides = array<i32>} : memref<40x128xf32, #tpu.memory_space<vmem>>, vector<16xf32>,
    %swap3A_957 = arith.constant 29 : i32
    %swap3A_958 = arith.index_cast %swap3A_957 : i32 to index
    %swap3A_959 = arith.constant 112 : index
    %swap3A_960 = tpu.vector_load %arg10[%swap3A_958, %swap3A_959] {strides = array<i32>} : memref<40x128xf32, #tpu.memory_space<vmem>>, vector<16xf32>,
    tpu.vector_store %arg10[%swap3A_958, %swap3A_959], %broadcast_in_dim3A_1 {strides = array<i32>} : memref<40x128xf32, #tpu.memory_space<vmem>>, vector<16xf32>,
    %swap3A_961 = arith.constant 30 : i32
    %swap3A_962 = arith.index_cast %swap3A_961 : i32 to index
    %swap3A_963 = arith.constant 0 : index
    %swap3A_964 = tpu.vector_load %arg10[%swap3A_962, %swap3A_963] {strides = array<i32>} : memref<40x128xf32, #tpu.memory_space<vmem>>, vector<16xf32>,
    tpu.vector_store %arg10[%swap3A_962, %swap3A_963], %broadcast_in_dim3A_1 {strides = array<i32>} : memref<40x128xf32, #tpu.memory_space<vmem>>, vector<16xf32>,
    %swap3A_965 = arith.constant 30 : i32
    %swap3A_966 = arith.index_cast %swap3A_965 : i32 to index
    %swap3A_967 = arith.constant 16 : index
    %swap3A_968 = tpu.vector_load %arg10[%swap3A_966, %swap3A_967] {strides = array<i32>} : memref<40x128xf32, #tpu.memory_space<vmem>>, vector<16xf32>,
    tpu.vector_store %arg10[%swap3A_966, %swap3A_967], %broadcast_in_dim3A_1 {strides = array<i32>} : memref<40x128xf32, #tpu.memory_space<vmem>>, vector<16xf32>,
    %swap3A_969 = arith.constant 30 : i32
    %swap3A_970 = arith.index_cast %swap3A_969 : i32 to index
    %swap3A_971 = arith.constant 32 : index
    %swap3A_972 = tpu.vector_load %arg10[%swap3A_970, %swap3A_971] {strides = array<i32>} : memref<40x128xf32, #tpu.memory_space<vmem>>, vector<16xf32>,
    tpu.vector_store %arg10[%swap3A_970, %swap3A_971], %broadcast_in_dim3A_1 {strides = array<i32>} : memref<40x128xf32, #tpu.memory_space<vmem>>, vector<16xf32>,
    %swap3A_973 = arith.constant 30 : i32
    %swap3A_974 = arith.index_cast %swap3A_973 : i32 to index
    %swap3A_975 = arith.constant 48 : index
    %swap3A_976 = tpu.vector_load %arg10[%swap3A_974, %swap3A_975] {strides = array<i32>} : memref<40x128xf32, #tpu.memory_space<vmem>>, vector<16xf32>,
    tpu.vector_store %arg10[%swap3A_974, %swap3A_975], %broadcast_in_dim3A_1 {strides = array<i32>} : memref<40x128xf32, #tpu.memory_space<vmem>>, vector<16xf32>,
    %swap3A_977 = arith.constant 30 : i32
    %swap3A_978 = arith.index_cast %swap3A_977 : i32 to index
    %swap3A_979 = arith.constant 64 : index
    %swap3A_980 = tpu.vector_load %arg10[%swap3A_978, %swap3A_979] {strides = array<i32>} : memref<40x128xf32, #tpu.memory_space<vmem>>, vector<16xf32>,
    tpu.vector_store %arg10[%swap3A_978, %swap3A_979], %broadcast_in_dim3A_1 {strides = array<i32>} : memref<40x128xf32, #tpu.memory_space<vmem>>, vector<16xf32>,
    %swap3A_981 = arith.constant 30 : i32
    %swap3A_982 = arith.index_cast %swap3A_981 : i32 to index
    %swap3A_983 = arith.constant 80 : index
    %swap3A_984 = tpu.vector_load %arg10[%swap3A_982, %swap3A_983] {strides = array<i32>} : memref<40x128xf32, #tpu.memory_space<vmem>>, vector<16xf32>,
    tpu.vector_store %arg10[%swap3A_982, %swap3A_983], %broadcast_in_dim3A_1 {strides = array<i32>} : memref<40x128xf32, #tpu.memory_space<vmem>>, vector<16xf32>,
    %swap3A_985 = arith.constant 30 : i32
    %swap3A_986 = arith.index_cast %swap3A_985 : i32 to index
    %swap3A_987 = arith.constant 96 : index
    %swap3A_988 = tpu.vector_load %arg10[%swap3A_986, %swap3A_987] {strides = array<i32>} : memref<40x128xf32, #tpu.memory_space<vmem>>, vector<16xf32>,
    tpu.vector_store %arg10[%swap3A_986, %swap3A_987], %broadcast_in_dim3A_1 {strides = array<i32>} : memref<40x128xf32, #tpu.memory_space<vmem>>, vector<16xf32>,
    %swap3A_989 = arith.constant 30 : i32
    %swap3A_990 = arith.index_cast %swap3A_989 : i32 to index
    %swap3A_991 = arith.constant 112 : index
    %swap3A_992 = tpu.vector_load %arg10[%swap3A_990, %swap3A_991] {strides = array<i32>} : memref<40x128xf32, #tpu.memory_space<vmem>>, vector<16xf32>,
    tpu.vector_store %arg10[%swap3A_990, %swap3A_991], %broadcast_in_dim3A_1 {strides = array<i32>} : memref<40x128xf32, #tpu.memory_space<vmem>>, vector<16xf32>,
    %swap3A_993 = arith.constant 31 : i32
    %swap3A_994 = arith.index_cast %swap3A_993 : i32 to index
    %swap3A_995 = arith.constant 0 : index
    %swap3A_996 = tpu.vector_load %arg10[%swap3A_994, %swap3A_995] {strides = array<i32>} : memref<40x128xf32, #tpu.memory_space<vmem>>, vector<16xf32>,
    tpu.vector_store %arg10[%swap3A_994, %swap3A_995], %broadcast_in_dim3A_1 {strides = array<i32>} : memref<40x128xf32, #tpu.memory_space<vmem>>, vector<16xf32>,
    %swap3A_997 = arith.constant 31 : i32
    %swap3A_998 = arith.index_cast %swap3A_997 : i32 to index
    %swap3A_999 = arith.constant 16 : index
    %swap3A_1000 = tpu.vector_load %arg10[%swap3A_998, %swap3A_999] {strides = array<i32>} : memref<40x128xf32, #tpu.memory_space<vmem>>, vector<16xf32>,
    tpu.vector_store %arg10[%swap3A_998, %swap3A_999], %broadcast_in_dim3A_1 {strides = array<i32>} : memref<40x128xf32, #tpu.memory_space<vmem>>, vector<16xf32>,
    %swap3A_1001 = arith.constant 31 : i32
    %swap3A_1002 = arith.index_cast %swap3A_1001 : i32 to index
    %swap3A_1003 = arith.constant 32 : index
    %swap3A_1004 = tpu.vector_load %arg10[%swap3A_1002, %swap3A_1003] {strides = array<i32>} : memref<40x128xf32, #tpu.memory_space<vmem>>, vector<16xf32>,
    tpu.vector_store %arg10[%swap3A_1002, %swap3A_1003], %broadcast_in_dim3A_1 {strides = array<i32>} : memref<40x128xf32, #tpu.memory_space<vmem>>, vector<16xf32>,
    %swap3A_1005 = arith.constant 31 : i32
    %swap3A_1006 = arith.index_cast %swap3A_1005 : i32 to index
    %swap3A_1007 = arith.constant 48 : index
    %swap3A_1008 = tpu.vector_load %arg10[%swap3A_1006, %swap3A_1007] {strides = array<i32>} : memref<40x128xf32, #tpu.memory_space<vmem>>, vector<16xf32>,
    tpu.vector_store %arg10[%swap3A_1006, %swap3A_1007], %broadcast_in_dim3A_1 {strides = array<i32>} : memref<40x128xf32, #tpu.memory_space<vmem>>, vector<16xf32>,
    %swap3A_1009 = arith.constant 31 : i32
    %swap3A_1010 = arith.index_cast %swap3A_1009 : i32 to index
    %swap3A_1011 = arith.constant 64 : index
    %swap3A_1012 = tpu.vector_load %arg10[%swap3A_1010, %swap3A_1011] {strides = array<i32>} : memref<40x128xf32, #tpu.memory_space<vmem>>, vector<16xf32>,
    tpu.vector_store %arg10[%swap3A_1010, %swap3A_1011], %broadcast_in_dim3A_1 {strides = array<i32>} : memref<40x128xf32, #tpu.memory_space<vmem>>, vector<16xf32>,
    %swap3A_1013 = arith.constant 31 : i32
    %swap3A_1014 = arith.index_cast %swap3A_1013 : i32 to index
    %swap3A_1015 = arith.constant 80 : index
    %swap3A_1016 = tpu.vector_load %arg10[%swap3A_1014, %swap3A_1015] {strides = array<i32>} : memref<40x128xf32, #tpu.memory_space<vmem>>, vector<16xf32>,
    tpu.vector_store %arg10[%swap3A_1014, %swap3A_1015], %broadcast_in_dim3A_1 {strides = array<i32>} : memref<40x128xf32, #tpu.memory_space<vmem>>, vector<16xf32>,
    %swap3A_1017 = arith.constant 31 : i32
    %swap3A_1018 = arith.index_cast %swap3A_1017 : i32 to index
    %swap3A_1019 = arith.constant 96 : index
    %swap3A_1020 = tpu.vector_load %arg10[%swap3A_1018, %swap3A_1019] {strides = array<i32>} : memref<40x128xf32, #tpu.memory_space<vmem>>, vector<16xf32>,
    tpu.vector_store %arg10[%swap3A_1018, %swap3A_1019], %broadcast_in_dim3A_1 {strides = array<i32>} : memref<40x128xf32, #tpu.memory_space<vmem>>, vector<16xf32>,
    %swap3A_1021 = arith.constant 31 : i32
    %swap3A_1022 = arith.index_cast %swap3A_1021 : i32 to index
    %swap3A_1023 = arith.constant 112 : index
    %swap3A_1024 = tpu.vector_load %arg10[%swap3A_1022, %swap3A_1023] {strides = array<i32>} : memref<40x128xf32, #tpu.memory_space<vmem>>, vector<16xf32>,
    tpu.vector_store %arg10[%swap3A_1022, %swap3A_1023], %broadcast_in_dim3A_1 {strides = array<i32>} : memref<40x128xf32, #tpu.memory_space<vmem>>, vector<16xf32>,
    %swap3A_1025 = arith.constant 32 : i32
    %swap3A_1026 = arith.index_cast %swap3A_1025 : i32 to index
    %swap3A_1027 = arith.constant 0 : index
    %swap3A_1028 = tpu.vector_load %arg10[%swap3A_1026, %swap3A_1027] {strides = array<i32>} : memref<40x128xf32, #tpu.memory_space<vmem>>, vector<16xf32>,
    tpu.vector_store %arg10[%swap3A_1026, %swap3A_1027], %broadcast_in_dim3A_1 {strides = array<i32>} : memref<40x128xf32, #tpu.memory_space<vmem>>, vector<16xf32>,
    %swap3A_1029 = arith.constant 32 : i32
    %swap3A_1030 = arith.index_cast %swap3A_1029 : i32 to index
    %swap3A_1031 = arith.constant 16 : index
    %swap3A_1032 = tpu.vector_load %arg10[%swap3A_1030, %swap3A_1031] {strides = array<i32>} : memref<40x128xf32, #tpu.memory_space<vmem>>, vector<16xf32>,
    tpu.vector_store %arg10[%swap3A_1030, %swap3A_1031], %broadcast_in_dim3A_1 {strides = array<i32>} : memref<40x128xf32, #tpu.memory_space<vmem>>, vector<16xf32>,
    %swap3A_1033 = arith.constant 32 : i32
    %swap3A_1034 = arith.index_cast %swap3A_1033 : i32 to index
    %swap3A_1035 = arith.constant 32 : index
    %swap3A_1036 = tpu.vector_load %arg10[%swap3A_1034, %swap3A_1035] {strides = array<i32>} : memref<40x128xf32, #tpu.memory_space<vmem>>, vector<16xf32>,
    tpu.vector_store %arg10[%swap3A_1034, %swap3A_1035], %broadcast_in_dim3A_1 {strides = array<i32>} : memref<40x128xf32, #tpu.memory_space<vmem>>, vector<16xf32>,
    %swap3A_1037 = arith.constant 32 : i32
    %swap3A_1038 = arith.index_cast %swap3A_1037 : i32 to index
    %swap3A_1039 = arith.constant 48 : index
    %swap3A_1040 = tpu.vector_load %arg10[%swap3A_1038, %swap3A_1039] {strides = array<i32>} : memref<40x128xf32, #tpu.memory_space<vmem>>, vector<16xf32>,
    tpu.vector_store %arg10[%swap3A_1038, %swap3A_1039], %broadcast_in_dim3A_1 {strides = array<i32>} : memref<40x128xf32, #tpu.memory_space<vmem>>, vector<16xf32>,
    %swap3A_1041 = arith.constant 32 : i32
    %swap3A_1042 = arith.index_cast %swap3A_1041 : i32 to index
    %swap3A_1043 = arith.constant 64 : index
    %swap3A_1044 = tpu.vector_load %arg10[%swap3A_1042, %swap3A_1043] {strides = array<i32>} : memref<40x128xf32, #tpu.memory_space<vmem>>, vector<16xf32>,
    tpu.vector_store %arg10[%swap3A_1042, %swap3A_1043], %broadcast_in_dim3A_1 {strides = array<i32>} : memref<40x128xf32, #tpu.memory_space<vmem>>, vector<16xf32>,
    %swap3A_1045 = arith.constant 32 : i32
    %swap3A_1046 = arith.index_cast %swap3A_1045 : i32 to index
    %swap3A_1047 = arith.constant 80 : index
    %swap3A_1048 = tpu.vector_load %arg10[%swap3A_1046, %swap3A_1047] {strides = array<i32>} : memref<40x128xf32, #tpu.memory_space<vmem>>, vector<16xf32>,
    tpu.vector_store %arg10[%swap3A_1046, %swap3A_1047], %broadcast_in_dim3A_1 {strides = array<i32>} : memref<40x128xf32, #tpu.memory_space<vmem>>, vector<16xf32>,
    %swap3A_1049 = arith.constant 32 : i32
    %swap3A_1050 = arith.index_cast %swap3A_1049 : i32 to index
    %swap3A_1051 = arith.constant 96 : index
    %swap3A_1052 = tpu.vector_load %arg10[%swap3A_1050, %swap3A_1051] {strides = array<i32>} : memref<40x128xf32, #tpu.memory_space<vmem>>, vector<16xf32>,
    tpu.vector_store %arg10[%swap3A_1050, %swap3A_1051], %broadcast_in_dim3A_1 {strides = array<i32>} : memref<40x128xf32, #tpu.memory_space<vmem>>, vector<16xf32>,
    %swap3A_1053 = arith.constant 32 : i32
    %swap3A_1054 = arith.index_cast %swap3A_1053 : i32 to index
    %swap3A_1055 = arith.constant 112 : index
    %swap3A_1056 = tpu.vector_load %arg10[%swap3A_1054, %swap3A_1055] {strides = array<i32>} : memref<40x128xf32, #tpu.memory_space<vmem>>, vector<16xf32>,
    tpu.vector_store %arg10[%swap3A_1054, %swap3A_1055], %broadcast_in_dim3A_1 {strides = array<i32>} : memref<40x128xf32, #tpu.memory_space<vmem>>, vector<16xf32>,
    %swap3A_1057 = arith.constant 33 : i32
    %swap3A_1058 = arith.index_cast %swap3A_1057 : i32 to index
    %swap3A_1059 = arith.constant 0 : index
    %swap3A_1060 = tpu.vector_load %arg10[%swap3A_1058, %swap3A_1059] {strides = array<i32>} : memref<40x128xf32, #tpu.memory_space<vmem>>, vector<16xf32>,
    tpu.vector_store %arg10[%swap3A_1058, %swap3A_1059], %broadcast_in_dim3A_1 {strides = array<i32>} : memref<40x128xf32, #tpu.memory_space<vmem>>, vector<16xf32>,
    %swap3A_1061 = arith.constant 33 : i32
    %swap3A_1062 = arith.index_cast %swap3A_1061 : i32 to index
    %swap3A_1063 = arith.constant 16 : index
    %swap3A_1064 = tpu.vector_load %arg10[%swap3A_1062, %swap3A_1063] {strides = array<i32>} : memref<40x128xf32, #tpu.memory_space<vmem>>, vector<16xf32>,
    tpu.vector_store %arg10[%swap3A_1062, %swap3A_1063], %broadcast_in_dim3A_1 {strides = array<i32>} : memref<40x128xf32, #tpu.memory_space<vmem>>, vector<16xf32>,
    %swap3A_1065 = arith.constant 33 : i32
    %swap3A_1066 = arith.index_cast %swap3A_1065 : i32 to index
    %swap3A_1067 = arith.constant 32 : index
    %swap3A_1068 = tpu.vector_load %arg10[%swap3A_1066, %swap3A_1067] {strides = array<i32>} : memref<40x128xf32, #tpu.memory_space<vmem>>, vector<16xf32>,
    tpu.vector_store %arg10[%swap3A_1066, %swap3A_1067], %broadcast_in_dim3A_1 {strides = array<i32>} : memref<40x128xf32, #tpu.memory_space<vmem>>, vector<16xf32>,
    %swap3A_1069 = arith.constant 33 : i32
    %swap3A_1070 = arith.index_cast %swap3A_1069 : i32 to index
    %swap3A_1071 = arith.constant 48 : index
    %swap3A_1072 = tpu.vector_load %arg10[%swap3A_1070, %swap3A_1071] {strides = array<i32>} : memref<40x128xf32, #tpu.memory_space<vmem>>, vector<16xf32>,
    tpu.vector_store %arg10[%swap3A_1070, %swap3A_1071], %broadcast_in_dim3A_1 {strides = array<i32>} : memref<40x128xf32, #tpu.memory_space<vmem>>, vector<16xf32>,
    %swap3A_1073 = arith.constant 33 : i32
    %swap3A_1074 = arith.index_cast %swap3A_1073 : i32 to index
    %swap3A_1075 = arith.constant 64 : index
    %swap3A_1076 = tpu.vector_load %arg10[%swap3A_1074, %swap3A_1075] {strides = array<i32>} : memref<40x128xf32, #tpu.memory_space<vmem>>, vector<16xf32>,
    tpu.vector_store %arg10[%swap3A_1074, %swap3A_1075], %broadcast_in_dim3A_1 {strides = array<i32>} : memref<40x128xf32, #tpu.memory_space<vmem>>, vector<16xf32>,
    %swap3A_1077 = arith.constant 33 : i32
    %swap3A_1078 = arith.index_cast %swap3A_1077 : i32 to index
    %swap3A_1079 = arith.constant 80 : index
    %swap3A_1080 = tpu.vector_load %arg10[%swap3A_1078, %swap3A_1079] {strides = array<i32>} : memref<40x128xf32, #tpu.memory_space<vmem>>, vector<16xf32>,
    tpu.vector_store %arg10[%swap3A_1078, %swap3A_1079], %broadcast_in_dim3A_1 {strides = array<i32>} : memref<40x128xf32, #tpu.memory_space<vmem>>, vector<16xf32>,
    %swap3A_1081 = arith.constant 33 : i32
    %swap3A_1082 = arith.index_cast %swap3A_1081 : i32 to index
    %swap3A_1083 = arith.constant 96 : index
    %swap3A_1084 = tpu.vector_load %arg10[%swap3A_1082, %swap3A_1083] {strides = array<i32>} : memref<40x128xf32, #tpu.memory_space<vmem>>, vector<16xf32>,
    tpu.vector_store %arg10[%swap3A_1082, %swap3A_1083], %broadcast_in_dim3A_1 {strides = array<i32>} : memref<40x128xf32, #tpu.memory_space<vmem>>, vector<16xf32>,
    %swap3A_1085 = arith.constant 33 : i32
    %swap3A_1086 = arith.index_cast %swap3A_1085 : i32 to index
    %swap3A_1087 = arith.constant 112 : index
    %swap3A_1088 = tpu.vector_load %arg10[%swap3A_1086, %swap3A_1087] {strides = array<i32>} : memref<40x128xf32, #tpu.memory_space<vmem>>, vector<16xf32>,
    tpu.vector_store %arg10[%swap3A_1086, %swap3A_1087], %broadcast_in_dim3A_1 {strides = array<i32>} : memref<40x128xf32, #tpu.memory_space<vmem>>, vector<16xf32>,
    %swap3A_1089 = arith.constant 34 : i32
    %swap3A_1090 = arith.index_cast %swap3A_1089 : i32 to index
    %swap3A_1091 = arith.constant 0 : index
    %swap3A_1092 = tpu.vector_load %arg10[%swap3A_1090, %swap3A_1091] {strides = array<i32>} : memref<40x128xf32, #tpu.memory_space<vmem>>, vector<16xf32>,
    tpu.vector_store %arg10[%swap3A_1090, %swap3A_1091], %broadcast_in_dim3A_1 {strides = array<i32>} : memref<40x128xf32, #tpu.memory_space<vmem>>, vector<16xf32>,
    %swap3A_1093 = arith.constant 34 : i32
    %swap3A_1094 = arith.index_cast %swap3A_1093 : i32 to index
    %swap3A_1095 = arith.constant 16 : index
    %swap3A_1096 = tpu.vector_load %arg10[%swap3A_1094, %swap3A_1095] {strides = array<i32>} : memref<40x128xf32, #tpu.memory_space<vmem>>, vector<16xf32>,
    tpu.vector_store %arg10[%swap3A_1094, %swap3A_1095], %broadcast_in_dim3A_1 {strides = array<i32>} : memref<40x128xf32, #tpu.memory_space<vmem>>, vector<16xf32>,
    %swap3A_1097 = arith.constant 34 : i32
    %swap3A_1098 = arith.index_cast %swap3A_1097 : i32 to index
    %swap3A_1099 = arith.constant 32 : index
    %swap3A_1100 = tpu.vector_load %arg10[%swap3A_1098, %swap3A_1099] {strides = array<i32>} : memref<40x128xf32, #tpu.memory_space<vmem>>, vector<16xf32>,
    tpu.vector_store %arg10[%swap3A_1098, %swap3A_1099], %broadcast_in_dim3A_1 {strides = array<i32>} : memref<40x128xf32, #tpu.memory_space<vmem>>, vector<16xf32>,
    %swap3A_1101 = arith.constant 34 : i32
    %swap3A_1102 = arith.index_cast %swap3A_1101 : i32 to index
    %swap3A_1103 = arith.constant 48 : index
    %swap3A_1104 = tpu.vector_load %arg10[%swap3A_1102, %swap3A_1103] {strides = array<i32>} : memref<40x128xf32, #tpu.memory_space<vmem>>, vector<16xf32>,
    tpu.vector_store %arg10[%swap3A_1102, %swap3A_1103], %broadcast_in_dim3A_1 {strides = array<i32>} : memref<40x128xf32, #tpu.memory_space<vmem>>, vector<16xf32>,
    %swap3A_1105 = arith.constant 34 : i32
    %swap3A_1106 = arith.index_cast %swap3A_1105 : i32 to index
    %swap3A_1107 = arith.constant 64 : index
    %swap3A_1108 = tpu.vector_load %arg10[%swap3A_1106, %swap3A_1107] {strides = array<i32>} : memref<40x128xf32, #tpu.memory_space<vmem>>, vector<16xf32>,
    tpu.vector_store %arg10[%swap3A_1106, %swap3A_1107], %broadcast_in_dim3A_1 {strides = array<i32>} : memref<40x128xf32, #tpu.memory_space<vmem>>, vector<16xf32>,
    %swap3A_1109 = arith.constant 34 : i32
    %swap3A_1110 = arith.index_cast %swap3A_1109 : i32 to index
    %swap3A_1111 = arith.constant 80 : index
    %swap3A_1112 = tpu.vector_load %arg10[%swap3A_1110, %swap3A_1111] {strides = array<i32>} : memref<40x128xf32, #tpu.memory_space<vmem>>, vector<16xf32>,
    tpu.vector_store %arg10[%swap3A_1110, %swap3A_1111], %broadcast_in_dim3A_1 {strides = array<i32>} : memref<40x128xf32, #tpu.memory_space<vmem>>, vector<16xf32>,
    %swap3A_1113 = arith.constant 34 : i32
    %swap3A_1114 = arith.index_cast %swap3A_1113 : i32 to index
    %swap3A_1115 = arith.constant 96 : index
    %swap3A_1116 = tpu.vector_load %arg10[%swap3A_1114, %swap3A_1115] {strides = array<i32>} : memref<40x128xf32, #tpu.memory_space<vmem>>, vector<16xf32>,
    tpu.vector_store %arg10[%swap3A_1114, %swap3A_1115], %broadcast_in_dim3A_1 {strides = array<i32>} : memref<40x128xf32, #tpu.memory_space<vmem>>, vector<16xf32>,
    %swap3A_1117 = arith.constant 34 : i32
    %swap3A_1118 = arith.index_cast %swap3A_1117 : i32 to index
    %swap3A_1119 = arith.constant 112 : index
    %swap3A_1120 = tpu.vector_load %arg10[%swap3A_1118, %swap3A_1119] {strides = array<i32>} : memref<40x128xf32, #tpu.memory_space<vmem>>, vector<16xf32>,
    tpu.vector_store %arg10[%swap3A_1118, %swap3A_1119], %broadcast_in_dim3A_1 {strides = array<i32>} : memref<40x128xf32, #tpu.memory_space<vmem>>, vector<16xf32>,
    %swap3A_1121 = arith.constant 35 : i32
    %swap3A_1122 = arith.index_cast %swap3A_1121 : i32 to index
    %swap3A_1123 = arith.constant 0 : index
    %swap3A_1124 = tpu.vector_load %arg10[%swap3A_1122, %swap3A_1123] {strides = array<i32>} : memref<40x128xf32, #tpu.memory_space<vmem>>, vector<16xf32>,
    tpu.vector_store %arg10[%swap3A_1122, %swap3A_1123], %broadcast_in_dim3A_1 {strides = array<i32>} : memref<40x128xf32, #tpu.memory_space<vmem>>, vector<16xf32>,
    %swap3A_1125 = arith.constant 35 : i32
    %swap3A_1126 = arith.index_cast %swap3A_1125 : i32 to index
    %swap3A_1127 = arith.constant 16 : index
    %swap3A_1128 = tpu.vector_load %arg10[%swap3A_1126, %swap3A_1127] {strides = array<i32>} : memref<40x128xf32, #tpu.memory_space<vmem>>, vector<16xf32>,
    tpu.vector_store %arg10[%swap3A_1126, %swap3A_1127], %broadcast_in_dim3A_1 {strides = array<i32>} : memref<40x128xf32, #tpu.memory_space<vmem>>, vector<16xf32>,
    %swap3A_1129 = arith.constant 35 : i32
    %swap3A_1130 = arith.index_cast %swap3A_1129 : i32 to index
    %swap3A_1131 = arith.constant 32 : index
    %swap3A_1132 = tpu.vector_load %arg10[%swap3A_1130, %swap3A_1131] {strides = array<i32>} : memref<40x128xf32, #tpu.memory_space<vmem>>, vector<16xf32>,
    tpu.vector_store %arg10[%swap3A_1130, %swap3A_1131], %broadcast_in_dim3A_1 {strides = array<i32>} : memref<40x128xf32, #tpu.memory_space<vmem>>, vector<16xf32>,
    %swap3A_1133 = arith.constant 35 : i32
    %swap3A_1134 = arith.index_cast %swap3A_1133 : i32 to index
    %swap3A_1135 = arith.constant 48 : index
    %swap3A_1136 = tpu.vector_load %arg10[%swap3A_1134, %swap3A_1135] {strides = array<i32>} : memref<40x128xf32, #tpu.memory_space<vmem>>, vector<16xf32>,
    tpu.vector_store %arg10[%swap3A_1134, %swap3A_1135], %broadcast_in_dim3A_1 {strides = array<i32>} : memref<40x128xf32, #tpu.memory_space<vmem>>, vector<16xf32>,
    %swap3A_1137 = arith.constant 35 : i32
    %swap3A_1138 = arith.index_cast %swap3A_1137 : i32 to index
    %swap3A_1139 = arith.constant 64 : index
    %swap3A_1140 = tpu.vector_load %arg10[%swap3A_1138, %swap3A_1139] {strides = array<i32>} : memref<40x128xf32, #tpu.memory_space<vmem>>, vector<16xf32>,
    tpu.vector_store %arg10[%swap3A_1138, %swap3A_1139], %broadcast_in_dim3A_1 {strides = array<i32>} : memref<40x128xf32, #tpu.memory_space<vmem>>, vector<16xf32>,
    %swap3A_1141 = arith.constant 35 : i32
    %swap3A_1142 = arith.index_cast %swap3A_1141 : i32 to index
    %swap3A_1143 = arith.constant 80 : index
    %swap3A_1144 = tpu.vector_load %arg10[%swap3A_1142, %swap3A_1143] {strides = array<i32>} : memref<40x128xf32, #tpu.memory_space<vmem>>, vector<16xf32>,
    tpu.vector_store %arg10[%swap3A_1142, %swap3A_1143], %broadcast_in_dim3A_1 {strides = array<i32>} : memref<40x128xf32, #tpu.memory_space<vmem>>, vector<16xf32>,
    %swap3A_1145 = arith.constant 35 : i32
    %swap3A_1146 = arith.index_cast %swap3A_1145 : i32 to index
    %swap3A_1147 = arith.constant 96 : index
    %swap3A_1148 = tpu.vector_load %arg10[%swap3A_1146, %swap3A_1147] {strides = array<i32>} : memref<40x128xf32, #tpu.memory_space<vmem>>, vector<16xf32>,
    tpu.vector_store %arg10[%swap3A_1146, %swap3A_1147], %broadcast_in_dim3A_1 {strides = array<i32>} : memref<40x128xf32, #tpu.memory_space<vmem>>, vector<16xf32>,
    %swap3A_1149 = arith.constant 35 : i32
    %swap3A_1150 = arith.index_cast %swap3A_1149 : i32 to index
    %swap3A_1151 = arith.constant 112 : index
    %swap3A_1152 = tpu.vector_load %arg10[%swap3A_1150, %swap3A_1151] {strides = array<i32>} : memref<40x128xf32, #tpu.memory_space<vmem>>, vector<16xf32>,
    tpu.vector_store %arg10[%swap3A_1150, %swap3A_1151], %broadcast_in_dim3A_1 {strides = array<i32>} : memref<40x128xf32, #tpu.memory_space<vmem>>, vector<16xf32>,
    %swap3A_1153 = arith.constant 36 : i32
    %swap3A_1154 = arith.index_cast %swap3A_1153 : i32 to index
    %swap3A_1155 = arith.constant 0 : index
    %swap3A_1156 = tpu.vector_load %arg10[%swap3A_1154, %swap3A_1155] {strides = array<i32>} : memref<40x128xf32, #tpu.memory_space<vmem>>, vector<16xf32>,
    tpu.vector_store %arg10[%swap3A_1154, %swap3A_1155], %broadcast_in_dim3A_1 {strides = array<i32>} : memref<40x128xf32, #tpu.memory_space<vmem>>, vector<16xf32>,
    %swap3A_1157 = arith.constant 36 : i32
    %swap3A_1158 = arith.index_cast %swap3A_1157 : i32 to index
    %swap3A_1159 = arith.constant 16 : index
    %swap3A_1160 = tpu.vector_load %arg10[%swap3A_1158, %swap3A_1159] {strides = array<i32>} : memref<40x128xf32, #tpu.memory_space<vmem>>, vector<16xf32>,
    tpu.vector_store %arg10[%swap3A_1158, %swap3A_1159], %broadcast_in_dim3A_1 {strides = array<i32>} : memref<40x128xf32, #tpu.memory_space<vmem>>, vector<16xf32>,
    %swap3A_1161 = arith.constant 36 : i32
    %swap3A_1162 = arith.index_cast %swap3A_1161 : i32 to index
    %swap3A_1163 = arith.constant 32 : index
    %swap3A_1164 = tpu.vector_load %arg10[%swap3A_1162, %swap3A_1163] {strides = array<i32>} : memref<40x128xf32, #tpu.memory_space<vmem>>, vector<16xf32>,
    tpu.vector_store %arg10[%swap3A_1162, %swap3A_1163], %broadcast_in_dim3A_1 {strides = array<i32>} : memref<40x128xf32, #tpu.memory_space<vmem>>, vector<16xf32>,
    %swap3A_1165 = arith.constant 36 : i32
    %swap3A_1166 = arith.index_cast %swap3A_1165 : i32 to index
    %swap3A_1167 = arith.constant 48 : index
    %swap3A_1168 = tpu.vector_load %arg10[%swap3A_1166, %swap3A_1167] {strides = array<i32>} : memref<40x128xf32, #tpu.memory_space<vmem>>, vector<16xf32>,
    tpu.vector_store %arg10[%swap3A_1166, %swap3A_1167], %broadcast_in_dim3A_1 {strides = array<i32>} : memref<40x128xf32, #tpu.memory_space<vmem>>, vector<16xf32>,
    %swap3A_1169 = arith.constant 36 : i32
    %swap3A_1170 = arith.index_cast %swap3A_1169 : i32 to index
    %swap3A_1171 = arith.constant 64 : index
    %swap3A_1172 = tpu.vector_load %arg10[%swap3A_1170, %swap3A_1171] {strides = array<i32>} : memref<40x128xf32, #tpu.memory_space<vmem>>, vector<16xf32>,
    tpu.vector_store %arg10[%swap3A_1170, %swap3A_1171], %broadcast_in_dim3A_1 {strides = array<i32>} : memref<40x128xf32, #tpu.memory_space<vmem>>, vector<16xf32>,
    %swap3A_1173 = arith.constant 36 : i32
    %swap3A_1174 = arith.index_cast %swap3A_1173 : i32 to index
    %swap3A_1175 = arith.constant 80 : index
    %swap3A_1176 = tpu.vector_load %arg10[%swap3A_1174, %swap3A_1175] {strides = array<i32>} : memref<40x128xf32, #tpu.memory_space<vmem>>, vector<16xf32>,
    tpu.vector_store %arg10[%swap3A_1174, %swap3A_1175], %broadcast_in_dim3A_1 {strides = array<i32>} : memref<40x128xf32, #tpu.memory_space<vmem>>, vector<16xf32>,
    %swap3A_1177 = arith.constant 36 : i32
    %swap3A_1178 = arith.index_cast %swap3A_1177 : i32 to index
    %swap3A_1179 = arith.constant 96 : index
    %swap3A_1180 = tpu.vector_load %arg10[%swap3A_1178, %swap3A_1179] {strides = array<i32>} : memref<40x128xf32, #tpu.memory_space<vmem>>, vector<16xf32>,
    tpu.vector_store %arg10[%swap3A_1178, %swap3A_1179], %broadcast_in_dim3A_1 {strides = array<i32>} : memref<40x128xf32, #tpu.memory_space<vmem>>, vector<16xf32>,
    %swap3A_1181 = arith.constant 36 : i32
    %swap3A_1182 = arith.index_cast %swap3A_1181 : i32 to index
    %swap3A_1183 = arith.constant 112 : index
    %swap3A_1184 = tpu.vector_load %arg10[%swap3A_1182, %swap3A_1183] {strides = array<i32>} : memref<40x128xf32, #tpu.memory_space<vmem>>, vector<16xf32>,
    tpu.vector_store %arg10[%swap3A_1182, %swap3A_1183], %broadcast_in_dim3A_1 {strides = array<i32>} : memref<40x128xf32, #tpu.memory_space<vmem>>, vector<16xf32>,
    %swap3A_1185 = arith.constant 37 : i32
    %swap3A_1186 = arith.index_cast %swap3A_1185 : i32 to index
    %swap3A_1187 = arith.constant 0 : index
    %swap3A_1188 = tpu.vector_load %arg10[%swap3A_1186, %swap3A_1187] {strides = array<i32>} : memref<40x128xf32, #tpu.memory_space<vmem>>, vector<16xf32>,
    tpu.vector_store %arg10[%swap3A_1186, %swap3A_1187], %broadcast_in_dim3A_1 {strides = array<i32>} : memref<40x128xf32, #tpu.memory_space<vmem>>, vector<16xf32>,
    %swap3A_1189 = arith.constant 37 : i32
    %swap3A_1190 = arith.index_cast %swap3A_1189 : i32 to index
    %swap3A_1191 = arith.constant 16 : index
    %swap3A_1192 = tpu.vector_load %arg10[%swap3A_1190, %swap3A_1191] {strides = array<i32>} : memref<40x128xf32, #tpu.memory_space<vmem>>, vector<16xf32>,
    tpu.vector_store %arg10[%swap3A_1190, %swap3A_1191], %broadcast_in_dim3A_1 {strides = array<i32>} : memref<40x128xf32, #tpu.memory_space<vmem>>, vector<16xf32>,
    %swap3A_1193 = arith.constant 37 : i32
    %swap3A_1194 = arith.index_cast %swap3A_1193 : i32 to index
    %swap3A_1195 = arith.constant 32 : index
    %swap3A_1196 = tpu.vector_load %arg10[%swap3A_1194, %swap3A_1195] {strides = array<i32>} : memref<40x128xf32, #tpu.memory_space<vmem>>, vector<16xf32>,
    tpu.vector_store %arg10[%swap3A_1194, %swap3A_1195], %broadcast_in_dim3A_1 {strides = array<i32>} : memref<40x128xf32, #tpu.memory_space<vmem>>, vector<16xf32>,
    %swap3A_1197 = arith.constant 37 : i32
    %swap3A_1198 = arith.index_cast %swap3A_1197 : i32 to index
    %swap3A_1199 = arith.constant 48 : index
    %swap3A_1200 = tpu.vector_load %arg10[%swap3A_1198, %swap3A_1199] {strides = array<i32>} : memref<40x128xf32, #tpu.memory_space<vmem>>, vector<16xf32>,
    tpu.vector_store %arg10[%swap3A_1198, %swap3A_1199], %broadcast_in_dim3A_1 {strides = array<i32>} : memref<40x128xf32, #tpu.memory_space<vmem>>, vector<16xf32>,
    %swap3A_1201 = arith.constant 37 : i32
    %swap3A_1202 = arith.index_cast %swap3A_1201 : i32 to index
    %swap3A_1203 = arith.constant 64 : index
    %swap3A_1204 = tpu.vector_load %arg10[%swap3A_1202, %swap3A_1203] {strides = array<i32>} : memref<40x128xf32, #tpu.memory_space<vmem>>, vector<16xf32>,
    tpu.vector_store %arg10[%swap3A_1202, %swap3A_1203], %broadcast_in_dim3A_1 {strides = array<i32>} : memref<40x128xf32, #tpu.memory_space<vmem>>, vector<16xf32>,
    %swap3A_1205 = arith.constant 37 : i32
    %swap3A_1206 = arith.index_cast %swap3A_1205 : i32 to index
    %swap3A_1207 = arith.constant 80 : index
    %swap3A_1208 = tpu.vector_load %arg10[%swap3A_1206, %swap3A_1207] {strides = array<i32>} : memref<40x128xf32, #tpu.memory_space<vmem>>, vector<16xf32>,
    tpu.vector_store %arg10[%swap3A_1206, %swap3A_1207], %broadcast_in_dim3A_1 {strides = array<i32>} : memref<40x128xf32, #tpu.memory_space<vmem>>, vector<16xf32>,
    %swap3A_1209 = arith.constant 37 : i32
    %swap3A_1210 = arith.index_cast %swap3A_1209 : i32 to index
    %swap3A_1211 = arith.constant 96 : index
    %swap3A_1212 = tpu.vector_load %arg10[%swap3A_1210, %swap3A_1211] {strides = array<i32>} : memref<40x128xf32, #tpu.memory_space<vmem>>, vector<16xf32>,
    tpu.vector_store %arg10[%swap3A_1210, %swap3A_1211], %broadcast_in_dim3A_1 {strides = array<i32>} : memref<40x128xf32, #tpu.memory_space<vmem>>, vector<16xf32>,
    %swap3A_1213 = arith.constant 37 : i32
    %swap3A_1214 = arith.index_cast %swap3A_1213 : i32 to index
    %swap3A_1215 = arith.constant 112 : index
    %swap3A_1216 = tpu.vector_load %arg10[%swap3A_1214, %swap3A_1215] {strides = array<i32>} : memref<40x128xf32, #tpu.memory_space<vmem>>, vector<16xf32>,
    tpu.vector_store %arg10[%swap3A_1214, %swap3A_1215], %broadcast_in_dim3A_1 {strides = array<i32>} : memref<40x128xf32, #tpu.memory_space<vmem>>, vector<16xf32>,
    %swap3A_1217 = arith.constant 38 : i32
    %swap3A_1218 = arith.index_cast %swap3A_1217 : i32 to index
    %swap3A_1219 = arith.constant 0 : index
    %swap3A_1220 = tpu.vector_load %arg10[%swap3A_1218, %swap3A_1219] {strides = array<i32>} : memref<40x128xf32, #tpu.memory_space<vmem>>, vector<16xf32>,
    tpu.vector_store %arg10[%swap3A_1218, %swap3A_1219], %broadcast_in_dim3A_1 {strides = array<i32>} : memref<40x128xf32, #tpu.memory_space<vmem>>, vector<16xf32>,
    %swap3A_1221 = arith.constant 38 : i32
    %swap3A_1222 = arith.index_cast %swap3A_1221 : i32 to index
    %swap3A_1223 = arith.constant 16 : index
    %swap3A_1224 = tpu.vector_load %arg10[%swap3A_1222, %swap3A_1223] {strides = array<i32>} : memref<40x128xf32, #tpu.memory_space<vmem>>, vector<16xf32>,
    tpu.vector_store %arg10[%swap3A_1222, %swap3A_1223], %broadcast_in_dim3A_1 {strides = array<i32>} : memref<40x128xf32, #tpu.memory_space<vmem>>, vector<16xf32>,
    %swap3A_1225 = arith.constant 38 : i32
    %swap3A_1226 = arith.index_cast %swap3A_1225 : i32 to index
    %swap3A_1227 = arith.constant 32 : index
    %swap3A_1228 = tpu.vector_load %arg10[%swap3A_1226, %swap3A_1227] {strides = array<i32>} : memref<40x128xf32, #tpu.memory_space<vmem>>, vector<16xf32>,
    tpu.vector_store %arg10[%swap3A_1226, %swap3A_1227], %broadcast_in_dim3A_1 {strides = array<i32>} : memref<40x128xf32, #tpu.memory_space<vmem>>, vector<16xf32>,
    %swap3A_1229 = arith.constant 38 : i32
    %swap3A_1230 = arith.index_cast %swap3A_1229 : i32 to index
    %swap3A_1231 = arith.constant 48 : index
    %swap3A_1232 = tpu.vector_load %arg10[%swap3A_1230, %swap3A_1231] {strides = array<i32>} : memref<40x128xf32, #tpu.memory_space<vmem>>, vector<16xf32>,
    tpu.vector_store %arg10[%swap3A_1230, %swap3A_1231], %broadcast_in_dim3A_1 {strides = array<i32>} : memref<40x128xf32, #tpu.memory_space<vmem>>, vector<16xf32>,
    %swap3A_1233 = arith.constant 38 : i32
    %swap3A_1234 = arith.index_cast %swap3A_1233 : i32 to index
    %swap3A_1235 = arith.constant 64 : index
    %swap3A_1236 = tpu.vector_load %arg10[%swap3A_1234, %swap3A_1235] {strides = array<i32>} : memref<40x128xf32, #tpu.memory_space<vmem>>, vector<16xf32>,
    tpu.vector_store %arg10[%swap3A_1234, %swap3A_1235], %broadcast_in_dim3A_1 {strides = array<i32>} : memref<40x128xf32, #tpu.memory_space<vmem>>, vector<16xf32>,
    %swap3A_1237 = arith.constant 38 : i32
    %swap3A_1238 = arith.index_cast %swap3A_1237 : i32 to index
    %swap3A_1239 = arith.constant 80 : index
    %swap3A_1240 = tpu.vector_load %arg10[%swap3A_1238, %swap3A_1239] {strides = array<i32>} : memref<40x128xf32, #tpu.memory_space<vmem>>, vector<16xf32>,
    tpu.vector_store %arg10[%swap3A_1238, %swap3A_1239], %broadcast_in_dim3A_1 {strides = array<i32>} : memref<40x128xf32, #tpu.memory_space<vmem>>, vector<16xf32>,
    %swap3A_1241 = arith.constant 38 : i32
    %swap3A_1242 = arith.index_cast %swap3A_1241 : i32 to index
    %swap3A_1243 = arith.constant 96 : index
    %swap3A_1244 = tpu.vector_load %arg10[%swap3A_1242, %swap3A_1243] {strides = array<i32>} : memref<40x128xf32, #tpu.memory_space<vmem>>, vector<16xf32>,
    tpu.vector_store %arg10[%swap3A_1242, %swap3A_1243], %broadcast_in_dim3A_1 {strides = array<i32>} : memref<40x128xf32, #tpu.memory_space<vmem>>, vector<16xf32>,
    %swap3A_1245 = arith.constant 38 : i32
    %swap3A_1246 = arith.index_cast %swap3A_1245 : i32 to index
    %swap3A_1247 = arith.constant 112 : index
    %swap3A_1248 = tpu.vector_load %arg10[%swap3A_1246, %swap3A_1247] {strides = array<i32>} : memref<40x128xf32, #tpu.memory_space<vmem>>, vector<16xf32>,
    tpu.vector_store %arg10[%swap3A_1246, %swap3A_1247], %broadcast_in_dim3A_1 {strides = array<i32>} : memref<40x128xf32, #tpu.memory_space<vmem>>, vector<16xf32>,
    %swap3A_1249 = arith.constant 39 : i32
    %swap3A_1250 = arith.index_cast %swap3A_1249 : i32 to index
    %swap3A_1251 = arith.constant 0 : index
    %swap3A_1252 = tpu.vector_load %arg10[%swap3A_1250, %swap3A_1251] {strides = array<i32>} : memref<40x128xf32, #tpu.memory_space<vmem>>, vector<16xf32>,
    tpu.vector_store %arg10[%swap3A_1250, %swap3A_1251], %broadcast_in_dim3A_1 {strides = array<i32>} : memref<40x128xf32, #tpu.memory_space<vmem>>, vector<16xf32>,
    %swap3A_1253 = arith.constant 39 : i32
    %swap3A_1254 = arith.index_cast %swap3A_1253 : i32 to index
    %swap3A_1255 = arith.constant 16 : index
    %swap3A_1256 = tpu.vector_load %arg10[%swap3A_1254, %swap3A_1255] {strides = array<i32>} : memref<40x128xf32, #tpu.memory_space<vmem>>, vector<16xf32>,
    tpu.vector_store %arg10[%swap3A_1254, %swap3A_1255], %broadcast_in_dim3A_1 {strides = array<i32>} : memref<40x128xf32, #tpu.memory_space<vmem>>, vector<16xf32>,
    %swap3A_1257 = arith.constant 39 : i32
    %swap3A_1258 = arith.index_cast %swap3A_1257 : i32 to index
    %swap3A_1259 = arith.constant 32 : index
    %swap3A_1260 = tpu.vector_load %arg10[%swap3A_1258, %swap3A_1259] {strides = array<i32>} : memref<40x128xf32, #tpu.memory_space<vmem>>, vector<16xf32>,
    tpu.vector_store %arg10[%swap3A_1258, %swap3A_1259], %broadcast_in_dim3A_1 {strides = array<i32>} : memref<40x128xf32, #tpu.memory_space<vmem>>, vector<16xf32>,
    %swap3A_1261 = arith.constant 39 : i32
    %swap3A_1262 = arith.index_cast %swap3A_1261 : i32 to index
    %swap3A_1263 = arith.constant 48 : index
    %swap3A_1264 = tpu.vector_load %arg10[%swap3A_1262, %swap3A_1263] {strides = array<i32>} : memref<40x128xf32, #tpu.memory_space<vmem>>, vector<16xf32>,
    tpu.vector_store %arg10[%swap3A_1262, %swap3A_1263], %broadcast_in_dim3A_1 {strides = array<i32>} : memref<40x128xf32, #tpu.memory_space<vmem>>, vector<16xf32>,
    %swap3A_1265 = arith.constant 39 : i32
    %swap3A_1266 = arith.index_cast %swap3A_1265 : i32 to index
    %swap3A_1267 = arith.constant 64 : index
    %swap3A_1268 = tpu.vector_load %arg10[%swap3A_1266, %swap3A_1267] {strides = array<i32>} : memref<40x128xf32, #tpu.memory_space<vmem>>, vector<16xf32>,
    tpu.vector_store %arg10[%swap3A_1266, %swap3A_1267], %broadcast_in_dim3A_1 {strides = array<i32>} : memref<40x128xf32, #tpu.memory_space<vmem>>, vector<16xf32>,
    %swap3A_1269 = arith.constant 39 : i32
    %swap3A_1270 = arith.index_cast %swap3A_1269 : i32 to index
    %swap3A_1271 = arith.constant 80 : index
    %swap3A_1272 = tpu.vector_load %arg10[%swap3A_1270, %swap3A_1271] {strides = array<i32>} : memref<40x128xf32, #tpu.memory_space<vmem>>, vector<16xf32>,
    tpu.vector_store %arg10[%swap3A_1270, %swap3A_1271], %broadcast_in_dim3A_1 {strides = array<i32>} : memref<40x128xf32, #tpu.memory_space<vmem>>, vector<16xf32>,
    %swap3A_1273 = arith.constant 39 : i32
    %swap3A_1274 = arith.index_cast %swap3A_1273 : i32 to index
    %swap3A_1275 = arith.constant 96 : index
    %swap3A_1276 = tpu.vector_load %arg10[%swap3A_1274, %swap3A_1275] {strides = array<i32>} : memref<40x128xf32, #tpu.memory_space<vmem>>, vector<16xf32>,
    tpu.vector_store %arg10[%swap3A_1274, %swap3A_1275], %broadcast_in_dim3A_1 {strides = array<i32>} : memref<40x128xf32, #tpu.memory_space<vmem>>, vector<16xf32>,
    %swap3A_1277 = arith.constant 39 : i32
    %swap3A_1278 = arith.index_cast %swap3A_1277 : i32 to index
    %swap3A_1279 = arith.constant 112 : index
    %swap3A_1280 = tpu.vector_load %arg10[%swap3A_1278, %swap3A_1279] {strides = array<i32>} : memref<40x128xf32, #tpu.memory_space<vmem>>, vector<16xf32>,
    tpu.vector_store %arg10[%swap3A_1278, %swap3A_1279], %broadcast_in_dim3A_1 {strides = array<i32>} : memref<40x128xf32, #tpu.memory_space<vmem>>, vector<16xf32>,
    %mul3A_1281 = arith.constant 624 : i32
    %mul3A_1282 = arith.muli %arg1, %mul3A_1281 : i32
    %add3A_1283 = arith.constant 0 : i32
    %add3A_1284 = arith.addi %mul3A_1282, %add3A_1283 : i32
    "tpu.region"() ({
      %run_scoped3A = tpu.sem_alloc : memref<!tpu.dma_semaphore, #tpu.memory_space<semaphore_mem>>
      %dma_start3A = arith.constant 0 : i32
      %dma_start3A_1359 = tpu.memref_slice %arg6[%add3A_1284, %dma_start3A] : memref<10000x128xf32, #tpu.memory_space<vmem_shared>> -> memref<40x128xf32, #tpu.memory_space<vmem_shared>>
      %dma_start3A_1360 = arith.constant 0 : i32
      %dma_start3A_1361 = tpu.memref_slice %arg6[%add3A_1284, %dma_start3A_1360] : memref<10000x128xf32, #tpu.memory_space<vmem_shared>> -> memref<40x128xf32, #tpu.memory_space<vmem_shared>>
      tpu.enqueue_dma source(%arg10 : memref<40x128xf32, #tpu.memory_space<vmem>>) target(%dma_start3A_1361 : memref<40x128xf32, #tpu.memory_space<vmem_shared>>) target_semaphore(%run_scoped3A : memref<!tpu.dma_semaphore, #tpu.memory_space<semaphore_mem>>)
      %dma_wait3A = arith.constant 0 : i32
      %dma_wait3A_1362 = tpu.memref_slice %arg6[%add3A_1284, %dma_wait3A] : memref<10000x128xf32, #tpu.memory_space<vmem_shared>> -> memref<40x128xf32, #tpu.memory_space<vmem_shared>>
      %dma_wait3A_1363 = arith.constant 0 : i32
      %dma_wait3A_1364 = tpu.memref_slice %arg6[%add3A_1284, %dma_wait3A_1363] : memref<10000x128xf32, #tpu.memory_space<vmem_shared>> -> memref<40x128xf32, #tpu.memory_space<vmem_shared>>
      tpu.wait_dma2 semaphore(%run_scoped3A : memref<!tpu.dma_semaphore, #tpu.memory_space<semaphore_mem>>) src(%arg10 : memref<40x128xf32, #tpu.memory_space<vmem>>) dst(%dma_wait3A_1364 : memref<40x128xf32, #tpu.memory_space<vmem_shared>>)
      tpu.yield
    }) : () -> ()
    %mul3A_1285 = arith.constant 624 : i32
    %mul3A_1286 = arith.muli %arg1, %mul3A_1285 : i32
    %add3A_1287 = arith.constant 40 : i32
    %add3A_1288 = arith.addi %mul3A_1286, %add3A_1287 : i32
    "tpu.region"() ({
      %run_scoped3A = tpu.sem_alloc : memref<!tpu.dma_semaphore, #tpu.memory_space<semaphore_mem>>
      %dma_start3A = arith.constant 0 : i32
      %dma_start3A_1359 = tpu.memref_slice %arg6[%add3A_1288, %dma_start3A] : memref<10000x128xf32, #tpu.memory_space<vmem_shared>> -> memref<40x128xf32, #tpu.memory_space<vmem_shared>>
      %dma_start3A_1360 = arith.constant 0 : i32
      %dma_start3A_1361 = tpu.memref_slice %arg6[%add3A_1288, %dma_start3A_1360] : memref<10000x128xf32, #tpu.memory_space<vmem_shared>> -> memref<40x128xf32, #tpu.memory_space<vmem_shared>>
      tpu.enqueue_dma source(%arg10 : memref<40x128xf32, #tpu.memory_space<vmem>>) target(%dma_start3A_1361 : memref<40x128xf32, #tpu.memory_space<vmem_shared>>) target_semaphore(%run_scoped3A : memref<!tpu.dma_semaphore, #tpu.memory_space<semaphore_mem>>)
      %dma_wait3A = arith.constant 0 : i32
      %dma_wait3A_1362 = tpu.memref_slice %arg6[%add3A_1288, %dma_wait3A] : memref<10000x128xf32, #tpu.memory_space<vmem_shared>> -> memref<40x128xf32, #tpu.memory_space<vmem_shared>>
      %dma_wait3A_1363 = arith.constant 0 : i32
      %dma_wait3A_1364 = tpu.memref_slice %arg6[%add3A_1288, %dma_wait3A_1363] : memref<10000x128xf32, #tpu.memory_space<vmem_shared>> -> memref<40x128xf32, #tpu.memory_space<vmem_shared>>
      tpu.wait_dma2 semaphore(%run_scoped3A : memref<!tpu.dma_semaphore, #tpu.memory_space<semaphore_mem>>) src(%arg10 : memref<40x128xf32, #tpu.memory_space<vmem>>) dst(%dma_wait3A_1364 : memref<40x128xf32, #tpu.memory_space<vmem_shared>>)
      tpu.yield
    }) : () -> ()
    %mul3A_1289 = arith.constant 624 : i32
    %mul3A_1290 = arith.muli %arg1, %mul3A_1289 : i32
    %add3A_1291 = arith.constant 80 : i32
    %add3A_1292 = arith.addi %mul3A_1290, %add3A_1291 : i32
    "tpu.region"() ({
      %run_scoped3A = tpu.sem_alloc : memref<!tpu.dma_semaphore, #tpu.memory_space<semaphore_mem>>
      %dma_start3A = arith.constant 0 : i32
      %dma_start3A_1359 = tpu.memref_slice %arg6[%add3A_1292, %dma_start3A] : memref<10000x128xf32, #tpu.memory_space<vmem_shared>> -> memref<40x128xf32, #tpu.memory_space<vmem_shared>>
      %dma_start3A_1360 = arith.constant 0 : i32
      %dma_start3A_1361 = tpu.memref_slice %arg6[%add3A_1292, %dma_start3A_1360] : memref<10000x128xf32, #tpu.memory_space<vmem_shared>> -> memref<40x128xf32, #tpu.memory_space<vmem_shared>>
      tpu.enqueue_dma source(%arg10 : memref<40x128xf32, #tpu.memory_space<vmem>>) target(%dma_start3A_1361 : memref<40x128xf32, #tpu.memory_space<vmem_shared>>) target_semaphore(%run_scoped3A : memref<!tpu.dma_semaphore, #tpu.memory_space<semaphore_mem>>)
      %dma_wait3A = arith.constant 0 : i32
      %dma_wait3A_1362 = tpu.memref_slice %arg6[%add3A_1292, %dma_wait3A] : memref<10000x128xf32, #tpu.memory_space<vmem_shared>> -> memref<40x128xf32, #tpu.memory_space<vmem_shared>>
      %dma_wait3A_1363 = arith.constant 0 : i32
      %dma_wait3A_1364 = tpu.memref_slice %arg6[%add3A_1292, %dma_wait3A_1363] : memref<10000x128xf32, #tpu.memory_space<vmem_shared>> -> memref<40x128xf32, #tpu.memory_space<vmem_shared>>
      tpu.wait_dma2 semaphore(%run_scoped3A : memref<!tpu.dma_semaphore, #tpu.memory_space<semaphore_mem>>) src(%arg10 : memref<40x128xf32, #tpu.memory_space<vmem>>) dst(%dma_wait3A_1364 : memref<40x128xf32, #tpu.memory_space<vmem_shared>>)
      tpu.yield
    }) : () -> ()
    %mul3A_1293 = arith.constant 624 : i32
    %mul3A_1294 = arith.muli %arg1, %mul3A_1293 : i32
    %add3A_1295 = arith.constant 120 : i32
    %add3A_1296 = arith.addi %mul3A_1294, %add3A_1295 : i32
    "tpu.region"() ({
      %run_scoped3A = tpu.sem_alloc : memref<!tpu.dma_semaphore, #tpu.memory_space<semaphore_mem>>
      %dma_start3A = arith.constant 0 : i32
      %dma_start3A_1359 = tpu.memref_slice %arg6[%add3A_1296, %dma_start3A] : memref<10000x128xf32, #tpu.memory_space<vmem_shared>> -> memref<40x128xf32, #tpu.memory_space<vmem_shared>>
      %dma_start3A_1360 = arith.constant 0 : i32
      %dma_start3A_1361 = tpu.memref_slice %arg6[%add3A_1296, %dma_start3A_1360] : memref<10000x128xf32, #tpu.memory_space<vmem_shared>> -> memref<40x128xf32, #tpu.memory_space<vmem_shared>>
      tpu.enqueue_dma source(%arg10 : memref<40x128xf32, #tpu.memory_space<vmem>>) target(%dma_start3A_1361 : memref<40x128xf32, #tpu.memory_space<vmem_shared>>) target_semaphore(%run_scoped3A : memref<!tpu.dma_semaphore, #tpu.memory_space<semaphore_mem>>)
      %dma_wait3A = arith.constant 0 : i32
      %dma_wait3A_1362 = tpu.memref_slice %arg6[%add3A_1296, %dma_wait3A] : memref<10000x128xf32, #tpu.memory_space<vmem_shared>> -> memref<40x128xf32, #tpu.memory_space<vmem_shared>>
      %dma_wait3A_1363 = arith.constant 0 : i32
      %dma_wait3A_1364 = tpu.memref_slice %arg6[%add3A_1296, %dma_wait3A_1363] : memref<10000x128xf32, #tpu.memory_space<vmem_shared>> -> memref<40x128xf32, #tpu.memory_space<vmem_shared>>
      tpu.wait_dma2 semaphore(%run_scoped3A : memref<!tpu.dma_semaphore, #tpu.memory_space<semaphore_mem>>) src(%arg10 : memref<40x128xf32, #tpu.memory_space<vmem>>) dst(%dma_wait3A_1364 : memref<40x128xf32, #tpu.memory_space<vmem_shared>>)
      tpu.yield
    }) : () -> ()
    %mul3A_1297 = arith.constant 624 : i32
    %mul3A_1298 = arith.muli %arg1, %mul3A_1297 : i32
    %add3A_1299 = arith.constant 160 : i32
    %add3A_1300 = arith.addi %mul3A_1298, %add3A_1299 : i32
    "tpu.region"() ({
      %run_scoped3A = tpu.sem_alloc : memref<!tpu.dma_semaphore, #tpu.memory_space<semaphore_mem>>
      %dma_start3A = arith.constant 0 : i32
      %dma_start3A_1359 = tpu.memref_slice %arg6[%add3A_1300, %dma_start3A] : memref<10000x128xf32, #tpu.memory_space<vmem_shared>> -> memref<40x128xf32, #tpu.memory_space<vmem_shared>>
      %dma_start3A_1360 = arith.constant 0 : i32
      %dma_start3A_1361 = tpu.memref_slice %arg6[%add3A_1300, %dma_start3A_1360] : memref<10000x128xf32, #tpu.memory_space<vmem_shared>> -> memref<40x128xf32, #tpu.memory_space<vmem_shared>>
      tpu.enqueue_dma source(%arg10 : memref<40x128xf32, #tpu.memory_space<vmem>>) target(%dma_start3A_1361 : memref<40x128xf32, #tpu.memory_space<vmem_shared>>) target_semaphore(%run_scoped3A : memref<!tpu.dma_semaphore, #tpu.memory_space<semaphore_mem>>)
      %dma_wait3A = arith.constant 0 : i32
      %dma_wait3A_1362 = tpu.memref_slice %arg6[%add3A_1300, %dma_wait3A] : memref<10000x128xf32, #tpu.memory_space<vmem_shared>> -> memref<40x128xf32, #tpu.memory_space<vmem_shared>>
      %dma_wait3A_1363 = arith.constant 0 : i32
      %dma_wait3A_1364 = tpu.memref_slice %arg6[%add3A_1300, %dma_wait3A_1363] : memref<10000x128xf32, #tpu.memory_space<vmem_shared>> -> memref<40x128xf32, #tpu.memory_space<vmem_shared>>
      tpu.wait_dma2 semaphore(%run_scoped3A : memref<!tpu.dma_semaphore, #tpu.memory_space<semaphore_mem>>) src(%arg10 : memref<40x128xf32, #tpu.memory_space<vmem>>) dst(%dma_wait3A_1364 : memref<40x128xf32, #tpu.memory_space<vmem_shared>>)
      tpu.yield
    }) : () -> ()
    %mul3A_1301 = arith.constant 624 : i32
    %mul3A_1302 = arith.muli %arg1, %mul3A_1301 : i32
    %add3A_1303 = arith.constant 200 : i32
    %add3A_1304 = arith.addi %mul3A_1302, %add3A_1303 : i32
    "tpu.region"() ({
      %run_scoped3A = tpu.sem_alloc : memref<!tpu.dma_semaphore, #tpu.memory_space<semaphore_mem>>
      %dma_start3A = arith.constant 0 : i32
      %dma_start3A_1359 = tpu.memref_slice %arg6[%add3A_1304, %dma_start3A] : memref<10000x128xf32, #tpu.memory_space<vmem_shared>> -> memref<40x128xf32, #tpu.memory_space<vmem_shared>>
      %dma_start3A_1360 = arith.constant 0 : i32
      %dma_start3A_1361 = tpu.memref_slice %arg6[%add3A_1304, %dma_start3A_1360] : memref<10000x128xf32, #tpu.memory_space<vmem_shared>> -> memref<40x128xf32, #tpu.memory_space<vmem_shared>>
      tpu.enqueue_dma source(%arg10 : memref<40x128xf32, #tpu.memory_space<vmem>>) target(%dma_start3A_1361 : memref<40x128xf32, #tpu.memory_space<vmem_shared>>) target_semaphore(%run_scoped3A : memref<!tpu.dma_semaphore, #tpu.memory_space<semaphore_mem>>)
      %dma_wait3A = arith.constant 0 : i32
      %dma_wait3A_1362 = tpu.memref_slice %arg6[%add3A_1304, %dma_wait3A] : memref<10000x128xf32, #tpu.memory_space<vmem_shared>> -> memref<40x128xf32, #tpu.memory_space<vmem_shared>>
      %dma_wait3A_1363 = arith.constant 0 : i32
      %dma_wait3A_1364 = tpu.memref_slice %arg6[%add3A_1304, %dma_wait3A_1363] : memref<10000x128xf32, #tpu.memory_space<vmem_shared>> -> memref<40x128xf32, #tpu.memory_space<vmem_shared>>
      tpu.wait_dma2 semaphore(%run_scoped3A : memref<!tpu.dma_semaphore, #tpu.memory_space<semaphore_mem>>) src(%arg10 : memref<40x128xf32, #tpu.memory_space<vmem>>) dst(%dma_wait3A_1364 : memref<40x128xf32, #tpu.memory_space<vmem_shared>>)
      tpu.yield
    }) : () -> ()
    %mul3A_1305 = arith.constant 624 : i32
    %mul3A_1306 = arith.muli %arg1, %mul3A_1305 : i32
    %add3A_1307 = arith.constant 240 : i32
    %add3A_1308 = arith.addi %mul3A_1306, %add3A_1307 : i32
    "tpu.region"() ({
      %run_scoped3A = tpu.sem_alloc : memref<!tpu.dma_semaphore, #tpu.memory_space<semaphore_mem>>
      %dma_start3A = arith.constant 0 : i32
      %dma_start3A_1359 = tpu.memref_slice %arg6[%add3A_1308, %dma_start3A] : memref<10000x128xf32, #tpu.memory_space<vmem_shared>> -> memref<40x128xf32, #tpu.memory_space<vmem_shared>>
      %dma_start3A_1360 = arith.constant 0 : i32
      %dma_start3A_1361 = tpu.memref_slice %arg6[%add3A_1308, %dma_start3A_1360] : memref<10000x128xf32, #tpu.memory_space<vmem_shared>> -> memref<40x128xf32, #tpu.memory_space<vmem_shared>>
      tpu.enqueue_dma source(%arg10 : memref<40x128xf32, #tpu.memory_space<vmem>>) target(%dma_start3A_1361 : memref<40x128xf32, #tpu.memory_space<vmem_shared>>) target_semaphore(%run_scoped3A : memref<!tpu.dma_semaphore, #tpu.memory_space<semaphore_mem>>)
      %dma_wait3A = arith.constant 0 : i32
      %dma_wait3A_1362 = tpu.memref_slice %arg6[%add3A_1308, %dma_wait3A] : memref<10000x128xf32, #tpu.memory_space<vmem_shared>> -> memref<40x128xf32, #tpu.memory_space<vmem_shared>>
      %dma_wait3A_1363 = arith.constant 0 : i32
      %dma_wait3A_1364 = tpu.memref_slice %arg6[%add3A_1308, %dma_wait3A_1363] : memref<10000x128xf32, #tpu.memory_space<vmem_shared>> -> memref<40x128xf32, #tpu.memory_space<vmem_shared>>
      tpu.wait_dma2 semaphore(%run_scoped3A : memref<!tpu.dma_semaphore, #tpu.memory_space<semaphore_mem>>) src(%arg10 : memref<40x128xf32, #tpu.memory_space<vmem>>) dst(%dma_wait3A_1364 : memref<40x128xf32, #tpu.memory_space<vmem_shared>>)
      tpu.yield
    }) : () -> ()
    %mul3A_1309 = arith.constant 624 : i32
    %mul3A_1310 = arith.muli %arg1, %mul3A_1309 : i32
    %add3A_1311 = arith.constant 280 : i32
    %add3A_1312 = arith.addi %mul3A_1310, %add3A_1311 : i32
    "tpu.region"() ({
      %run_scoped3A = tpu.sem_alloc : memref<!tpu.dma_semaphore, #tpu.memory_space<semaphore_mem>>
      %dma_start3A = arith.constant 0 : i32
      %dma_start3A_1359 = tpu.memref_slice %arg6[%add3A_1312, %dma_start3A] : memref<10000x128xf32, #tpu.memory_space<vmem_shared>> -> memref<40x128xf32, #tpu.memory_space<vmem_shared>>
      %dma_start3A_1360 = arith.constant 0 : i32
      %dma_start3A_1361 = tpu.memref_slice %arg6[%add3A_1312, %dma_start3A_1360] : memref<10000x128xf32, #tpu.memory_space<vmem_shared>> -> memref<40x128xf32, #tpu.memory_space<vmem_shared>>
      tpu.enqueue_dma source(%arg10 : memref<40x128xf32, #tpu.memory_space<vmem>>) target(%dma_start3A_1361 : memref<40x128xf32, #tpu.memory_space<vmem_shared>>) target_semaphore(%run_scoped3A : memref<!tpu.dma_semaphore, #tpu.memory_space<semaphore_mem>>)
      %dma_wait3A = arith.constant 0 : i32
      %dma_wait3A_1362 = tpu.memref_slice %arg6[%add3A_1312, %dma_wait3A] : memref<10000x128xf32, #tpu.memory_space<vmem_shared>> -> memref<40x128xf32, #tpu.memory_space<vmem_shared>>
      %dma_wait3A_1363 = arith.constant 0 : i32
      %dma_wait3A_1364 = tpu.memref_slice %arg6[%add3A_1312, %dma_wait3A_1363] : memref<10000x128xf32, #tpu.memory_space<vmem_shared>> -> memref<40x128xf32, #tpu.memory_space<vmem_shared>>
      tpu.wait_dma2 semaphore(%run_scoped3A : memref<!tpu.dma_semaphore, #tpu.memory_space<semaphore_mem>>) src(%arg10 : memref<40x128xf32, #tpu.memory_space<vmem>>) dst(%dma_wait3A_1364 : memref<40x128xf32, #tpu.memory_space<vmem_shared>>)
      tpu.yield
    }) : () -> ()
    %mul3A_1313 = arith.constant 624 : i32
    %mul3A_1314 = arith.muli %arg1, %mul3A_1313 : i32
    %add3A_1315 = arith.constant 320 : i32
    %add3A_1316 = arith.addi %mul3A_1314, %add3A_1315 : i32
    "tpu.region"() ({
      %run_scoped3A = tpu.sem_alloc : memref<!tpu.dma_semaphore, #tpu.memory_space<semaphore_mem>>
      %dma_start3A = arith.constant 0 : i32
      %dma_start3A_1359 = tpu.memref_slice %arg6[%add3A_1316, %dma_start3A] : memref<10000x128xf32, #tpu.memory_space<vmem_shared>> -> memref<40x128xf32, #tpu.memory_space<vmem_shared>>
      %dma_start3A_1360 = arith.constant 0 : i32
      %dma_start3A_1361 = tpu.memref_slice %arg6[%add3A_1316, %dma_start3A_1360] : memref<10000x128xf32, #tpu.memory_space<vmem_shared>> -> memref<40x128xf32, #tpu.memory_space<vmem_shared>>
      tpu.enqueue_dma source(%arg10 : memref<40x128xf32, #tpu.memory_space<vmem>>) target(%dma_start3A_1361 : memref<40x128xf32, #tpu.memory_space<vmem_shared>>) target_semaphore(%run_scoped3A : memref<!tpu.dma_semaphore, #tpu.memory_space<semaphore_mem>>)
      %dma_wait3A = arith.constant 0 : i32
      %dma_wait3A_1362 = tpu.memref_slice %arg6[%add3A_1316, %dma_wait3A] : memref<10000x128xf32, #tpu.memory_space<vmem_shared>> -> memref<40x128xf32, #tpu.memory_space<vmem_shared>>
      %dma_wait3A_1363 = arith.constant 0 : i32
      %dma_wait3A_1364 = tpu.memref_slice %arg6[%add3A_1316, %dma_wait3A_1363] : memref<10000x128xf32, #tpu.memory_space<vmem_shared>> -> memref<40x128xf32, #tpu.memory_space<vmem_shared>>
      tpu.wait_dma2 semaphore(%run_scoped3A : memref<!tpu.dma_semaphore, #tpu.memory_space<semaphore_mem>>) src(%arg10 : memref<40x128xf32, #tpu.memory_space<vmem>>) dst(%dma_wait3A_1364 : memref<40x128xf32, #tpu.memory_space<vmem_shared>>)
      tpu.yield
    }) : () -> ()
    %mul3A_1317 = arith.constant 624 : i32
    %mul3A_1318 = arith.muli %arg1, %mul3A_1317 : i32
    %add3A_1319 = arith.constant 360 : i32
    %add3A_1320 = arith.addi %mul3A_1318, %add3A_1319 : i32
    "tpu.region"() ({
      %run_scoped3A = tpu.sem_alloc : memref<!tpu.dma_semaphore, #tpu.memory_space<semaphore_mem>>
      %dma_start3A = arith.constant 0 : i32
      %dma_start3A_1359 = tpu.memref_slice %arg6[%add3A_1320, %dma_start3A] : memref<10000x128xf32, #tpu.memory_space<vmem_shared>> -> memref<40x128xf32, #tpu.memory_space<vmem_shared>>
      %dma_start3A_1360 = arith.constant 0 : i32
      %dma_start3A_1361 = tpu.memref_slice %arg6[%add3A_1320, %dma_start3A_1360] : memref<10000x128xf32, #tpu.memory_space<vmem_shared>> -> memref<40x128xf32, #tpu.memory_space<vmem_shared>>
      tpu.enqueue_dma source(%arg10 : memref<40x128xf32, #tpu.memory_space<vmem>>) target(%dma_start3A_1361 : memref<40x128xf32, #tpu.memory_space<vmem_shared>>) target_semaphore(%run_scoped3A : memref<!tpu.dma_semaphore, #tpu.memory_space<semaphore_mem>>)
      %dma_wait3A = arith.constant 0 : i32
      %dma_wait3A_1362 = tpu.memref_slice %arg6[%add3A_1320, %dma_wait3A] : memref<10000x128xf32, #tpu.memory_space<vmem_shared>> -> memref<40x128xf32, #tpu.memory_space<vmem_shared>>
      %dma_wait3A_1363 = arith.constant 0 : i32
      %dma_wait3A_1364 = tpu.memref_slice %arg6[%add3A_1320, %dma_wait3A_1363] : memref<10000x128xf32, #tpu.memory_space<vmem_shared>> -> memref<40x128xf32, #tpu.memory_space<vmem_shared>>
      tpu.wait_dma2 semaphore(%run_scoped3A : memref<!tpu.dma_semaphore, #tpu.memory_space<semaphore_mem>>) src(%arg10 : memref<40x128xf32, #tpu.memory_space<vmem>>) dst(%dma_wait3A_1364 : memref<40x128xf32, #tpu.memory_space<vmem_shared>>)
      tpu.yield
    }) : () -> ()
    %mul3A_1321 = arith.constant 624 : i32
    %mul3A_1322 = arith.muli %arg1, %mul3A_1321 : i32
    %add3A_1323 = arith.constant 400 : i32
    %add3A_1324 = arith.addi %mul3A_1322, %add3A_1323 : i32
    "tpu.region"() ({
      %run_scoped3A = tpu.sem_alloc : memref<!tpu.dma_semaphore, #tpu.memory_space<semaphore_mem>>
      %dma_start3A = arith.constant 0 : i32
      %dma_start3A_1359 = tpu.memref_slice %arg6[%add3A_1324, %dma_start3A] : memref<10000x128xf32, #tpu.memory_space<vmem_shared>> -> memref<40x128xf32, #tpu.memory_space<vmem_shared>>
      %dma_start3A_1360 = arith.constant 0 : i32
      %dma_start3A_1361 = tpu.memref_slice %arg6[%add3A_1324, %dma_start3A_1360] : memref<10000x128xf32, #tpu.memory_space<vmem_shared>> -> memref<40x128xf32, #tpu.memory_space<vmem_shared>>
      tpu.enqueue_dma source(%arg10 : memref<40x128xf32, #tpu.memory_space<vmem>>) target(%dma_start3A_1361 : memref<40x128xf32, #tpu.memory_space<vmem_shared>>) target_semaphore(%run_scoped3A : memref<!tpu.dma_semaphore, #tpu.memory_space<semaphore_mem>>)
      %dma_wait3A = arith.constant 0 : i32
      %dma_wait3A_1362 = tpu.memref_slice %arg6[%add3A_1324, %dma_wait3A] : memref<10000x128xf32, #tpu.memory_space<vmem_shared>> -> memref<40x128xf32, #tpu.memory_space<vmem_shared>>
      %dma_wait3A_1363 = arith.constant 0 : i32
      %dma_wait3A_1364 = tpu.memref_slice %arg6[%add3A_1324, %dma_wait3A_1363] : memref<10000x128xf32, #tpu.memory_space<vmem_shared>> -> memref<40x128xf32, #tpu.memory_space<vmem_shared>>
      tpu.wait_dma2 semaphore(%run_scoped3A : memref<!tpu.dma_semaphore, #tpu.memory_space<semaphore_mem>>) src(%arg10 : memref<40x128xf32, #tpu.memory_space<vmem>>) dst(%dma_wait3A_1364 : memref<40x128xf32, #tpu.memory_space<vmem_shared>>)
      tpu.yield
    }) : () -> ()
    %mul3A_1325 = arith.constant 624 : i32
    %mul3A_1326 = arith.muli %arg1, %mul3A_1325 : i32
    %add3A_1327 = arith.constant 440 : i32
    %add3A_1328 = arith.addi %mul3A_1326, %add3A_1327 : i32
    "tpu.region"() ({
      %run_scoped3A = tpu.sem_alloc : memref<!tpu.dma_semaphore, #tpu.memory_space<semaphore_mem>>
      %dma_start3A = arith.constant 0 : i32
      %dma_start3A_1359 = tpu.memref_slice %arg6[%add3A_1328, %dma_start3A] : memref<10000x128xf32, #tpu.memory_space<vmem_shared>> -> memref<40x128xf32, #tpu.memory_space<vmem_shared>>
      %dma_start3A_1360 = arith.constant 0 : i32
      %dma_start3A_1361 = tpu.memref_slice %arg6[%add3A_1328, %dma_start3A_1360] : memref<10000x128xf32, #tpu.memory_space<vmem_shared>> -> memref<40x128xf32, #tpu.memory_space<vmem_shared>>
      tpu.enqueue_dma source(%arg10 : memref<40x128xf32, #tpu.memory_space<vmem>>) target(%dma_start3A_1361 : memref<40x128xf32, #tpu.memory_space<vmem_shared>>) target_semaphore(%run_scoped3A : memref<!tpu.dma_semaphore, #tpu.memory_space<semaphore_mem>>)
      %dma_wait3A = arith.constant 0 : i32
      %dma_wait3A_1362 = tpu.memref_slice %arg6[%add3A_1328, %dma_wait3A] : memref<10000x128xf32, #tpu.memory_space<vmem_shared>> -> memref<40x128xf32, #tpu.memory_space<vmem_shared>>
      %dma_wait3A_1363 = arith.constant 0 : i32
      %dma_wait3A_1364 = tpu.memref_slice %arg6[%add3A_1328, %dma_wait3A_1363] : memref<10000x128xf32, #tpu.memory_space<vmem_shared>> -> memref<40x128xf32, #tpu.memory_space<vmem_shared>>
      tpu.wait_dma2 semaphore(%run_scoped3A : memref<!tpu.dma_semaphore, #tpu.memory_space<semaphore_mem>>) src(%arg10 : memref<40x128xf32, #tpu.memory_space<vmem>>) dst(%dma_wait3A_1364 : memref<40x128xf32, #tpu.memory_space<vmem_shared>>)
      tpu.yield
    }) : () -> ()
    %mul3A_1329 = arith.constant 624 : i32
    %mul3A_1330 = arith.muli %arg1, %mul3A_1329 : i32
    %add3A_1331 = arith.constant 480 : i32
    %add3A_1332 = arith.addi %mul3A_1330, %add3A_1331 : i32
    "tpu.region"() ({
      %run_scoped3A = tpu.sem_alloc : memref<!tpu.dma_semaphore, #tpu.memory_space<semaphore_mem>>
      %dma_start3A = arith.constant 0 : i32
      %dma_start3A_1359 = tpu.memref_slice %arg6[%add3A_1332, %dma_start3A] : memref<10000x128xf32, #tpu.memory_space<vmem_shared>> -> memref<40x128xf32, #tpu.memory_space<vmem_shared>>
      %dma_start3A_1360 = arith.constant 0 : i32
      %dma_start3A_1361 = tpu.memref_slice %arg6[%add3A_1332, %dma_start3A_1360] : memref<10000x128xf32, #tpu.memory_space<vmem_shared>> -> memref<40x128xf32, #tpu.memory_space<vmem_shared>>
      tpu.enqueue_dma source(%arg10 : memref<40x128xf32, #tpu.memory_space<vmem>>) target(%dma_start3A_1361 : memref<40x128xf32, #tpu.memory_space<vmem_shared>>) target_semaphore(%run_scoped3A : memref<!tpu.dma_semaphore, #tpu.memory_space<semaphore_mem>>)
      %dma_wait3A = arith.constant 0 : i32
      %dma_wait3A_1362 = tpu.memref_slice %arg6[%add3A_1332, %dma_wait3A] : memref<10000x128xf32, #tpu.memory_space<vmem_shared>> -> memref<40x128xf32, #tpu.memory_space<vmem_shared>>
      %dma_wait3A_1363 = arith.constant 0 : i32
      %dma_wait3A_1364 = tpu.memref_slice %arg6[%add3A_1332, %dma_wait3A_1363] : memref<10000x128xf32, #tpu.memory_space<vmem_shared>> -> memref<40x128xf32, #tpu.memory_space<vmem_shared>>
      tpu.wait_dma2 semaphore(%run_scoped3A : memref<!tpu.dma_semaphore, #tpu.memory_space<semaphore_mem>>) src(%arg10 : memref<40x128xf32, #tpu.memory_space<vmem>>) dst(%dma_wait3A_1364 : memref<40x128xf32, #tpu.memory_space<vmem_shared>>)
      tpu.yield
    }) : () -> ()
    %mul3A_1333 = arith.constant 624 : i32
    %mul3A_1334 = arith.muli %arg1, %mul3A_1333 : i32
    %add3A_1335 = arith.constant 520 : i32
    %add3A_1336 = arith.addi %mul3A_1334, %add3A_1335 : i32
    "tpu.region"() ({
      %run_scoped3A = tpu.sem_alloc : memref<!tpu.dma_semaphore, #tpu.memory_space<semaphore_mem>>
      %dma_start3A = arith.constant 0 : i32
      %dma_start3A_1359 = tpu.memref_slice %arg6[%add3A_1336, %dma_start3A] : memref<10000x128xf32, #tpu.memory_space<vmem_shared>> -> memref<40x128xf32, #tpu.memory_space<vmem_shared>>
      %dma_start3A_1360 = arith.constant 0 : i32
      %dma_start3A_1361 = tpu.memref_slice %arg6[%add3A_1336, %dma_start3A_1360] : memref<10000x128xf32, #tpu.memory_space<vmem_shared>> -> memref<40x128xf32, #tpu.memory_space<vmem_shared>>
      tpu.enqueue_dma source(%arg10 : memref<40x128xf32, #tpu.memory_space<vmem>>) target(%dma_start3A_1361 : memref<40x128xf32, #tpu.memory_space<vmem_shared>>) target_semaphore(%run_scoped3A : memref<!tpu.dma_semaphore, #tpu.memory_space<semaphore_mem>>)
      %dma_wait3A = arith.constant 0 : i32
      %dma_wait3A_1362 = tpu.memref_slice %arg6[%add3A_1336, %dma_wait3A] : memref<10000x128xf32, #tpu.memory_space<vmem_shared>> -> memref<40x128xf32, #tpu.memory_space<vmem_shared>>
      %dma_wait3A_1363 = arith.constant 0 : i32
      %dma_wait3A_1364 = tpu.memref_slice %arg6[%add3A_1336, %dma_wait3A_1363] : memref<10000x128xf32, #tpu.memory_space<vmem_shared>> -> memref<40x128xf32, #tpu.memory_space<vmem_shared>>
      tpu.wait_dma2 semaphore(%run_scoped3A : memref<!tpu.dma_semaphore, #tpu.memory_space<semaphore_mem>>) src(%arg10 : memref<40x128xf32, #tpu.memory_space<vmem>>) dst(%dma_wait3A_1364 : memref<40x128xf32, #tpu.memory_space<vmem_shared>>)
      tpu.yield
    }) : () -> ()
    %mul3A_1337 = arith.constant 624 : i32
    %mul3A_1338 = arith.muli %arg1, %mul3A_1337 : i32
    %add3A_1339 = arith.constant 560 : i32
    %add3A_1340 = arith.addi %mul3A_1338, %add3A_1339 : i32
    "tpu.region"() ({
      %run_scoped3A = tpu.sem_alloc : memref<!tpu.dma_semaphore, #tpu.memory_space<semaphore_mem>>
      %dma_start3A = arith.constant 0 : i32
      %dma_start3A_1359 = tpu.memref_slice %arg6[%add3A_1340, %dma_start3A] : memref<10000x128xf32, #tpu.memory_space<vmem_shared>> -> memref<40x128xf32, #tpu.memory_space<vmem_shared>>
      %dma_start3A_1360 = arith.constant 0 : i32
      %dma_start3A_1361 = tpu.memref_slice %arg6[%add3A_1340, %dma_start3A_1360] : memref<10000x128xf32, #tpu.memory_space<vmem_shared>> -> memref<40x128xf32, #tpu.memory_space<vmem_shared>>
      tpu.enqueue_dma source(%arg10 : memref<40x128xf32, #tpu.memory_space<vmem>>) target(%dma_start3A_1361 : memref<40x128xf32, #tpu.memory_space<vmem_shared>>) target_semaphore(%run_scoped3A : memref<!tpu.dma_semaphore, #tpu.memory_space<semaphore_mem>>)
      %dma_wait3A = arith.constant 0 : i32
      %dma_wait3A_1362 = tpu.memref_slice %arg6[%add3A_1340, %dma_wait3A] : memref<10000x128xf32, #tpu.memory_space<vmem_shared>> -> memref<40x128xf32, #tpu.memory_space<vmem_shared>>
      %dma_wait3A_1363 = arith.constant 0 : i32
      %dma_wait3A_1364 = tpu.memref_slice %arg6[%add3A_1340, %dma_wait3A_1363] : memref<10000x128xf32, #tpu.memory_space<vmem_shared>> -> memref<40x128xf32, #tpu.memory_space<vmem_shared>>
      tpu.wait_dma2 semaphore(%run_scoped3A : memref<!tpu.dma_semaphore, #tpu.memory_space<semaphore_mem>>) src(%arg10 : memref<40x128xf32, #tpu.memory_space<vmem>>) dst(%dma_wait3A_1364 : memref<40x128xf32, #tpu.memory_space<vmem_shared>>)
      tpu.yield
    }) : () -> ()
    %mul3A_1341 = arith.constant 624 : i32
    %mul3A_1342 = arith.muli %arg1, %mul3A_1341 : i32
    %add3A_1343 = arith.constant 584 : i32
    %add3A_1344 = arith.addi %mul3A_1342, %add3A_1343 : i32
    "tpu.region"() ({
      %run_scoped3A = tpu.sem_alloc : memref<!tpu.dma_semaphore, #tpu.memory_space<semaphore_mem>>
      %dma_start3A = arith.constant 0 : i32
      %dma_start3A_1359 = tpu.memref_slice %arg6[%add3A_1344, %dma_start3A] : memref<10000x128xf32, #tpu.memory_space<vmem_shared>> -> memref<40x128xf32, #tpu.memory_space<vmem_shared>>
      %dma_start3A_1360 = arith.constant 0 : i32
      %dma_start3A_1361 = tpu.memref_slice %arg6[%add3A_1344, %dma_start3A_1360] : memref<10000x128xf32, #tpu.memory_space<vmem_shared>> -> memref<40x128xf32, #tpu.memory_space<vmem_shared>>
      tpu.enqueue_dma source(%arg10 : memref<40x128xf32, #tpu.memory_space<vmem>>) target(%dma_start3A_1361 : memref<40x128xf32, #tpu.memory_space<vmem_shared>>) target_semaphore(%run_scoped3A : memref<!tpu.dma_semaphore, #tpu.memory_space<semaphore_mem>>)
      %dma_wait3A = arith.constant 0 : i32
      %dma_wait3A_1362 = tpu.memref_slice %arg6[%add3A_1344, %dma_wait3A] : memref<10000x128xf32, #tpu.memory_space<vmem_shared>> -> memref<40x128xf32, #tpu.memory_space<vmem_shared>>
      %dma_wait3A_1363 = arith.constant 0 : i32
      %dma_wait3A_1364 = tpu.memref_slice %arg6[%add3A_1344, %dma_wait3A_1363] : memref<10000x128xf32, #tpu.memory_space<vmem_shared>> -> memref<40x128xf32, #tpu.memory_space<vmem_shared>>
      tpu.wait_dma2 semaphore(%run_scoped3A : memref<!tpu.dma_semaphore, #tpu.memory_space<semaphore_mem>>) src(%arg10 : memref<40x128xf32, #tpu.memory_space<vmem>>) dst(%dma_wait3A_1364 : memref<40x128xf32, #tpu.memory_space<vmem_shared>>)
      tpu.yield
    }) : () -> ()
    %eq3A = arith.constant 0 : i32
    %eq3A_1345 = arith.cmpi eq, %arg1, %eq3A : i32
    %convert_element_type3A = arith.extui %eq3A_1345 : i1 to i32
    %cond3A = arith.constant 0 : i32
    %cond3A_1346 = arith.cmpi ne, %convert_element_type3A, %cond3A : i32
    scf.if %cond3A_1346 {
      "tpu.region"() ({
        %run_scoped3A = tpu.sem_alloc : memref<!tpu.dma_semaphore, #tpu.memory_space<semaphore_mem>>
        %dma_start3A = arith.constant 9960 : i32
        %dma_start3A_1359 = arith.constant 0 : i32
        %dma_start3A_1360 = tpu.memref_slice %arg6[%dma_start3A, %dma_start3A_1359] : memref<10000x128xf32, #tpu.memory_space<vmem_shared>> -> memref<40x128xf32, #tpu.memory_space<vmem_shared>>
        %dma_start3A_1361 = arith.constant 9960 : i32
        %dma_start3A_1362 = arith.constant 0 : i32
        %dma_start3A_1363 = tpu.memref_slice %arg6[%dma_start3A_1361, %dma_start3A_1362] : memref<10000x128xf32, #tpu.memory_space<vmem_shared>> -> memref<40x128xf32, #tpu.memory_space<vmem_shared>>
        tpu.enqueue_dma source(%arg10 : memref<40x128xf32, #tpu.memory_space<vmem>>) target(%dma_start3A_1363 : memref<40x128xf32, #tpu.memory_space<vmem_shared>>) target_semaphore(%run_scoped3A : memref<!tpu.dma_semaphore, #tpu.memory_space<semaphore_mem>>)
        %dma_wait3A = arith.constant 9960 : i32
        %dma_wait3A_1364 = arith.constant 0 : i32
        %dma_wait3A_1365 = tpu.memref_slice %arg6[%dma_wait3A, %dma_wait3A_1364] : memref<10000x128xf32, #tpu.memory_space<vmem_shared>> -> memref<40x128xf32, #tpu.memory_space<vmem_shared>>
        %dma_wait3A_1366 = arith.constant 9960 : i32
        %dma_wait3A_1367 = arith.constant 0 : i32
        %dma_wait3A_1368 = tpu.memref_slice %arg6[%dma_wait3A_1366, %dma_wait3A_1367] : memref<10000x128xf32, #tpu.memory_space<vmem_shared>> -> memref<40x128xf32, #tpu.memory_space<vmem_shared>>
        tpu.wait_dma2 semaphore(%run_scoped3A : memref<!tpu.dma_semaphore, #tpu.memory_space<semaphore_mem>>) src(%arg10 : memref<40x128xf32, #tpu.memory_space<vmem>>) dst(%dma_wait3A_1368 : memref<40x128xf32, #tpu.memory_space<vmem_shared>>)
        tpu.yield
      }) : () -> ()
    } else {
    }
    %barrier3A = arith.constant 0 : index
    tpu.barrier barrier_id(%barrier3A)
    %scan3A = arith.constant 0 : i32
    %scan3A_1347 = arith.constant 250 : i32
    %scan3A_1348 = arith.addi %scan3A, %scan3A_1347 : i32
    %scan3A_1349 = arith.constant 1 : i32
    scf.for %scan3A_1359 = %scan3A to %scan3A_1348 step %scan3A_1349  : i32 {
      %mul3A_1360 = arith.constant 1 : i32
      %mul3A_1361 = arith.muli %scan3A_1359, %mul3A_1360 : i32
      %add3A_1362 = arith.constant 0 : i32
      %add3A_1363 = arith.addi %add3A_1362, %mul3A_1361 : i32
      %mul3A_1364 = arith.constant 10000 : i32
      %mul3A_1365 = arith.muli %add3A, %mul3A_1364 : i32
      %mul3A_1366 = arith.constant 40 : i32
      %mul3A_1367 = arith.muli %add3A_1363, %mul3A_1366 : i32
      %add3A_1368 = arith.addi %mul3A_1365, %mul3A_1367 : i32
      "tpu.region"() ({
        %run_scoped3A = tpu.sem_alloc : memref<!tpu.dma_semaphore, #tpu.memory_space<semaphore_mem>>
        %dma_start3A = tpu.memref_slice %arg2[%add3A_1368] : memref<320000xi32, #tpu.memory_space<hbm>> -> memref<40xi32, #tpu.memory_space<hbm>>
        %dma_start3A_1374 = tpu.memref_slice %arg2[%add3A_1368] : memref<320000xi32, #tpu.memory_space<hbm>> -> memref<40xi32, #tpu.memory_space<hbm>>
        tpu.enqueue_dma source(%dma_start3A_1374 : memref<40xi32, #tpu.memory_space<hbm>>) target(%arg7 : memref<40xi32, #tpu.memory_space<vmem>>) target_semaphore(%run_scoped3A : memref<!tpu.dma_semaphore, #tpu.memory_space<semaphore_mem>>)
        %dma_wait3A = tpu.memref_slice %arg2[%add3A_1368] : memref<320000xi32, #tpu.memory_space<hbm>> -> memref<40xi32, #tpu.memory_space<hbm>>
        %dma_wait3A_1375 = tpu.memref_slice %arg2[%add3A_1368] : memref<320000xi32, #tpu.memory_space<hbm>> -> memref<40xi32, #tpu.memory_space<hbm>>
        tpu.wait_dma2 semaphore(%run_scoped3A : memref<!tpu.dma_semaphore, #tpu.memory_space<semaphore_mem>>) src(%dma_wait3A_1375 : memref<40xi32, #tpu.memory_space<hbm>>) dst(%arg7 : memref<40xi32, #tpu.memory_space<vmem>>)
        tpu.yield
      }) : () -> ()
      "tpu.region"() ({
        %run_scoped3A = tpu.sem_alloc : memref<!tpu.dma_semaphore, #tpu.memory_space<semaphore_mem>>
        %dma_start3A = arith.constant 0 : i32
        %dma_start3A_1374 = tpu.memref_slice %arg3[%add3A_1368, %dma_start3A] : memref<320000x16xf32, #tpu.memory_space<hbm>> -> memref<40x16xf32, #tpu.memory_space<hbm>>
        %dma_start3A_1375 = arith.constant 0 : i32
        %dma_start3A_1376 = tpu.memref_slice %arg3[%add3A_1368, %dma_start3A_1375] : memref<320000x16xf32, #tpu.memory_space<hbm>> -> memref<40x16xf32, #tpu.memory_space<hbm>>
        tpu.enqueue_dma source(%dma_start3A_1376 : memref<40x16xf32, #tpu.memory_space<hbm>>) target(%arg8 : memref<40x16xf32, #tpu.memory_space<vmem>>) target_semaphore(%run_scoped3A : memref<!tpu.dma_semaphore, #tpu.memory_space<semaphore_mem>>)
        %dma_wait3A = arith.constant 0 : i32
        %dma_wait3A_1377 = tpu.memref_slice %arg3[%add3A_1368, %dma_wait3A] : memref<320000x16xf32, #tpu.memory_space<hbm>> -> memref<40x16xf32, #tpu.memory_space<hbm>>
        %dma_wait3A_1378 = arith.constant 0 : i32
        %dma_wait3A_1379 = tpu.memref_slice %arg3[%add3A_1368, %dma_wait3A_1378] : memref<320000x16xf32, #tpu.memory_space<hbm>> -> memref<40x16xf32, #tpu.memory_space<hbm>>
        tpu.wait_dma2 semaphore(%run_scoped3A : memref<!tpu.dma_semaphore, #tpu.memory_space<semaphore_mem>>) src(%dma_wait3A_1379 : memref<40x16xf32, #tpu.memory_space<hbm>>) dst(%arg8 : memref<40x16xf32, #tpu.memory_space<vmem>>)
        tpu.yield
      }) : () -> ()
      "tpu.region"() ({
        %run_scoped3A = tpu.sem_alloc : memref<!tpu.dma_semaphore, #tpu.memory_space<semaphore_mem>>
        %dma_start3A = arith.constant 0 : i32
        %dma_start3A_1374 = tpu.memref_slice %arg4[%add3A_1368, %dma_start3A] : memref<320000x16xf32, #tpu.memory_space<hbm>> -> memref<40x16xf32, #tpu.memory_space<hbm>>
        %dma_start3A_1375 = arith.constant 0 : i32
        %dma_start3A_1376 = tpu.memref_slice %arg4[%add3A_1368, %dma_start3A_1375] : memref<320000x16xf32, #tpu.memory_space<hbm>> -> memref<40x16xf32, #tpu.memory_space<hbm>>
        tpu.enqueue_dma source(%dma_start3A_1376 : memref<40x16xf32, #tpu.memory_space<hbm>>) target(%arg9 : memref<40x16xf32, #tpu.memory_space<vmem>>) target_semaphore(%run_scoped3A : memref<!tpu.dma_semaphore, #tpu.memory_space<semaphore_mem>>)
        %dma_wait3A = arith.constant 0 : i32
        %dma_wait3A_1377 = tpu.memref_slice %arg4[%add3A_1368, %dma_wait3A] : memref<320000x16xf32, #tpu.memory_space<hbm>> -> memref<40x16xf32, #tpu.memory_space<hbm>>
        %dma_wait3A_1378 = arith.constant 0 : i32
        %dma_wait3A_1379 = tpu.memref_slice %arg4[%add3A_1368, %dma_wait3A_1378] : memref<320000x16xf32, #tpu.memory_space<hbm>> -> memref<40x16xf32, #tpu.memory_space<hbm>>
        tpu.wait_dma2 semaphore(%run_scoped3A : memref<!tpu.dma_semaphore, #tpu.memory_space<semaphore_mem>>) src(%dma_wait3A_1379 : memref<40x16xf32, #tpu.memory_space<hbm>>) dst(%arg9 : memref<40x16xf32, #tpu.memory_space<vmem>>)
        tpu.yield
      }) : () -> ()
      %scan3A_1369 = arith.constant 0 : i32
      %scan3A_1370 = arith.constant 40 : i32
      %scan3A_1371 = arith.addi %scan3A_1369, %scan3A_1370 : i32
      %scan3A_1372 = arith.constant 1 : i32
      scf.for %scan3A_1374 = %scan3A_1369 to %scan3A_1371 step %scan3A_1372  : i32 {
        %mul3A_1375 = arith.constant 1 : i32
        %mul3A_1376 = arith.muli %scan3A_1374, %mul3A_1375 : i32
        %add3A_1377 = arith.constant 0 : i32
        %add3A_1378 = arith.addi %add3A_1377, %mul3A_1376 : i32
        %get3A = arith.index_cast %add3A_1378 : i32 to index
        %get3A_1379 = arith.constant 0 : index
        %get3A_1380 = tpu.vector_load %arg8[%get3A, %get3A_1379] {strides = array<i32>} : memref<40x16xf32, #tpu.memory_space<vmem>>, vector<16xf32>,
        %get3A_1381 = arith.index_cast %add3A_1378 : i32 to index
        %get3A_1382 = arith.constant 0 : index
        %get3A_1383 = tpu.vector_load %arg9[%get3A_1381, %get3A_1382] {strides = array<i32>} : memref<40x16xf32, #tpu.memory_space<vmem>>, vector<16xf32>,
        %slice3A = vector.extract_strided_slice %get3A_1383 {offsets = [0], sizes = [1], strides = [1]} : vector<16xf32> to vector<1xf32>
        %squeeze3A = vector.extract %slice3A[0] : f32 from vector<1xf32>
        %broadcast_in_dim3A_1384 = vector.broadcast %squeeze3A : f32 to vector<16xf32>
        %mul3A_1385 = arith.mulf %broadcast_in_dim3A_1384, %get3A_1380 : vector<16xf32>
        %swap3A_1386 = arith.index_cast %add3A_1378 : i32 to index
        %swap3A_1387 = arith.constant 0 : index
        %swap3A_1388 = tpu.vector_load %arg10[%swap3A_1386, %swap3A_1387] {strides = array<i32>} : memref<40x128xf32, #tpu.memory_space<vmem>>, vector<16xf32>,
        tpu.vector_store %arg10[%swap3A_1386, %swap3A_1387], %mul3A_1385 {strides = array<i32>} : memref<40x128xf32, #tpu.memory_space<vmem>>, vector<16xf32>,
        %slice3A_1389 = vector.extract_strided_slice %get3A_1383 {offsets = [1], sizes = [1], strides = [1]} : vector<16xf32> to vector<1xf32>
        %squeeze3A_1390 = vector.extract %slice3A_1389[0] : f32 from vector<1xf32>
        %broadcast_in_dim3A_1391 = vector.broadcast %squeeze3A_1390 : f32 to vector<16xf32>
        %mul3A_1392 = arith.mulf %broadcast_in_dim3A_1391, %get3A_1380 : vector<16xf32>
        %swap3A_1393 = arith.index_cast %add3A_1378 : i32 to index
        %swap3A_1394 = arith.constant 16 : index
        %swap3A_1395 = tpu.vector_load %arg10[%swap3A_1393, %swap3A_1394] {strides = array<i32>} : memref<40x128xf32, #tpu.memory_space<vmem>>, vector<16xf32>,
        tpu.vector_store %arg10[%swap3A_1393, %swap3A_1394], %mul3A_1392 {strides = array<i32>} : memref<40x128xf32, #tpu.memory_space<vmem>>, vector<16xf32>,
        %slice3A_1396 = vector.extract_strided_slice %get3A_1383 {offsets = [2], sizes = [1], strides = [1]} : vector<16xf32> to vector<1xf32>
        %squeeze3A_1397 = vector.extract %slice3A_1396[0] : f32 from vector<1xf32>
        %broadcast_in_dim3A_1398 = vector.broadcast %squeeze3A_1397 : f32 to vector<16xf32>
        %mul3A_1399 = arith.mulf %broadcast_in_dim3A_1398, %get3A_1380 : vector<16xf32>
        %swap3A_1400 = arith.index_cast %add3A_1378 : i32 to index
        %swap3A_1401 = arith.constant 32 : index
        %swap3A_1402 = tpu.vector_load %arg10[%swap3A_1400, %swap3A_1401] {strides = array<i32>} : memref<40x128xf32, #tpu.memory_space<vmem>>, vector<16xf32>,
        tpu.vector_store %arg10[%swap3A_1400, %swap3A_1401], %mul3A_1399 {strides = array<i32>} : memref<40x128xf32, #tpu.memory_space<vmem>>, vector<16xf32>,
        %slice3A_1403 = vector.extract_strided_slice %get3A_1383 {offsets = [3], sizes = [1], strides = [1]} : vector<16xf32> to vector<1xf32>
        %squeeze3A_1404 = vector.extract %slice3A_1403[0] : f32 from vector<1xf32>
        %broadcast_in_dim3A_1405 = vector.broadcast %squeeze3A_1404 : f32 to vector<16xf32>
        %mul3A_1406 = arith.mulf %broadcast_in_dim3A_1405, %get3A_1380 : vector<16xf32>
        %swap3A_1407 = arith.index_cast %add3A_1378 : i32 to index
        %swap3A_1408 = arith.constant 48 : index
        %swap3A_1409 = tpu.vector_load %arg10[%swap3A_1407, %swap3A_1408] {strides = array<i32>} : memref<40x128xf32, #tpu.memory_space<vmem>>, vector<16xf32>,
        tpu.vector_store %arg10[%swap3A_1407, %swap3A_1408], %mul3A_1406 {strides = array<i32>} : memref<40x128xf32, #tpu.memory_space<vmem>>, vector<16xf32>,
        %slice3A_1410 = vector.extract_strided_slice %get3A_1383 {offsets = [4], sizes = [1], strides = [1]} : vector<16xf32> to vector<1xf32>
        %squeeze3A_1411 = vector.extract %slice3A_1410[0] : f32 from vector<1xf32>
        %broadcast_in_dim3A_1412 = vector.broadcast %squeeze3A_1411 : f32 to vector<16xf32>
        %mul3A_1413 = arith.mulf %broadcast_in_dim3A_1412, %get3A_1380 : vector<16xf32>
        %swap3A_1414 = arith.index_cast %add3A_1378 : i32 to index
        %swap3A_1415 = arith.constant 64 : index
        %swap3A_1416 = tpu.vector_load %arg10[%swap3A_1414, %swap3A_1415] {strides = array<i32>} : memref<40x128xf32, #tpu.memory_space<vmem>>, vector<16xf32>,
        tpu.vector_store %arg10[%swap3A_1414, %swap3A_1415], %mul3A_1413 {strides = array<i32>} : memref<40x128xf32, #tpu.memory_space<vmem>>, vector<16xf32>,
        %slice3A_1417 = vector.extract_strided_slice %get3A_1383 {offsets = [5], sizes = [1], strides = [1]} : vector<16xf32> to vector<1xf32>
        %squeeze3A_1418 = vector.extract %slice3A_1417[0] : f32 from vector<1xf32>
        %broadcast_in_dim3A_1419 = vector.broadcast %squeeze3A_1418 : f32 to vector<16xf32>
        %mul3A_1420 = arith.mulf %broadcast_in_dim3A_1419, %get3A_1380 : vector<16xf32>
        %swap3A_1421 = arith.index_cast %add3A_1378 : i32 to index
        %swap3A_1422 = arith.constant 80 : index
        %swap3A_1423 = tpu.vector_load %arg10[%swap3A_1421, %swap3A_1422] {strides = array<i32>} : memref<40x128xf32, #tpu.memory_space<vmem>>, vector<16xf32>,
        tpu.vector_store %arg10[%swap3A_1421, %swap3A_1422], %mul3A_1420 {strides = array<i32>} : memref<40x128xf32, #tpu.memory_space<vmem>>, vector<16xf32>,
        %slice3A_1424 = vector.extract_strided_slice %get3A_1383 {offsets = [6], sizes = [1], strides = [1]} : vector<16xf32> to vector<1xf32>
        %squeeze3A_1425 = vector.extract %slice3A_1424[0] : f32 from vector<1xf32>
        %broadcast_in_dim3A_1426 = vector.broadcast %squeeze3A_1425 : f32 to vector<16xf32>
        %mul3A_1427 = arith.mulf %broadcast_in_dim3A_1426, %get3A_1380 : vector<16xf32>
        %swap3A_1428 = arith.index_cast %add3A_1378 : i32 to index
        %swap3A_1429 = arith.constant 96 : index
        %swap3A_1430 = tpu.vector_load %arg10[%swap3A_1428, %swap3A_1429] {strides = array<i32>} : memref<40x128xf32, #tpu.memory_space<vmem>>, vector<16xf32>,
        tpu.vector_store %arg10[%swap3A_1428, %swap3A_1429], %mul3A_1427 {strides = array<i32>} : memref<40x128xf32, #tpu.memory_space<vmem>>, vector<16xf32>,
        %slice3A_1431 = vector.extract_strided_slice %get3A_1383 {offsets = [7], sizes = [1], strides = [1]} : vector<16xf32> to vector<1xf32>
        %squeeze3A_1432 = vector.extract %slice3A_1431[0] : f32 from vector<1xf32>
        %broadcast_in_dim3A_1433 = vector.broadcast %squeeze3A_1432 : f32 to vector<16xf32>
        %mul3A_1434 = arith.mulf %broadcast_in_dim3A_1433, %get3A_1380 : vector<16xf32>
        %swap3A_1435 = arith.index_cast %add3A_1378 : i32 to index
        %swap3A_1436 = arith.constant 112 : index
        %swap3A_1437 = tpu.vector_load %arg10[%swap3A_1435, %swap3A_1436] {strides = array<i32>} : memref<40x128xf32, #tpu.memory_space<vmem>>, vector<16xf32>,
        tpu.vector_store %arg10[%swap3A_1435, %swap3A_1436], %mul3A_1434 {strides = array<i32>} : memref<40x128xf32, #tpu.memory_space<vmem>>, vector<16xf32>,
      }
      %scan3A_1373 = arith.constant 40 : i32
      "tpu.region"() ({
        %run_scoped3A = tpu.sem_alloc : memref<!tpu.dma_semaphore, #tpu.memory_space<semaphore_mem>>
        %dma_start3A = arith.constant 0 : i32
        %dma_start3A_1374 = arith.constant 0 : i32
        %dma_start3A_1375 = tpu.memref_slice %arg6[%dma_start3A, %dma_start3A_1374] : memref<10000x128xf32, #tpu.memory_space<vmem_shared>> -> memref<10000x128xf32, #tpu.memory_space<vmem_shared>>
        tpu.enqueue_indirect_dma source(%arg10 : memref<40x128xf32, #tpu.memory_space<vmem>>) target(%dma_start3A_1375 : memref<10000x128xf32, #tpu.memory_space<vmem_shared>>) offsets(%arg7 : memref<40xi32, #tpu.memory_space<vmem>>) semaphore(%run_scoped3A : memref<!tpu.dma_semaphore, #tpu.memory_space<semaphore_mem>>) {add = true}
        %dma_wait3A = arith.constant 0 : i32
        %dma_wait3A_1376 = arith.constant 0 : i32
        %dma_wait3A_1377 = tpu.memref_slice %arg6[%dma_wait3A, %dma_wait3A_1376] : memref<10000x128xf32, #tpu.memory_space<vmem_shared>> -> memref<10000x128xf32, #tpu.memory_space<vmem_shared>>
        tpu.wait_indirect_dma semaphore(%run_scoped3A : memref<!tpu.dma_semaphore, #tpu.memory_space<semaphore_mem>>) src(%arg10 : memref<40x128xf32, #tpu.memory_space<vmem>>) dst(%dma_wait3A_1377 : memref<10000x128xf32, #tpu.memory_space<vmem_shared>>)
        tpu.yield
      }) : () -> ()
    }
    %scan3A_1350 = arith.constant 250 : i32
    %barrier3A_1351 = arith.constant 0 : index
    tpu.barrier barrier_id(%barrier3A_1351)
    %mul3A_1352 = arith.constant 624 : i32
    %mul3A_1353 = arith.muli %arg1, %mul3A_1352 : i32
    "tpu.region"() ({
      %run_scoped3A = tpu.sem_alloc : memref<!tpu.dma_semaphore, #tpu.memory_space<semaphore_mem>>
      %dma_start3A = arith.constant 0 : i32
      %dma_start3A_1359 = tpu.memref_slice %arg5[%arg0, %mul3A_1353, %dma_start3A] : memref<2x10000x128xf32, #tpu.memory_space<hbm>> -> memref<1x624x128xf32, #tpu.memory_space<hbm>>
      %dma_start3A_1360 = tpu.memref_squeeze %dma_start3A_1359 : memref<1x624x128xf32, #tpu.memory_space<hbm>> -> memref<624x128xf32, #tpu.memory_space<hbm>>
      %dma_start3A_1361 = arith.constant 0 : i32
      %dma_start3A_1362 = tpu.memref_slice %arg6[%mul3A_1353, %dma_start3A_1361] : memref<10000x128xf32, #tpu.memory_space<vmem_shared>> -> memref<624x128xf32, #tpu.memory_space<vmem_shared>>
      tpu.enqueue_dma source(%dma_start3A_1362 : memref<624x128xf32, #tpu.memory_space<vmem_shared>>) target(%dma_start3A_1360 : memref<624x128xf32, #tpu.memory_space<hbm>>) target_semaphore(%run_scoped3A : memref<!tpu.dma_semaphore, #tpu.memory_space<semaphore_mem>>)
      %dma_wait3A = arith.constant 0 : i32
      %dma_wait3A_1363 = tpu.memref_slice %arg5[%arg0, %mul3A_1353, %dma_wait3A] : memref<2x10000x128xf32, #tpu.memory_space<hbm>> -> memref<1x624x128xf32, #tpu.memory_space<hbm>>
      %dma_wait3A_1364 = tpu.memref_squeeze %dma_wait3A_1363 : memref<1x624x128xf32, #tpu.memory_space<hbm>> -> memref<624x128xf32, #tpu.memory_space<hbm>>
      %dma_wait3A_1365 = arith.constant 0 : i32
      %dma_wait3A_1366 = tpu.memref_slice %arg6[%mul3A_1353, %dma_wait3A_1365] : memref<10000x128xf32, #tpu.memory_space<vmem_shared>> -> memref<624x128xf32, #tpu.memory_space<vmem_shared>>
      tpu.wait_dma2 semaphore(%run_scoped3A : memref<!tpu.dma_semaphore, #tpu.memory_space<semaphore_mem>>) src(%dma_wait3A_1366 : memref<624x128xf32, #tpu.memory_space<vmem_shared>>) dst(%dma_wait3A_1364 : memref<624x128xf32, #tpu.memory_space<hbm>>)
      tpu.yield
    }) : () -> ()
    %eq3A_1354 = arith.constant 0 : i32
    %eq3A_1355 = arith.cmpi eq, %arg1, %eq3A_1354 : i32
    %convert_element_type3A_1356 = arith.extui %eq3A_1355 : i1 to i32
    %cond3A_1357 = arith.constant 0 : i32
    %cond3A_1358 = arith.cmpi ne, %convert_element_type3A_1356, %cond3A_1357 : i32
    scf.if %cond3A_1358 {
      "tpu.region"() ({
        %run_scoped3A = tpu.sem_alloc : memref<!tpu.dma_semaphore, #tpu.memory_space<semaphore_mem>>
        %dma_start3A = arith.constant 9984 : i32
        %dma_start3A_1359 = arith.constant 0 : i32
        %dma_start3A_1360 = tpu.memref_slice %arg5[%arg0, %dma_start3A, %dma_start3A_1359] : memref<2x10000x128xf32, #tpu.memory_space<hbm>> -> memref<1x16x128xf32, #tpu.memory_space<hbm>>
        %dma_start3A_1361 = tpu.memref_squeeze %dma_start3A_1360 : memref<1x16x128xf32, #tpu.memory_space<hbm>> -> memref<16x128xf32, #tpu.memory_space<hbm>>
        %dma_start3A_1362 = arith.constant 9984 : i32
        %dma_start3A_1363 = arith.constant 0 : i32
        %dma_start3A_1364 = tpu.memref_slice %arg6[%dma_start3A_1362, %dma_start3A_1363] : memref<10000x128xf32, #tpu.memory_space<vmem_shared>> -> memref<16x128xf32, #tpu.memory_space<vmem_shared>>
        tpu.enqueue_dma source(%dma_start3A_1364 : memref<16x128xf32, #tpu.memory_space<vmem_shared>>) target(%dma_start3A_1361 : memref<16x128xf32, #tpu.memory_space<hbm>>) target_semaphore(%run_scoped3A : memref<!tpu.dma_semaphore, #tpu.memory_space<semaphore_mem>>)
        %dma_wait3A = arith.constant 9984 : i32
        %dma_wait3A_1365 = arith.constant 0 : i32
        %dma_wait3A_1366 = tpu.memref_slice %arg5[%arg0, %dma_wait3A, %dma_wait3A_1365] : memref<2x10000x128xf32, #tpu.memory_space<hbm>> -> memref<1x16x128xf32, #tpu.memory_space<hbm>>
        %dma_wait3A_1367 = tpu.memref_squeeze %dma_wait3A_1366 : memref<1x16x128xf32, #tpu.memory_space<hbm>> -> memref<16x128xf32, #tpu.memory_space<hbm>>
        %dma_wait3A_1368 = arith.constant 9984 : i32
        %dma_wait3A_1369 = arith.constant 0 : i32
        %dma_wait3A_1370 = tpu.memref_slice %arg6[%dma_wait3A_1368, %dma_wait3A_1369] : memref<10000x128xf32, #tpu.memory_space<vmem_shared>> -> memref<16x128xf32, #tpu.memory_space<vmem_shared>>
        tpu.wait_dma2 semaphore(%run_scoped3A : memref<!tpu.dma_semaphore, #tpu.memory_space<semaphore_mem>>) src(%dma_wait3A_1370 : memref<16x128xf32, #tpu.memory_space<vmem_shared>>) dst(%dma_wait3A_1367 : memref<16x128xf32, #tpu.memory_space<hbm>>)
        tpu.yield
      }) : () -> ()
    } else {
    }
    return
  }
}

module attributes {stable_mosaic.version = 14 : i64} {
  func.func @_stage_a_body(%arg0: i32, %arg1: memref<1000x128xf32, #tpu.memory_space<vmem>>, %arg2: memref<1x128xf32, #tpu.memory_space<vmem>>, %arg3: memref<1x128xf32, #tpu.memory_space<vmem>>, %arg4: memref<128x128xf32, #tpu.memory_space<vmem>>, %arg5: memref<1x128xf32, #tpu.memory_space<vmem>>, %arg6: memref<128x128xf32, #tpu.memory_space<vmem>>, %arg7: memref<1x128xf32, #tpu.memory_space<vmem>>, %arg8: memref<128x128xf32, #tpu.memory_space<vmem>>, %arg9: memref<1x128xf32, #tpu.memory_space<vmem>>, %arg10: memref<128x128xf32, #tpu.memory_space<vmem>>, %arg11: memref<128x128xf32, #tpu.memory_space<vmem>>, %arg12: memref<1x128xf32, #tpu.memory_space<vmem>>, %arg13: memref<1000x256xf32, #tpu.memory_space<vmem>>, %arg14: memref<1000x256xf32, #tpu.memory_space<vmem>>, %arg15: memref<1000x128xf32, #tpu.memory_space<vmem>>) attributes {dimension_semantics = [#tpu.dimension_semantics<arbitrary>], iteration_bounds = array<i64: 10>, scalar_prefetch = 0 : i64, scratch_operands = 0 : i64, tpu.core_type = #tpu.core_type<tc>, window_params = [{transform_indices = @transform_0, window_bounds = array<i64: 1000, 128>}, {pipeline_mode = #tpu.pipeline_mode<synchronous>, transform_indices = @transform_1, window_bounds = array<i64: 1, 128>}, {pipeline_mode = #tpu.pipeline_mode<synchronous>, transform_indices = @transform_2, window_bounds = array<i64: 1, 128>}, {pipeline_mode = #tpu.pipeline_mode<synchronous>, transform_indices = @transform_3, window_bounds = array<i64: 128, 128>}, {pipeline_mode = #tpu.pipeline_mode<synchronous>, transform_indices = @transform_4, window_bounds = array<i64: 1, 128>}, {pipeline_mode = #tpu.pipeline_mode<synchronous>, transform_indices = @transform_5, window_bounds = array<i64: 128, 128>}, {pipeline_mode = #tpu.pipeline_mode<synchronous>, transform_indices = @transform_6, window_bounds = array<i64: 1, 128>}, {pipeline_mode = #tpu.pipeline_mode<synchronous>, transform_indices = @transform_7, window_bounds = array<i64: 128, 128>}, {pipeline_mode = #tpu.pipeline_mode<synchronous>, transform_indices = @transform_8, window_bounds = array<i64: 1, 128>}, {pipeline_mode = #tpu.pipeline_mode<synchronous>, transform_indices = @transform_9, window_bounds = array<i64: 128, 128>}, {pipeline_mode = #tpu.pipeline_mode<synchronous>, transform_indices = @transform_10, window_bounds = array<i64: 128, 128>}, {pipeline_mode = #tpu.pipeline_mode<synchronous>, transform_indices = @transform_11, window_bounds = array<i64: 1, 128>}, {transform_indices = @transform_12, window_bounds = array<i64: 1000, 256>}, {transform_indices = @transform_13, window_bounds = array<i64: 1000, 256>}, {transform_indices = @transform_14, window_bounds = array<i64: 1000, 128>}]} {
    %get3A = arith.constant 0 : index
    %get3A_0 = arith.constant 0 : index
    %get3A_1 = vector.load %arg1[%get3A, %get3A_0] : memref<1000x128xf32, #tpu.memory_space<vmem>>, vector<1000x128xf32>
    %get3A_2 = arith.constant 0 : index
    %get3A_3 = arith.constant 0 : index
    %get3A_4 = vector.load %arg2[%get3A_2, %get3A_3] : memref<1x128xf32, #tpu.memory_space<vmem>>, vector<1x128xf32>
    %get3A_5 = arith.constant 0 : index
    %get3A_6 = arith.constant 0 : index
    %get3A_7 = vector.load %arg3[%get3A_5, %get3A_6] : memref<1x128xf32, #tpu.memory_space<vmem>>, vector<1x128xf32>
    %reduce_sum3A = arith.constant dense<0.000000e+00> : vector<1000xf32>
    %reduce_sum3A_8 = vector.multi_reduction <add>, %get3A_1, %reduce_sum3A [1] : vector<1000x128xf32> to vector<1000xf32>
    %broadcast_in_dim3A = vector.shape_cast %reduce_sum3A_8 : vector<1000xf32> to vector<1000x1xf32>
    %div3A = arith.constant 1.280000e+02 : f32
    %div3A_9 = vector.broadcast %div3A : f32 to vector<1000x1xf32>
    %div3A_10 = arith.divf %broadcast_in_dim3A, %div3A_9 : vector<1000x1xf32>
    %sub3A = vector.broadcast %div3A_10 : vector<1000x1xf32> to vector<1000x128xf32>
    %sub3A_11 = arith.subf %get3A_1, %sub3A : vector<1000x128xf32>
    %integer_pow3A = arith.mulf %sub3A_11, %sub3A_11 : vector<1000x128xf32>
    %reduce_sum3A_12 = arith.constant dense<0.000000e+00> : vector<1000xf32>
    %reduce_sum3A_13 = vector.multi_reduction <add>, %integer_pow3A, %reduce_sum3A_12 [1] : vector<1000x128xf32> to vector<1000xf32>
    %broadcast_in_dim3A_14 = vector.shape_cast %reduce_sum3A_13 : vector<1000xf32> to vector<1000x1xf32>
    %div3A_15 = arith.constant 1.280000e+02 : f32
    %div3A_16 = vector.broadcast %div3A_15 : f32 to vector<1000x1xf32>
    %div3A_17 = arith.divf %broadcast_in_dim3A_14, %div3A_16 : vector<1000x1xf32>
    %sub3A_18 = vector.broadcast %div3A_10 : vector<1000x1xf32> to vector<1000x128xf32>
    %sub3A_19 = arith.subf %get3A_1, %sub3A_18 : vector<1000x128xf32>
    %add3A = arith.constant 9.99999974E-6 : f32
    %add3A_20 = vector.broadcast %add3A : f32 to vector<1000x1xf32>
    %add3A_21 = arith.addf %div3A_17, %add3A_20 : vector<1000x1xf32>
    %sqrt3A = math.sqrt %add3A_21 : vector<1000x1xf32>
    %div3A_22 = vector.broadcast %sqrt3A : vector<1000x1xf32> to vector<1000x128xf32>
    %div3A_23 = arith.divf %sub3A_19, %div3A_22 : vector<1000x128xf32>
    %mul3A = vector.broadcast %get3A_4 : vector<1x128xf32> to vector<1000x128xf32>
    %mul3A_24 = arith.mulf %div3A_23, %mul3A : vector<1000x128xf32>
    %add3A_25 = vector.broadcast %get3A_7 : vector<1x128xf32> to vector<1000x128xf32>
    %add3A_26 = arith.addf %mul3A_24, %add3A_25 : vector<1000x128xf32>
    %get3A_27 = arith.constant 0 : index
    %get3A_28 = arith.constant 0 : index
    %get3A_29 = vector.load %arg4[%get3A_27, %get3A_28] : memref<128x128xf32, #tpu.memory_space<vmem>>, vector<128x128xf32>
    %dot_general3A = arith.constant dense<0.000000e+00> : vector<1000x128xf32>
    %dot_general3A_30 = tpu.matmul %add3A_26, %get3A_29, %dot_general3A {dimension_numbers = #tpu.dot_dimension_numbers<[1], [0], [0], [1], [0, 0, 1, 1], [], []>, transpose_lhs_hint = false} : vector<1000x128xf32>, vector<128x128xf32>, vector<1000x128xf32> -> vector<1000x128xf32>
    %get3A_31 = arith.constant 0 : index
    %get3A_32 = arith.constant 0 : index
    %get3A_33 = vector.load %arg5[%get3A_31, %get3A_32] : memref<1x128xf32, #tpu.memory_space<vmem>>, vector<1x128xf32>
    %add3A_34 = vector.broadcast %get3A_33 : vector<1x128xf32> to vector<1000x128xf32>
    %add3A_35 = arith.addf %dot_general3A_30, %add3A_34 : vector<1000x128xf32>
    %get3A_36 = arith.constant 0 : index
    %get3A_37 = arith.constant 0 : index
    %get3A_38 = vector.load %arg10[%get3A_36, %get3A_37] : memref<128x128xf32, #tpu.memory_space<vmem>>, vector<128x128xf32>
    %dot_general3A_39 = arith.constant dense<0.000000e+00> : vector<1000x128xf32>
    %dot_general3A_40 = tpu.matmul %add3A_35, %get3A_38, %dot_general3A_39 {dimension_numbers = #tpu.dot_dimension_numbers<[1], [0], [0], [1], [0, 0, 1, 1], [], []>, transpose_lhs_hint = false} : vector<1000x128xf32>, vector<128x128xf32>, vector<1000x128xf32> -> vector<1000x128xf32>
    %swap3A = arith.constant 0 : index
    %swap3A_41 = arith.constant 0 : index
    %swap3A_42 = vector.load %arg13[%swap3A, %swap3A_41] : memref<1000x256xf32, #tpu.memory_space<vmem>>, vector<1000x128xf32>
    tpu.vector_store %arg13[%swap3A, %swap3A_41], %add3A_35 {strides = array<i32>} : memref<1000x256xf32, #tpu.memory_space<vmem>>, vector<1000x128xf32>,
    %swap3A_43 = arith.constant 0 : index
    %swap3A_44 = arith.constant 128 : index
    %swap3A_45 = vector.load %arg13[%swap3A_43, %swap3A_44] : memref<1000x256xf32, #tpu.memory_space<vmem>>, vector<1000x128xf32>
    tpu.vector_store %arg13[%swap3A_43, %swap3A_44], %dot_general3A_40 {strides = array<i32>} : memref<1000x256xf32, #tpu.memory_space<vmem>>, vector<1000x128xf32>,
    %get3A_46 = arith.constant 0 : index
    %get3A_47 = arith.constant 0 : index
    %get3A_48 = vector.load %arg6[%get3A_46, %get3A_47] : memref<128x128xf32, #tpu.memory_space<vmem>>, vector<128x128xf32>
    %dot_general3A_49 = arith.constant dense<0.000000e+00> : vector<1000x128xf32>
    %dot_general3A_50 = tpu.matmul %add3A_26, %get3A_48, %dot_general3A_49 {dimension_numbers = #tpu.dot_dimension_numbers<[1], [0], [0], [1], [0, 0, 1, 1], [], []>, transpose_lhs_hint = false} : vector<1000x128xf32>, vector<128x128xf32>, vector<1000x128xf32> -> vector<1000x128xf32>
    %get3A_51 = arith.constant 0 : index
    %get3A_52 = arith.constant 0 : index
    %get3A_53 = vector.load %arg7[%get3A_51, %get3A_52] : memref<1x128xf32, #tpu.memory_space<vmem>>, vector<1x128xf32>
    %add3A_54 = vector.broadcast %get3A_53 : vector<1x128xf32> to vector<1000x128xf32>
    %add3A_55 = arith.addf %dot_general3A_50, %add3A_54 : vector<1000x128xf32>
    %swap3A_56 = arith.constant 0 : index
    %swap3A_57 = arith.constant 0 : index
    %swap3A_58 = vector.load %arg14[%swap3A_56, %swap3A_57] : memref<1000x256xf32, #tpu.memory_space<vmem>>, vector<1000x128xf32>
    tpu.vector_store %arg14[%swap3A_56, %swap3A_57], %add3A_55 {strides = array<i32>} : memref<1000x256xf32, #tpu.memory_space<vmem>>, vector<1000x128xf32>,
    %get3A_59 = arith.constant 0 : index
    %get3A_60 = arith.constant 0 : index
    %get3A_61 = vector.load %arg8[%get3A_59, %get3A_60] : memref<128x128xf32, #tpu.memory_space<vmem>>, vector<128x128xf32>
    %dot_general3A_62 = arith.constant dense<0.000000e+00> : vector<1000x128xf32>
    %dot_general3A_63 = tpu.matmul %add3A_26, %get3A_61, %dot_general3A_62 {dimension_numbers = #tpu.dot_dimension_numbers<[1], [0], [0], [1], [0, 0, 1, 1], [], []>, transpose_lhs_hint = false} : vector<1000x128xf32>, vector<128x128xf32>, vector<1000x128xf32> -> vector<1000x128xf32>
    %get3A_64 = arith.constant 0 : index
    %get3A_65 = arith.constant 0 : index
    %get3A_66 = vector.load %arg9[%get3A_64, %get3A_65] : memref<1x128xf32, #tpu.memory_space<vmem>>, vector<1x128xf32>
    %add3A_67 = vector.broadcast %get3A_66 : vector<1x128xf32> to vector<1000x128xf32>
    %add3A_68 = arith.addf %dot_general3A_63, %add3A_67 : vector<1000x128xf32>
    %swap3A_69 = arith.constant 0 : index
    %swap3A_70 = arith.constant 128 : index
    %swap3A_71 = vector.load %arg14[%swap3A_69, %swap3A_70] : memref<1000x256xf32, #tpu.memory_space<vmem>>, vector<1000x128xf32>
    tpu.vector_store %arg14[%swap3A_69, %swap3A_70], %add3A_68 {strides = array<i32>} : memref<1000x256xf32, #tpu.memory_space<vmem>>, vector<1000x128xf32>,
    %get3A_72 = arith.constant 0 : index
    %get3A_73 = arith.constant 0 : index
    %get3A_74 = vector.load %arg11[%get3A_72, %get3A_73] : memref<128x128xf32, #tpu.memory_space<vmem>>, vector<128x128xf32>
    %dot_general3A_75 = arith.constant dense<0.000000e+00> : vector<1000x128xf32>
    %dot_general3A_76 = tpu.matmul %add3A_26, %get3A_74, %dot_general3A_75 {dimension_numbers = #tpu.dot_dimension_numbers<[1], [0], [0], [1], [0, 0, 1, 1], [], []>, transpose_lhs_hint = false} : vector<1000x128xf32>, vector<128x128xf32>, vector<1000x128xf32> -> vector<1000x128xf32>
    %get3A_77 = arith.constant 0 : index
    %get3A_78 = arith.constant 0 : index
    %get3A_79 = vector.load %arg12[%get3A_77, %get3A_78] : memref<1x128xf32, #tpu.memory_space<vmem>>, vector<1x128xf32>
    %add3A_80 = vector.broadcast %get3A_79 : vector<1x128xf32> to vector<1000x128xf32>
    %add3A_81 = arith.addf %dot_general3A_76, %add3A_80 : vector<1000x128xf32>
    %swap3A_82 = arith.constant 0 : index
    %swap3A_83 = arith.constant 0 : index
    %swap3A_84 = vector.load %arg15[%swap3A_82, %swap3A_83] : memref<1000x128xf32, #tpu.memory_space<vmem>>, vector<1000x128xf32>
    tpu.vector_store %arg15[%swap3A_82, %swap3A_83], %add3A_81 {strides = array<i32>} : memref<1000x128xf32, #tpu.memory_space<vmem>>, vector<1000x128xf32>,
    return
  }
  func.func @transform_0(%arg0: i32) -> (i32, i32) {
    %c0_i32 = arith.constant 0 : i32
    %c0_i32_0 = arith.constant 0 : i32
    return %arg0, %c0_i32 : i32, i32
  }
  func.func @transform_1(%arg0: i32) -> (i32, i32) {
    %c0_i32 = arith.constant 0 : i32
    %c0_i32_0 = arith.constant 0 : i32
    %c0_i32_1 = arith.constant 0 : i32
    return %c0_i32, %c0_i32_0 : i32, i32
  }
  func.func @transform_2(%arg0: i32) -> (i32, i32) {
    %c0_i32 = arith.constant 0 : i32
    %c0_i32_0 = arith.constant 0 : i32
    %c0_i32_1 = arith.constant 0 : i32
    return %c0_i32, %c0_i32_0 : i32, i32
  }
  func.func @transform_3(%arg0: i32) -> (i32, i32) {
    %c0_i32 = arith.constant 0 : i32
    %c0_i32_0 = arith.constant 0 : i32
    %c0_i32_1 = arith.constant 0 : i32
    return %c0_i32, %c0_i32_0 : i32, i32
  }
  func.func @transform_4(%arg0: i32) -> (i32, i32) {
    %c0_i32 = arith.constant 0 : i32
    %c0_i32_0 = arith.constant 0 : i32
    %c0_i32_1 = arith.constant 0 : i32
    return %c0_i32, %c0_i32_0 : i32, i32
  }
  func.func @transform_5(%arg0: i32) -> (i32, i32) {
    %c0_i32 = arith.constant 0 : i32
    %c0_i32_0 = arith.constant 0 : i32
    %c0_i32_1 = arith.constant 0 : i32
    return %c0_i32, %c0_i32_0 : i32, i32
  }
  func.func @transform_6(%arg0: i32) -> (i32, i32) {
    %c0_i32 = arith.constant 0 : i32
    %c0_i32_0 = arith.constant 0 : i32
    %c0_i32_1 = arith.constant 0 : i32
    return %c0_i32, %c0_i32_0 : i32, i32
  }
  func.func @transform_7(%arg0: i32) -> (i32, i32) {
    %c0_i32 = arith.constant 0 : i32
    %c0_i32_0 = arith.constant 0 : i32
    %c0_i32_1 = arith.constant 0 : i32
    return %c0_i32, %c0_i32_0 : i32, i32
  }
  func.func @transform_8(%arg0: i32) -> (i32, i32) {
    %c0_i32 = arith.constant 0 : i32
    %c0_i32_0 = arith.constant 0 : i32
    %c0_i32_1 = arith.constant 0 : i32
    return %c0_i32, %c0_i32_0 : i32, i32
  }
  func.func @transform_9(%arg0: i32) -> (i32, i32) {
    %c0_i32 = arith.constant 0 : i32
    %c0_i32_0 = arith.constant 0 : i32
    %c0_i32_1 = arith.constant 0 : i32
    return %c0_i32, %c0_i32_0 : i32, i32
  }
  func.func @transform_10(%arg0: i32) -> (i32, i32) {
    %c0_i32 = arith.constant 0 : i32
    %c0_i32_0 = arith.constant 0 : i32
    %c0_i32_1 = arith.constant 0 : i32
    return %c0_i32, %c0_i32_0 : i32, i32
  }
  func.func @transform_11(%arg0: i32) -> (i32, i32) {
    %c0_i32 = arith.constant 0 : i32
    %c0_i32_0 = arith.constant 0 : i32
    %c0_i32_1 = arith.constant 0 : i32
    return %c0_i32, %c0_i32_0 : i32, i32
  }
  func.func @transform_12(%arg0: i32) -> (i32, i32) {
    %c0_i32 = arith.constant 0 : i32
    %c0_i32_0 = arith.constant 0 : i32
    return %arg0, %c0_i32 : i32, i32
  }
  func.func @transform_13(%arg0: i32) -> (i32, i32) {
    %c0_i32 = arith.constant 0 : i32
    %c0_i32_0 = arith.constant 0 : i32
    return %arg0, %c0_i32 : i32, i32
  }
  func.func @transform_14(%arg0: i32) -> (i32, i32) {
    %c0_i32 = arith.constant 0 : i32
    %c0_i32_0 = arith.constant 0 : i32
    return %arg0, %c0_i32 : i32, i32
  }
}

module attributes {stable_mosaic.version = 14 : i64} {
  func.func @_stage_c_body(%arg0: i32, %arg1: memref<1000x128xf32, #tpu.memory_space<vmem>>, %arg2: memref<2x1000x128xf32, #tpu.memory_space<vmem>>, %arg3: memref<2x1000x16xf32, #tpu.memory_space<vmem>>, %arg4: memref<2x1000x128xf32, #tpu.memory_space<vmem>>, %arg5: memref<1000x128xf32, #tpu.memory_space<vmem>>, %arg6: memref<128x128xf32, #tpu.memory_space<vmem>>, %arg7: memref<8x128xf32, #tpu.memory_space<vmem>>, %arg8: memref<1x128xf32, #tpu.memory_space<vmem>>, %arg9: memref<1x128xf32, #tpu.memory_space<vmem>>, %arg10: memref<1x128xf32, #tpu.memory_space<vmem>>, %arg11: memref<1x128xf32, #tpu.memory_space<vmem>>, %arg12: memref<128x256xf32, #tpu.memory_space<vmem>>, %arg13: memref<1x256xf32, #tpu.memory_space<vmem>>, %arg14: memref<256x128xf32, #tpu.memory_space<vmem>>, %arg15: memref<1x128xf32, #tpu.memory_space<vmem>>, %arg16: memref<1000x128xf32, #tpu.memory_space<vmem>>) attributes {dimension_semantics = [#tpu.dimension_semantics<arbitrary>], iteration_bounds = array<i64: 10>, scalar_prefetch = 0 : i64, scratch_operands = 0 : i64, tpu.core_type = #tpu.core_type<tc>, window_params = [{transform_indices = @transform_0, window_bounds = array<i64: 1000, 128>}, {transform_indices = @transform_1, window_bounds = array<i64: 2, 1000, 128>}, {transform_indices = @transform_2, window_bounds = array<i64: 2, 1000, 16>}, {transform_indices = @transform_3, window_bounds = array<i64: 2, 1000, 128>}, {transform_indices = @transform_4, window_bounds = array<i64: 1000, 128>}, {pipeline_mode = #tpu.pipeline_mode<synchronous>, transform_indices = @transform_5, window_bounds = array<i64: 128, 128>}, {pipeline_mode = #tpu.pipeline_mode<synchronous>, transform_indices = @transform_6, window_bounds = array<i64: 8, 128>}, {pipeline_mode = #tpu.pipeline_mode<synchronous>, transform_indices = @transform_7, window_bounds = array<i64: 1, 128>}, {pipeline_mode = #tpu.pipeline_mode<synchronous>, transform_indices = @transform_8, window_bounds = array<i64: 1, 128>}, {pipeline_mode = #tpu.pipeline_mode<synchronous>, transform_indices = @transform_9, window_bounds = array<i64: 1, 128>}, {pipeline_mode = #tpu.pipeline_mode<synchronous>, transform_indices = @transform_10, window_bounds = array<i64: 1, 128>}, {pipeline_mode = #tpu.pipeline_mode<synchronous>, transform_indices = @transform_11, window_bounds = array<i64: 128, 256>}, {pipeline_mode = #tpu.pipeline_mode<synchronous>, transform_indices = @transform_12, window_bounds = array<i64: 1, 256>}, {pipeline_mode = #tpu.pipeline_mode<synchronous>, transform_indices = @transform_13, window_bounds = array<i64: 256, 128>}, {pipeline_mode = #tpu.pipeline_mode<synchronous>, transform_indices = @transform_14, window_bounds = array<i64: 1, 128>}, {transform_indices = @transform_15, window_bounds = array<i64: 1000, 128>}]} {
    %get3A = arith.constant 0 : index
    %get3A_0 = arith.constant 0 : index
    %get3A_1 = arith.constant 0 : index
    %get3A_2 = vector.load %arg2[%get3A, %get3A_0, %get3A_1] : memref<2x1000x128xf32, #tpu.memory_space<vmem>>, vector<1x1000x128xf32>
    %get3A_3 = vector.shape_cast %get3A_2 : vector<1x1000x128xf32> to vector<1000x128xf32>
    %get3A_4 = arith.constant 1 : index
    %get3A_5 = arith.constant 0 : index
    %get3A_6 = arith.constant 0 : index
    %get3A_7 = vector.load %arg2[%get3A_4, %get3A_5, %get3A_6] : memref<2x1000x128xf32, #tpu.memory_space<vmem>>, vector<1x1000x128xf32>
    %get3A_8 = vector.shape_cast %get3A_7 : vector<1x1000x128xf32> to vector<1000x128xf32>
    %add3A = arith.addf %get3A_3, %get3A_8 : vector<1000x128xf32>
    %get3A_9 = arith.constant 0 : index
    %get3A_10 = arith.constant 0 : index
    %get3A_11 = arith.constant 0 : index
    %get3A_12 = vector.load %arg3[%get3A_9, %get3A_10, %get3A_11] : memref<2x1000x16xf32, #tpu.memory_space<vmem>>, vector<1x1000x8xf32>
    %get3A_13 = vector.shape_cast %get3A_12 : vector<1x1000x8xf32> to vector<1000x8xf32>
    %get3A_14 = arith.constant 1 : index
    %get3A_15 = arith.constant 0 : index
    %get3A_16 = arith.constant 0 : index
    %get3A_17 = vector.load %arg3[%get3A_14, %get3A_15, %get3A_16] : memref<2x1000x16xf32, #tpu.memory_space<vmem>>, vector<1x1000x8xf32>
    %get3A_18 = vector.shape_cast %get3A_17 : vector<1x1000x8xf32> to vector<1000x8xf32>
    %add3A_19 = arith.addf %get3A_13, %get3A_18 : vector<1000x8xf32>
    %get3A_20 = arith.constant 0 : index
    %get3A_21 = arith.constant 0 : index
    %get3A_22 = arith.constant 0 : index
    %get3A_23 = vector.load %arg4[%get3A_20, %get3A_21, %get3A_22] : memref<2x1000x128xf32, #tpu.memory_space<vmem>>, vector<1x1000x128xf32>
    %get3A_24 = vector.shape_cast %get3A_23 : vector<1x1000x128xf32> to vector<1000x128xf32>
    %get3A_25 = arith.constant 1 : index
    %get3A_26 = arith.constant 0 : index
    %get3A_27 = arith.constant 0 : index
    %get3A_28 = vector.load %arg4[%get3A_25, %get3A_26, %get3A_27] : memref<2x1000x128xf32, #tpu.memory_space<vmem>>, vector<1x1000x128xf32>
    %get3A_29 = vector.shape_cast %get3A_28 : vector<1x1000x128xf32> to vector<1000x128xf32>
    %add3A_30 = arith.addf %get3A_24, %get3A_29 : vector<1000x128xf32>
    %get3A_31 = arith.constant 0 : index
    %get3A_32 = arith.constant 0 : index
    %get3A_33 = vector.load %arg6[%get3A_31, %get3A_32] : memref<128x128xf32, #tpu.memory_space<vmem>>, vector<128x128xf32>
    %dot_general3A = arith.constant dense<0.000000e+00> : vector<1000x128xf32>
    %dot_general3A_34 = tpu.matmul %add3A_30, %get3A_33, %dot_general3A {dimension_numbers = #tpu.dot_dimension_numbers<[1], [0], [0], [1], [0, 0, 1, 1], [], []>, transpose_lhs_hint = false} : vector<1000x128xf32>, vector<128x128xf32>, vector<1000x128xf32> -> vector<1000x128xf32>
    %add3A_35 = arith.constant 1.000000e-16 : f32
    %add3A_36 = vector.broadcast %add3A_35 : f32 to vector<1000x8xf32>
    %add3A_37 = arith.addf %add3A_19, %add3A_36 : vector<1000x8xf32>
    %div3A = arith.constant 1.000000e+00 : f32
    %div3A_38 = vector.broadcast %div3A : f32 to vector<1000x8xf32>
    %div3A_39 = arith.divf %div3A_38, %add3A_37 : vector<1000x8xf32>
    %get3A_40 = arith.constant 0 : index
    %get3A_41 = arith.constant 0 : index
    %get3A_42 = vector.load %arg7[%get3A_40, %get3A_41] : memref<8x128xf32, #tpu.memory_space<vmem>>, vector<8x128xf32>
    %dot_general3A_43 = arith.constant dense<0.000000e+00> : vector<1000x128xf32>
    %dot_general3A_44 = tpu.matmul %div3A_39, %get3A_42, %dot_general3A_43 {dimension_numbers = #tpu.dot_dimension_numbers<[1], [0], [0], [1], [0, 0, 1, 1], [], []>, transpose_lhs_hint = false} : vector<1000x8xf32>, vector<8x128xf32>, vector<1000x128xf32> -> vector<1000x128xf32>
    %add3A_45 = arith.addf %add3A, %dot_general3A_34 : vector<1000x128xf32>
    %mul3A = arith.mulf %add3A_45, %dot_general3A_44 : vector<1000x128xf32>
    %get3A_46 = arith.constant 0 : index
    %get3A_47 = arith.constant 0 : index
    %get3A_48 = vector.load %arg5[%get3A_46, %get3A_47] : memref<1000x128xf32, #tpu.memory_space<vmem>>, vector<1000x128xf32>
    %get3A_49 = arith.constant 0 : index
    %get3A_50 = arith.constant 0 : index
    %get3A_51 = vector.load %arg8[%get3A_49, %get3A_50] : memref<1x128xf32, #tpu.memory_space<vmem>>, vector<1x128xf32>
    %mul3A_52 = vector.broadcast %get3A_51 : vector<1x128xf32> to vector<1000x128xf32>
    %mul3A_53 = arith.mulf %mul3A, %mul3A_52 : vector<1000x128xf32>
    %get3A_54 = arith.constant 0 : index
    %get3A_55 = arith.constant 0 : index
    %get3A_56 = vector.load %arg9[%get3A_54, %get3A_55] : memref<1x128xf32, #tpu.memory_space<vmem>>, vector<1x128xf32>
    %mul3A_57 = vector.broadcast %get3A_56 : vector<1x128xf32> to vector<1000x128xf32>
    %mul3A_58 = arith.mulf %get3A_48, %mul3A_57 : vector<1000x128xf32>
    %add3A_59 = arith.addf %mul3A_53, %mul3A_58 : vector<1000x128xf32>
    %reduce_sum3A = arith.constant dense<0.000000e+00> : vector<1000xf32>
    %reduce_sum3A_60 = vector.multi_reduction <add>, %add3A_59, %reduce_sum3A [1] : vector<1000x128xf32> to vector<1000xf32>
    %broadcast_in_dim3A = vector.shape_cast %reduce_sum3A_60 : vector<1000xf32> to vector<1000x1xf32>
    %logistic3A = arith.negf %broadcast_in_dim3A : vector<1000x1xf32>
    %logistic3A_61 = math.exp %logistic3A : vector<1000x1xf32>
    %logistic3A_62 = arith.constant 1.000000e+00 : f32
    %logistic3A_63 = vector.broadcast %logistic3A_62 : f32 to vector<1000x1xf32>
    %logistic3A_64 = arith.addf %logistic3A_63, %logistic3A_61 : vector<1000x1xf32>
    %logistic3A_65 = arith.divf %logistic3A_63, %logistic3A_64 : vector<1000x1xf32>
    %mul3A_66 = vector.broadcast %logistic3A_65 : vector<1000x1xf32> to vector<1000x128xf32>
    %mul3A_67 = arith.mulf %mul3A_66, %get3A_48 : vector<1000x128xf32>
    %sub3A = arith.constant 1.000000e+00 : f32
    %sub3A_68 = vector.broadcast %sub3A : f32 to vector<1000x1xf32>
    %sub3A_69 = arith.subf %sub3A_68, %logistic3A_65 : vector<1000x1xf32>
    %mul3A_70 = vector.broadcast %sub3A_69 : vector<1000x1xf32> to vector<1000x128xf32>
    %mul3A_71 = arith.mulf %mul3A_70, %mul3A : vector<1000x128xf32>
    %add3A_72 = arith.addf %mul3A_67, %mul3A_71 : vector<1000x128xf32>
    %get3A_73 = arith.constant 0 : index
    %get3A_74 = arith.constant 0 : index
    %get3A_75 = vector.load %arg1[%get3A_73, %get3A_74] : memref<1000x128xf32, #tpu.memory_space<vmem>>, vector<1000x128xf32>
    %add3A_76 = arith.addf %get3A_75, %add3A_72 : vector<1000x128xf32>
    %get3A_77 = arith.constant 0 : index
    %get3A_78 = arith.constant 0 : index
    %get3A_79 = vector.load %arg10[%get3A_77, %get3A_78] : memref<1x128xf32, #tpu.memory_space<vmem>>, vector<1x128xf32>
    %get3A_80 = arith.constant 0 : index
    %get3A_81 = arith.constant 0 : index
    %get3A_82 = vector.load %arg11[%get3A_80, %get3A_81] : memref<1x128xf32, #tpu.memory_space<vmem>>, vector<1x128xf32>
    %reduce_sum3A_83 = arith.constant dense<0.000000e+00> : vector<1000xf32>
    %reduce_sum3A_84 = vector.multi_reduction <add>, %add3A_76, %reduce_sum3A_83 [1] : vector<1000x128xf32> to vector<1000xf32>
    %broadcast_in_dim3A_85 = vector.shape_cast %reduce_sum3A_84 : vector<1000xf32> to vector<1000x1xf32>
    %div3A_86 = arith.constant 1.280000e+02 : f32
    %div3A_87 = vector.broadcast %div3A_86 : f32 to vector<1000x1xf32>
    %div3A_88 = arith.divf %broadcast_in_dim3A_85, %div3A_87 : vector<1000x1xf32>
    %sub3A_89 = vector.broadcast %div3A_88 : vector<1000x1xf32> to vector<1000x128xf32>
    %sub3A_90 = arith.subf %add3A_76, %sub3A_89 : vector<1000x128xf32>
    %integer_pow3A = arith.mulf %sub3A_90, %sub3A_90 : vector<1000x128xf32>
    %reduce_sum3A_91 = arith.constant dense<0.000000e+00> : vector<1000xf32>
    %reduce_sum3A_92 = vector.multi_reduction <add>, %integer_pow3A, %reduce_sum3A_91 [1] : vector<1000x128xf32> to vector<1000xf32>
    %broadcast_in_dim3A_93 = vector.shape_cast %reduce_sum3A_92 : vector<1000xf32> to vector<1000x1xf32>
    %div3A_94 = arith.constant 1.280000e+02 : f32
    %div3A_95 = vector.broadcast %div3A_94 : f32 to vector<1000x1xf32>
    %div3A_96 = arith.divf %broadcast_in_dim3A_93, %div3A_95 : vector<1000x1xf32>
    %sub3A_97 = vector.broadcast %div3A_88 : vector<1000x1xf32> to vector<1000x128xf32>
    %sub3A_98 = arith.subf %add3A_76, %sub3A_97 : vector<1000x128xf32>
    %add3A_99 = arith.constant 9.99999974E-6 : f32
    %add3A_100 = vector.broadcast %add3A_99 : f32 to vector<1000x1xf32>
    %add3A_101 = arith.addf %div3A_96, %add3A_100 : vector<1000x1xf32>
    %sqrt3A = math.sqrt %add3A_101 : vector<1000x1xf32>
    %div3A_102 = vector.broadcast %sqrt3A : vector<1000x1xf32> to vector<1000x128xf32>
    %div3A_103 = arith.divf %sub3A_98, %div3A_102 : vector<1000x128xf32>
    %mul3A_104 = vector.broadcast %get3A_79 : vector<1x128xf32> to vector<1000x128xf32>
    %mul3A_105 = arith.mulf %div3A_103, %mul3A_104 : vector<1000x128xf32>
    %add3A_106 = vector.broadcast %get3A_82 : vector<1x128xf32> to vector<1000x128xf32>
    %add3A_107 = arith.addf %mul3A_105, %add3A_106 : vector<1000x128xf32>
    %get3A_108 = arith.constant 0 : index
    %get3A_109 = arith.constant 0 : index
    %get3A_110 = vector.load %arg12[%get3A_108, %get3A_109] : memref<128x256xf32, #tpu.memory_space<vmem>>, vector<128x256xf32>
    %dot_general3A_111 = arith.constant dense<0.000000e+00> : vector<1000x256xf32>
    %dot_general3A_112 = tpu.matmul %add3A_107, %get3A_110, %dot_general3A_111 {dimension_numbers = #tpu.dot_dimension_numbers<[1], [0], [0], [1], [0, 0, 1, 1], [], []>, transpose_lhs_hint = false} : vector<1000x128xf32>, vector<128x256xf32>, vector<1000x256xf32> -> vector<1000x256xf32>
    %get3A_113 = arith.constant 0 : index
    %get3A_114 = arith.constant 0 : index
    %get3A_115 = vector.load %arg13[%get3A_113, %get3A_114] : memref<1x256xf32, #tpu.memory_space<vmem>>, vector<1x256xf32>
    %add3A_116 = vector.broadcast %get3A_115 : vector<1x256xf32> to vector<1000x256xf32>
    %add3A_117 = arith.addf %dot_general3A_112, %add3A_116 : vector<1000x256xf32>
    %mul3A_118 = arith.constant 5.000000e-01 : f32
    %mul3A_119 = vector.broadcast %mul3A_118 : f32 to vector<1000x256xf32>
    %mul3A_120 = arith.mulf %add3A_117, %mul3A_119 : vector<1000x256xf32>
    %mul3A_121 = arith.constant 0.707106769 : f32
    %mul3A_122 = vector.broadcast %mul3A_121 : f32 to vector<1000x256xf32>
    %mul3A_123 = arith.mulf %add3A_117, %mul3A_122 : vector<1000x256xf32>
    %erf3A = math.erf %mul3A_123 : vector<1000x256xf32>
    %add3A_124 = arith.constant 1.000000e+00 : f32
    %add3A_125 = vector.broadcast %add3A_124 : f32 to vector<1000x256xf32>
    %add3A_126 = arith.addf %add3A_125, %erf3A : vector<1000x256xf32>
    %mul3A_127 = arith.mulf %mul3A_120, %add3A_126 : vector<1000x256xf32>
    %get3A_128 = arith.constant 0 : index
    %get3A_129 = arith.constant 0 : index
    %get3A_130 = vector.load %arg14[%get3A_128, %get3A_129] : memref<256x128xf32, #tpu.memory_space<vmem>>, vector<256x128xf32>
    %dot_general3A_131 = arith.constant dense<0.000000e+00> : vector<1000x128xf32>
    %dot_general3A_132 = tpu.matmul %mul3A_127, %get3A_130, %dot_general3A_131 {dimension_numbers = #tpu.dot_dimension_numbers<[1], [0], [0], [1], [0, 0, 1, 1], [], []>, transpose_lhs_hint = false} : vector<1000x256xf32>, vector<256x128xf32>, vector<1000x128xf32> -> vector<1000x128xf32>
    %get3A_133 = arith.constant 0 : index
    %get3A_134 = arith.constant 0 : index
    %get3A_135 = vector.load %arg15[%get3A_133, %get3A_134] : memref<1x128xf32, #tpu.memory_space<vmem>>, vector<1x128xf32>
    %add3A_136 = vector.broadcast %get3A_135 : vector<1x128xf32> to vector<1000x128xf32>
    %add3A_137 = arith.addf %dot_general3A_132, %add3A_136 : vector<1000x128xf32>
    %add3A_138 = arith.addf %add3A_76, %add3A_137 : vector<1000x128xf32>
    %swap3A = arith.constant 0 : index
    %swap3A_139 = arith.constant 0 : index
    %swap3A_140 = vector.load %arg16[%swap3A, %swap3A_139] : memref<1000x128xf32, #tpu.memory_space<vmem>>, vector<1000x128xf32>
    tpu.vector_store %arg16[%swap3A, %swap3A_139], %add3A_138 {strides = array<i32>} : memref<1000x128xf32, #tpu.memory_space<vmem>>, vector<1000x128xf32>,
    return
  }
  func.func @transform_0(%arg0: i32) -> (i32, i32) {
    %c0_i32 = arith.constant 0 : i32
    %c0_i32_0 = arith.constant 0 : i32
    return %arg0, %c0_i32 : i32, i32
  }
  func.func @transform_1(%arg0: i32) -> (i32, i32, i32) {
    %c0_i32 = arith.constant 0 : i32
    %c0_i32_0 = arith.constant 0 : i32
    %c0_i32_1 = arith.constant 0 : i32
    return %c0_i32, %arg0, %c0_i32_0 : i32, i32, i32
  }
  func.func @transform_2(%arg0: i32) -> (i32, i32, i32) {
    %c0_i32 = arith.constant 0 : i32
    %c0_i32_0 = arith.constant 0 : i32
    %c0_i32_1 = arith.constant 0 : i32
    return %c0_i32, %arg0, %c0_i32_0 : i32, i32, i32
  }
  func.func @transform_3(%arg0: i32) -> (i32, i32, i32) {
    %c0_i32 = arith.constant 0 : i32
    %c0_i32_0 = arith.constant 0 : i32
    %c0_i32_1 = arith.constant 0 : i32
    return %c0_i32, %arg0, %c0_i32_0 : i32, i32, i32
  }
  func.func @transform_4(%arg0: i32) -> (i32, i32) {
    %c0_i32 = arith.constant 0 : i32
    %c0_i32_0 = arith.constant 0 : i32
    return %arg0, %c0_i32 : i32, i32
  }
  func.func @transform_5(%arg0: i32) -> (i32, i32) {
    %c0_i32 = arith.constant 0 : i32
    %c0_i32_0 = arith.constant 0 : i32
    %c0_i32_1 = arith.constant 0 : i32
    return %c0_i32, %c0_i32_0 : i32, i32
  }
  func.func @transform_6(%arg0: i32) -> (i32, i32) {
    %c0_i32 = arith.constant 0 : i32
    %c0_i32_0 = arith.constant 0 : i32
    %c0_i32_1 = arith.constant 0 : i32
    return %c0_i32, %c0_i32_0 : i32, i32
  }
  func.func @transform_7(%arg0: i32) -> (i32, i32) {
    %c0_i32 = arith.constant 0 : i32
    %c0_i32_0 = arith.constant 0 : i32
    %c0_i32_1 = arith.constant 0 : i32
    return %c0_i32, %c0_i32_0 : i32, i32
  }
  func.func @transform_8(%arg0: i32) -> (i32, i32) {
    %c0_i32 = arith.constant 0 : i32
    %c0_i32_0 = arith.constant 0 : i32
    %c0_i32_1 = arith.constant 0 : i32
    return %c0_i32, %c0_i32_0 : i32, i32
  }
  func.func @transform_9(%arg0: i32) -> (i32, i32) {
    %c0_i32 = arith.constant 0 : i32
    %c0_i32_0 = arith.constant 0 : i32
    %c0_i32_1 = arith.constant 0 : i32
    return %c0_i32, %c0_i32_0 : i32, i32
  }
  func.func @transform_10(%arg0: i32) -> (i32, i32) {
    %c0_i32 = arith.constant 0 : i32
    %c0_i32_0 = arith.constant 0 : i32
    %c0_i32_1 = arith.constant 0 : i32
    return %c0_i32, %c0_i32_0 : i32, i32
  }
  func.func @transform_11(%arg0: i32) -> (i32, i32) {
    %c0_i32 = arith.constant 0 : i32
    %c0_i32_0 = arith.constant 0 : i32
    %c0_i32_1 = arith.constant 0 : i32
    return %c0_i32, %c0_i32_0 : i32, i32
  }
  func.func @transform_12(%arg0: i32) -> (i32, i32) {
    %c0_i32 = arith.constant 0 : i32
    %c0_i32_0 = arith.constant 0 : i32
    %c0_i32_1 = arith.constant 0 : i32
    return %c0_i32, %c0_i32_0 : i32, i32
  }
  func.func @transform_13(%arg0: i32) -> (i32, i32) {
    %c0_i32 = arith.constant 0 : i32
    %c0_i32_0 = arith.constant 0 : i32
    %c0_i32_1 = arith.constant 0 : i32
    return %c0_i32, %c0_i32_0 : i32, i32
  }
  func.func @transform_14(%arg0: i32) -> (i32, i32) {
    %c0_i32 = arith.constant 0 : i32
    %c0_i32_0 = arith.constant 0 : i32
    %c0_i32_1 = arith.constant 0 : i32
    return %c0_i32, %c0_i32_0 : i32, i32
  }
  func.func @transform_15(%arg0: i32) -> (i32, i32) {
    %c0_i32 = arith.constant 0 : i32
    %c0_i32_0 = arith.constant 0 : i32
    return %arg0, %c0_i32 : i32, i32
  }
}

</mosaic_0001>

<sc_bundles>
// kernel: kernel.6.cloned.1.call-start
scs
__scs_entry_jumppad:
0x0: {  	(pc) =	sbr.rel $0x88, $3  }
0x1: {  	(tag) =	ssettag $0x0;
	lr =	simm.s32 $0x1  }
0x2: {  	[smem:$0x3F8C] =	sst lr;
	_ =	strace $0xD0000000  }
0x3: {  	_ = 	snop  }
0x4: {  	_ = 	snop  }
0x5: {  	_ = 	snop  }
0x6: {  	_ = 	snop  }
0x7: {  	_ = 	snop  }
__scs_overlays_trampoline_lowered:
0x8: {  	[smem:$0x3F9B] =	sst s0  }
0x9: {  	[smem:$0x3F9C] =	sst s1  }
0xa: {  	[smem:$0x3F9D] =	sst s2  }
0xb: {  	[smem:$0x3F9E] =	sst s3  }
0xc: {  	[smem:$0x3F9F] =	sst s4  }
0xd: {  	[smem:$0x3FA0] =	sst s5  }
0xe: {  	[smem:$0x3FA1] =	sst s6  }
0xf: {  	[smem:$0x3FA2] =	sst s7  }
0x10: {  	[smem:$0x3FA3] =	sst s8  }
0x11: {  	[smem:$0x3FA4] =	sst s9;
	s0 =	simm.s32 @!p0 $0x0  }
0x12: {  	s1 =	sld [smem:$0x3F8A];
	s0 =	simm.s32 @p0 $0x1  }
0x13: {  	[smem:$0x3FA5] =	sst s0;
	s0 =	simm.s32 @!p1 $0x0  }
0x14: {  	s2 =	sld [smem:$0x3F89];
	s0 =	simm.s32 @p1 $0x1  }
0x15: {  	[smem:$0x3FA6] =	sst s0;
	s0 =	simm.s32 @!p2 $0x0  }
0x16: {  	s3 =	sld [smem:$0x3FDB];
	s0 =	simm.s32 @p2 $0x1  }
0x17: {  	s4 =	simm.s32 $0x1BF5;
	[smem:$0x3FA8] =	sst s0  }
0x18: {  	s0 =	sld [smem:$0x3F8B];
	_ =	swait.ge [sflag:s4], $0x0  }
0x19: {  	s7 =	sld [smem:$0x3F8C]  }
0x1a: {  	s8 =	sadd.s32 $0xFFFFE003, lr  }
0x1b: {  	s9 =	sadd.s32 $0xFFFFFEF7, lr;
	s5 =	simm.s32 $0xFFFFFFFF;
	p2 =	slt.u32 s8, $0xFFFFF086  }
0x1c: {  	p1 =	slt.u32 s9, $0xF7A;
	s5 =	simm.s32 @!p2 $0x0  }
0x1d: {  	s5 =	simm.s32 @p1 $0x1;
	p0 =	seq.s32 s7, s2  }
0x1e: {  	s7 =	smul.u32 @!p0 $0xF7A, s2;
	p2 =	seq.s32 @!p0 s5, $0x0  }
0x1f: {  	s9 =	smul.u32 $0xF7A, s1;
	s8 =	simm.s32 @!p0 $0x1BF5;
	p2 =	por !p2, p0  }
0x20: {  	[sflag:s8] =	ssyncset.s32 @!p0 $0xFFFFF086;
	s6 =	sadd.s32 @!p0 s3, s7;
	s7 =	simm.s32 @!p0 $0x108  }
0x21: {  	s3 =	sadd.s32 s3, s9;
	s6 =	sadd.s32 @!p0 $0x88, s6;
	s7 =	simm.s32 @p2 $0x1082  }
0x22: {  	[simem:s7], [sflag:s8] =	dma.local @!p0 [hbm:s6], $0xF7A  }
0x23: {  	s9 =	sor.u32 $0xD0000000, s2;
	s6 =	simm.s32 $0x108;
	_ =	swait.ge @!p0 [sflag:s8], $0x0  }
0x24: {  	s3 =	sadd.s32 $0x88, s3;
	s6 =	simm.s32 @!p1 $0x1082;
	[sflag:s4] =	ssyncset.s32 $0xFFFFF086  }
0x25: {  	[simem:s6], [sflag:s4] =	dma.local [hbm:s3], $0xF7A  }
0x26: {  	[smem:$0x3F8C] =	sst s1;
	(tag) =	ssettag s2;
	_ =	strace s9  }
0x27: {  	s1 =	sld [smem:$0x3F9C]  }
0x28: {  	s2 =	sld [smem:$0x3F9D]  }
0x29: {  	s4 =	sld [smem:$0x3F9F]  }
0x2a: {  	p0 =	seq.s32 s5, $0x0;
	s5 =	sld [smem:$0x3FA0]  }
0x2b: {  	s6 =	sld [smem:$0x3FA1]  }
0x2c: {  	s7 =	sld [smem:$0x3FA2]  }
0x2d: {  	s3 =	simm.s32 $0x108;
	s8 =	sld [smem:$0x3FA3]  }
0x2e: {  	s3 =	simm.s32 @!p0 $0x1082;
	s9 =	sld [smem:$0x3FA4]  }
0x2f: {  	lr =	sadd.s32 s0, s3;
	s0 =	sld [smem:$0x3F9B]  }
0x30: {  	s3 =	sld [smem:$0x3F9E]  }
0x31: {  	[smem:$0x3FA7] =	sst s10  }
0x32: {  	s10 =	sld [smem:$0x3FA5];
	_ =	sdelay $0x3  }
0x33: {  	p0 =	seq.s32 s10, $0x1;
	s10 =	sld [smem:$0x3FA7];
	_ =	sdelay $0x3  }
0x34: {  	[smem:$0x3FA7] =	sst s10  }
0x35: {  	s10 =	sld [smem:$0x3FA6];
	_ =	sdelay $0x3  }
0x36: {  	p1 =	seq.s32 s10, $0x1;
	s10 =	sld [smem:$0x3FA7];
	_ =	sdelay $0x3  }
0x37: {  	[smem:$0x3FA7] =	sst s10  }
0x38: {  	s10 =	sld [smem:$0x3FA8]  }
0x39: {  	_ = 	snop;
	(pc) =	sbr.ind lr, $3  }
0x3a: {  	_ = 	snop  }
0x3b: {  	_ = 	snop  }
0x3c: {  	p2 =	seq.s32 s10, $0x1;
	s10 =	sld [smem:$0x3FA7]  }
0x3d: {  	_ =	shalt  }
0x3e: {  	_ =	shalt  }
0x3f: {  	_ =	shalt  }
0x40: {  	_ =	shalt  }
0x41: {  	_ =	shalt  }
0x42: {  	_ =	shalt  }
0x43: {  	_ =	shalt  }
0x44: {  	_ =	shalt  }
0x45: {  	_ =	shalt  }
0x46: {  	_ =	shalt  }
0x47: {  	_ =	shalt  }
0x48: {  	_ =	shalt  }
0x49: {  	_ =	shalt  }
0x4a: {  	_ =	shalt  }
0x4b: {  	_ =	shalt  }
0x4c: {  	_ =	shalt  }
0x4d: {  	_ =	shalt  }
0x4e: {  	_ =	shalt  }
0x4f: {  	_ =	shalt  }
0x50: {  	_ =	shalt  }
0x51: {  	_ =	shalt  }
0x52: {  	_ =	shalt  }
0x53: {  	_ =	shalt  }
0x54: {  	_ =	shalt  }
0x55: {  	_ =	shalt  }
0x56: {  	_ =	shalt  }
0x57: {  	_ =	shalt  }
0x58: {  	_ =	shalt  }
0x59: {  	_ =	shalt  }
0x5a: {  	_ =	shalt  }
0x5b: {  	_ =	shalt  }
0x5c: {  	_ =	shalt  }
0x5d: {  	_ =	shalt  }
0x5e: {  	_ =	shalt  }
0x5f: {  	_ =	shalt  }
0x60: {  	_ =	shalt  }
0x61: {  	_ =	shalt  }
0x62: {  	_ =	shalt  }
0x63: {  	_ =	shalt  }
0x64: {  	_ =	shalt  }
0x65: {  	_ =	shalt  }
0x66: {  	_ =	shalt  }
0x67: {  	_ =	shalt  }
0x68: {  	_ =	shalt  }
0x69: {  	_ =	shalt  }
0x6a: {  	_ =	shalt  }
0x6b: {  	_ =	shalt  }
0x6c: {  	_ =	shalt  }
0x6d: {  	_ =	shalt  }
0x6e: {  	_ =	shalt  }
0x6f: {  	_ =	shalt  }
0x70: {  	_ =	shalt  }
0x71: {  	_ =	shalt  }
0x72: {  	_ =	shalt  }
0x73: {  	_ =	shalt  }
0x74: {  	_ =	shalt  }
0x75: {  	_ =	shalt  }
0x76: {  	_ =	shalt  }
0x77: {  	_ =	shalt  }
0x78: {  	_ =	shalt  }
0x79: {  	_ =	shalt  }
0x7a: {  	_ =	shalt  }
0x7b: {  	_ =	shalt  }
0x7c: {  	_ =	shalt  }
0x7d: {  	_ =	shalt  }
0x7e: {  	_ =	shalt  }
0x7f: {  	_ =	shalt  }
0x80: {  	_ =	shalt  }
0x81: {  	_ =	shalt  }
0x82: {  	_ =	shalt  }
0x83: {  	_ =	shalt  }
0x84: {  	_ =	shalt  }
0x85: {  	_ =	shalt  }
0x86: {  	_ =	shalt  }
0x87: {  	_ =	shalt  }
.Lfunc_end0:
.L_simem_size_0:
called_computation_lowered:
.L_overlay_start_0:
0x88: {  	s2 =	sld [smem:$0x3FD9]  }
0x89: {  	s3 =	sld [smem:$0x3FFE];
	_ =	sdelay $0x1  }
0x8a: {  	s1 =	srdreg.scid  }
0x8b: {  	s0 =	sand.u32 $0x1, s1  }
0x8c: {  	s17 =	sshll.u32 s0, $0xA;
	s2 =	sadd.s32 s3, s2  }
0x8d: {  	s2 =	sadd.s32 s2, s17  }
0x8e: {  	[smem:$0x3FB3] =	sst s2  }
0x8f: {  	_ = 	snop  }
0x90: {  	s2 =	sld [smem:$0x3FD0];
	(tm) =	ssettm $0x1  }
0x91: {  	s18 =	sld [smem:$0x3FFB];
	_ =	sdelay $0x3  }
0x92: {  	_ =	strace s18  }
0x93: {  	s3 =	sld [smem:$0x3FFC];
	_ =	sdelay $0x3  }
0x94: {  	_ =	strace s3  }
0x95: {  	s3 =	sld [smem:$0x3FFD];
	_ =	sdelay $0x3  }
0x96: {  	_ =	strace s3  }
0x97: {  	_ =	strace $0x8FFFFFFF  }
0x98: {  	s19 =	sld [smem:$0x3FDB];
	_ =	sdelay $0x1  }
0x99: {  	s4 =	simm.s32 $_scs_section_size  }
0x9a: {  	s5 =	simm.s32 $_size__tile_overlayer_lowered;
	s6 =	simm.s32 $_tile_overlayer_lowered  }
0x9b: {  	s22 =	simm.s32 $0x1BFF;
	s21 =	sshll.u32 s6, $0x1;
	s3 =	sadd.s32 s4, s19  }
0x9c: {  	s7 =	simm.s32 $0x0;
	s20 =	sshll.u32 s5, $0x1;
	s5 =	sadd.s32 s21, s3  }
0x9d: {  	[timem:s7], [sflag:s22] =	dma.local [hbm:s5], s20  }
0x9e: {  	_ =	swait.ge [sflag:s22], s20  }
0x9f: {  	s4 =	ssub.s32 $0x0, s20;
	[sflag:s22] =	ssyncset.done $0x0  }
0xa0: {  	[sflag:s22] =	ssyncadd.s32 s4;
	_ =	sdelay $0x1  }
0xa1: {  	s23 =	simm.s32 $0x1B8B  }
0xa2: {  	_ =	swait.ge [sflag:s23], $0x1  }
0xa3: {  	[sflag:s23] =	ssyncset.done $0x0  }
0xa4: {  	s25 =	simm.s32 $0x1B8E;
	s24 =	sld [smem:$0x3FFE];
	[sflag:s23] =	ssyncadd.s32 $0xFFFFFFFF  }
0xa5: {  	s26 =	simm.s32 $execute0_lowered;
	[smem:$0x3FD2] =	sst s25  }
0xa6: {  	s5 =	sshll.u32 s26, $0x1;
	_ =	strace $0x80000046;
	[dreg:$0x1] =	wrdreg $0xFFFFFFFF  }
0xa7: {  	s28 =	simm.s32 $_size_execute0_lowered;
	s3 =	sadd.s32 s3, s5;
	[dreg:$0x0] =	wrdreg $0x0  }
0xa8: {  	s5 =	sshll.u32 s28, $0x1;
	[dreg:$0x2] =	wrdreg s3  }
0xa9: {  	[dreg:$0x3] =	wrdreg s5  }
0xaa: {  	[dreg:$0x4] =	wrdreg $0xC0  }
0xab: {  	_ =	task [dreg:s7], $0x5FFFF  }
0xac: {  	[dreg:$0x1] =	wrdreg $0xFFFFFFFF  }
0xad: {  	[dreg:$0x0] =	wrdreg $0x60  }
0xae: {  	[dreg:$0x2] =	wrdreg s24  }
0xaf: {  	[dreg:$0x3] =	wrdreg s2  }
0xb0: {  	[dreg:$0x4] =	wrdreg $0x0  }
0xb1: {  	[dreg:$0x5] =	wrdreg $0x138800  }
0xb2: {  	[dreg:$0x6] =	wrdreg $0x9  }
0xb3: {  	_ =	task.clear_ibuf [dreg:s7], $0x7FFFF;
	_ =	strace $0x90000046  }
0xb4: {  	s29 =	simm.s32 $0x9;
	_ =	strace $0x80000048  }
0xb5: {  	_ =	swait.ge [sflag:s29], $0x1  }
0xb6: {  	[sflag:s29] =	ssyncadd.s32 $0xFFFFFFFF  }
0xb7: {  	_ =	strace $0x90000048  }
0xb8: {  	_ =	sfence  }
0xb9: {  	s30 =	sld [smem:$0x0];
	_ =	sdelay $0x2  }
0xba: {  	s31 =	sshll.u32 s1, $0xD;
	s1 =	sshrl.u32 s1, $0x2  }
0xbb: {  	s3 =	sand.u32 $0x4000, s31;
	s1 =	sadd.s32 s1, s30  }
0xbc: {  	s0 =	sor.u32 s3, s0;
	s1 =	sshll.u32 s1, $0x11  }
0xbd: {  	s0 =	sor.u32 s1, s0  }
0xbe: {  	s0 =	sadd.s32 $0x8F2B, s0  }
0xbf: {  	[sflag:s0] =	ssyncadd.remote.s32 $0x1  }
0xc0: {  	_ =	sfence.sel $0xFFFF  }
0xc1: {  	[dreg:$0x0] =	wrdreg $0xFFFFFFFF;
	(pc) =	sbr.abs _section_cstart, $3  }
0xc2: {  	[dreg:$0x1] =	wrdreg $0xFFFFFFFF  }
0xc3: {  	_ =	task.clear_ibuf [dreg:s7], $0x2FFFF;
	_ =	strace $0x9FFFFFFF  }
0xc4: {  	(tm) =	ssettm $0x7FFFFFFF  }
0xc5: {  	_ =	shalt  }
tec
execute0_lowered:
.L_overlay_start_1:
0x0: {  	(tag) =	ssettag $0x1  }
0x1: {  	s0 =	rddreg [dreg:$0x0]  }
0x2: {  	s10 =	rddreg [dreg:$0x1]  }
0x3: {  	s1 =	rddreg [dreg:$0x2]  }
0x4: {  	s22 =	rddreg [dreg:$0x3];
	s2 =	simm.s32 $0x0;
	s11 =	stileid.u32  }
0x5: {  	s9 =	srdreg.scid;
	s28 =	simm.s32 $0x15FB8;
	s29 =	simm.s32 $0x1AFE0  }
0x6: {  	s30 =	simm.s32 $0x28;
	s31 =	simm.s32 $0x15FE0;
	[smem:$0x7FF] =	sst s2  }
0x7: {  	s4 =	sadd.s32 $0x7BC00, s0;
	s5 =	sadd.s32 $0x6800, s0;
	s13 =	smul.u32 $0x2700, s11  }
0x8: {  	s6 =	sadd.s32 $0xC9E00, s0;
	s7 =	sadd.s32 $0xD3C00, s0;
	s8 =	sadd.s32 $0x5BFA00, s0  }
0x9: {  	s14 =	sand.u32 $0x1, s9;
	s16 =	sadd.s32 $0x188C00, s0;
	s17 =	sadd.s32 $0xE2A00, s0  }
0xa: {  	s19 =	smul.u32 $0x13800, s11;
	s9 =	sadd.s32 $0xEC800, s0;
	s3 =	sshll.u32 s11, $0x6  }
0xb: {  	s2 =	smov.u32 s1;
	p0 =	sne.s32 s11, $0x0;
	_ =	strace $0x80000047  }
0xc: {  	s21 =	ssub.s32 $0x2, s14;
	s23 =	sshll.u32 s14, $0x4;
	s12 =	sshrl.u32 s13, $0x3  }
0xd: {  	s18 =	sshrl.u32 s21, $0x1;
	s20 =	sor.u32 s11, s23;
	s25 =	sadd.s32 s19, s1  }
0xe: {  	s24 =	sshrl.u32 s19, $0x3;
	s23 =	sadd.s32 s13, s22;
	[dreg:$0x5] =	wrdreg s25  }
0xf: {  	s1 =	sadd.s32 $0x138000, s1;
	s11 =	simm.s32 $0x1C660;
	[dreg:$0x8] =	wrdreg s23  }
0x10: {  	s15 =	sadd.s32 s12, s0;
	s26 =	sadd.s32 s10, s24;
	[dreg:$0xb] =	wrdreg s1  }
0x11: {  	s18 =	ssub.s32 s21, s18;
	s23 =	sadd.s32 $0x27000, s22;
	[dreg:$0x6] =	wrdreg s26  }
0x12: {  	s21 =	smul.u32 $0x138800, s14;
	s0 =	sadd.s32 $0xE2800, s0;
	[dreg:$0xe] =	wrdreg s23  }
0x13: {  	s12 =	sor.u32 $0x1C01, s3;
	s14 =	smul.u32 $0x27100, s14;
	[dreg:$0xf] =	wrdreg s0  }
0x14: {  	s24 =	sadd.s32 $0xDDA00, s15;
	s0 =	simm.s32 $0x187E0;
	[dreg:$0x7] =	wrdreg s12  }
0x15: {  	s19 =	sadd.s32 s19, s21;
	[dreg:$0x9] =	wrdreg s24;
	s13 =	sadd.s32 s13, s14  }
0x16: {  	s3 =	sshrl.u32 s21, $0x3;
	s21 =	sshrl.u32 s14, $0x3;
	s25 =	sshrl.u32 s19, $0x3  }
0x17: {  	s14 =	simm.s32 $0x0;
	s15 =	sadd.s32 s16, s3;
	s26 =	sadd.s32 s16, s25  }
0x18: {  	s13 =	sshrl.u32 s13, $0x3;
	s16 =	sadd.s32 $0x27000, s10;
	[dreg:$0xa] =	wrdreg s26  }
0x19: {  	s3 =	smov.u32 s22;
	s19 =	sadd.s32 s17, s13;
	[dreg:$0xc] =	wrdreg s16  }
0x1a: {  	s10 =	sadd.s32 s17, s21;
	s24 =	sadd.s32 $0x27000, s15;
	[dreg:$0xd] =	wrdreg s19  }
0x1b: {  	vm0 =	vcmask $0x300;
	vm1 =	vcmask $0x704;
	s21 =	smul.u32 $0x2710, s20;
	[dreg:$0x10] =	wrdreg s24;
	s25 =	sadd.s32 $0x4E00, s10  }
0x1c: {  	vm2 =	vcmask $0xB08;
	vm3 =	vcmask $0xF0C;
	vm4 =	vcmask $0x1310;
	s26 =	smax.u32 s18, $0x1;
	s10 =	simm.s32 $0x1B260;
	[dreg:$0x11] =	wrdreg s25  }
0x1d: {  	vm5 =	vcmask $0x1714;
	vm6 =	vcmask $0x1B18;
	vm7 =	vcmask $0x1F1C;
	[dreg:$0x12] =	wrdreg s26;
	s25 =	simm.s32 $0x1;
	s26 =	simm.s32 $0x15F90  }
.LBB2_1:
0x1e: {  	[dreg:$0x13] =	wrdreg s14  }
0x1f: {  	s1 =	rddreg [dreg:$0x5]  }
0x20: {  	s20 =	rddreg [dreg:$0x6];
	s13 =	sshrl.u32 s1, $0x3  }
0x21: {  	[dreg:$0x14] =	wrdreg s13  }
0x22: {  	[spmem:s13], [sflag:s12] =	dma.local [hbm:s20], $0x2700  }
0x23: {  	_ =	swait.ge [sflag:s25], $0x2700  }
0x24: {  	s22 =	rddreg [dreg:$0x8]  }
0x25: {  	[sflag:s25] =	ssyncset.done $0x0;
	s24 =	rddreg [dreg:$0x9];
	s23 =	sshrl.u32 s22, $0x3  }
0x26: {  	[sflag:s25] =	ssyncadd.s32 $0xFFFFD900;
	[dreg:$0x15] =	wrdreg s23  }
0x27: {  	[spmem:s23], [sflag:s12] =	dma.local [hbm:s24], $0x4E0  }
0x28: {  	_ =	swait.ge [sflag:s25], $0x4E0  }
0x29: {  	s1 =	rddreg [dreg:$0xb]  }
0x2a: {  	[sflag:s25] =	ssyncset.done $0x0;
	s13 =	sshrl.u32 @!p0 s1, $0x3;
	s1 =	rddreg [dreg:$0xc]  }
0x2b: {  	s14 =	simm.s32 @!p0 $0x1;
	[sflag:s25] =	ssyncadd.s32 $0xFFFFFB20;
	[dreg:$0x16] =	wrdreg s13  }
0x2c: {  	[spmem:s13], [sflag:s12] =	dma.local @!p0 [hbm:s1], $0x100  }
0x2d: {  	_ =	swait.ge @!p0 [sflag:s14], $0x100  }
0x2e: {  	s1 =	rddreg [dreg:$0xe]  }
0x2f: {  	[sflag:s14] =	ssyncset.done @!p0 $0x0;
	s13 =	sshrl.u32 @!p0 s1, $0x3;
	s1 =	rddreg [dreg:$0xf]  }
0x30: {  	[sflag:s14] =	ssyncadd.s32 @!p0 $0xFFFFFF00;
	[dreg:$0x17] =	wrdreg s13  }
0x31: {  	[spmem:s13], [sflag:s12] =	dma.local @!p0 [hbm:s1], $0x20  }
0x32: {  	_ =	swait.ge @!p0 [sflag:s14], $0x20  }
0x33: {  	[sflag:s14] =	ssyncset.done @!p0 $0x0  }
0x34: {  	[sflag:s14] =	ssyncadd.s32 @!p0 $0xFFFFFFE0  }
0x35: {  	s18 =	simm.s32 $0x0;
	[bflag:$0x0] =	sbarrier.arrive $0xFFFF  }
.LBB2_2:
0x36: {  	s14 =	smul.u32 $0x28, s18;
	_ =	sdelay $0x1  }
0x37: {  	s14 =	sadd.s32 s21, s14  }
0x38: {  	s15 =	sshrl.u32 s14, $0x3  }
0x39: {  	s20 =	simm.s32 $0x0;
	s16 =	sadd.s32 s6, s15  }
0x3a: {  	[tilespmem:s26], [sflag:$0x1] =	stream.linear.gather [hbm4b:s16+s20], $0x28, $0x38;
	[tilespmem:$0x1C8E0] =	vst v63  }
0x3b: {  	_ =	swait.ge [sflag:s25], $0x28  }
0x3c: {  	[sflag:s25] =	ssyncset.done $0x0  }
0x3d: {  	s15 =	sadd.s32 s7, s15;
	[sflag:s25] =	ssyncadd.s32 $0xFFFFFFD8  }
0x3e: {  	[tilespmem:s28], [sflag:$0x1] =	stream.linear.gather [hbm4b:s15+s20], $0x28, $0x38;
	[tilespmem:$0x1C8E0] =	vst v63  }
0x3f: {  	_ =	swait.ge [sflag:s25], $0x28  }
0x40: {  	s19 =	sshll.u32 s14, $0x1;
	[sflag:s25] =	ssyncset.done $0x0  }
0x41: {  	s14 =	sadd.s32 s8, s19;
	[sflag:s25] =	ssyncadd.s32 $0xFFFFFFD8  }
0x42: {  	[tilespmem:s29], [sflag:$0x1] =	stream.linear.gather [hbm4b:s14+s20], $0x280, $0x38;
	[tilespmem:$0x1C8E0] =	vst v63  }
0x43: {  	_ =	swait.ge [sflag:s25], $0x280  }
0x44: {  	[sflag:s25] =	ssyncset.done $0x0  }
0x45: {  	[sflag:s25] =	ssyncadd.s32 $0xFFFFFD80  }
0x46: {  	[tilespmem:s31], [sflag:$0x1] =	stream.indirect.gather [hbm4b:s4+s30], $0x100, s28, s30, $0xb8;
	[tilespmem:$0x1C8E0] =	vst v63  }
0x47: {  	_ =	swait.ge [sflag:s25], $0x2800  }
0x48: {  	[sflag:s25] =	ssyncset.done $0x0  }
0x49: {  	[sflag:s25] =	ssyncadd.s32 $0xFFFFD800  }
0x4a: {  	[tilespmem:s0], [sflag:$0x1] =	stream.indirect.gather [hbm4b:s5+s30], $0x100, s26, s30, $0xb8;
	[tilespmem:$0x1C8E0] =	vst v63  }
0x4b: {  	_ =	swait.ge [sflag:s25], $0x2800  }
0x4c: {  	[sflag:s25] =	ssyncset.done $0x0  }
0x4d: {  	s22 =	simm.s32 $0x16060;
	[sflag:s25] =	ssyncadd.s32 $0xFFFFD800  }
0x4e: {  	s20 =	simm.s32 $0x0;
	v0 =	vld [tilespmem:s22+$0xFFFFFF90]  }
0x4f: {  	v1 =	vld [tilespmem:s20+$0x1AFE0]  }
0x50: {  	v2 =	vld [tilespmem:s22+$0x20]  }
0x51: {  	s23 =	simm.s32 $0x18860;
	v3 =	vld [tilespmem:s22+$0xFFFFFFA0]  }
0x52: {  	v4 =	vld [tilespmem:s23+$0xFFFFFFA0]  }
0x53: {  	v5 =	vld [tilespmem:s22+$0xFFFFFF80]  }
0x54: {  	v6 =	vld [tilespmem:s22+$0x0]  }
0x55: {  	v7 =	vld [tilespmem:s23+$0xFFFFFF90]  }
0x56: {  	v8 =	vld [tilespmem:s23+$0xFFFFFF80]  }
0x57: {  	v9 =	vld [tilespmem:s22+$0x10]  }
0x58: {  	v10 =	vld [tilespmem:s22+$0x40]  }
0x59: {  	v11 =	vld [tilespmem:s23+$0xFFFFFFC0]  }
0x5a: {  	v12 =	vld [tilespmem:s22+$0x30]  }
0x5b: {  	v13 =	vld [tilespmem:s23+$0xFFFFFFB0]  }
0x5c: {  	v14 =	vld [tilespmem:s22+$0xFFFFFFB0]  }
0x5d: {  	v15 =	vld [tilespmem:s22+$0xFFFFFFC0]  }
0x5e: {  	v16 =	vld [tilespmem:s22+$0x50]  }
0x5f: {  	v17 =	vld [tilespmem:s23+$0xFFFFFFD0]  }
0x60: {  	v18 =	vld [tilespmem:s22+$0xFFFFFFD0]  }
0x61: {  	v19 =	vld [tilespmem:s22+$0x70]  }
0x62: {  	v55 =	vld [tilespmem:s22+$0x60];
	v2 =	vmul.f32 v2, v1;
	v3 =	vmul.f32 v4, v3  }
0x63: {  	v56 =	vld [tilespmem:s23+$0xFFFFFFE0]  }
0x64: {  	v58 =	vld [tilespmem:s23+$0xFFFFFFF0];
	v6 =	vmul.f32 v6, v1;
	v5 =	vmul.f32 v8, v5;
	v2 =	vadd.f32 v2, v3  }
0x65: {  	v0 =	vmul.f32 v7, v0;
	v57 =	vmul.f32 v9, v1;
	v3 =	vld [tilespmem:s22+$0xFFFFFFE0]  }
0x66: {  	v5 =	vadd.f32 v6, v5;
	(xrf2) =	vadd.scan.msk.f32 $0xffff, v2;
	v2 =	vld [tilespmem:s22+$0xFFFFFFF0]  }
0x67: {  	v59 =	vmul.f32 v13, v14;
	v60 =	vmul.f32 v12, v1;
	v0 =	vadd.f32 v57, v0  }
0x68: {  	v61 =	vmul.f32 v11, v15;
	v10 =	vmul.f32 v10, v1;
	(xrf2) =	vadd.scan.msk.f32 $0xffff, v5  }
0x69: {  	v62 =	vmul.f32 v17, v18;
	v63 =	vmul.f32 v16, v1;
	(xrf2) =	vadd.scan.msk.f32 $0xffff, v0;
	v0 =	vadd.f32 v60, v59  }
0x6a: {  	v4 =	vmul.f32 v55, v1;
	v3 =	vmul.f32 v56, v3  }
0x6b: {  	v9 =	vadd.f32 v10, v61;
	(xrf2) =	vadd.scan.msk.f32 $0xffff, v0;
	v0 =	vmul.f32 v19, v1;
	v2 =	vmul.f32 v58, v2  }
0x6c: {  	v1 =	vadd.f32 v63, v62  }
0x6d: {  	(xrf2) =	vadd.scan.msk.f32 $0xffff, v9;
	v3 =	vadd.f32 v4, v3;
	v0 =	vadd.f32 v0, v2  }
0x6e: {  	(xrf2) =	vadd.scan.msk.f32 $0xffff, v1  }
0x6f: {  	(xrf2) =	vadd.scan.msk.f32 $0xffff, v3  }
0x70: {  	(xrf2) =	vadd.scan.msk.f32 $0xffff, v0  }
0x71: {  	v0, _, _ =	vpop (xrf2)  }
0x72: {  	v1, _, _ =	vpop (xrf2);
	(v2sf) =	vpush v0, $0xF  }
0x73: {  	(v2sf) =	vpush v1, $0xF  }
0x74: {  	v0, _, _ =	vpop (xrf2)  }
0x75: {  	(v2sf) =	vpush v0, $0xF  }
0x76: {  	v0, _, _ =	vpop (xrf2)  }
0x77: {  	(v2sf) =	vpush v0, $0xF;
	v0, _, _ =	vpop (xrf2)  }
0x78: {  	(v2sf) =	vpush v0, $0xF;
	v0, _, _ =	vpop (xrf2)  }
0x79: {  	(v2sf) =	vpush v0, $0xF;
	v0, _, _ =	vpop (xrf2)  }
0x7a: {  	(v2sf) =	vpush v0, $0xF;
	v0, _, _ =	vpop (xrf2)  }
0x7b: {  	(v2sf) =	vpush v0, $0xF;
	_ =	sdelay $0x5  }
0x7c: {  	s1 =	spop (v2sf)  }
0x7d: {  	s12 =	spop (v2sf)  }
0x7e: {  	s15 =	smul.f32 $2.500000000e-01, s12  }
0x7f: {  	s13 =	spop (v2sf)  }
0x80: {  	s17 =	smul.f32 $2.500000000e-01, s13;
	v0 =	vmov s15  }
0x81: {  	s14 =	smul.f32 $2.500000000e-01, s1;
	s24 =	spop (v2sf);
	v0 =	vnsel vm0, $0x0, v0  }
0x82: {  	s1 =	smul.f32 $2.500000000e-01, s24;
	s12 =	spop (v2sf);
	v0 =	vsel vm1, s17, v0  }
0x83: {  	s16 =	smul.f32 $2.500000000e-01, s12;
	s24 =	spop (v2sf);
	v0 =	vsel vm2, s14, v0  }
0x84: {  	s13 =	smul.f32 $2.500000000e-01, s24;
	s17 =	spop (v2sf);
	v0 =	vsel vm3, s1, v0  }
0x85: {  	s15 =	smul.f32 $2.500000000e-01, s17;
	s24 =	spop (v2sf);
	v0 =	vsel vm4, s16, v0  }
0x86: {  	s16 =	smul.f32 $2.500000000e-01, s24;
	v0 =	vsel vm5, s13, v0  }
0x87: {  	v0 =	vsel vm6, s15, v0  }
0x88: {  	v0 =	vsel vm7, s16, v0  }
0x89: {  	v0 =	vmax.f32 v0, $-6.000000000e+01  }
0x8a: {  	v0 =	vmin.f32 v0, $6.000000000e+01  }
0x8b: {  	v0 =	vmul.f32 $1.442695020e+00, v0;
	_ =	sdelay $0x1  }
0x8c: {  	(erf) = vpow2.f32 v0;
	_ =	sdelay $0x6  }
0x8d: {  	v1 =	vld [tilespmem:s23+$0x0];
	_ =	sdelay $0x1  }
0x8e: {  	v0 =	vpop (erf)  }
0x8f: {  	v2 =	vbroadcast v0, $0x0;
	_ =	sdelay $0x1  }
0x90: {  	v1 =	vmul.f32 v2, v1  }
0x91: {  	s24 =	simm.s32 $0x1B2A0  }
0x92: {  	[tilespmem:s24+$0xFFFFFFC0] =	vst v1  }
0x93: {  	v1 =	vld [tilespmem:s23+$0x10];
	_ =	sdelay $0x2  }
0x94: {  	v2 =	vbroadcast v0, $0x1;
	_ =	sdelay $0x1  }
0x95: {  	v1 =	vmul.f32 v2, v1;
	_ =	sdelay $0x1  }
0x96: {  	[tilespmem:s24+$0xFFFFFFD0] =	vst v1  }
0x97: {  	v1 =	vld [tilespmem:s23+$0x20];
	_ =	sdelay $0x2  }
0x98: {  	v2 =	vbroadcast v0, $0x2;
	_ =	sdelay $0x1  }
0x99: {  	v1 =	vmul.f32 v2, v1;
	_ =	sdelay $0x1  }
0x9a: {  	[tilespmem:s24+$0xFFFFFFE0] =	vst v1  }
0x9b: {  	v1 =	vld [tilespmem:s23+$0x30];
	_ =	sdelay $0x2  }
0x9c: {  	v2 =	vbroadcast v0, $0x3;
	_ =	sdelay $0x1  }
0x9d: {  	v1 =	vmul.f32 v2, v1;
	_ =	sdelay $0x1  }
0x9e: {  	[tilespmem:s24+$0xFFFFFFF0] =	vst v1  }
0x9f: {  	v1 =	vld [tilespmem:s23+$0x40];
	_ =	sdelay $0x2  }
0xa0: {  	s14 =	simm.s32 $0x1B2A0;
	s15 =	simm.s32 $0x18860;
	s16 =	simm.s32 $0x40;
	v2 =	vbroadcast v0, $0x4  }
.LBB2_3:
0xa1: {  	s24 =	sadd.s32 $0x80, s24;
	s23 =	sadd.s32 $0x100, s23;
	s22 =	sadd.s32 $0x100, s22  }
0xa2: {  	p1 =	sne.s32 s16, $0x9C0;
	s17 =	smov.u32 s16;
	s16 =	sadd.s32 $0x40, s16;
	v1 =	vmul.f32 v2, v1  }
0xa3: {  	_ = 	snop  }
0xa4: {  	[tilespmem:s14+$0x0] =	vst v1  }
0xa5: {  	v1 =	vld [tilespmem:s15+$0x50];
	_ =	sdelay $0x2  }
0xa6: {  	v2 =	vbroadcast v0, $0x5;
	_ =	sdelay $0x1  }
0xa7: {  	v1 =	vmul.f32 v2, v1;
	_ =	sdelay $0x1  }
0xa8: {  	[tilespmem:s14+$0x10] =	vst v1  }
0xa9: {  	v1 =	vld [tilespmem:s15+$0x60];
	_ =	sdelay $0x2  }
0xaa: {  	v2 =	vbroadcast v0, $0x6;
	_ =	sdelay $0x1  }
0xab: {  	v1 =	vmul.f32 v1, v2;
	_ =	sdelay $0x1  }
0xac: {  	s17 =	sshra.s32 s17, $0x2;
	[tilespmem:s14+$0x20] =	vst v1  }
0xad: {  	v1 =	vld [tilespmem:s15+$0x70];
	s15 =	smov.u32 s23;
	_ =	sdelay $0x2  }
0xae: {  	v2 =	vbroadcast v0, $0x7;
	_ =	sdelay $0x1  }
0xaf: {  	v1 =	vmul.f32 v1, v2;
	_ =	sdelay $0x1  }
0xb0: {  	[tilespmem:s14+$0x30] =	vst v1;
	s14 =	smov.u32 s24  }
0xb1: {  	[tilespmem:s20+$0x1C660] =	vst v0;
	s20 =	smov.u32 s17  }
0xb2: {  	v0 =	vld [tilespmem:s22+$0xFFFFFF90]  }
0xb3: {  	v1 =	vld [tilespmem:s20+$0x1AFE0]  }
0xb4: {  	v2 =	vld [tilespmem:s22+$0x20]  }
0xb5: {  	v3 =	vld [tilespmem:s22+$0xFFFFFFA0]  }
0xb6: {  	v4 =	vld [tilespmem:s23+$0xFFFFFFA0]  }
0xb7: {  	v5 =	vld [tilespmem:s22+$0xFFFFFF80]  }
0xb8: {  	v6 =	vld [tilespmem:s22+$0x0]  }
0xb9: {  	v7 =	vld [tilespmem:s23+$0xFFFFFF90]  }
0xba: {  	v2 =	vmul.f32 v2, v1;
	v8 =	vld [tilespmem:s23+$0xFFFFFF80]  }
0xbb: {  	v9 =	vld [tilespmem:s22+$0x10];
	v3 =	vmul.f32 v4, v3;
	_ =	sdelay $0x1  }
0xbc: {  	v4 =	vmul.f32 v6, v1;
	v2 =	vadd.f32 v2, v3;
	v3 =	vld [tilespmem:s22+$0x40]  }
0xbd: {  	v0 =	vmul.f32 v7, v0;
	v6 =	vld [tilespmem:s23+$0xFFFFFFC0]  }
0xbe: {  	v5 =	vmul.f32 v8, v5;
	v7 =	vld [tilespmem:s22+$0x30];
	(xrf2) =	vadd.scan.msk.f32 $0xffff, v2  }
0xbf: {  	v2 =	vmul.f32 v9, v1;
	v8 =	vld [tilespmem:s23+$0xFFFFFFB0]  }
0xc0: {  	v4 =	vadd.f32 v4, v5;
	v5 =	vld [tilespmem:s22+$0xFFFFFFB0]  }
0xc1: {  	v0 =	vadd.f32 v2, v0;
	v2 =	vld [tilespmem:s22+$0xFFFFFFC0];
	v3 =	vmul.f32 v3, v1  }
0xc2: {  	v9 =	vld [tilespmem:s22+$0x50];
	(xrf2) =	vadd.scan.msk.f32 $0xffff, v4  }
0xc3: {  	v4 =	vmul.f32 v7, v1;
	v7 =	vld [tilespmem:s23+$0xFFFFFFD0]  }
0xc4: {  	v10 =	vld [tilespmem:s22+$0xFFFFFFD0]  }
0xc5: {  	v5 =	vmul.f32 v8, v5;
	v8 =	vld [tilespmem:s22+$0x70];
	(xrf2) =	vadd.scan.msk.f32 $0xffff, v0  }
0xc6: {  	v0 =	vmul.f32 v6, v2;
	v2 =	vld [tilespmem:s22+$0x60]  }
0xc7: {  	v4 =	vadd.f32 v4, v5;
	v5 =	vmul.f32 v9, v1;
	v6 =	vld [tilespmem:s23+$0xFFFFFFE0]  }
0xc8: {  	v0 =	vadd.f32 v3, v0;
	v3 =	vld [tilespmem:s22+$0xFFFFFFE0];
	v9, _, _ =	vpop (xrf2)  }
0xc9: {  	v7 =	vmul.f32 v7, v10;
	v10 =	vld [tilespmem:s23+$0xFFFFFFF0];
	(v2sf) =	vpush v9, $0xF;
	(xrf2) =	vadd.scan.msk.f32 $0xffff, v4  }
0xca: {  	v4 =	vld [tilespmem:s22+$0xFFFFFFF0];
	v8 =	vmul.f32 v8, v1  }
0xcb: {  	v5 =	vadd.f32 v5, v7;
	v1 =	vmul.f32 v2, v1  }
0xcc: {  	v2, _, _ =	vpop (xrf2);
	(xrf2) =	vadd.scan.msk.f32 $0xffff, v0  }
0xcd: {  	v0 =	vmul.f32 v6, v3;
	(v2sf) =	vpush v2, $0xF;
	_ =	sdelay $0x1  }
0xce: {  	v0 =	vadd.f32 v1, v0;
	v1 =	vmul.f32 v10, v4;
	v2, _, _ =	vpop (xrf2);
	(xrf2) =	vadd.scan.msk.f32 $0xffff, v5  }
0xcf: {  	(v2sf) =	vpush v2, $0xF  }
0xd0: {  	v1 =	vadd.f32 v8, v1  }
0xd1: {  	(xrf2) =	vadd.scan.msk.f32 $0xffff, v0  }
0xd2: {  	v0, _, _ =	vpop (xrf2);
	_ =	sdelay $0x1  }
0xd3: {  	(v2sf) =	vpush v0, $0xF;
	(xrf2) =	vadd.scan.msk.f32 $0xffff, v1  }
0xd4: {  	v0, _, _ =	vpop (xrf2)  }
0xd5: {  	(v2sf) =	vpush v0, $0xF  }
0xd6: {  	s17 =	spop (v2sf)  }
0xd7: {  	v0, _, _ =	vpop (xrf2)  }
0xd8: {  	(v2sf) =	vpush v0, $0xF;
	_ =	sdelay $0x1  }
0xd9: {  	s13 =	spop (v2sf);
	v0, _, _ =	vpop (xrf2)  }
0xda: {  	s13 =	smul.f32 $2.500000000e-01, s13;
	_ =	sdelay $0x1  }
0xdb: {  	v1 =	vmov s13;
	s13 =	spop (v2sf);
	(v2sf) =	vpush v0, $0xF;
	v0, _, _ =	vpop (xrf2)  }
0xdc: {  	s13 =	smul.f32 $2.500000000e-01, s13;
	(v2sf) =	vpush v0, $0xF  }
0xdd: {  	v0 =	vnsel vm0, $0x0, v1  }
0xde: {  	v0 =	vsel vm1, s13, v0;
	_ =	sdelay $0x1  }
0xdf: {  	s13 =	spop (v2sf)  }
0xe0: {  	s13 =	smul.f32 $2.500000000e-01, s13  }
0xe1: {  	s12 =	spop (v2sf)  }
0xe2: {  	s12 =	smul.f32 $2.500000000e-01, s12;
	_ =	sdelay $0x1  }
0xe3: {  	s1 =	spop (v2sf)  }
0xe4: {  	s1 =	smul.f32 $2.500000000e-01, s1  }
0xe5: {  	s17 =	smul.f32 $2.500000000e-01, s17;
	_ =	sdelay $0x1  }
0xe6: {  	v0 =	vsel vm2, s17, v0  }
0xe7: {  	v0 =	vsel vm3, s13, v0;
	s13 =	spop (v2sf)  }
0xe8: {  	v0 =	vsel vm4, s12, v0;
	s13 =	smul.f32 $2.500000000e-01, s13;
	s12 =	spop (v2sf)  }
0xe9: {  	v0 =	vsel vm5, s1, v0;
	s12 =	smul.f32 $2.500000000e-01, s12  }
0xea: {  	v0 =	vsel vm6, s13, v0  }
0xeb: {  	v0 =	vsel vm7, s12, v0  }
0xec: {  	v0 =	vmax.f32 v0, $-6.000000000e+01  }
0xed: {  	v0 =	vmin.f32 v0, $6.000000000e+01  }
0xee: {  	v0 =	vmul.f32 $1.442695020e+00, v0;
	_ =	sdelay $0x1  }
0xef: {  	(erf) = vpow2.f32 v0;
	_ =	sdelay $0x6  }
0xf0: {  	v1 =	vld [tilespmem:s23+$0x0];
	_ =	sdelay $0x1  }
0xf1: {  	v0 =	vpop (erf)  }
0xf2: {  	v2 =	vbroadcast v0, $0x0;
	_ =	sdelay $0x1  }
0xf3: {  	v1 =	vmul.f32 v2, v1;
	_ =	sdelay $0x1  }
0xf4: {  	[tilespmem:s24+$0xFFFFFFC0] =	vst v1  }
0xf5: {  	v1 =	vld [tilespmem:s23+$0x10];
	_ =	sdelay $0x2  }
0xf6: {  	v2 =	vbroadcast v0, $0x1;
	_ =	sdelay $0x1  }
0xf7: {  	v1 =	vmul.f32 v2, v1;
	_ =	sdelay $0x1  }
0xf8: {  	[tilespmem:s24+$0xFFFFFFD0] =	vst v1  }
0xf9: {  	v1 =	vld [tilespmem:s23+$0x20];
	_ =	sdelay $0x2  }
0xfa: {  	v2 =	vbroadcast v0, $0x2;
	_ =	sdelay $0x1  }
0xfb: {  	v1 =	vmul.f32 v2, v1;
	_ =	sdelay $0x1  }
0xfc: {  	[tilespmem:s24+$0xFFFFFFE0] =	vst v1  }
0xfd: {  	v1 =	vld [tilespmem:s23+$0x30];
	_ =	sdelay $0x2  }
0xfe: {  	v2 =	vbroadcast v0, $0x3;
	_ =	sdelay $0x1  }
0xff: {  	v1 =	vmul.f32 v2, v1;
	_ =	sdelay $0x1  }
.Ltmp0:
0x100: {  	[tilespmem:s24+$0xFFFFFFF0] =	vst v1;
	(pc) =	sbr.rel @p1 .LBB2_3-.Ltmp0, $2  }
0x101: {  	v1 =	vld [tilespmem:s23+$0x40];
	_ =	sdelay $0x2  }
0x102: {  	v2 =	vbroadcast v0, $0x4  }
0x103: {  	_ = 	snop  }
0x104: {  	v1 =	vmul.f32 v2, v1;
	_ =	sdelay $0x1  }
0x105: {  	[tilespmem:s14+$0x0] =	vst v1  }
0x106: {  	v1 =	vld [tilespmem:s15+$0x50];
	_ =	sdelay $0x2  }
0x107: {  	v61 =	vbroadcast v0, $0x5;
	_ =	sdelay $0x1  }
0x108: {  	v1 =	vmul.f32 v61, v1;
	_ =	sdelay $0x1  }
0x109: {  	[tilespmem:s14+$0x10] =	vst v1  }
0x10a: {  	v1 =	vld [tilespmem:s15+$0x60];
	_ =	sdelay $0x2  }
0x10b: {  	v62 =	vbroadcast v0, $0x6;
	_ =	sdelay $0x1  }
0x10c: {  	v1 =	vmul.f32 v1, v62;
	_ =	sdelay $0x1  }
0x10d: {  	[tilespmem:s14+$0x20] =	vst v1  }
0x10e: {  	v1 =	vld [tilespmem:s15+$0x70];
	_ =	sdelay $0x2  }
0x10f: {  	v63 =	vbroadcast v0, $0x7;
	_ =	sdelay $0x1  }
0x110: {  	v1 =	vmul.f32 v1, v63;
	_ =	sdelay $0x1  }
0x111: {  	[tilespmem:s14+$0x30] =	vst v1  }
0x112: {  	[tilespmem:s20+$0x1C660] =	vst v0  }
0x113: {  	[spmem:s2] =	stream.indirect.scatter.add.f32 [tilespmem:s10], [sflag:$0x1], $0x80, s28, s30, $0xb8;
	[tilespmem:$0x1C8E0] =	vst v63  }
0x114: {  	_ =	swait.ge [sflag:s25], $0x1400  }
0x115: {  	[sflag:s25] =	ssyncset.done $0x0  }
0x116: {  	[sflag:s25] =	ssyncadd.s32 $0xFFFFEC00  }
0x117: {  	[spmem:s3] =	stream.indirect.scatter.add.f32 [tilespmem:s11], [sflag:$0x1], $0x10, s28, s30, $0xb8;
	[tilespmem:$0x1C8E0] =	vst v63  }
0x118: {  	s18 =	sadd.s32 $0x1, s18;
	_ =	swait.ge [sflag:s25], $0x280  }
0x119: {  	s1 =	sadd.s32 s9, s19;
	p1 =	sne.s32 s18, $0xFA;
	[sflag:s25] =	ssyncset.done $0x0  }
.Ltmp1:
0x11a: {  	s12 =	simm.s32 $0x0;
	[sflag:s25] =	ssyncadd.s32 $0xFFFFFD80;
	(pc) =	sbr.rel @p1 .LBB2_2-.Ltmp1, $4  }
0x11b: {  	[hbm4b:s1+s12] =	stream.linear.scatter [tilespmem:s11], [sflag:$0x1], $0x280, $0x38;
	[tilespmem:$0x1C8E0] =	vst v63  }
0x11c: {  	_ =	swait.ge [sflag:s25], $0x280  }
0x11d: {  	[sflag:s25] =	ssyncset.done $0x0  }
0x11e: {  	[sflag:s25] =	ssyncadd.s32 $0xFFFFFD80  }
0x11f: {  	[bflag:$0x0] =	sbarrier.arrive $0xFFFF  }
0x120: {  	s12 =	rddreg [dreg:$0x7]  }
0x121: {  	s1 =	rddreg [dreg:$0xa]  }
0x122: {  	s13 =	rddreg [dreg:$0x14]  }
0x123: {  	[hbm:s1], [sflag:s12] =	dma.local [spmem:s13], $0x2700  }
0x124: {  	_ =	swait.ge [sflag:s25], $0x2700  }
0x125: {  	[sflag:s25] =	ssyncset.done $0x0;
	s20 =	rddreg [dreg:$0xd]  }
0x126: {  	s22 =	rddreg [dreg:$0x15];
	[sflag:s25] =	ssyncadd.s32 $0xFFFFD900  }
0x127: {  	[hbm:s20], [sflag:s12] =	dma.local [spmem:s22], $0x4E0  }
0x128: {  	_ =	swait.ge [sflag:s25], $0x4E0  }
0x129: {  	[sflag:s25] =	ssyncset.done $0x0;
	s1 =	rddreg [dreg:$0x10]  }
0x12a: {  	s13 =	rddreg [dreg:$0x16];
	[sflag:s25] =	ssyncadd.s32 $0xFFFFFB20  }
0x12b: {  	[hbm:s1], [sflag:s12] =	dma.local @!p0 [spmem:s13], $0x100  }
0x12c: {  	s1 =	simm.s32 @!p0 $0x1  }
0x12d: {  	_ =	swait.ge @!p0 [sflag:s1], $0x100  }
0x12e: {  	[sflag:s1] =	ssyncset.done @!p0 $0x0;
	s13 =	rddreg [dreg:$0x11]  }
0x12f: {  	s14 =	rddreg [dreg:$0x17];
	[sflag:s1] =	ssyncadd.s32 @!p0 $0xFFFFFF00  }
0x130: {  	[hbm:s13], [sflag:s12] =	dma.local @!p0 [spmem:s14], $0x20  }
0x131: {  	_ =	swait.ge @!p0 [sflag:s1], $0x20  }
0x132: {  	s23 =	rddreg [dreg:$0x13]  }
0x133: {  	s24 =	rddreg [dreg:$0x12];
	s14 =	sadd.s32 $0x1, s23  }
0x134: {  	p1 =	sne.s32 s14, s24  }
.Ltmp2:
0x135: {  	_ = 	snop;
	(pc) =	sbr.rel @p1 .LBB2_1-.Ltmp2, $3  }
0x136: {  	_ =	sdelay $0x1  }
0x137: {  	[sflag:s1] =	ssyncset.done @!p0 $0x0  }
0x138: {  	[sflag:s1] =	ssyncadd.s32 @!p0 $0xFFFFFFE0  }
0x139: {  	_ =	sfence.sel $0x180000  }
0x13a: {  	[bflag:$0x0] =	sbarrier.arrive $0xFFFF  }
0x13b: {  	_ =	strace $0x90000047  }
0x13c: {  	[bflag:$0x2] =	sbarrier.arrive $0xFFFF  }
0x13d: {  	s0 =	rddreg [dreg:$0x4]  }
0x13e: {  	s0 =	sadd.s32 @!p0 $0x100000, s0  }
0x13f: {  	[sflag:s0] =	ssyncadd.tile.s32 @!p0 $0x1;
	_ =	shalt  }
.Lfunc_end2:
_tile_overlayer_lowered:
.L_overlay_start_2:
0x140: {  	(tag) =	ssettag $0x2  }
0x141: {  	s0 =	rddreg [dreg:$0x0];
	s2 =	stileid.u32  }
0x142: {  	s1 =	rddreg [dreg:$0x1];
	p0 =	sne.s32 s2, $0x0  }
0x143: {  	s3 =	rddreg [dreg:$0x2];
	[bflag:$0x3] =	sbarrier.arrive $0xFFFF;
	s2 =	simm.s32 @!p0 $0x1C01  }
0x144: {  	[timem:s3], [sflag:s2] =	dma.local @!p0 [hbm:s0], s1  }
0x145: {  	s0 =	simm.s32 @!p0 $0x1  }
0x146: {  	_ =	swait.ge @!p0 [sflag:s0], s1  }
0x147: {  	s1 =	ssub.s32 @!p0 $0x0, s1;
	[sflag:s0] =	ssyncset.done @!p0 $0x0  }
0x148: {  	[sflag:s0] =	ssyncadd.s32 @!p0 s1  }
0x149: {  	[bflag:$0x3] =	sbarrier.arrive $0xFFFF  }
0x14a: {  	_ =	shalt  }

// kernel: kernel.9.cloned.1.call-start
scs
__scs_entry_jumppad:
0x0: {  	(pc) =	sbr.rel $0x88, $3  }
0x1: {  	(tag) =	ssettag $0x0;
	lr =	simm.s32 $0x1  }
0x2: {  	[smem:$0x3F8C] =	sst lr;
	_ =	strace $0xD0000000  }
0x3: {  	_ = 	snop  }
0x4: {  	_ = 	snop  }
0x5: {  	_ = 	snop  }
0x6: {  	_ = 	snop  }
0x7: {  	_ = 	snop  }
__scs_overlays_trampoline_lowered:
0x8: {  	[smem:$0x3F9B] =	sst s0  }
0x9: {  	[smem:$0x3F9C] =	sst s1  }
0xa: {  	[smem:$0x3F9D] =	sst s2  }
0xb: {  	[smem:$0x3F9E] =	sst s3  }
0xc: {  	[smem:$0x3F9F] =	sst s4  }
0xd: {  	[smem:$0x3FA0] =	sst s5  }
0xe: {  	[smem:$0x3FA1] =	sst s6  }
0xf: {  	[smem:$0x3FA2] =	sst s7  }
0x10: {  	[smem:$0x3FA3] =	sst s8  }
0x11: {  	[smem:$0x3FA4] =	sst s9;
	s0 =	simm.s32 @!p0 $0x0  }
0x12: {  	s1 =	sld [smem:$0x3F8A];
	s0 =	simm.s32 @p0 $0x1  }
0x13: {  	[smem:$0x3FA5] =	sst s0;
	s0 =	simm.s32 @!p1 $0x0  }
0x14: {  	s2 =	sld [smem:$0x3F89];
	s0 =	simm.s32 @p1 $0x1  }
0x15: {  	[smem:$0x3FA6] =	sst s0;
	s0 =	simm.s32 @!p2 $0x0  }
0x16: {  	s3 =	sld [smem:$0x3FDB];
	s0 =	simm.s32 @p2 $0x1  }
0x17: {  	s4 =	simm.s32 $0x1BF5;
	[smem:$0x3FA8] =	sst s0  }
0x18: {  	s0 =	sld [smem:$0x3F8B];
	_ =	swait.ge [sflag:s4], $0x0  }
0x19: {  	s7 =	sld [smem:$0x3F8C]  }
0x1a: {  	s8 =	sadd.s32 $0xFFFFE003, lr  }
0x1b: {  	s9 =	sadd.s32 $0xFFFFFEF7, lr;
	s5 =	simm.s32 $0xFFFFFFFF;
	p2 =	slt.u32 s8, $0xFFFFF086  }
0x1c: {  	p1 =	slt.u32 s9, $0xF7A;
	s5 =	simm.s32 @!p2 $0x0  }
0x1d: {  	s5 =	simm.s32 @p1 $0x1;
	p0 =	seq.s32 s7, s2  }
0x1e: {  	s7 =	smul.u32 @!p0 $0xF7A, s2;
	p2 =	seq.s32 @!p0 s5, $0x0  }
0x1f: {  	s9 =	smul.u32 $0xF7A, s1;
	s8 =	simm.s32 @!p0 $0x1BF5;
	p2 =	por !p2, p0  }
0x20: {  	[sflag:s8] =	ssyncset.s32 @!p0 $0xFFFFF086;
	s6 =	sadd.s32 @!p0 s3, s7;
	s7 =	simm.s32 @!p0 $0x108  }
0x21: {  	s3 =	sadd.s32 s3, s9;
	s6 =	sadd.s32 @!p0 $0x88, s6;
	s7 =	simm.s32 @p2 $0x1082  }
0x22: {  	[simem:s7], [sflag:s8] =	dma.local @!p0 [hbm:s6], $0xF7A  }
0x23: {  	s9 =	sor.u32 $0xD0000000, s2;
	s6 =	simm.s32 $0x108;
	_ =	swait.ge @!p0 [sflag:s8], $0x0  }
0x24: {  	s3 =	sadd.s32 $0x88, s3;
	s6 =	simm.s32 @!p1 $0x1082;
	[sflag:s4] =	ssyncset.s32 $0xFFFFF086  }
0x25: {  	[simem:s6], [sflag:s4] =	dma.local [hbm:s3], $0xF7A  }
0x26: {  	[smem:$0x3F8C] =	sst s1;
	(tag) =	ssettag s2;
	_ =	strace s9  }
0x27: {  	s1 =	sld [smem:$0x3F9C]  }
0x28: {  	s2 =	sld [smem:$0x3F9D]  }
0x29: {  	s4 =	sld [smem:$0x3F9F]  }
0x2a: {  	p0 =	seq.s32 s5, $0x0;
	s5 =	sld [smem:$0x3FA0]  }
0x2b: {  	s6 =	sld [smem:$0x3FA1]  }
0x2c: {  	s7 =	sld [smem:$0x3FA2]  }
0x2d: {  	s3 =	simm.s32 $0x108;
	s8 =	sld [smem:$0x3FA3]  }
0x2e: {  	s3 =	simm.s32 @!p0 $0x1082;
	s9 =	sld [smem:$0x3FA4]  }
0x2f: {  	lr =	sadd.s32 s0, s3;
	s0 =	sld [smem:$0x3F9B]  }
0x30: {  	s3 =	sld [smem:$0x3F9E]  }
0x31: {  	[smem:$0x3FA7] =	sst s10  }
0x32: {  	s10 =	sld [smem:$0x3FA5];
	_ =	sdelay $0x3  }
0x33: {  	p0 =	seq.s32 s10, $0x1;
	s10 =	sld [smem:$0x3FA7];
	_ =	sdelay $0x3  }
0x34: {  	[smem:$0x3FA7] =	sst s10  }
0x35: {  	s10 =	sld [smem:$0x3FA6];
	_ =	sdelay $0x3  }
0x36: {  	p1 =	seq.s32 s10, $0x1;
	s10 =	sld [smem:$0x3FA7];
	_ =	sdelay $0x3  }
0x37: {  	[smem:$0x3FA7] =	sst s10  }
0x38: {  	s10 =	sld [smem:$0x3FA8]  }
0x39: {  	_ = 	snop;
	(pc) =	sbr.ind lr, $3  }
0x3a: {  	_ = 	snop  }
0x3b: {  	_ = 	snop  }
0x3c: {  	p2 =	seq.s32 s10, $0x1;
	s10 =	sld [smem:$0x3FA7]  }
0x3d: {  	_ =	shalt  }
0x3e: {  	_ =	shalt  }
0x3f: {  	_ =	shalt  }
0x40: {  	_ =	shalt  }
0x41: {  	_ =	shalt  }
0x42: {  	_ =	shalt  }
0x43: {  	_ =	shalt  }
0x44: {  	_ =	shalt  }
0x45: {  	_ =	shalt  }
0x46: {  	_ =	shalt  }
0x47: {  	_ =	shalt  }
0x48: {  	_ =	shalt  }
0x49: {  	_ =	shalt  }
0x4a: {  	_ =	shalt  }
0x4b: {  	_ =	shalt  }
0x4c: {  	_ =	shalt  }
0x4d: {  	_ =	shalt  }
0x4e: {  	_ =	shalt  }
0x4f: {  	_ =	shalt  }
0x50: {  	_ =	shalt  }
0x51: {  	_ =	shalt  }
0x52: {  	_ =	shalt  }
0x53: {  	_ =	shalt  }
0x54: {  	_ =	shalt  }
0x55: {  	_ =	shalt  }
0x56: {  	_ =	shalt  }
0x57: {  	_ =	shalt  }
0x58: {  	_ =	shalt  }
0x59: {  	_ =	shalt  }
0x5a: {  	_ =	shalt  }
0x5b: {  	_ =	shalt  }
0x5c: {  	_ =	shalt  }
0x5d: {  	_ =	shalt  }
0x5e: {  	_ =	shalt  }
0x5f: {  	_ =	shalt  }
0x60: {  	_ =	shalt  }
0x61: {  	_ =	shalt  }
0x62: {  	_ =	shalt  }
0x63: {  	_ =	shalt  }
0x64: {  	_ =	shalt  }
0x65: {  	_ =	shalt  }
0x66: {  	_ =	shalt  }
0x67: {  	_ =	shalt  }
0x68: {  	_ =	shalt  }
0x69: {  	_ =	shalt  }
0x6a: {  	_ =	shalt  }
0x6b: {  	_ =	shalt  }
0x6c: {  	_ =	shalt  }
0x6d: {  	_ =	shalt  }
0x6e: {  	_ =	shalt  }
0x6f: {  	_ =	shalt  }
0x70: {  	_ =	shalt  }
0x71: {  	_ =	shalt  }
0x72: {  	_ =	shalt  }
0x73: {  	_ =	shalt  }
0x74: {  	_ =	shalt  }
0x75: {  	_ =	shalt  }
0x76: {  	_ =	shalt  }
0x77: {  	_ =	shalt  }
0x78: {  	_ =	shalt  }
0x79: {  	_ =	shalt  }
0x7a: {  	_ =	shalt  }
0x7b: {  	_ =	shalt  }
0x7c: {  	_ =	shalt  }
0x7d: {  	_ =	shalt  }
0x7e: {  	_ =	shalt  }
0x7f: {  	_ =	shalt  }
0x80: {  	_ =	shalt  }
0x81: {  	_ =	shalt  }
0x82: {  	_ =	shalt  }
0x83: {  	_ =	shalt  }
0x84: {  	_ =	shalt  }
0x85: {  	_ =	shalt  }
0x86: {  	_ =	shalt  }
0x87: {  	_ =	shalt  }
.Lfunc_end0:
.L_simem_size_0:
called_computation.1_lowered:
.L_overlay_start_0:
0x88: {  	s2 =	sld [smem:$0x3FD9]  }
0x89: {  	s3 =	sld [smem:$0x3FFE];
	_ =	sdelay $0x1  }
0x8a: {  	s1 =	srdreg.scid  }
0x8b: {  	s0 =	sand.u32 $0x1, s1  }
0x8c: {  	s16 =	sshll.u32 s0, $0xA;
	s2 =	sadd.s32 s3, s2  }
0x8d: {  	s2 =	sadd.s32 s2, s16  }
0x8e: {  	[smem:$0x3FB3] =	sst s2  }
0x8f: {  	_ = 	snop  }
0x90: {  	(tm) =	ssettm $0x1  }
0x91: {  	s17 =	sld [smem:$0x3FFB];
	_ =	sdelay $0x3  }
0x92: {  	_ =	strace s17  }
0x93: {  	s2 =	sld [smem:$0x3FFC];
	_ =	sdelay $0x3  }
0x94: {  	_ =	strace s2  }
0x95: {  	s2 =	sld [smem:$0x3FFD];
	_ =	sdelay $0x3  }
0x96: {  	_ =	strace s2  }
0x97: {  	_ =	strace $0x8FFFFFFF  }
0x98: {  	s18 =	sld [smem:$0x3FDB];
	_ =	sdelay $0x1  }
0x99: {  	s19 =	simm.s32 $_scs_section_size  }
0x9a: {  	s4 =	simm.s32 $_size__tile_overlayer_lowered;
	s5 =	simm.s32 $_tile_overlayer_lowered  }
0x9b: {  	s22 =	simm.s32 $0x1BFF;
	s21 =	sshll.u32 s5, $0x1;
	s2 =	sadd.s32 s19, s18  }
0x9c: {  	s6 =	simm.s32 $0x0;
	s20 =	sshll.u32 s4, $0x1;
	s4 =	sadd.s32 s21, s2  }
0x9d: {  	[timem:s6], [sflag:s22] =	dma.local [hbm:s4], s20  }
0x9e: {  	_ =	swait.ge [sflag:s22], s20  }
0x9f: {  	s3 =	ssub.s32 $0x0, s20;
	[sflag:s22] =	ssyncset.done $0x0  }
0xa0: {  	[sflag:s22] =	ssyncadd.s32 s3;
	_ =	sdelay $0x1  }
0xa1: {  	s23 =	simm.s32 $0x1B8B  }
0xa2: {  	_ =	swait.ge [sflag:s23], $0x1  }
0xa3: {  	[sflag:s23] =	ssyncset.done $0x0  }
0xa4: {  	s25 =	simm.s32 $0x1B8E;
	s24 =	sld [smem:$0x3FFE];
	[sflag:s23] =	ssyncadd.s32 $0xFFFFFFFF  }
0xa5: {  	s26 =	simm.s32 $execute0_lowered;
	[smem:$0x3FD2] =	sst s25  }
0xa6: {  	s4 =	sshll.u32 s26, $0x1;
	_ =	strace $0x80000049;
	[dreg:$0x1] =	wrdreg $0xFFFFFFFF  }
0xa7: {  	s28 =	simm.s32 $_size_execute0_lowered;
	s2 =	sadd.s32 s2, s4;
	[dreg:$0x0] =	wrdreg $0x0  }
0xa8: {  	s4 =	sshll.u32 s28, $0x1;
	[dreg:$0x2] =	wrdreg s2  }
0xa9: {  	[dreg:$0x3] =	wrdreg s4  }
0xaa: {  	[dreg:$0x4] =	wrdreg $0xC0  }
0xab: {  	_ =	task [dreg:s6], $0x5FFFF  }
0xac: {  	[dreg:$0x1] =	wrdreg $0xFFFFFFFF  }
0xad: {  	[dreg:$0x0] =	wrdreg $0x60  }
0xae: {  	[dreg:$0x2] =	wrdreg s24  }
0xaf: {  	[dreg:$0x3] =	wrdreg $0x0  }
0xb0: {  	[dreg:$0x4] =	wrdreg $0x9  }
0xb1: {  	_ =	task.clear_ibuf [dreg:s6], $0x5FFFF;
	_ =	strace $0x90000049  }
0xb2: {  	s29 =	simm.s32 $0x9;
	_ =	strace $0x8000004B  }
0xb3: {  	_ =	swait.ge [sflag:s29], $0x1  }
0xb4: {  	[sflag:s29] =	ssyncadd.s32 $0xFFFFFFFF  }
0xb5: {  	_ =	strace $0x9000004B  }
0xb6: {  	_ =	sfence  }
0xb7: {  	s30 =	sld [smem:$0x0];
	_ =	sdelay $0x2  }
0xb8: {  	s31 =	sshll.u32 s1, $0xD;
	s1 =	sshrl.u32 s1, $0x2  }
0xb9: {  	s3 =	sand.u32 $0x4000, s31;
	s1 =	sadd.s32 s1, s30  }
0xba: {  	s0 =	sor.u32 s3, s0;
	s1 =	sshll.u32 s1, $0x11  }
0xbb: {  	s0 =	sor.u32 s1, s0  }
0xbc: {  	s0 =	sadd.s32 $0x8F2B, s0  }
0xbd: {  	[sflag:s0] =	ssyncadd.remote.s32 $0x1  }
0xbe: {  	_ =	sfence.sel $0xFFFF  }
0xbf: {  	[dreg:$0x0] =	wrdreg $0xFFFFFFFF;
	(pc) =	sbr.abs _section_cstart, $3  }
0xc0: {  	[dreg:$0x1] =	wrdreg $0xFFFFFFFF  }
0xc1: {  	_ =	task.clear_ibuf [dreg:s6], $0x2FFFF;
	_ =	strace $0x9FFFFFFF  }
0xc2: {  	(tm) =	ssettm $0x7FFFFFFF  }
0xc3: {  	_ =	shalt  }
tec
execute0_lowered:
.L_overlay_start_1:
0x0: {  	(tag) =	ssettag $0x1  }
0x1: {  	s0 =	rddreg [dreg:$0x0]  }
0x2: {  	s1 =	rddreg [dreg:$0x1]  }
0x3: {  	s2 =	simm.s32 $0x0;
	s4 =	srdreg.scid;
	s12 =	stileid.u32  }
0x4: {  	s30 =	simm.s32 $0x13DA8;
	s31 =	simm.s32 $0x1;
	[smem:$0x7FF] =	sst s2  }
0x5: {  	s3 =	sadd.s32 $0xD3C00, s0;
	s5 =	sadd.s32 $0x5BFA00, s0;
	s4 =	sand.u32 $0x1, s4  }
0x6: {  	s7 =	smul.u32 $0x4E000, s12;
	s6 =	sadd.s32 $0xEC800, s0;
	s0 =	sadd.s32 $0x6800, s0  }
0x7: {  	s10 =	smul.u32 $0x13800, s12;
	p0 =	sne.s32 s12, $0x0;
	s29 =	sadd.s32 $0x137400, s1  }
0x8: {  	_ =	strace $0x8000004A;
	s8 =	ssub.s32 $0x2, s4;
	s21 =	sshll.u32 s4, $0x4  }
0x9: {  	s4 =	smul.u32 $0x138800, s4;
	s9 =	sshrl.u32 s8, $0x1;
	s7 =	sshrl.u32 s7, $0x2  }
0xa: {  	s8 =	ssub.s32 s8, s9;
	s11 =	sadd.s32 s7, s1;
	s9 =	sor.u32 s12, s21  }
0xb: {  	s7 =	sadd.s32 s10, s1;
	s10 =	sadd.s32 s10, s4;
	s4 =	sshrl.u32 s4, $0x3  }
0xc: {  	s13 =	sadd.s32 $0x1400, s11;
	s22 =	sadd.s32 $0x2800, s11;
	s23 =	sadd.s32 $0x3C00, s11  }
0xd: {  	s24 =	sadd.s32 $0x5000, s11;
	s25 =	sadd.s32 $0x6400, s11;
	[dreg:$0x3] =	wrdreg s13  }
0xe: {  	s26 =	sadd.s32 $0x7800, s11;
	s14 =	sadd.s32 $0x8C00, s11;
	[dreg:$0x4] =	wrdreg s22  }
0xf: {  	s15 =	sadd.s32 $0xA000, s11;
	s16 =	sadd.s32 $0xB400, s11;
	[dreg:$0x5] =	wrdreg s23  }
0x10: {  	s17 =	sadd.s32 $0xC800, s11;
	s18 =	sadd.s32 $0xDC00, s11;
	[dreg:$0x6] =	wrdreg s24  }
0x11: {  	s19 =	sadd.s32 $0xF000, s11;
	s10 =	sshrl.u32 s10, $0x3;
	[dreg:$0x7] =	wrdreg s25  }
0x12: {  	s21 =	sadd.s32 $0x10400, s11;
	[dreg:$0x8] =	wrdreg s26;
	s20 =	sadd.s32 s0, s10  }
0x13: {  	s0 =	sadd.s32 s0, s4;
	s22 =	sadd.s32 $0x11800, s11;
	s23 =	sadd.s32 $0x12400, s11  }
0x14: {  	s24 =	smul.u32 $0x2710, s9;
	s26 =	smax.u32 s8, $0x1;
	s4 =	simm.s32 $0x138A8  }
0x15: {  	s8 =	simm.s32 $0x13B28;
	s25 =	sadd.s32 $0x27000, s0;
	s0 =	sadd.s32 $0x138000, s1  }
0x16: {  	v0 =	vimm.f32 $0.0e+00;
	s9 =	simm.s32 $0x28;
	s28 =	sshrl.u32 @!p0 s0, $0x3;
	s0 =	simm.s32 $0x13880  }
.LBB2_1:
0x17: {  	[tilespmem:$0x13DA8] =	vst v0  }
0x18: {  	[tilespmem:$0x13DB8] =	vst v0  }
0x19: {  	[tilespmem:$0x13DC8] =	vst v0  }
0x1a: {  	[tilespmem:$0x13DD8] =	vst v0  }
0x1b: {  	[tilespmem:$0x13DE8] =	vst v0  }
0x1c: {  	[tilespmem:$0x13DF8] =	vst v0  }
0x1d: {  	[tilespmem:$0x13E08] =	vst v0  }
0x1e: {  	[tilespmem:$0x13E18] =	vst v0  }
0x1f: {  	[tilespmem:$0x13E28] =	vst v0  }
0x20: {  	[tilespmem:$0x13E38] =	vst v0  }
0x21: {  	[tilespmem:$0x13E48] =	vst v0  }
0x22: {  	[tilespmem:$0x13E58] =	vst v0  }
0x23: {  	[tilespmem:$0x13E68] =	vst v0  }
0x24: {  	[tilespmem:$0x13E78] =	vst v0  }
0x25: {  	[tilespmem:$0x13E88] =	vst v0  }
0x26: {  	[tilespmem:$0x13E98] =	vst v0  }
0x27: {  	[tilespmem:$0x13EA8] =	vst v0  }
0x28: {  	[tilespmem:$0x13EB8] =	vst v0  }
0x29: {  	[tilespmem:$0x13EC8] =	vst v0  }
0x2a: {  	[tilespmem:$0x13ED8] =	vst v0  }
0x2b: {  	[tilespmem:$0x13EE8] =	vst v0  }
0x2c: {  	[tilespmem:$0x13EF8] =	vst v0  }
0x2d: {  	[tilespmem:$0x13F08] =	vst v0  }
0x2e: {  	[tilespmem:$0x13F18] =	vst v0  }
0x2f: {  	[tilespmem:$0x13F28] =	vst v0  }
0x30: {  	[tilespmem:$0x13F38] =	vst v0  }
0x31: {  	[tilespmem:$0x13F48] =	vst v0  }
0x32: {  	[tilespmem:$0x13F58] =	vst v0  }
0x33: {  	[tilespmem:$0x13F68] =	vst v0  }
0x34: {  	[tilespmem:$0x13F78] =	vst v0  }
0x35: {  	[tilespmem:$0x13F88] =	vst v0  }
0x36: {  	[tilespmem:$0x13F98] =	vst v0  }
0x37: {  	[tilespmem:$0x13FA8] =	vst v0  }
0x38: {  	[tilespmem:$0x13FB8] =	vst v0  }
0x39: {  	[tilespmem:$0x13FC8] =	vst v0  }
0x3a: {  	[tilespmem:$0x13FD8] =	vst v0  }
0x3b: {  	[tilespmem:$0x13FE8] =	vst v0  }
0x3c: {  	[tilespmem:$0x13FF8] =	vst v0  }
0x3d: {  	[tilespmem:$0x14008] =	vst v0  }
0x3e: {  	[tilespmem:$0x14018] =	vst v0  }
0x3f: {  	[tilespmem:$0x14028] =	vst v0  }
0x40: {  	[tilespmem:$0x14038] =	vst v0  }
0x41: {  	[tilespmem:$0x14048] =	vst v0  }
0x42: {  	[tilespmem:$0x14058] =	vst v0  }
0x43: {  	[tilespmem:$0x14068] =	vst v0  }
0x44: {  	[tilespmem:$0x14078] =	vst v0  }
0x45: {  	[tilespmem:$0x14088] =	vst v0  }
0x46: {  	[tilespmem:$0x14098] =	vst v0  }
0x47: {  	[tilespmem:$0x140A8] =	vst v0  }
0x48: {  	[tilespmem:$0x140B8] =	vst v0  }
0x49: {  	[tilespmem:$0x140C8] =	vst v0  }
0x4a: {  	[tilespmem:$0x140D8] =	vst v0  }
0x4b: {  	[tilespmem:$0x140E8] =	vst v0  }
0x4c: {  	[tilespmem:$0x140F8] =	vst v0  }
0x4d: {  	[tilespmem:$0x14108] =	vst v0  }
0x4e: {  	[tilespmem:$0x14118] =	vst v0  }
0x4f: {  	[tilespmem:$0x14128] =	vst v0  }
0x50: {  	[tilespmem:$0x14138] =	vst v0  }
0x51: {  	[tilespmem:$0x14148] =	vst v0  }
0x52: {  	[tilespmem:$0x14158] =	vst v0  }
0x53: {  	[tilespmem:$0x14168] =	vst v0  }
0x54: {  	[tilespmem:$0x14178] =	vst v0  }
0x55: {  	[tilespmem:$0x14188] =	vst v0  }
0x56: {  	[tilespmem:$0x14198] =	vst v0  }
0x57: {  	[tilespmem:$0x141A8] =	vst v0  }
0x58: {  	[tilespmem:$0x141B8] =	vst v0  }
0x59: {  	[tilespmem:$0x141C8] =	vst v0  }
0x5a: {  	[tilespmem:$0x141D8] =	vst v0  }
0x5b: {  	[tilespmem:$0x141E8] =	vst v0  }
0x5c: {  	[tilespmem:$0x141F8] =	vst v0  }
0x5d: {  	[tilespmem:$0x14208] =	vst v0  }
0x5e: {  	[tilespmem:$0x14218] =	vst v0  }
0x5f: {  	[tilespmem:$0x14228] =	vst v0  }
0x60: {  	[tilespmem:$0x14238] =	vst v0  }
0x61: {  	[tilespmem:$0x14248] =	vst v0  }
0x62: {  	[tilespmem:$0x14258] =	vst v0  }
0x63: {  	[tilespmem:$0x14268] =	vst v0  }
0x64: {  	[tilespmem:$0x14278] =	vst v0  }
0x65: {  	[tilespmem:$0x14288] =	vst v0  }
0x66: {  	[tilespmem:$0x14298] =	vst v0  }
0x67: {  	[tilespmem:$0x142A8] =	vst v0  }
0x68: {  	[tilespmem:$0x142B8] =	vst v0  }
0x69: {  	[tilespmem:$0x142C8] =	vst v0  }
0x6a: {  	[tilespmem:$0x142D8] =	vst v0  }
0x6b: {  	[tilespmem:$0x142E8] =	vst v0  }
0x6c: {  	[tilespmem:$0x142F8] =	vst v0  }
0x6d: {  	[tilespmem:$0x14308] =	vst v0  }
0x6e: {  	[tilespmem:$0x14318] =	vst v0  }
0x6f: {  	[tilespmem:$0x14328] =	vst v0  }
0x70: {  	[tilespmem:$0x14338] =	vst v0  }
0x71: {  	[tilespmem:$0x14348] =	vst v0  }
0x72: {  	[tilespmem:$0x14358] =	vst v0  }
0x73: {  	[tilespmem:$0x14368] =	vst v0  }
0x74: {  	[tilespmem:$0x14378] =	vst v0  }
0x75: {  	[tilespmem:$0x14388] =	vst v0  }
0x76: {  	[tilespmem:$0x14398] =	vst v0  }
0x77: {  	[tilespmem:$0x143A8] =	vst v0  }
0x78: {  	[tilespmem:$0x143B8] =	vst v0  }
0x79: {  	[tilespmem:$0x143C8] =	vst v0  }
0x7a: {  	[tilespmem:$0x143D8] =	vst v0  }
0x7b: {  	[tilespmem:$0x143E8] =	vst v0  }
0x7c: {  	[tilespmem:$0x143F8] =	vst v0  }
0x7d: {  	[tilespmem:$0x14408] =	vst v0  }
0x7e: {  	[tilespmem:$0x14418] =	vst v0  }
0x7f: {  	[tilespmem:$0x14428] =	vst v0  }
0x80: {  	[tilespmem:$0x14438] =	vst v0  }
0x81: {  	[tilespmem:$0x14448] =	vst v0  }
0x82: {  	[tilespmem:$0x14458] =	vst v0  }
0x83: {  	[tilespmem:$0x14468] =	vst v0  }
0x84: {  	[tilespmem:$0x14478] =	vst v0  }
0x85: {  	[tilespmem:$0x14488] =	vst v0  }
0x86: {  	[tilespmem:$0x14498] =	vst v0  }
0x87: {  	[tilespmem:$0x144A8] =	vst v0  }
0x88: {  	[tilespmem:$0x144B8] =	vst v0  }
0x89: {  	[tilespmem:$0x144C8] =	vst v0  }
0x8a: {  	[tilespmem:$0x144D8] =	vst v0  }
0x8b: {  	[tilespmem:$0x144E8] =	vst v0  }
0x8c: {  	[tilespmem:$0x144F8] =	vst v0  }
0x8d: {  	[tilespmem:$0x14508] =	vst v0  }
0x8e: {  	[tilespmem:$0x14518] =	vst v0  }
0x8f: {  	[tilespmem:$0x14528] =	vst v0  }
0x90: {  	[tilespmem:$0x14538] =	vst v0  }
0x91: {  	[tilespmem:$0x14548] =	vst v0  }
0x92: {  	[tilespmem:$0x14558] =	vst v0  }
0x93: {  	[tilespmem:$0x14568] =	vst v0  }
0x94: {  	[tilespmem:$0x14578] =	vst v0  }
0x95: {  	[tilespmem:$0x14588] =	vst v0  }
0x96: {  	[tilespmem:$0x14598] =	vst v0  }
0x97: {  	[tilespmem:$0x145A8] =	vst v0  }
0x98: {  	[tilespmem:$0x145B8] =	vst v0  }
0x99: {  	[tilespmem:$0x145C8] =	vst v0  }
0x9a: {  	[tilespmem:$0x145D8] =	vst v0  }
0x9b: {  	[tilespmem:$0x145E8] =	vst v0  }
0x9c: {  	[tilespmem:$0x145F8] =	vst v0  }
0x9d: {  	[tilespmem:$0x14608] =	vst v0  }
0x9e: {  	[tilespmem:$0x14618] =	vst v0  }
0x9f: {  	[tilespmem:$0x14628] =	vst v0  }
0xa0: {  	[tilespmem:$0x14638] =	vst v0  }
0xa1: {  	[tilespmem:$0x14648] =	vst v0  }
0xa2: {  	[tilespmem:$0x14658] =	vst v0  }
0xa3: {  	[tilespmem:$0x14668] =	vst v0  }
0xa4: {  	[tilespmem:$0x14678] =	vst v0  }
0xa5: {  	[tilespmem:$0x14688] =	vst v0  }
0xa6: {  	[tilespmem:$0x14698] =	vst v0  }
0xa7: {  	[tilespmem:$0x146A8] =	vst v0  }
0xa8: {  	[tilespmem:$0x146B8] =	vst v0  }
0xa9: {  	[tilespmem:$0x146C8] =	vst v0  }
0xaa: {  	[tilespmem:$0x146D8] =	vst v0  }
0xab: {  	[tilespmem:$0x146E8] =	vst v0  }
0xac: {  	[tilespmem:$0x146F8] =	vst v0  }
0xad: {  	[tilespmem:$0x14708] =	vst v0  }
0xae: {  	[tilespmem:$0x14718] =	vst v0  }
0xaf: {  	[tilespmem:$0x14728] =	vst v0  }
0xb0: {  	[tilespmem:$0x14738] =	vst v0  }
0xb1: {  	[tilespmem:$0x14748] =	vst v0  }
0xb2: {  	[tilespmem:$0x14758] =	vst v0  }
0xb3: {  	[tilespmem:$0x14768] =	vst v0  }
0xb4: {  	[tilespmem:$0x14778] =	vst v0  }
0xb5: {  	[tilespmem:$0x14788] =	vst v0  }
0xb6: {  	[tilespmem:$0x14798] =	vst v0  }
0xb7: {  	[tilespmem:$0x147A8] =	vst v0  }
0xb8: {  	[tilespmem:$0x147B8] =	vst v0  }
0xb9: {  	[tilespmem:$0x147C8] =	vst v0  }
0xba: {  	[tilespmem:$0x147D8] =	vst v0  }
0xbb: {  	[tilespmem:$0x147E8] =	vst v0  }
0xbc: {  	[tilespmem:$0x147F8] =	vst v0  }
0xbd: {  	[tilespmem:$0x14808] =	vst v0  }
0xbe: {  	[tilespmem:$0x14818] =	vst v0  }
0xbf: {  	[tilespmem:$0x14828] =	vst v0  }
0xc0: {  	[tilespmem:$0x14838] =	vst v0  }
0xc1: {  	[tilespmem:$0x14848] =	vst v0  }
0xc2: {  	[tilespmem:$0x14858] =	vst v0  }
0xc3: {  	[tilespmem:$0x14868] =	vst v0  }
0xc4: {  	[tilespmem:$0x14878] =	vst v0  }
0xc5: {  	[tilespmem:$0x14888] =	vst v0  }
0xc6: {  	[tilespmem:$0x14898] =	vst v0  }
0xc7: {  	[tilespmem:$0x148A8] =	vst v0  }
0xc8: {  	[tilespmem:$0x148B8] =	vst v0  }
0xc9: {  	[tilespmem:$0x148C8] =	vst v0  }
0xca: {  	[tilespmem:$0x148D8] =	vst v0  }
0xcb: {  	[tilespmem:$0x148E8] =	vst v0  }
0xcc: {  	[tilespmem:$0x148F8] =	vst v0  }
0xcd: {  	[tilespmem:$0x14908] =	vst v0  }
0xce: {  	[tilespmem:$0x14918] =	vst v0  }
0xcf: {  	[tilespmem:$0x14928] =	vst v0  }
0xd0: {  	[tilespmem:$0x14938] =	vst v0  }
0xd1: {  	[tilespmem:$0x14948] =	vst v0  }
0xd2: {  	[tilespmem:$0x14958] =	vst v0  }
0xd3: {  	[tilespmem:$0x14968] =	vst v0  }
0xd4: {  	[tilespmem:$0x14978] =	vst v0  }
0xd5: {  	[tilespmem:$0x14988] =	vst v0  }
0xd6: {  	[tilespmem:$0x14998] =	vst v0  }
0xd7: {  	[tilespmem:$0x149A8] =	vst v0  }
0xd8: {  	[tilespmem:$0x149B8] =	vst v0  }
0xd9: {  	[tilespmem:$0x149C8] =	vst v0  }
0xda: {  	[tilespmem:$0x149D8] =	vst v0  }
0xdb: {  	[tilespmem:$0x149E8] =	vst v0  }
0xdc: {  	[tilespmem:$0x149F8] =	vst v0  }
0xdd: {  	[tilespmem:$0x14A08] =	vst v0  }
0xde: {  	[tilespmem:$0x14A18] =	vst v0  }
0xdf: {  	[tilespmem:$0x14A28] =	vst v0  }
0xe0: {  	[tilespmem:$0x14A38] =	vst v0  }
0xe1: {  	[tilespmem:$0x14A48] =	vst v0  }
0xe2: {  	[tilespmem:$0x14A58] =	vst v0  }
0xe3: {  	[tilespmem:$0x14A68] =	vst v0  }
0xe4: {  	[tilespmem:$0x14A78] =	vst v0  }
0xe5: {  	[tilespmem:$0x14A88] =	vst v0  }
0xe6: {  	[tilespmem:$0x14A98] =	vst v0  }
0xe7: {  	[tilespmem:$0x14AA8] =	vst v0  }
0xe8: {  	[tilespmem:$0x14AB8] =	vst v0  }
0xe9: {  	[tilespmem:$0x14AC8] =	vst v0  }
0xea: {  	[tilespmem:$0x14AD8] =	vst v0  }
0xeb: {  	[tilespmem:$0x14AE8] =	vst v0  }
0xec: {  	[tilespmem:$0x14AF8] =	vst v0  }
0xed: {  	[tilespmem:$0x14B08] =	vst v0  }
0xee: {  	[tilespmem:$0x14B18] =	vst v0  }
0xef: {  	[tilespmem:$0x14B28] =	vst v0  }
0xf0: {  	[tilespmem:$0x14B38] =	vst v0  }
0xf1: {  	[tilespmem:$0x14B48] =	vst v0  }
0xf2: {  	[tilespmem:$0x14B58] =	vst v0  }
0xf3: {  	[tilespmem:$0x14B68] =	vst v0  }
0xf4: {  	[tilespmem:$0x14B78] =	vst v0  }
0xf5: {  	[tilespmem:$0x14B88] =	vst v0  }
0xf6: {  	[tilespmem:$0x14B98] =	vst v0  }
0xf7: {  	[tilespmem:$0x14BA8] =	vst v0  }
0xf8: {  	[tilespmem:$0x14BB8] =	vst v0  }
0xf9: {  	[tilespmem:$0x14BC8] =	vst v0  }
0xfa: {  	[tilespmem:$0x14BD8] =	vst v0  }
0xfb: {  	[tilespmem:$0x14BE8] =	vst v0  }
0xfc: {  	[tilespmem:$0x14BF8] =	vst v0  }
0xfd: {  	[tilespmem:$0x14C08] =	vst v0  }
0xfe: {  	[tilespmem:$0x14C18] =	vst v0  }
0xff: {  	[tilespmem:$0x14C28] =	vst v0  }
0x100: {  	[tilespmem:$0x14C38] =	vst v0  }
0x101: {  	[tilespmem:$0x14C48] =	vst v0  }
0x102: {  	[tilespmem:$0x14C58] =	vst v0  }
0x103: {  	[tilespmem:$0x14C68] =	vst v0  }
0x104: {  	[tilespmem:$0x14C78] =	vst v0  }
0x105: {  	[tilespmem:$0x14C88] =	vst v0  }
0x106: {  	[tilespmem:$0x14C98] =	vst v0  }
0x107: {  	[tilespmem:$0x14CA8] =	vst v0  }
0x108: {  	[tilespmem:$0x14CB8] =	vst v0  }
0x109: {  	[tilespmem:$0x14CC8] =	vst v0  }
0x10a: {  	[tilespmem:$0x14CD8] =	vst v0  }
0x10b: {  	[tilespmem:$0x14CE8] =	vst v0  }
0x10c: {  	[tilespmem:$0x14CF8] =	vst v0  }
0x10d: {  	[tilespmem:$0x14D08] =	vst v0  }
0x10e: {  	[tilespmem:$0x14D18] =	vst v0  }
0x10f: {  	[tilespmem:$0x14D28] =	vst v0  }
0x110: {  	[tilespmem:$0x14D38] =	vst v0  }
0x111: {  	[tilespmem:$0x14D48] =	vst v0  }
0x112: {  	[tilespmem:$0x14D58] =	vst v0  }
0x113: {  	[tilespmem:$0x14D68] =	vst v0  }
0x114: {  	[tilespmem:$0x14D78] =	vst v0  }
0x115: {  	[tilespmem:$0x14D88] =	vst v0  }
0x116: {  	[tilespmem:$0x14D98] =	vst v0  }
0x117: {  	[tilespmem:$0x14DA8] =	vst v0  }
0x118: {  	[tilespmem:$0x14DB8] =	vst v0  }
0x119: {  	[tilespmem:$0x14DC8] =	vst v0  }
0x11a: {  	[tilespmem:$0x14DD8] =	vst v0  }
0x11b: {  	[tilespmem:$0x14DE8] =	vst v0  }
0x11c: {  	[tilespmem:$0x14DF8] =	vst v0  }
0x11d: {  	[tilespmem:$0x14E08] =	vst v0  }
0x11e: {  	[tilespmem:$0x14E18] =	vst v0  }
0x11f: {  	[tilespmem:$0x14E28] =	vst v0  }
0x120: {  	[tilespmem:$0x14E38] =	vst v0  }
0x121: {  	[tilespmem:$0x14E48] =	vst v0  }
0x122: {  	[tilespmem:$0x14E58] =	vst v0  }
0x123: {  	[tilespmem:$0x14E68] =	vst v0  }
0x124: {  	[tilespmem:$0x14E78] =	vst v0  }
0x125: {  	[tilespmem:$0x14E88] =	vst v0  }
0x126: {  	[tilespmem:$0x14E98] =	vst v0  }
0x127: {  	[tilespmem:$0x14EA8] =	vst v0  }
0x128: {  	[tilespmem:$0x14EB8] =	vst v0  }
0x129: {  	[tilespmem:$0x14EC8] =	vst v0  }
0x12a: {  	[tilespmem:$0x14ED8] =	vst v0  }
0x12b: {  	[tilespmem:$0x14EE8] =	vst v0  }
0x12c: {  	[tilespmem:$0x14EF8] =	vst v0  }
0x12d: {  	[tilespmem:$0x14F08] =	vst v0  }
0x12e: {  	[tilespmem:$0x14F18] =	vst v0  }
0x12f: {  	[tilespmem:$0x14F28] =	vst v0  }
0x130: {  	[tilespmem:$0x14F38] =	vst v0  }
0x131: {  	[tilespmem:$0x14F48] =	vst v0  }
0x132: {  	[tilespmem:$0x14F58] =	vst v0  }
0x133: {  	[tilespmem:$0x14F68] =	vst v0  }
0x134: {  	[tilespmem:$0x14F78] =	vst v0  }
0x135: {  	[tilespmem:$0x14F88] =	vst v0  }
0x136: {  	[tilespmem:$0x14F98] =	vst v0  }
0x137: {  	[tilespmem:$0x14FA8] =	vst v0  }
0x138: {  	[tilespmem:$0x14FB8] =	vst v0  }
0x139: {  	[tilespmem:$0x14FC8] =	vst v0  }
0x13a: {  	[tilespmem:$0x14FD8] =	vst v0  }
0x13b: {  	[tilespmem:$0x14FE8] =	vst v0  }
0x13c: {  	[tilespmem:$0x14FF8] =	vst v0  }
0x13d: {  	[tilespmem:$0x15008] =	vst v0  }
0x13e: {  	[tilespmem:$0x15018] =	vst v0  }
0x13f: {  	[tilespmem:$0x15028] =	vst v0  }
0x140: {  	[tilespmem:$0x15038] =	vst v0  }
0x141: {  	[tilespmem:$0x15048] =	vst v0  }
0x142: {  	[tilespmem:$0x15058] =	vst v0  }
0x143: {  	[tilespmem:$0x15068] =	vst v0  }
0x144: {  	[tilespmem:$0x15078] =	vst v0  }
0x145: {  	[tilespmem:$0x15088] =	vst v0  }
0x146: {  	[tilespmem:$0x15098] =	vst v0  }
0x147: {  	[tilespmem:$0x150A8] =	vst v0  }
0x148: {  	[tilespmem:$0x150B8] =	vst v0  }
0x149: {  	[tilespmem:$0x150C8] =	vst v0  }
0x14a: {  	[tilespmem:$0x150D8] =	vst v0  }
0x14b: {  	[tilespmem:$0x150E8] =	vst v0  }
0x14c: {  	[tilespmem:$0x150F8] =	vst v0  }
0x14d: {  	[tilespmem:$0x15108] =	vst v0  }
0x14e: {  	[tilespmem:$0x15118] =	vst v0  }
0x14f: {  	[tilespmem:$0x15128] =	vst v0  }
0x150: {  	[tilespmem:$0x15138] =	vst v0  }
0x151: {  	[tilespmem:$0x15148] =	vst v0  }
0x152: {  	[tilespmem:$0x15158] =	vst v0  }
0x153: {  	[tilespmem:$0x15168] =	vst v0  }
0x154: {  	[tilespmem:$0x15178] =	vst v0  }
0x155: {  	[tilespmem:$0x15188] =	vst v0  }
0x156: {  	[tilespmem:$0x15198] =	vst v0  }
0x157: {  	[spmem:s7] =	stream.linear.scatter [tilespmem:s30], [sflag:$0x1], $0x1400, $0x38;
	[tilespmem:$0x151A8] =	vst v63  }
0x158: {  	_ =	swait.ge [sflag:s31], $0x1400  }
0x159: {  	[sflag:s31] =	ssyncset.done $0x0  }
0x15a: {  	s10 =	rddreg [dreg:$0x3];
	[sflag:s31] =	ssyncadd.s32 $0xFFFFEC00  }
0x15b: {  	[spmem:s10] =	stream.linear.scatter [tilespmem:s30], [sflag:$0x1], $0x1400, $0x38;
	[tilespmem:$0x151A8] =	vst v63  }
0x15c: {  	_ =	swait.ge [sflag:s31], $0x1400  }
0x15d: {  	[sflag:s31] =	ssyncset.done $0x0  }
0x15e: {  	s12 =	rddreg [dreg:$0x4];
	[sflag:s31] =	ssyncadd.s32 $0xFFFFEC00  }
0x15f: {  	[spmem:s12] =	stream.linear.scatter [tilespmem:s30], [sflag:$0x1], $0x1400, $0x38;
	[tilespmem:$0x151A8] =	vst v63  }
0x160: {  	_ =	swait.ge [sflag:s31], $0x1400  }
0x161: {  	[sflag:s31] =	ssyncset.done $0x0  }
0x162: {  	s13 =	rddreg [dreg:$0x5];
	[sflag:s31] =	ssyncadd.s32 $0xFFFFEC00  }
0x163: {  	[spmem:s13] =	stream.linear.scatter [tilespmem:s30], [sflag:$0x1], $0x1400, $0x38;
	[tilespmem:$0x151A8] =	vst v63  }
0x164: {  	_ =	swait.ge [sflag:s31], $0x1400  }
0x165: {  	[sflag:s31] =	ssyncset.done $0x0  }
0x166: {  	s11 =	rddreg [dreg:$0x6];
	[sflag:s31] =	ssyncadd.s32 $0xFFFFEC00  }
0x167: {  	[spmem:s11] =	stream.linear.scatter [tilespmem:s30], [sflag:$0x1], $0x1400, $0x38;
	[tilespmem:$0x151A8] =	vst v63  }
0x168: {  	_ =	swait.ge [sflag:s31], $0x1400  }
0x169: {  	[sflag:s31] =	ssyncset.done $0x0  }
0x16a: {  	s12 =	rddreg [dreg:$0x7];
	[sflag:s31] =	ssyncadd.s32 $0xFFFFEC00  }
0x16b: {  	[spmem:s12] =	stream.linear.scatter [tilespmem:s30], [sflag:$0x1], $0x1400, $0x38;
	[tilespmem:$0x151A8] =	vst v63  }
0x16c: {  	_ =	swait.ge [sflag:s31], $0x1400  }
0x16d: {  	[sflag:s31] =	ssyncset.done $0x0  }
0x16e: {  	s13 =	rddreg [dreg:$0x8];
	[sflag:s31] =	ssyncadd.s32 $0xFFFFEC00  }
0x16f: {  	[spmem:s13] =	stream.linear.scatter [tilespmem:s30], [sflag:$0x1], $0x1400, $0x38;
	[tilespmem:$0x151A8] =	vst v63  }
0x170: {  	_ =	swait.ge [sflag:s31], $0x1400  }
0x171: {  	[sflag:s31] =	ssyncset.done $0x0  }
0x172: {  	[sflag:s31] =	ssyncadd.s32 $0xFFFFEC00  }
0x173: {  	[spmem:s14] =	stream.linear.scatter [tilespmem:s30], [sflag:$0x1], $0x1400, $0x38;
	[tilespmem:$0x151A8] =	vst v63  }
0x174: {  	_ =	swait.ge [sflag:s31], $0x1400  }
0x175: {  	[sflag:s31] =	ssyncset.done $0x0  }
0x176: {  	[sflag:s31] =	ssyncadd.s32 $0xFFFFEC00  }
0x177: {  	[spmem:s15] =	stream.linear.scatter [tilespmem:s30], [sflag:$0x1], $0x1400, $0x38;
	[tilespmem:$0x151A8] =	vst v63  }
0x178: {  	_ =	swait.ge [sflag:s31], $0x1400  }
0x179: {  	[sflag:s31] =	ssyncset.done $0x0  }
0x17a: {  	[sflag:s31] =	ssyncadd.s32 $0xFFFFEC00  }
0x17b: {  	[spmem:s16] =	stream.linear.scatter [tilespmem:s30], [sflag:$0x1], $0x1400, $0x38;
	[tilespmem:$0x151A8] =	vst v63  }
0x17c: {  	_ =	swait.ge [sflag:s31], $0x1400  }
0x17d: {  	[sflag:s31] =	ssyncset.done $0x0  }
0x17e: {  	[sflag:s31] =	ssyncadd.s32 $0xFFFFEC00  }
0x17f: {  	[spmem:s17] =	stream.linear.scatter [tilespmem:s30], [sflag:$0x1], $0x1400, $0x38;
	[tilespmem:$0x151A8] =	vst v63  }
0x180: {  	_ =	swait.ge [sflag:s31], $0x1400  }
0x181: {  	[sflag:s31] =	ssyncset.done $0x0  }
0x182: {  	[sflag:s31] =	ssyncadd.s32 $0xFFFFEC00  }
0x183: {  	[spmem:s18] =	stream.linear.scatter [tilespmem:s30], [sflag:$0x1], $0x1400, $0x38;
	[tilespmem:$0x151A8] =	vst v63  }
0x184: {  	_ =	swait.ge [sflag:s31], $0x1400  }
0x185: {  	[sflag:s31] =	ssyncset.done $0x0  }
0x186: {  	[sflag:s31] =	ssyncadd.s32 $0xFFFFEC00  }
0x187: {  	[spmem:s19] =	stream.linear.scatter [tilespmem:s30], [sflag:$0x1], $0x1400, $0x38;
	[tilespmem:$0x151A8] =	vst v63  }
0x188: {  	_ =	swait.ge [sflag:s31], $0x1400  }
0x189: {  	[sflag:s31] =	ssyncset.done $0x0  }
0x18a: {  	[sflag:s31] =	ssyncadd.s32 $0xFFFFEC00  }
0x18b: {  	[spmem:s21] =	stream.linear.scatter [tilespmem:s30], [sflag:$0x1], $0x1400, $0x38;
	[tilespmem:$0x151A8] =	vst v63  }
0x18c: {  	_ =	swait.ge [sflag:s31], $0x1400  }
0x18d: {  	[sflag:s31] =	ssyncset.done $0x0  }
0x18e: {  	[sflag:s31] =	ssyncadd.s32 $0xFFFFEC00  }
0x18f: {  	[spmem:s22] =	stream.linear.scatter [tilespmem:s30], [sflag:$0x1], $0x1400, $0x38;
	[tilespmem:$0x151A8] =	vst v63  }
0x190: {  	_ =	swait.ge [sflag:s31], $0x1400  }
0x191: {  	[sflag:s31] =	ssyncset.done $0x0  }
0x192: {  	[sflag:s31] =	ssyncadd.s32 $0xFFFFEC00  }
0x193: {  	[spmem:s23] =	stream.linear.scatter [tilespmem:s30], [sflag:$0x1], $0x1400, $0x38;
	[tilespmem:$0x151A8] =	vst v63  }
0x194: {  	_ =	swait.ge [sflag:s31], $0x1400  }
0x195: {  	[sflag:s31] =	ssyncset.done $0x0  }
0x196: {  	s10 =	simm.s32 @!p0 $0x13DA8;
	[sflag:s31] =	ssyncadd.s32 $0xFFFFEC00  }
0x197: {  	[spmem:s29] =	stream.linear.scatter @!p0 [tilespmem:s10], [sflag:$0x1], $0x1400, $0x38;
	[tilespmem:$0x151A8] =	vst v63  }
0x198: {  	s10 =	simm.s32 @!p0 $0x1  }
0x199: {  	_ =	swait.ge @!p0 [sflag:s10], $0x1400  }
0x19a: {  	[sflag:s10] =	ssyncset.done @!p0 $0x0  }
0x19b: {  	[sflag:s10] =	ssyncadd.s32 @!p0 $0xFFFFEC00  }
0x19c: {  	s10 =	simm.s32 $0x0;
	[bflag:$0x0] =	sbarrier.arrive $0xFFFF  }
.LBB2_2:
0x19d: {  	s11 =	smul.u32 $0x28, s10;
	_ =	sdelay $0x1  }
0x19e: {  	s11 =	sadd.s32 s24, s11  }
0x19f: {  	s12 =	sshrl.u32 s11, $0x3  }
0x1a0: {  	s13 =	simm.s32 $0x0;
	s12 =	sadd.s32 s3, s12  }
0x1a1: {  	[tilespmem:s0], [sflag:$0x1] =	stream.linear.gather [hbm4b:s12+s13], $0x28, $0x38;
	[tilespmem:$0x151A8] =	vst v63  }
0x1a2: {  	_ =	swait.ge [sflag:s31], $0x28  }
0x1a3: {  	s11 =	sshll.u32 s11, $0x1;
	[sflag:s31] =	ssyncset.done $0x0  }
0x1a4: {  	s12 =	sadd.s32 s5, s11;
	[sflag:s31] =	ssyncadd.s32 $0xFFFFFFD8  }
0x1a5: {  	[tilespmem:s4], [sflag:$0x1] =	stream.linear.gather [hbm4b:s12+s13], $0x280, $0x38;
	[tilespmem:$0x151A8] =	vst v63  }
0x1a6: {  	_ =	swait.ge [sflag:s31], $0x280  }
0x1a7: {  	[sflag:s31] =	ssyncset.done $0x0  }
0x1a8: {  	s11 =	sadd.s32 s6, s11;
	[sflag:s31] =	ssyncadd.s32 $0xFFFFFD80  }
0x1a9: {  	[tilespmem:s8], [sflag:$0x1] =	stream.linear.gather [hbm4b:s11+s13], $0x280, $0x38;
	[tilespmem:$0x151A8] =	vst v63  }
0x1aa: {  	_ =	swait.ge [sflag:s31], $0x280  }
0x1ab: {  	[sflag:s31] =	ssyncset.done $0x0  }
0x1ac: {  	s13 =	simm.s32 $0x0;
	[sflag:s31] =	ssyncadd.s32 $0xFFFFFD80  }
0x1ad: {  	v1 =	vld [tilespmem:s13+$0x13B28];
	_ =	sdelay $0x1  }
0x1ae: {  	v2 =	vld [tilespmem:s13+$0x138A8];
	_ =	sdelay $0x2  }
0x1af: {  	v3 =	vbroadcast v1, $0x1  }
0x1b0: {  	v4 =	vbroadcast v1, $0x0  }
0x1b1: {  	v5 =	vbroadcast v1, $0x2;
	v3 =	vmul.f32 v3, v2  }
0x1b2: {  	s11 =	simm.s32 $0x13DE8;
	v6 =	vbroadcast v1, $0x3;
	v4 =	vmul.f32 v4, v2  }
0x1b3: {  	v7 =	vbroadcast v1, $0x5;
	v5 =	vmul.f32 v5, v2;
	[tilespmem:s11+$0xFFFFFFD0] =	vst v3  }
0x1b4: {  	v62 =	vbroadcast v1, $0x6;
	v6 =	vmul.f32 v6, v2;
	[tilespmem:s11+$0xFFFFFFC0] =	vst v4  }
0x1b5: {  	v63 =	vmul.f32 v7, v2;
	v3 =	vbroadcast v1, $0x4;
	[tilespmem:s11+$0xFFFFFFE0] =	vst v5  }
0x1b6: {  	v1 =	vbroadcast v1, $0x7;
	[tilespmem:s11+$0xFFFFFFF0] =	vst v6;
	v4 =	vmul.f32 v62, v2  }
0x1b7: {  	[tilespmem:s11+$0x10] =	vst v63;
	v3 =	vmul.f32 v3, v2  }
0x1b8: {  	v1 =	vmul.f32 v1, v2;
	[tilespmem:s11+$0x20] =	vst v4  }
0x1b9: {  	[tilespmem:s11+$0x0] =	vst v3  }
0x1ba: {  	s12 =	simm.s32 $0x80;
	s13 =	simm.s32 $0x10;
	[tilespmem:s11+$0x30] =	vst v1  }
.LBB2_3:
0x1bb: {  	p1 =	sne.s32 s12, $0x9C0;
	v1 =	vld [tilespmem:s13+$0x13B28];
	_ =	sdelay $0x1  }
0x1bc: {  	v2 =	vld [tilespmem:s13+$0x138A8];
	_ =	sdelay $0x2  }
0x1bd: {  	v3 =	vbroadcast v1, $0x0;
	v4 =	vbroadcast v1, $0x1  }
0x1be: {  	v5 =	vbroadcast v1, $0x2;
	v6 =	vbroadcast v1, $0x3  }
0x1bf: {  	v3 =	vmul.f32 v3, v2;
	v4 =	vmul.f32 v4, v2  }
0x1c0: {  	s11 =	sadd.s32 $0x80, s11;
	v5 =	vmul.f32 v5, v2;
	v6 =	vmul.f32 v6, v2  }
0x1c1: {  	v7 =	vbroadcast v1, $0x5;
	[tilespmem:s11+$0xFFFFFFD0] =	vst v4;
	v4 =	vbroadcast v1, $0x4  }
0x1c2: {  	[tilespmem:s11+$0xFFFFFFC0] =	vst v3;
	v3 =	vbroadcast v1, $0x6;
	v1 =	vbroadcast v1, $0x7  }
0x1c3: {  	[tilespmem:s11+$0xFFFFFFE0] =	vst v5;
	v4 =	vmul.f32 v4, v2;
	v5 =	vmul.f32 v7, v2  }
.Ltmp0:
0x1c4: {  	[tilespmem:s11+$0xFFFFFFF0] =	vst v6;
	v3 =	vmul.f32 v3, v2;
	v1 =	vmul.f32 v1, v2;
	(pc) =	sbr.rel @p1 .LBB2_3-.Ltmp0, $4  }
0x1c5: {  	[tilespmem:s11+$0x0] =	vst v4  }
0x1c6: {  	[tilespmem:s11+$0x10] =	vst v5  }
0x1c7: {  	[tilespmem:s11+$0x20] =	vst v3  }
0x1c8: {  	s13 =	sshra.s32 s12, $0x2;
	s12 =	sadd.s32 $0x40, s12;
	[tilespmem:s11+$0x30] =	vst v1  }
0x1c9: {  	v1 =	vld [tilespmem:s13+$0x13B28];
	_ =	sdelay $0x1  }
0x1ca: {  	v2 =	vld [tilespmem:s13+$0x138A8];
	_ =	sdelay $0x2  }
0x1cb: {  	v3 =	vbroadcast v1, $0x1  }
0x1cc: {  	v4 =	vbroadcast v1, $0x0  }
0x1cd: {  	v5 =	vbroadcast v1, $0x2;
	v3 =	vmul.f32 v3, v2  }
0x1ce: {  	s11 =	sadd.s32 $0x80, s11;
	v6 =	vbroadcast v1, $0x3;
	v4 =	vmul.f32 v4, v2  }
0x1cf: {  	v7 =	vbroadcast v1, $0x5;
	v5 =	vmul.f32 v5, v2;
	[tilespmem:s11+$0xFFFFFFD0] =	vst v3  }
0x1d0: {  	v62 =	vbroadcast v1, $0x6;
	v6 =	vmul.f32 v6, v2;
	[tilespmem:s11+$0xFFFFFFC0] =	vst v4  }
0x1d1: {  	v63 =	vmul.f32 v7, v2;
	v3 =	vbroadcast v1, $0x4;
	[tilespmem:s11+$0xFFFFFFE0] =	vst v5  }
0x1d2: {  	v1 =	vbroadcast v1, $0x7;
	[tilespmem:s11+$0xFFFFFFF0] =	vst v6;
	v4 =	vmul.f32 v62, v2  }
0x1d3: {  	[tilespmem:s11+$0x10] =	vst v63;
	v3 =	vmul.f32 v3, v2  }
0x1d4: {  	s10 =	sadd.s32 $0x1, s10;
	v1 =	vmul.f32 v1, v2;
	[tilespmem:s11+$0x20] =	vst v4  }
0x1d5: {  	p1 =	sne.s32 s10, $0xFA;
	[tilespmem:s11+$0x0] =	vst v3  }
.Ltmp1:
0x1d6: {  	[tilespmem:s11+$0x30] =	vst v1;
	(pc) =	sbr.rel @p1 .LBB2_2-.Ltmp1, $4  }
0x1d7: {  	[spmem:s1] =	stream.indirect.scatter.add.f32 [tilespmem:s30], [sflag:$0x1], $0x80, s0, s9, $0xb8;
	[tilespmem:$0x151A8] =	vst v63  }
0x1d8: {  	_ =	swait.ge [sflag:s31], $0x1400  }
0x1d9: {  	[sflag:s31] =	ssyncset.done $0x0  }
0x1da: {  	[sflag:s31] =	ssyncadd.s32 $0xFFFFEC00  }
0x1db: {  	s10 =	stileid.u32  }
0x1dc: {  	s10 =	sshll.u32 s10, $0x6  }
0x1dd: {  	[bflag:$0x0] =	sbarrier.arrive $0xFFFF;
	s11 =	sshrl.u32 s7, $0x3;
	s10 =	sor.u32 $0x1C01, s10  }
0x1de: {  	[hbm:s20], [sflag:s10] =	dma.local [spmem:s11], $0x2700  }
0x1df: {  	_ =	swait.ge [sflag:s31], $0x2700  }
0x1e0: {  	s2 =	sadd.s32 $0x1, s2;
	[sflag:s31] =	ssyncset.done $0x0  }
0x1e1: {  	p1 =	sne.s32 s2, s26;
	[sflag:s31] =	ssyncadd.s32 $0xFFFFD900  }
0x1e2: {  	[hbm:s25], [sflag:s10] =	dma.local @!p0 [spmem:s28], $0x100  }
.Ltmp2:
0x1e3: {  	_ = 	snop;
	(pc) =	sbr.rel @p1 .LBB2_1-.Ltmp2, $4  }
0x1e4: {  	s10 =	simm.s32 @!p0 $0x1  }
0x1e5: {  	_ =	swait.ge @!p0 [sflag:s10], $0x100  }
0x1e6: {  	[sflag:s10] =	ssyncset.done @!p0 $0x0  }
0x1e7: {  	[sflag:s10] =	ssyncadd.s32 @!p0 $0xFFFFFF00  }
0x1e8: {  	_ =	sfence.sel $0x180000  }
0x1e9: {  	[bflag:$0x0] =	sbarrier.arrive $0xFFFF  }
0x1ea: {  	_ =	strace $0x9000004A  }
0x1eb: {  	[bflag:$0x2] =	sbarrier.arrive $0xFFFF  }
0x1ec: {  	s0 =	rddreg [dreg:$0x2]  }
0x1ed: {  	s0 =	sadd.s32 @!p0 $0x100000, s0  }
0x1ee: {  	[sflag:s0] =	ssyncadd.tile.s32 @!p0 $0x1;
	_ =	shalt  }
.Lfunc_end2:
_tile_overlayer_lowered:
.L_overlay_start_2:
0x1ef: {  	(tag) =	ssettag $0x2  }
0x1f0: {  	s0 =	rddreg [dreg:$0x0];
	s2 =	stileid.u32  }
0x1f1: {  	s1 =	rddreg [dreg:$0x1];
	p0 =	sne.s32 s2, $0x0  }
0x1f2: {  	s3 =	rddreg [dreg:$0x2];
	[bflag:$0x3] =	sbarrier.arrive $0xFFFF;
	s2 =	simm.s32 @!p0 $0x1C01  }
0x1f3: {  	[timem:s3], [sflag:s2] =	dma.local @!p0 [hbm:s0], s1  }
0x1f4: {  	s0 =	simm.s32 @!p0 $0x1  }
0x1f5: {  	_ =	swait.ge @!p0 [sflag:s0], s1  }
0x1f6: {  	s1 =	ssub.s32 @!p0 $0x0, s1;
	[sflag:s0] =	ssyncset.done @!p0 $0x0  }
0x1f7: {  	[sflag:s0] =	ssyncadd.s32 @!p0 s1  }
0x1f8: {  	[bflag:$0x3] =	sbarrier.arrive $0xFFFF  }
0x1f9: {  	_ =	shalt  }

</sc_bundles>
